<compile_context>
chip_gen: v7x
topology: tpu7x:2x2x1
jax: 0.10.2.dev20260603
libtpu: 0.0.44.dev20260713+nightly
codegen_flags: <defaults>
</compile_context>

<pallas_src>
import functools

import jax
import jax.numpy as jnp
from jax import lax
from jax.experimental import pallas as pl
from jax.experimental.pallas import tpu as pltpu
from jax.experimental.pallas import tpu_sc as plsc

_ANTIGEN_IDX = 2
_TEMPERATURE = 0.15

_NC, _NS, _L = 2, 16, 16
_NW = _NC * _NS
_CHUNK = 64


_T_SC = 256


def _make_sc_pool(bsz, t0, t_sc, dim):
    wpb = _NW // bsz
    tok_per_w = t_sc // wpb
    n_chunks = tok_per_w // _CHUNK
    n_groups = dim // 128

    mesh = plsc.VectorSubcoreMesh(core_axis_name="c", subcore_axis_name="s")

    def body(s_hbm, w_hbm, out_hbm, buf0, buf1, mrow, acc, sem0, sem1):
        wid = lax.axis_index("s") * _NC + lax.axis_index("c")
        b = wid // wpb
        tok0 = t0 + (wid % wpb) * tok_per_w

        pltpu.sync_copy(w_hbm.at[b, 1, pl.ds(tok0, tok_per_w)], mrow)

        zeros = jnp.zeros((_L,), jnp.float32)
        for r in range(2):
            for j in range(dim // _L):
                acc[r, pl.ds(j * _L, _L)] = zeros

        def process(buf, ci):
            mbase = ci * _CHUNK

            def group_body(g, _):
                gb = g * 128

                def sub_body(q, carry):
                    accs = list(carry)
                    fv = mrow[pl.ds(mbase + q * _L, _L)]
                    for r in range(_L):
                        f = fv[r]
                        t = q * _L + r
                        for j in range(8):
                            v = buf[t, pl.ds(gb + j * _L, _L)]
                            accs[j] = accs[j] + v
                            accs[8 + j] = accs[8 + j] + v * f
                    return tuple(accs)

                res = lax.fori_loop(0, _CHUNK // _L, sub_body, (zeros,) * 16)
                for j in range(8):
                    plsc.addupdate(acc.at[0, pl.ds(gb + j * _L, _L)], res[j])
                    plsc.addupdate(acc.at[1, pl.ds(gb + j * _L, _L)], res[8 + j])
                return 0

            lax.fori_loop(0, n_groups, group_body, 0)

        def start(buf, sem, ci):
            return pltpu.async_copy(
                s_hbm.at[b, pl.ds(tok0 + ci * _CHUNK, _CHUNK)], buf, sem)

        n_pairs = n_chunks // 2
        start(buf0, sem0, 0)

        def pair_body(p, _):
            c0 = 2 * p
            start(buf1, sem1, c0 + 1)
            pltpu.make_async_copy(
                s_hbm.at[b, pl.ds(tok0, _CHUNK)], buf0, sem0).wait()
            process(buf0, c0)
            start(buf0, sem0, jnp.minimum(c0 + 2, n_chunks - 1))
            pltpu.make_async_copy(
                s_hbm.at[b, pl.ds(tok0, _CHUNK)], buf1, sem1).wait()
            process(buf1, c0 + 1)
            return 0

        lax.fori_loop(0, n_pairs, pair_body, 0)
        pltpu.make_async_copy(
            s_hbm.at[b, pl.ds(tok0, _CHUNK)], buf0, sem0).wait()

        pltpu.sync_copy(acc, out_hbm.at[wid])

    return functools.partial(
        pl.kernel,
        out_type=jax.ShapeDtypeStruct((_NW, 2, dim), jnp.float32),
        mesh=mesh,
        scratch_types=[
            pltpu.VMEM((_CHUNK, dim), jnp.float32),
            pltpu.VMEM((_CHUNK, dim), jnp.float32),
            pltpu.VMEM((tok_per_w,), jnp.float32),
            pltpu.VMEM((2, dim), jnp.float32),
            pltpu.SemaphoreType.DMA,
            pltpu.SemaphoreType.DMA,
        ],
    )(body)


def _pool_body(w_ref, s_ref, out_ref):
    s = s_ref[0]
    n = s.shape[0]
    m = w_ref[0, 1, :].reshape(n, 1)
    tot = jnp.sum(s, axis=0)
    ag = jnp.sum(s * m, axis=0)
    out_ref[0] = jnp.stack([tot, ag], axis=0)


def _loss_body(tc_ref, sc_ref, w_ref, out_ref):
    bsz = w_ref.shape[0]
    wpb = sc_ref.shape[0] // bsz
    dim = sc_ref.shape[2]
    pooled = tc_ref[...] + jnp.sum(
        sc_ref[...].reshape(bsz, wpb, 2, dim), axis=1)
    ag_cnt = jnp.sum(w_ref[:, 1, :], axis=1)
    n_tok = w_ref.shape[2]
    ab_cnt = n_tok - ag_cnt

    tot = pooled[:, 0, :]
    ag_sum = pooled[:, 1, :]
    ab_sum = tot - ag_sum

    ab_emb = ab_sum / jnp.maximum(ab_cnt, 1.0)[:, None]
    ag_emb = ag_sum / jnp.maximum(ag_cnt, 1.0)[:, None]

    ab_n = ab_emb / jnp.maximum(
        jnp.sqrt(jnp.sum(ab_emb * ab_emb, axis=1, keepdims=True)), 1e-12)
    ag_n = ag_emb / jnp.maximum(
        jnp.sqrt(jnp.sum(ag_emb * ag_emb, axis=1, keepdims=True)), 1e-12)

    sim = jax.lax.dot_general(
        ab_n, ag_n, (((1,), (1,)), ((), ())),
        preferred_element_type=jnp.float32,
        precision=jax.lax.Precision.HIGHEST,
    ) / _TEMPERATURE

    valid = ag_cnt > 0.0
    neg_inf = jnp.asarray(-jnp.inf, dtype=sim.dtype)
    sim_m = jnp.where(valid[None, :], sim, neg_inf)
    m = jnp.max(sim_m, axis=1, keepdims=True)
    m_safe = jnp.where(jnp.isfinite(m), m, 0.0)
    lse = jnp.log(jnp.sum(jnp.exp(sim_m - m_safe), axis=1, keepdims=True)) + m

    b = sim.shape[0]
    eye = (jax.lax.broadcasted_iota(jnp.int32, (b, b), 0)
           == jax.lax.broadcasted_iota(jnp.int32, (b, b), 1))
    logp = sim - lse
    diag = jnp.sum(jnp.where(eye, logp, 0.0), axis=1)

    n_valid = jnp.sum(valid.astype(jnp.float32))
    loss = -jnp.sum(jnp.where(valid, diag, 0.0)) / n_valid
    out_ref[...] = loss[None, None]


@jax.jit
def kernel(s_i, chain_type):
    bsz, n_tok, dim = s_i.shape
    mask = (chain_type == _ANTIGEN_IDX).astype(jnp.float32)
    w = jnp.stack([jnp.ones_like(mask), mask], axis=1)

    t_tc = n_tok - _T_SC
    sc_partials = _make_sc_pool(bsz, t_tc, _T_SC, dim)(s_i, w)

    tc_pooled = pl.pallas_call(
        _pool_body,
        grid=(bsz,),
        in_specs=[
            pl.BlockSpec((1, 2, t_tc), lambda b: (b, 0, 0)),
            pl.BlockSpec((1, t_tc, dim), lambda b: (b, 0, 0)),
        ],
        out_specs=pl.BlockSpec((1, 2, dim), lambda b: (b, 0, 0)),
        out_shape=jax.ShapeDtypeStruct((bsz, 2, dim), jnp.float32),
    )(w, s_i)

    loss = pl.pallas_call(
        _loss_body,
        in_specs=[
            pl.BlockSpec(tc_pooled.shape, lambda: (0, 0, 0)),
            pl.BlockSpec(sc_partials.shape, lambda: (0, 0, 0)),
            pl.BlockSpec(w.shape, lambda: (0, 0, 0)),
        ],
        out_specs=pl.BlockSpec((1, 1), lambda: (0, 0)),
        out_shape=jax.ShapeDtypeStruct((1, 1), jnp.float32),
    )(tc_pooled, sc_partials, w)

    return loss[0, 0]

# --- scband reference (transcript-rebuilt; emitter-appended) ---
"""Pipeline reference for scband-pair-loss-module-69389491634292 (READ-ONLY COPY).

The authoritative reference and input builder live on the scoring server;
editing this copy changes nothing except your own understanding.
"""

import jax, jax.numpy as jnp
import numpy as np

ANTIGEN_IDX = 2
TEMPERATURE = 0.15


def _pool(s_i, mask):
    m = mask[..., None].astype(s_i.dtype)
    ssum = jnp.sum(s_i * m, axis=1)
    cnt = jnp.clip(jnp.sum(mask, axis=1), 1, None)[..., None].astype(s_i.dtype)
    return ssum / cnt


def _normalize(x):
    n = jnp.linalg.norm(x, axis=1, keepdims=True)
    return x / jnp.maximum(n, 1e-12)


def setup_inputs(seed: int = 0) -> dict:
    key = jax.random.key(seed)
    k1, k2 = jax.random.split(key)
    s_i = jax.random.normal(k1, (16, 2048, 512), dtype=jnp.float32)
    chain_type = jax.random.randint(k2, (16, 2048), 0, 3, dtype=jnp.int32)
    return {"s_i": s_i, "chain_type": chain_type}


def reference(s_i, chain_type):
    # First call: memory bank is empty (registered as None), so negative-pair
    # and triplet terms are zero constants; with sample_size >= batch, no
    # random subsampling of positive pairs occurs.
    antigen_mask = chain_type == ANTIGEN_IDX
    antibody_mask = chain_type != ANTIGEN_IDX
    antibody_emb = _pool(s_i, antibody_mask)
    antigen_emb = _pool(s_i, antigen_mask)
    valid = jnp.sum(antigen_mask, axis=1) > 0
    ab_norm = _normalize(antibody_emb)
    ag_norm = _normalize(antigen_emb)
    sim = (ab_norm @ ag_norm.T) / TEMPERATURE
    neg_inf = jnp.asarray(-jnp.inf, dtype=sim.dtype)
    sim_masked = jnp.where(valid[None, :], sim, neg_inf)
    logp = sim - jax.scipy.special.logsumexp(sim_masked, axis=1, keepdims=True)
    diag = jnp.diag(logp)
    n_valid = jnp.sum(valid).astype(s_i.dtype)
    loss_pos = -jnp.sum(jnp.where(valid, diag, jnp.zeros_like(diag))) / n_valid
    loss_neg = jnp.asarray(0.0, dtype=s_i.dtype)  # bank empty -> no negatives
    loss = loss_pos + loss_neg
    return loss

if __name__ == "__main__":
    import jax
    _d = setup_inputs()
    print(jax.jit(kernel)(*tuple(_d.values())))

</pallas_src>

<mosaic_0001>
#map = affine_map<(d0, d1) -> (0, 0, 0)>
module attributes {stable_mosaic.version = 14 : i64} {
  func.func @body(%arg0: i32, %arg1: i32, %arg2: memref<16x2048x512xf32, #tpu.memory_space<hbm>>, %arg3: memref<16x2x2048xf32, #tpu.memory_space<hbm>>, %arg4: memref<32x2x512xf32, #tpu.memory_space<hbm>>, %arg5: memref<64x512xf32, #tpu.memory_space<vmem>>, %arg6: memref<64x512xf32, #tpu.memory_space<vmem>>, %arg7: memref<128xf32, #tpu.memory_space<vmem>>, %arg8: memref<2x512xf32, #tpu.memory_space<vmem>>, %arg9: memref<!tpu.dma_semaphore, #tpu.memory_space<semaphore_mem>>, %arg10: memref<!tpu.dma_semaphore, #tpu.memory_space<semaphore_mem>>) attributes {dimension_semantics = [#tpu.dimension_semantics<core_parallel>, #tpu.dimension_semantics<subcore_parallel>], iteration_bounds = array<i64: 2, 16>, scalar_prefetch = 0 : i64, scratch_operands = 6 : i64, tpu.core_type = #tpu.core_type<sc_vector_subcore>, window_params = [{transform_indices = #map}, {transform_indices = #map}, {transform_indices = #map}]} {
    %mul3A = arith.constant 2 : i32
    %mul3A_0 = arith.muli %arg1, %mul3A : i32
    %add3A = arith.addi %mul3A_0, %arg0 : i32
    %jit3A = arith.constant 2 : i32
    %div3A = arith.divsi %add3A, %jit3A : i32
    %sign3A = arith.constant 0 : i32
    %sign3A_1 = arith.cmpi sgt, %add3A, %sign3A : i32
    %sign3A_2 = arith.extui %sign3A_1 : i1 to i32
    %sign3A_3 = arith.constant 0 : i32
    %sign3A_4 = arith.cmpi slt, %add3A, %sign3A_3 : i32
    %sign3A_5 = arith.extui %sign3A_4 : i1 to i32
    %sign3A_6 = arith.subi %sign3A_2, %sign3A_5 : i32
    %sign3A_7 = arith.constant 0 : i32
    %sign3A_8 = arith.cmpi sgt, %jit3A, %sign3A_7 : i32
    %sign3A_9 = arith.extui %sign3A_8 : i1 to i32
    %sign3A_10 = arith.constant 0 : i32
    %sign3A_11 = arith.cmpi slt, %jit3A, %sign3A_10 : i32
    %sign3A_12 = arith.extui %sign3A_11 : i1 to i32
    %sign3A_13 = arith.subi %sign3A_9, %sign3A_12 : i32
    %ne3A = arith.cmpi ne, %sign3A_6, %sign3A_13 : i32
    %rem3A = arith.remsi %add3A, %jit3A : i32
    %ne3A_14 = arith.constant 0 : i32
    %ne3A_15 = arith.cmpi ne, %rem3A, %ne3A_14 : i32
    %and3A = arith.andi %ne3A, %ne3A_15 : i1
    %sub3A = arith.constant 1 : i32
    %sub3A_16 = arith.subi %div3A, %sub3A : i32
    %select_n3A = arith.select %and3A, %sub3A_16, %div3A : i32
    %jit3A_17 = arith.constant 2 : i32
    %eq3A = arith.constant 0 : i32
    %eq3A_18 = arith.cmpi eq, %jit3A_17, %eq3A : i32
    %jit3A_19 = arith.constant 1 : i32
    %select_n3A_20 = arith.select %eq3A_18, %jit3A_19, %jit3A_17 : i32
    %rem3A_21 = arith.remsi %add3A, %select_n3A_20 : i32
    %ne3A_22 = arith.constant 0 : i32
    %ne3A_23 = arith.cmpi ne, %rem3A_21, %ne3A_22 : i32
    %lt3A = arith.constant 0 : i32
    %lt3A_24 = arith.cmpi slt, %rem3A_21, %lt3A : i32
    %lt3A_25 = arith.constant 0 : i32
    %lt3A_26 = arith.cmpi slt, %select_n3A_20, %lt3A_25 : i32
    %ne3A_27 = arith.xori %lt3A_24, %lt3A_26 : i1
    %and3A_28 = arith.andi %ne3A_27, %ne3A_23 : i1
    %add3A_29 = arith.addi %rem3A_21, %select_n3A_20 : i32
    %select_n3A_30 = arith.select %and3A_28, %add3A_29, %rem3A_21 : i32
    %mul3A_31 = arith.constant 128 : i32
    %mul3A_32 = arith.muli %select_n3A_30, %mul3A_31 : i32
    %add3A_33 = arith.constant 1792 : i32
    %add3A_34 = arith.addi %add3A_33, %mul3A_32 : i32
    %run_scoped3A = arith.constant 1 : i32
    "tpu.region"() ({
      %run_scoped3A_491 = tpu.sem_alloc : memref<!tpu.dma_semaphore, #tpu.memory_space<semaphore_mem>>
      %dma_start3A_492 = tpu.memref_slice %arg3[%select_n3A, %run_scoped3A, %add3A_34] : memref<16x2x2048xf32, #tpu.memory_space<hbm>> -> memref<1x1x128xf32, #tpu.memory_space<hbm>>
      %dma_start3A_493 = tpu.memref_squeeze %dma_start3A_492 : memref<1x1x128xf32, #tpu.memory_space<hbm>> -> memref<128xf32, #tpu.memory_space<hbm>>
      %dma_start3A_494 = tpu.memref_slice %arg3[%select_n3A, %run_scoped3A, %add3A_34] : memref<16x2x2048xf32, #tpu.memory_space<hbm>> -> memref<1x1x128xf32, #tpu.memory_space<hbm>>
      %dma_start3A_495 = tpu.memref_squeeze %dma_start3A_494 : memref<1x1x128xf32, #tpu.memory_space<hbm>> -> memref<128xf32, #tpu.memory_space<hbm>>
      tpu.enqueue_dma source(%dma_start3A_495 : memref<128xf32, #tpu.memory_space<hbm>>) target(%arg7 : memref<128xf32, #tpu.memory_space<vmem>>) target_semaphore(%run_scoped3A_491 : memref<!tpu.dma_semaphore, #tpu.memory_space<semaphore_mem>>)
      %dma_wait3A_496 = tpu.memref_slice %arg3[%select_n3A, %run_scoped3A, %add3A_34] : memref<16x2x2048xf32, #tpu.memory_space<hbm>> -> memref<1x1x128xf32, #tpu.memory_space<hbm>>
      %dma_wait3A_497 = tpu.memref_squeeze %dma_wait3A_496 : memref<1x1x128xf32, #tpu.memory_space<hbm>> -> memref<128xf32, #tpu.memory_space<hbm>>
      %dma_wait3A_498 = tpu.memref_slice %arg3[%select_n3A, %run_scoped3A, %add3A_34] : memref<16x2x2048xf32, #tpu.memory_space<hbm>> -> memref<1x1x128xf32, #tpu.memory_space<hbm>>
      %dma_wait3A_499 = tpu.memref_squeeze %dma_wait3A_498 : memref<1x1x128xf32, #tpu.memory_space<hbm>> -> memref<128xf32, #tpu.memory_space<hbm>>
      tpu.wait_dma2 semaphore(%run_scoped3A_491 : memref<!tpu.dma_semaphore, #tpu.memory_space<semaphore_mem>>) src(%dma_wait3A_499 : memref<128xf32, #tpu.memory_space<hbm>>) dst(%arg7 : memref<128xf32, #tpu.memory_space<vmem>>)
      tpu.yield
    }) : () -> ()
    %broadcast_in_dim3A = arith.constant 0.000000e+00 : f32
    %broadcast_in_dim3A_35 = vector.broadcast %broadcast_in_dim3A : f32 to vector<16xf32>
    %swap3A = arith.constant 0 : i32
    %swap3A_36 = arith.index_cast %swap3A : i32 to index
    %swap3A_37 = arith.constant 0 : index
    %swap3A_38 = tpu.vector_load %arg8[%swap3A_36, %swap3A_37] {strides = array<i32>} : memref<2x512xf32, #tpu.memory_space<vmem>>, vector<1x16xf32>,
    %swap3A_39 = vector.shape_cast %swap3A_38 : vector<1x16xf32> to vector<16xf32>
    %swap3A_40 = vector.shape_cast %broadcast_in_dim3A_35 : vector<16xf32> to vector<1x16xf32>
    tpu.vector_store %arg8[%swap3A_36, %swap3A_37], %swap3A_40 {strides = array<i32>} : memref<2x512xf32, #tpu.memory_space<vmem>>, vector<1x16xf32>,
    %swap3A_41 = arith.constant 0 : i32
    %swap3A_42 = arith.index_cast %swap3A_41 : i32 to index
    %swap3A_43 = arith.constant 16 : index
    %swap3A_44 = tpu.vector_load %arg8[%swap3A_42, %swap3A_43] {strides = array<i32>} : memref<2x512xf32, #tpu.memory_space<vmem>>, vector<1x16xf32>,
    %swap3A_45 = vector.shape_cast %swap3A_44 : vector<1x16xf32> to vector<16xf32>
    %swap3A_46 = vector.shape_cast %broadcast_in_dim3A_35 : vector<16xf32> to vector<1x16xf32>
    tpu.vector_store %arg8[%swap3A_42, %swap3A_43], %swap3A_46 {strides = array<i32>} : memref<2x512xf32, #tpu.memory_space<vmem>>, vector<1x16xf32>,
    %swap3A_47 = arith.constant 0 : i32
    %swap3A_48 = arith.index_cast %swap3A_47 : i32 to index
    %swap3A_49 = arith.constant 32 : index
    %swap3A_50 = tpu.vector_load %arg8[%swap3A_48, %swap3A_49] {strides = array<i32>} : memref<2x512xf32, #tpu.memory_space<vmem>>, vector<1x16xf32>,
    %swap3A_51 = vector.shape_cast %swap3A_50 : vector<1x16xf32> to vector<16xf32>
    %swap3A_52 = vector.shape_cast %broadcast_in_dim3A_35 : vector<16xf32> to vector<1x16xf32>
    tpu.vector_store %arg8[%swap3A_48, %swap3A_49], %swap3A_52 {strides = array<i32>} : memref<2x512xf32, #tpu.memory_space<vmem>>, vector<1x16xf32>,
    %swap3A_53 = arith.constant 0 : i32
    %swap3A_54 = arith.index_cast %swap3A_53 : i32 to index
    %swap3A_55 = arith.constant 48 : index
    %swap3A_56 = tpu.vector_load %arg8[%swap3A_54, %swap3A_55] {strides = array<i32>} : memref<2x512xf32, #tpu.memory_space<vmem>>, vector<1x16xf32>,
    %swap3A_57 = vector.shape_cast %swap3A_56 : vector<1x16xf32> to vector<16xf32>
    %swap3A_58 = vector.shape_cast %broadcast_in_dim3A_35 : vector<16xf32> to vector<1x16xf32>
    tpu.vector_store %arg8[%swap3A_54, %swap3A_55], %swap3A_58 {strides = array<i32>} : memref<2x512xf32, #tpu.memory_space<vmem>>, vector<1x16xf32>,
    %swap3A_59 = arith.constant 0 : i32
    %swap3A_60 = arith.index_cast %swap3A_59 : i32 to index
    %swap3A_61 = arith.constant 64 : index
    %swap3A_62 = tpu.vector_load %arg8[%swap3A_60, %swap3A_61] {strides = array<i32>} : memref<2x512xf32, #tpu.memory_space<vmem>>, vector<1x16xf32>,
    %swap3A_63 = vector.shape_cast %swap3A_62 : vector<1x16xf32> to vector<16xf32>
    %swap3A_64 = vector.shape_cast %broadcast_in_dim3A_35 : vector<16xf32> to vector<1x16xf32>
    tpu.vector_store %arg8[%swap3A_60, %swap3A_61], %swap3A_64 {strides = array<i32>} : memref<2x512xf32, #tpu.memory_space<vmem>>, vector<1x16xf32>,
    %swap3A_65 = arith.constant 0 : i32
    %swap3A_66 = arith.index_cast %swap3A_65 : i32 to index
    %swap3A_67 = arith.constant 80 : index
    %swap3A_68 = tpu.vector_load %arg8[%swap3A_66, %swap3A_67] {strides = array<i32>} : memref<2x512xf32, #tpu.memory_space<vmem>>, vector<1x16xf32>,
    %swap3A_69 = vector.shape_cast %swap3A_68 : vector<1x16xf32> to vector<16xf32>
    %swap3A_70 = vector.shape_cast %broadcast_in_dim3A_35 : vector<16xf32> to vector<1x16xf32>
    tpu.vector_store %arg8[%swap3A_66, %swap3A_67], %swap3A_70 {strides = array<i32>} : memref<2x512xf32, #tpu.memory_space<vmem>>, vector<1x16xf32>,
    %swap3A_71 = arith.constant 0 : i32
    %swap3A_72 = arith.index_cast %swap3A_71 : i32 to index
    %swap3A_73 = arith.constant 96 : index
    %swap3A_74 = tpu.vector_load %arg8[%swap3A_72, %swap3A_73] {strides = array<i32>} : memref<2x512xf32, #tpu.memory_space<vmem>>, vector<1x16xf32>,
    %swap3A_75 = vector.shape_cast %swap3A_74 : vector<1x16xf32> to vector<16xf32>
    %swap3A_76 = vector.shape_cast %broadcast_in_dim3A_35 : vector<16xf32> to vector<1x16xf32>
    tpu.vector_store %arg8[%swap3A_72, %swap3A_73], %swap3A_76 {strides = array<i32>} : memref<2x512xf32, #tpu.memory_space<vmem>>, vector<1x16xf32>,
    %swap3A_77 = arith.constant 0 : i32
    %swap3A_78 = arith.index_cast %swap3A_77 : i32 to index
    %swap3A_79 = arith.constant 112 : index
    %swap3A_80 = tpu.vector_load %arg8[%swap3A_78, %swap3A_79] {strides = array<i32>} : memref<2x512xf32, #tpu.memory_space<vmem>>, vector<1x16xf32>,
    %swap3A_81 = vector.shape_cast %swap3A_80 : vector<1x16xf32> to vector<16xf32>
    %swap3A_82 = vector.shape_cast %broadcast_in_dim3A_35 : vector<16xf32> to vector<1x16xf32>
    tpu.vector_store %arg8[%swap3A_78, %swap3A_79], %swap3A_82 {strides = array<i32>} : memref<2x512xf32, #tpu.memory_space<vmem>>, vector<1x16xf32>,
    %swap3A_83 = arith.constant 0 : i32
    %swap3A_84 = arith.index_cast %swap3A_83 : i32 to index
    %swap3A_85 = arith.constant 128 : index
    %swap3A_86 = tpu.vector_load %arg8[%swap3A_84, %swap3A_85] {strides = array<i32>} : memref<2x512xf32, #tpu.memory_space<vmem>>, vector<1x16xf32>,
    %swap3A_87 = vector.shape_cast %swap3A_86 : vector<1x16xf32> to vector<16xf32>
    %swap3A_88 = vector.shape_cast %broadcast_in_dim3A_35 : vector<16xf32> to vector<1x16xf32>
    tpu.vector_store %arg8[%swap3A_84, %swap3A_85], %swap3A_88 {strides = array<i32>} : memref<2x512xf32, #tpu.memory_space<vmem>>, vector<1x16xf32>,
    %swap3A_89 = arith.constant 0 : i32
    %swap3A_90 = arith.index_cast %swap3A_89 : i32 to index
    %swap3A_91 = arith.constant 144 : index
    %swap3A_92 = tpu.vector_load %arg8[%swap3A_90, %swap3A_91] {strides = array<i32>} : memref<2x512xf32, #tpu.memory_space<vmem>>, vector<1x16xf32>,
    %swap3A_93 = vector.shape_cast %swap3A_92 : vector<1x16xf32> to vector<16xf32>
    %swap3A_94 = vector.shape_cast %broadcast_in_dim3A_35 : vector<16xf32> to vector<1x16xf32>
    tpu.vector_store %arg8[%swap3A_90, %swap3A_91], %swap3A_94 {strides = array<i32>} : memref<2x512xf32, #tpu.memory_space<vmem>>, vector<1x16xf32>,
    %swap3A_95 = arith.constant 0 : i32
    %swap3A_96 = arith.index_cast %swap3A_95 : i32 to index
    %swap3A_97 = arith.constant 160 : index
    %swap3A_98 = tpu.vector_load %arg8[%swap3A_96, %swap3A_97] {strides = array<i32>} : memref<2x512xf32, #tpu.memory_space<vmem>>, vector<1x16xf32>,
    %swap3A_99 = vector.shape_cast %swap3A_98 : vector<1x16xf32> to vector<16xf32>
    %swap3A_100 = vector.shape_cast %broadcast_in_dim3A_35 : vector<16xf32> to vector<1x16xf32>
    tpu.vector_store %arg8[%swap3A_96, %swap3A_97], %swap3A_100 {strides = array<i32>} : memref<2x512xf32, #tpu.memory_space<vmem>>, vector<1x16xf32>,
    %swap3A_101 = arith.constant 0 : i32
    %swap3A_102 = arith.index_cast %swap3A_101 : i32 to index
    %swap3A_103 = arith.constant 176 : index
    %swap3A_104 = tpu.vector_load %arg8[%swap3A_102, %swap3A_103] {strides = array<i32>} : memref<2x512xf32, #tpu.memory_space<vmem>>, vector<1x16xf32>,
    %swap3A_105 = vector.shape_cast %swap3A_104 : vector<1x16xf32> to vector<16xf32>
    %swap3A_106 = vector.shape_cast %broadcast_in_dim3A_35 : vector<16xf32> to vector<1x16xf32>
    tpu.vector_store %arg8[%swap3A_102, %swap3A_103], %swap3A_106 {strides = array<i32>} : memref<2x512xf32, #tpu.memory_space<vmem>>, vector<1x16xf32>,
    %swap3A_107 = arith.constant 0 : i32
    %swap3A_108 = arith.index_cast %swap3A_107 : i32 to index
    %swap3A_109 = arith.constant 192 : index
    %swap3A_110 = tpu.vector_load %arg8[%swap3A_108, %swap3A_109] {strides = array<i32>} : memref<2x512xf32, #tpu.memory_space<vmem>>, vector<1x16xf32>,
    %swap3A_111 = vector.shape_cast %swap3A_110 : vector<1x16xf32> to vector<16xf32>
    %swap3A_112 = vector.shape_cast %broadcast_in_dim3A_35 : vector<16xf32> to vector<1x16xf32>
    tpu.vector_store %arg8[%swap3A_108, %swap3A_109], %swap3A_112 {strides = array<i32>} : memref<2x512xf32, #tpu.memory_space<vmem>>, vector<1x16xf32>,
    %swap3A_113 = arith.constant 0 : i32
    %swap3A_114 = arith.index_cast %swap3A_113 : i32 to index
    %swap3A_115 = arith.constant 208 : index
    %swap3A_116 = tpu.vector_load %arg8[%swap3A_114, %swap3A_115] {strides = array<i32>} : memref<2x512xf32, #tpu.memory_space<vmem>>, vector<1x16xf32>,
    %swap3A_117 = vector.shape_cast %swap3A_116 : vector<1x16xf32> to vector<16xf32>
    %swap3A_118 = vector.shape_cast %broadcast_in_dim3A_35 : vector<16xf32> to vector<1x16xf32>
    tpu.vector_store %arg8[%swap3A_114, %swap3A_115], %swap3A_118 {strides = array<i32>} : memref<2x512xf32, #tpu.memory_space<vmem>>, vector<1x16xf32>,
    %swap3A_119 = arith.constant 0 : i32
    %swap3A_120 = arith.index_cast %swap3A_119 : i32 to index
    %swap3A_121 = arith.constant 224 : index
    %swap3A_122 = tpu.vector_load %arg8[%swap3A_120, %swap3A_121] {strides = array<i32>} : memref<2x512xf32, #tpu.memory_space<vmem>>, vector<1x16xf32>,
    %swap3A_123 = vector.shape_cast %swap3A_122 : vector<1x16xf32> to vector<16xf32>
    %swap3A_124 = vector.shape_cast %broadcast_in_dim3A_35 : vector<16xf32> to vector<1x16xf32>
    tpu.vector_store %arg8[%swap3A_120, %swap3A_121], %swap3A_124 {strides = array<i32>} : memref<2x512xf32, #tpu.memory_space<vmem>>, vector<1x16xf32>,
    %swap3A_125 = arith.constant 0 : i32
    %swap3A_126 = arith.index_cast %swap3A_125 : i32 to index
    %swap3A_127 = arith.constant 240 : index
    %swap3A_128 = tpu.vector_load %arg8[%swap3A_126, %swap3A_127] {strides = array<i32>} : memref<2x512xf32, #tpu.memory_space<vmem>>, vector<1x16xf32>,
    %swap3A_129 = vector.shape_cast %swap3A_128 : vector<1x16xf32> to vector<16xf32>
    %swap3A_130 = vector.shape_cast %broadcast_in_dim3A_35 : vector<16xf32> to vector<1x16xf32>
    tpu.vector_store %arg8[%swap3A_126, %swap3A_127], %swap3A_130 {strides = array<i32>} : memref<2x512xf32, #tpu.memory_space<vmem>>, vector<1x16xf32>,
    %swap3A_131 = arith.constant 0 : i32
    %swap3A_132 = arith.index_cast %swap3A_131 : i32 to index
    %swap3A_133 = arith.constant 256 : index
    %swap3A_134 = tpu.vector_load %arg8[%swap3A_132, %swap3A_133] {strides = array<i32>} : memref<2x512xf32, #tpu.memory_space<vmem>>, vector<1x16xf32>,
    %swap3A_135 = vector.shape_cast %swap3A_134 : vector<1x16xf32> to vector<16xf32>
    %swap3A_136 = vector.shape_cast %broadcast_in_dim3A_35 : vector<16xf32> to vector<1x16xf32>
    tpu.vector_store %arg8[%swap3A_132, %swap3A_133], %swap3A_136 {strides = array<i32>} : memref<2x512xf32, #tpu.memory_space<vmem>>, vector<1x16xf32>,
    %swap3A_137 = arith.constant 0 : i32
    %swap3A_138 = arith.index_cast %swap3A_137 : i32 to index
    %swap3A_139 = arith.constant 272 : index
    %swap3A_140 = tpu.vector_load %arg8[%swap3A_138, %swap3A_139] {strides = array<i32>} : memref<2x512xf32, #tpu.memory_space<vmem>>, vector<1x16xf32>,
    %swap3A_141 = vector.shape_cast %swap3A_140 : vector<1x16xf32> to vector<16xf32>
    %swap3A_142 = vector.shape_cast %broadcast_in_dim3A_35 : vector<16xf32> to vector<1x16xf32>
    tpu.vector_store %arg8[%swap3A_138, %swap3A_139], %swap3A_142 {strides = array<i32>} : memref<2x512xf32, #tpu.memory_space<vmem>>, vector<1x16xf32>,
    %swap3A_143 = arith.constant 0 : i32
    %swap3A_144 = arith.index_cast %swap3A_143 : i32 to index
    %swap3A_145 = arith.constant 288 : index
    %swap3A_146 = tpu.vector_load %arg8[%swap3A_144, %swap3A_145] {strides = array<i32>} : memref<2x512xf32, #tpu.memory_space<vmem>>, vector<1x16xf32>,
    %swap3A_147 = vector.shape_cast %swap3A_146 : vector<1x16xf32> to vector<16xf32>
    %swap3A_148 = vector.shape_cast %broadcast_in_dim3A_35 : vector<16xf32> to vector<1x16xf32>
    tpu.vector_store %arg8[%swap3A_144, %swap3A_145], %swap3A_148 {strides = array<i32>} : memref<2x512xf32, #tpu.memory_space<vmem>>, vector<1x16xf32>,
    %swap3A_149 = arith.constant 0 : i32
    %swap3A_150 = arith.index_cast %swap3A_149 : i32 to index
    %swap3A_151 = arith.constant 304 : index
    %swap3A_152 = tpu.vector_load %arg8[%swap3A_150, %swap3A_151] {strides = array<i32>} : memref<2x512xf32, #tpu.memory_space<vmem>>, vector<1x16xf32>,
    %swap3A_153 = vector.shape_cast %swap3A_152 : vector<1x16xf32> to vector<16xf32>
    %swap3A_154 = vector.shape_cast %broadcast_in_dim3A_35 : vector<16xf32> to vector<1x16xf32>
    tpu.vector_store %arg8[%swap3A_150, %swap3A_151], %swap3A_154 {strides = array<i32>} : memref<2x512xf32, #tpu.memory_space<vmem>>, vector<1x16xf32>,
    %swap3A_155 = arith.constant 0 : i32
    %swap3A_156 = arith.index_cast %swap3A_155 : i32 to index
    %swap3A_157 = arith.constant 320 : index
    %swap3A_158 = tpu.vector_load %arg8[%swap3A_156, %swap3A_157] {strides = array<i32>} : memref<2x512xf32, #tpu.memory_space<vmem>>, vector<1x16xf32>,
    %swap3A_159 = vector.shape_cast %swap3A_158 : vector<1x16xf32> to vector<16xf32>
    %swap3A_160 = vector.shape_cast %broadcast_in_dim3A_35 : vector<16xf32> to vector<1x16xf32>
    tpu.vector_store %arg8[%swap3A_156, %swap3A_157], %swap3A_160 {strides = array<i32>} : memref<2x512xf32, #tpu.memory_space<vmem>>, vector<1x16xf32>,
    %swap3A_161 = arith.constant 0 : i32
    %swap3A_162 = arith.index_cast %swap3A_161 : i32 to index
    %swap3A_163 = arith.constant 336 : index
    %swap3A_164 = tpu.vector_load %arg8[%swap3A_162, %swap3A_163] {strides = array<i32>} : memref<2x512xf32, #tpu.memory_space<vmem>>, vector<1x16xf32>,
    %swap3A_165 = vector.shape_cast %swap3A_164 : vector<1x16xf32> to vector<16xf32>
    %swap3A_166 = vector.shape_cast %broadcast_in_dim3A_35 : vector<16xf32> to vector<1x16xf32>
    tpu.vector_store %arg8[%swap3A_162, %swap3A_163], %swap3A_166 {strides = array<i32>} : memref<2x512xf32, #tpu.memory_space<vmem>>, vector<1x16xf32>,
    %swap3A_167 = arith.constant 0 : i32
    %swap3A_168 = arith.index_cast %swap3A_167 : i32 to index
    %swap3A_169 = arith.constant 352 : index
    %swap3A_170 = tpu.vector_load %arg8[%swap3A_168, %swap3A_169] {strides = array<i32>} : memref<2x512xf32, #tpu.memory_space<vmem>>, vector<1x16xf32>,
    %swap3A_171 = vector.shape_cast %swap3A_170 : vector<1x16xf32> to vector<16xf32>
    %swap3A_172 = vector.shape_cast %broadcast_in_dim3A_35 : vector<16xf32> to vector<1x16xf32>
    tpu.vector_store %arg8[%swap3A_168, %swap3A_169], %swap3A_172 {strides = array<i32>} : memref<2x512xf32, #tpu.memory_space<vmem>>, vector<1x16xf32>,
    %swap3A_173 = arith.constant 0 : i32
    %swap3A_174 = arith.index_cast %swap3A_173 : i32 to index
    %swap3A_175 = arith.constant 368 : index
    %swap3A_176 = tpu.vector_load %arg8[%swap3A_174, %swap3A_175] {strides = array<i32>} : memref<2x512xf32, #tpu.memory_space<vmem>>, vector<1x16xf32>,
    %swap3A_177 = vector.shape_cast %swap3A_176 : vector<1x16xf32> to vector<16xf32>
    %swap3A_178 = vector.shape_cast %broadcast_in_dim3A_35 : vector<16xf32> to vector<1x16xf32>
    tpu.vector_store %arg8[%swap3A_174, %swap3A_175], %swap3A_178 {strides = array<i32>} : memref<2x512xf32, #tpu.memory_space<vmem>>, vector<1x16xf32>,
    %swap3A_179 = arith.constant 0 : i32
    %swap3A_180 = arith.index_cast %swap3A_179 : i32 to index
    %swap3A_181 = arith.constant 384 : index
    %swap3A_182 = tpu.vector_load %arg8[%swap3A_180, %swap3A_181] {strides = array<i32>} : memref<2x512xf32, #tpu.memory_space<vmem>>, vector<1x16xf32>,
    %swap3A_183 = vector.shape_cast %swap3A_182 : vector<1x16xf32> to vector<16xf32>
    %swap3A_184 = vector.shape_cast %broadcast_in_dim3A_35 : vector<16xf32> to vector<1x16xf32>
    tpu.vector_store %arg8[%swap3A_180, %swap3A_181], %swap3A_184 {strides = array<i32>} : memref<2x512xf32, #tpu.memory_space<vmem>>, vector<1x16xf32>,
    %swap3A_185 = arith.constant 0 : i32
    %swap3A_186 = arith.index_cast %swap3A_185 : i32 to index
    %swap3A_187 = arith.constant 400 : index
    %swap3A_188 = tpu.vector_load %arg8[%swap3A_186, %swap3A_187] {strides = array<i32>} : memref<2x512xf32, #tpu.memory_space<vmem>>, vector<1x16xf32>,
    %swap3A_189 = vector.shape_cast %swap3A_188 : vector<1x16xf32> to vector<16xf32>
    %swap3A_190 = vector.shape_cast %broadcast_in_dim3A_35 : vector<16xf32> to vector<1x16xf32>
    tpu.vector_store %arg8[%swap3A_186, %swap3A_187], %swap3A_190 {strides = array<i32>} : memref<2x512xf32, #tpu.memory_space<vmem>>, vector<1x16xf32>,
    %swap3A_191 = arith.constant 0 : i32
    %swap3A_192 = arith.index_cast %swap3A_191 : i32 to index
    %swap3A_193 = arith.constant 416 : index
    %swap3A_194 = tpu.vector_load %arg8[%swap3A_192, %swap3A_193] {strides = array<i32>} : memref<2x512xf32, #tpu.memory_space<vmem>>, vector<1x16xf32>,
    %swap3A_195 = vector.shape_cast %swap3A_194 : vector<1x16xf32> to vector<16xf32>
    %swap3A_196 = vector.shape_cast %broadcast_in_dim3A_35 : vector<16xf32> to vector<1x16xf32>
    tpu.vector_store %arg8[%swap3A_192, %swap3A_193], %swap3A_196 {strides = array<i32>} : memref<2x512xf32, #tpu.memory_space<vmem>>, vector<1x16xf32>,
    %swap3A_197 = arith.constant 0 : i32
    %swap3A_198 = arith.index_cast %swap3A_197 : i32 to index
    %swap3A_199 = arith.constant 432 : index
    %swap3A_200 = tpu.vector_load %arg8[%swap3A_198, %swap3A_199] {strides = array<i32>} : memref<2x512xf32, #tpu.memory_space<vmem>>, vector<1x16xf32>,
    %swap3A_201 = vector.shape_cast %swap3A_200 : vector<1x16xf32> to vector<16xf32>
    %swap3A_202 = vector.shape_cast %broadcast_in_dim3A_35 : vector<16xf32> to vector<1x16xf32>
    tpu.vector_store %arg8[%swap3A_198, %swap3A_199], %swap3A_202 {strides = array<i32>} : memref<2x512xf32, #tpu.memory_space<vmem>>, vector<1x16xf32>,
    %swap3A_203 = arith.constant 0 : i32
    %swap3A_204 = arith.index_cast %swap3A_203 : i32 to index
    %swap3A_205 = arith.constant 448 : index
    %swap3A_206 = tpu.vector_load %arg8[%swap3A_204, %swap3A_205] {strides = array<i32>} : memref<2x512xf32, #tpu.memory_space<vmem>>, vector<1x16xf32>,
    %swap3A_207 = vector.shape_cast %swap3A_206 : vector<1x16xf32> to vector<16xf32>
    %swap3A_208 = vector.shape_cast %broadcast_in_dim3A_35 : vector<16xf32> to vector<1x16xf32>
    tpu.vector_store %arg8[%swap3A_204, %swap3A_205], %swap3A_208 {strides = array<i32>} : memref<2x512xf32, #tpu.memory_space<vmem>>, vector<1x16xf32>,
    %swap3A_209 = arith.constant 0 : i32
    %swap3A_210 = arith.index_cast %swap3A_209 : i32 to index
    %swap3A_211 = arith.constant 464 : index
    %swap3A_212 = tpu.vector_load %arg8[%swap3A_210, %swap3A_211] {strides = array<i32>} : memref<2x512xf32, #tpu.memory_space<vmem>>, vector<1x16xf32>,
    %swap3A_213 = vector.shape_cast %swap3A_212 : vector<1x16xf32> to vector<16xf32>
    %swap3A_214 = vector.shape_cast %broadcast_in_dim3A_35 : vector<16xf32> to vector<1x16xf32>
    tpu.vector_store %arg8[%swap3A_210, %swap3A_211], %swap3A_214 {strides = array<i32>} : memref<2x512xf32, #tpu.memory_space<vmem>>, vector<1x16xf32>,
    %swap3A_215 = arith.constant 0 : i32
    %swap3A_216 = arith.index_cast %swap3A_215 : i32 to index
    %swap3A_217 = arith.constant 480 : index
    %swap3A_218 = tpu.vector_load %arg8[%swap3A_216, %swap3A_217] {strides = array<i32>} : memref<2x512xf32, #tpu.memory_space<vmem>>, vector<1x16xf32>,
    %swap3A_219 = vector.shape_cast %swap3A_218 : vector<1x16xf32> to vector<16xf32>
    %swap3A_220 = vector.shape_cast %broadcast_in_dim3A_35 : vector<16xf32> to vector<1x16xf32>
    tpu.vector_store %arg8[%swap3A_216, %swap3A_217], %swap3A_220 {strides = array<i32>} : memref<2x512xf32, #tpu.memory_space<vmem>>, vector<1x16xf32>,
    %swap3A_221 = arith.constant 0 : i32
    %swap3A_222 = arith.index_cast %swap3A_221 : i32 to index
    %swap3A_223 = arith.constant 496 : index
    %swap3A_224 = tpu.vector_load %arg8[%swap3A_222, %swap3A_223] {strides = array<i32>} : memref<2x512xf32, #tpu.memory_space<vmem>>, vector<1x16xf32>,
    %swap3A_225 = vector.shape_cast %swap3A_224 : vector<1x16xf32> to vector<16xf32>
    %swap3A_226 = vector.shape_cast %broadcast_in_dim3A_35 : vector<16xf32> to vector<1x16xf32>
    tpu.vector_store %arg8[%swap3A_222, %swap3A_223], %swap3A_226 {strides = array<i32>} : memref<2x512xf32, #tpu.memory_space<vmem>>, vector<1x16xf32>,
    %swap3A_227 = arith.constant 1 : i32
    %swap3A_228 = arith.index_cast %swap3A_227 : i32 to index
    %swap3A_229 = arith.constant 0 : index
    %swap3A_230 = tpu.vector_load %arg8[%swap3A_228, %swap3A_229] {strides = array<i32>} : memref<2x512xf32, #tpu.memory_space<vmem>>, vector<1x16xf32>,
    %swap3A_231 = vector.shape_cast %swap3A_230 : vector<1x16xf32> to vector<16xf32>
    %swap3A_232 = vector.shape_cast %broadcast_in_dim3A_35 : vector<16xf32> to vector<1x16xf32>
    tpu.vector_store %arg8[%swap3A_228, %swap3A_229], %swap3A_232 {strides = array<i32>} : memref<2x512xf32, #tpu.memory_space<vmem>>, vector<1x16xf32>,
    %swap3A_233 = arith.constant 1 : i32
    %swap3A_234 = arith.index_cast %swap3A_233 : i32 to index
    %swap3A_235 = arith.constant 16 : index
    %swap3A_236 = tpu.vector_load %arg8[%swap3A_234, %swap3A_235] {strides = array<i32>} : memref<2x512xf32, #tpu.memory_space<vmem>>, vector<1x16xf32>,
    %swap3A_237 = vector.shape_cast %swap3A_236 : vector<1x16xf32> to vector<16xf32>
    %swap3A_238 = vector.shape_cast %broadcast_in_dim3A_35 : vector<16xf32> to vector<1x16xf32>
    tpu.vector_store %arg8[%swap3A_234, %swap3A_235], %swap3A_238 {strides = array<i32>} : memref<2x512xf32, #tpu.memory_space<vmem>>, vector<1x16xf32>,
    %swap3A_239 = arith.constant 1 : i32
    %swap3A_240 = arith.index_cast %swap3A_239 : i32 to index
    %swap3A_241 = arith.constant 32 : index
    %swap3A_242 = tpu.vector_load %arg8[%swap3A_240, %swap3A_241] {strides = array<i32>} : memref<2x512xf32, #tpu.memory_space<vmem>>, vector<1x16xf32>,
    %swap3A_243 = vector.shape_cast %swap3A_242 : vector<1x16xf32> to vector<16xf32>
    %swap3A_244 = vector.shape_cast %broadcast_in_dim3A_35 : vector<16xf32> to vector<1x16xf32>
    tpu.vector_store %arg8[%swap3A_240, %swap3A_241], %swap3A_244 {strides = array<i32>} : memref<2x512xf32, #tpu.memory_space<vmem>>, vector<1x16xf32>,
    %swap3A_245 = arith.constant 1 : i32
    %swap3A_246 = arith.index_cast %swap3A_245 : i32 to index
    %swap3A_247 = arith.constant 48 : index
    %swap3A_248 = tpu.vector_load %arg8[%swap3A_246, %swap3A_247] {strides = array<i32>} : memref<2x512xf32, #tpu.memory_space<vmem>>, vector<1x16xf32>,
    %swap3A_249 = vector.shape_cast %swap3A_248 : vector<1x16xf32> to vector<16xf32>
    %swap3A_250 = vector.shape_cast %broadcast_in_dim3A_35 : vector<16xf32> to vector<1x16xf32>
    tpu.vector_store %arg8[%swap3A_246, %swap3A_247], %swap3A_250 {strides = array<i32>} : memref<2x512xf32, #tpu.memory_space<vmem>>, vector<1x16xf32>,
    %swap3A_251 = arith.constant 1 : i32
    %swap3A_252 = arith.index_cast %swap3A_251 : i32 to index
    %swap3A_253 = arith.constant 64 : index
    %swap3A_254 = tpu.vector_load %arg8[%swap3A_252, %swap3A_253] {strides = array<i32>} : memref<2x512xf32, #tpu.memory_space<vmem>>, vector<1x16xf32>,
    %swap3A_255 = vector.shape_cast %swap3A_254 : vector<1x16xf32> to vector<16xf32>
    %swap3A_256 = vector.shape_cast %broadcast_in_dim3A_35 : vector<16xf32> to vector<1x16xf32>
    tpu.vector_store %arg8[%swap3A_252, %swap3A_253], %swap3A_256 {strides = array<i32>} : memref<2x512xf32, #tpu.memory_space<vmem>>, vector<1x16xf32>,
    %swap3A_257 = arith.constant 1 : i32
    %swap3A_258 = arith.index_cast %swap3A_257 : i32 to index
    %swap3A_259 = arith.constant 80 : index
    %swap3A_260 = tpu.vector_load %arg8[%swap3A_258, %swap3A_259] {strides = array<i32>} : memref<2x512xf32, #tpu.memory_space<vmem>>, vector<1x16xf32>,
    %swap3A_261 = vector.shape_cast %swap3A_260 : vector<1x16xf32> to vector<16xf32>
    %swap3A_262 = vector.shape_cast %broadcast_in_dim3A_35 : vector<16xf32> to vector<1x16xf32>
    tpu.vector_store %arg8[%swap3A_258, %swap3A_259], %swap3A_262 {strides = array<i32>} : memref<2x512xf32, #tpu.memory_space<vmem>>, vector<1x16xf32>,
    %swap3A_263 = arith.constant 1 : i32
    %swap3A_264 = arith.index_cast %swap3A_263 : i32 to index
    %swap3A_265 = arith.constant 96 : index
    %swap3A_266 = tpu.vector_load %arg8[%swap3A_264, %swap3A_265] {strides = array<i32>} : memref<2x512xf32, #tpu.memory_space<vmem>>, vector<1x16xf32>,
    %swap3A_267 = vector.shape_cast %swap3A_266 : vector<1x16xf32> to vector<16xf32>
    %swap3A_268 = vector.shape_cast %broadcast_in_dim3A_35 : vector<16xf32> to vector<1x16xf32>
    tpu.vector_store %arg8[%swap3A_264, %swap3A_265], %swap3A_268 {strides = array<i32>} : memref<2x512xf32, #tpu.memory_space<vmem>>, vector<1x16xf32>,
    %swap3A_269 = arith.constant 1 : i32
    %swap3A_270 = arith.index_cast %swap3A_269 : i32 to index
    %swap3A_271 = arith.constant 112 : index
    %swap3A_272 = tpu.vector_load %arg8[%swap3A_270, %swap3A_271] {strides = array<i32>} : memref<2x512xf32, #tpu.memory_space<vmem>>, vector<1x16xf32>,
    %swap3A_273 = vector.shape_cast %swap3A_272 : vector<1x16xf32> to vector<16xf32>
    %swap3A_274 = vector.shape_cast %broadcast_in_dim3A_35 : vector<16xf32> to vector<1x16xf32>
    tpu.vector_store %arg8[%swap3A_270, %swap3A_271], %swap3A_274 {strides = array<i32>} : memref<2x512xf32, #tpu.memory_space<vmem>>, vector<1x16xf32>,
    %swap3A_275 = arith.constant 1 : i32
    %swap3A_276 = arith.index_cast %swap3A_275 : i32 to index
    %swap3A_277 = arith.constant 128 : index
    %swap3A_278 = tpu.vector_load %arg8[%swap3A_276, %swap3A_277] {strides = array<i32>} : memref<2x512xf32, #tpu.memory_space<vmem>>, vector<1x16xf32>,
    %swap3A_279 = vector.shape_cast %swap3A_278 : vector<1x16xf32> to vector<16xf32>
    %swap3A_280 = vector.shape_cast %broadcast_in_dim3A_35 : vector<16xf32> to vector<1x16xf32>
    tpu.vector_store %arg8[%swap3A_276, %swap3A_277], %swap3A_280 {strides = array<i32>} : memref<2x512xf32, #tpu.memory_space<vmem>>, vector<1x16xf32>,
    %swap3A_281 = arith.constant 1 : i32
    %swap3A_282 = arith.index_cast %swap3A_281 : i32 to index
    %swap3A_283 = arith.constant 144 : index
    %swap3A_284 = tpu.vector_load %arg8[%swap3A_282, %swap3A_283] {strides = array<i32>} : memref<2x512xf32, #tpu.memory_space<vmem>>, vector<1x16xf32>,
    %swap3A_285 = vector.shape_cast %swap3A_284 : vector<1x16xf32> to vector<16xf32>
    %swap3A_286 = vector.shape_cast %broadcast_in_dim3A_35 : vector<16xf32> to vector<1x16xf32>
    tpu.vector_store %arg8[%swap3A_282, %swap3A_283], %swap3A_286 {strides = array<i32>} : memref<2x512xf32, #tpu.memory_space<vmem>>, vector<1x16xf32>,
    %swap3A_287 = arith.constant 1 : i32
    %swap3A_288 = arith.index_cast %swap3A_287 : i32 to index
    %swap3A_289 = arith.constant 160 : index
    %swap3A_290 = tpu.vector_load %arg8[%swap3A_288, %swap3A_289] {strides = array<i32>} : memref<2x512xf32, #tpu.memory_space<vmem>>, vector<1x16xf32>,
    %swap3A_291 = vector.shape_cast %swap3A_290 : vector<1x16xf32> to vector<16xf32>
    %swap3A_292 = vector.shape_cast %broadcast_in_dim3A_35 : vector<16xf32> to vector<1x16xf32>
    tpu.vector_store %arg8[%swap3A_288, %swap3A_289], %swap3A_292 {strides = array<i32>} : memref<2x512xf32, #tpu.memory_space<vmem>>, vector<1x16xf32>,
    %swap3A_293 = arith.constant 1 : i32
    %swap3A_294 = arith.index_cast %swap3A_293 : i32 to index
    %swap3A_295 = arith.constant 176 : index
    %swap3A_296 = tpu.vector_load %arg8[%swap3A_294, %swap3A_295] {strides = array<i32>} : memref<2x512xf32, #tpu.memory_space<vmem>>, vector<1x16xf32>,
    %swap3A_297 = vector.shape_cast %swap3A_296 : vector<1x16xf32> to vector<16xf32>
    %swap3A_298 = vector.shape_cast %broadcast_in_dim3A_35 : vector<16xf32> to vector<1x16xf32>
    tpu.vector_store %arg8[%swap3A_294, %swap3A_295], %swap3A_298 {strides = array<i32>} : memref<2x512xf32, #tpu.memory_space<vmem>>, vector<1x16xf32>,
    %swap3A_299 = arith.constant 1 : i32
    %swap3A_300 = arith.index_cast %swap3A_299 : i32 to index
    %swap3A_301 = arith.constant 192 : index
    %swap3A_302 = tpu.vector_load %arg8[%swap3A_300, %swap3A_301] {strides = array<i32>} : memref<2x512xf32, #tpu.memory_space<vmem>>, vector<1x16xf32>,
    %swap3A_303 = vector.shape_cast %swap3A_302 : vector<1x16xf32> to vector<16xf32>
    %swap3A_304 = vector.shape_cast %broadcast_in_dim3A_35 : vector<16xf32> to vector<1x16xf32>
    tpu.vector_store %arg8[%swap3A_300, %swap3A_301], %swap3A_304 {strides = array<i32>} : memref<2x512xf32, #tpu.memory_space<vmem>>, vector<1x16xf32>,
    %swap3A_305 = arith.constant 1 : i32
    %swap3A_306 = arith.index_cast %swap3A_305 : i32 to index
    %swap3A_307 = arith.constant 208 : index
    %swap3A_308 = tpu.vector_load %arg8[%swap3A_306, %swap3A_307] {strides = array<i32>} : memref<2x512xf32, #tpu.memory_space<vmem>>, vector<1x16xf32>,
    %swap3A_309 = vector.shape_cast %swap3A_308 : vector<1x16xf32> to vector<16xf32>
    %swap3A_310 = vector.shape_cast %broadcast_in_dim3A_35 : vector<16xf32> to vector<1x16xf32>
    tpu.vector_store %arg8[%swap3A_306, %swap3A_307], %swap3A_310 {strides = array<i32>} : memref<2x512xf32, #tpu.memory_space<vmem>>, vector<1x16xf32>,
    %swap3A_311 = arith.constant 1 : i32
    %swap3A_312 = arith.index_cast %swap3A_311 : i32 to index
    %swap3A_313 = arith.constant 224 : index
    %swap3A_314 = tpu.vector_load %arg8[%swap3A_312, %swap3A_313] {strides = array<i32>} : memref<2x512xf32, #tpu.memory_space<vmem>>, vector<1x16xf32>,
    %swap3A_315 = vector.shape_cast %swap3A_314 : vector<1x16xf32> to vector<16xf32>
    %swap3A_316 = vector.shape_cast %broadcast_in_dim3A_35 : vector<16xf32> to vector<1x16xf32>
    tpu.vector_store %arg8[%swap3A_312, %swap3A_313], %swap3A_316 {strides = array<i32>} : memref<2x512xf32, #tpu.memory_space<vmem>>, vector<1x16xf32>,
    %swap3A_317 = arith.constant 1 : i32
    %swap3A_318 = arith.index_cast %swap3A_317 : i32 to index
    %swap3A_319 = arith.constant 240 : index
    %swap3A_320 = tpu.vector_load %arg8[%swap3A_318, %swap3A_319] {strides = array<i32>} : memref<2x512xf32, #tpu.memory_space<vmem>>, vector<1x16xf32>,
    %swap3A_321 = vector.shape_cast %swap3A_320 : vector<1x16xf32> to vector<16xf32>
    %swap3A_322 = vector.shape_cast %broadcast_in_dim3A_35 : vector<16xf32> to vector<1x16xf32>
    tpu.vector_store %arg8[%swap3A_318, %swap3A_319], %swap3A_322 {strides = array<i32>} : memref<2x512xf32, #tpu.memory_space<vmem>>, vector<1x16xf32>,
    %swap3A_323 = arith.constant 1 : i32
    %swap3A_324 = arith.index_cast %swap3A_323 : i32 to index
    %swap3A_325 = arith.constant 256 : index
    %swap3A_326 = tpu.vector_load %arg8[%swap3A_324, %swap3A_325] {strides = array<i32>} : memref<2x512xf32, #tpu.memory_space<vmem>>, vector<1x16xf32>,
    %swap3A_327 = vector.shape_cast %swap3A_326 : vector<1x16xf32> to vector<16xf32>
    %swap3A_328 = vector.shape_cast %broadcast_in_dim3A_35 : vector<16xf32> to vector<1x16xf32>
    tpu.vector_store %arg8[%swap3A_324, %swap3A_325], %swap3A_328 {strides = array<i32>} : memref<2x512xf32, #tpu.memory_space<vmem>>, vector<1x16xf32>,
    %swap3A_329 = arith.constant 1 : i32
    %swap3A_330 = arith.index_cast %swap3A_329 : i32 to index
    %swap3A_331 = arith.constant 272 : index
    %swap3A_332 = tpu.vector_load %arg8[%swap3A_330, %swap3A_331] {strides = array<i32>} : memref<2x512xf32, #tpu.memory_space<vmem>>, vector<1x16xf32>,
    %swap3A_333 = vector.shape_cast %swap3A_332 : vector<1x16xf32> to vector<16xf32>
    %swap3A_334 = vector.shape_cast %broadcast_in_dim3A_35 : vector<16xf32> to vector<1x16xf32>
    tpu.vector_store %arg8[%swap3A_330, %swap3A_331], %swap3A_334 {strides = array<i32>} : memref<2x512xf32, #tpu.memory_space<vmem>>, vector<1x16xf32>,
    %swap3A_335 = arith.constant 1 : i32
    %swap3A_336 = arith.index_cast %swap3A_335 : i32 to index
    %swap3A_337 = arith.constant 288 : index
    %swap3A_338 = tpu.vector_load %arg8[%swap3A_336, %swap3A_337] {strides = array<i32>} : memref<2x512xf32, #tpu.memory_space<vmem>>, vector<1x16xf32>,
    %swap3A_339 = vector.shape_cast %swap3A_338 : vector<1x16xf32> to vector<16xf32>
    %swap3A_340 = vector.shape_cast %broadcast_in_dim3A_35 : vector<16xf32> to vector<1x16xf32>
    tpu.vector_store %arg8[%swap3A_336, %swap3A_337], %swap3A_340 {strides = array<i32>} : memref<2x512xf32, #tpu.memory_space<vmem>>, vector<1x16xf32>,
    %swap3A_341 = arith.constant 1 : i32
    %swap3A_342 = arith.index_cast %swap3A_341 : i32 to index
    %swap3A_343 = arith.constant 304 : index
    %swap3A_344 = tpu.vector_load %arg8[%swap3A_342, %swap3A_343] {strides = array<i32>} : memref<2x512xf32, #tpu.memory_space<vmem>>, vector<1x16xf32>,
    %swap3A_345 = vector.shape_cast %swap3A_344 : vector<1x16xf32> to vector<16xf32>
    %swap3A_346 = vector.shape_cast %broadcast_in_dim3A_35 : vector<16xf32> to vector<1x16xf32>
    tpu.vector_store %arg8[%swap3A_342, %swap3A_343], %swap3A_346 {strides = array<i32>} : memref<2x512xf32, #tpu.memory_space<vmem>>, vector<1x16xf32>,
    %swap3A_347 = arith.constant 1 : i32
    %swap3A_348 = arith.index_cast %swap3A_347 : i32 to index
    %swap3A_349 = arith.constant 320 : index
    %swap3A_350 = tpu.vector_load %arg8[%swap3A_348, %swap3A_349] {strides = array<i32>} : memref<2x512xf32, #tpu.memory_space<vmem>>, vector<1x16xf32>,
    %swap3A_351 = vector.shape_cast %swap3A_350 : vector<1x16xf32> to vector<16xf32>
    %swap3A_352 = vector.shape_cast %broadcast_in_dim3A_35 : vector<16xf32> to vector<1x16xf32>
    tpu.vector_store %arg8[%swap3A_348, %swap3A_349], %swap3A_352 {strides = array<i32>} : memref<2x512xf32, #tpu.memory_space<vmem>>, vector<1x16xf32>,
    %swap3A_353 = arith.constant 1 : i32
    %swap3A_354 = arith.index_cast %swap3A_353 : i32 to index
    %swap3A_355 = arith.constant 336 : index
    %swap3A_356 = tpu.vector_load %arg8[%swap3A_354, %swap3A_355] {strides = array<i32>} : memref<2x512xf32, #tpu.memory_space<vmem>>, vector<1x16xf32>,
    %swap3A_357 = vector.shape_cast %swap3A_356 : vector<1x16xf32> to vector<16xf32>
    %swap3A_358 = vector.shape_cast %broadcast_in_dim3A_35 : vector<16xf32> to vector<1x16xf32>
    tpu.vector_store %arg8[%swap3A_354, %swap3A_355], %swap3A_358 {strides = array<i32>} : memref<2x512xf32, #tpu.memory_space<vmem>>, vector<1x16xf32>,
    %swap3A_359 = arith.constant 1 : i32
    %swap3A_360 = arith.index_cast %swap3A_359 : i32 to index
    %swap3A_361 = arith.constant 352 : index
    %swap3A_362 = tpu.vector_load %arg8[%swap3A_360, %swap3A_361] {strides = array<i32>} : memref<2x512xf32, #tpu.memory_space<vmem>>, vector<1x16xf32>,
    %swap3A_363 = vector.shape_cast %swap3A_362 : vector<1x16xf32> to vector<16xf32>
    %swap3A_364 = vector.shape_cast %broadcast_in_dim3A_35 : vector<16xf32> to vector<1x16xf32>
    tpu.vector_store %arg8[%swap3A_360, %swap3A_361], %swap3A_364 {strides = array<i32>} : memref<2x512xf32, #tpu.memory_space<vmem>>, vector<1x16xf32>,
    %swap3A_365 = arith.constant 1 : i32
    %swap3A_366 = arith.index_cast %swap3A_365 : i32 to index
    %swap3A_367 = arith.constant 368 : index
    %swap3A_368 = tpu.vector_load %arg8[%swap3A_366, %swap3A_367] {strides = array<i32>} : memref<2x512xf32, #tpu.memory_space<vmem>>, vector<1x16xf32>,
    %swap3A_369 = vector.shape_cast %swap3A_368 : vector<1x16xf32> to vector<16xf32>
    %swap3A_370 = vector.shape_cast %broadcast_in_dim3A_35 : vector<16xf32> to vector<1x16xf32>
    tpu.vector_store %arg8[%swap3A_366, %swap3A_367], %swap3A_370 {strides = array<i32>} : memref<2x512xf32, #tpu.memory_space<vmem>>, vector<1x16xf32>,
    %swap3A_371 = arith.constant 1 : i32
    %swap3A_372 = arith.index_cast %swap3A_371 : i32 to index
    %swap3A_373 = arith.constant 384 : index
    %swap3A_374 = tpu.vector_load %arg8[%swap3A_372, %swap3A_373] {strides = array<i32>} : memref<2x512xf32, #tpu.memory_space<vmem>>, vector<1x16xf32>,
    %swap3A_375 = vector.shape_cast %swap3A_374 : vector<1x16xf32> to vector<16xf32>
    %swap3A_376 = vector.shape_cast %broadcast_in_dim3A_35 : vector<16xf32> to vector<1x16xf32>
    tpu.vector_store %arg8[%swap3A_372, %swap3A_373], %swap3A_376 {strides = array<i32>} : memref<2x512xf32, #tpu.memory_space<vmem>>, vector<1x16xf32>,
    %swap3A_377 = arith.constant 1 : i32
    %swap3A_378 = arith.index_cast %swap3A_377 : i32 to index
    %swap3A_379 = arith.constant 400 : index
    %swap3A_380 = tpu.vector_load %arg8[%swap3A_378, %swap3A_379] {strides = array<i32>} : memref<2x512xf32, #tpu.memory_space<vmem>>, vector<1x16xf32>,
    %swap3A_381 = vector.shape_cast %swap3A_380 : vector<1x16xf32> to vector<16xf32>
    %swap3A_382 = vector.shape_cast %broadcast_in_dim3A_35 : vector<16xf32> to vector<1x16xf32>
    tpu.vector_store %arg8[%swap3A_378, %swap3A_379], %swap3A_382 {strides = array<i32>} : memref<2x512xf32, #tpu.memory_space<vmem>>, vector<1x16xf32>,
    %swap3A_383 = arith.constant 1 : i32
    %swap3A_384 = arith.index_cast %swap3A_383 : i32 to index
    %swap3A_385 = arith.constant 416 : index
    %swap3A_386 = tpu.vector_load %arg8[%swap3A_384, %swap3A_385] {strides = array<i32>} : memref<2x512xf32, #tpu.memory_space<vmem>>, vector<1x16xf32>,
    %swap3A_387 = vector.shape_cast %swap3A_386 : vector<1x16xf32> to vector<16xf32>
    %swap3A_388 = vector.shape_cast %broadcast_in_dim3A_35 : vector<16xf32> to vector<1x16xf32>
    tpu.vector_store %arg8[%swap3A_384, %swap3A_385], %swap3A_388 {strides = array<i32>} : memref<2x512xf32, #tpu.memory_space<vmem>>, vector<1x16xf32>,
    %swap3A_389 = arith.constant 1 : i32
    %swap3A_390 = arith.index_cast %swap3A_389 : i32 to index
    %swap3A_391 = arith.constant 432 : index
    %swap3A_392 = tpu.vector_load %arg8[%swap3A_390, %swap3A_391] {strides = array<i32>} : memref<2x512xf32, #tpu.memory_space<vmem>>, vector<1x16xf32>,
    %swap3A_393 = vector.shape_cast %swap3A_392 : vector<1x16xf32> to vector<16xf32>
    %swap3A_394 = vector.shape_cast %broadcast_in_dim3A_35 : vector<16xf32> to vector<1x16xf32>
    tpu.vector_store %arg8[%swap3A_390, %swap3A_391], %swap3A_394 {strides = array<i32>} : memref<2x512xf32, #tpu.memory_space<vmem>>, vector<1x16xf32>,
    %swap3A_395 = arith.constant 1 : i32
    %swap3A_396 = arith.index_cast %swap3A_395 : i32 to index
    %swap3A_397 = arith.constant 448 : index
    %swap3A_398 = tpu.vector_load %arg8[%swap3A_396, %swap3A_397] {strides = array<i32>} : memref<2x512xf32, #tpu.memory_space<vmem>>, vector<1x16xf32>,
    %swap3A_399 = vector.shape_cast %swap3A_398 : vector<1x16xf32> to vector<16xf32>
    %swap3A_400 = vector.shape_cast %broadcast_in_dim3A_35 : vector<16xf32> to vector<1x16xf32>
    tpu.vector_store %arg8[%swap3A_396, %swap3A_397], %swap3A_400 {strides = array<i32>} : memref<2x512xf32, #tpu.memory_space<vmem>>, vector<1x16xf32>,
    %swap3A_401 = arith.constant 1 : i32
    %swap3A_402 = arith.index_cast %swap3A_401 : i32 to index
    %swap3A_403 = arith.constant 464 : index
    %swap3A_404 = tpu.vector_load %arg8[%swap3A_402, %swap3A_403] {strides = array<i32>} : memref<2x512xf32, #tpu.memory_space<vmem>>, vector<1x16xf32>,
    %swap3A_405 = vector.shape_cast %swap3A_404 : vector<1x16xf32> to vector<16xf32>
    %swap3A_406 = vector.shape_cast %broadcast_in_dim3A_35 : vector<16xf32> to vector<1x16xf32>
    tpu.vector_store %arg8[%swap3A_402, %swap3A_403], %swap3A_406 {strides = array<i32>} : memref<2x512xf32, #tpu.memory_space<vmem>>, vector<1x16xf32>,
    %swap3A_407 = arith.constant 1 : i32
    %swap3A_408 = arith.index_cast %swap3A_407 : i32 to index
    %swap3A_409 = arith.constant 480 : index
    %swap3A_410 = tpu.vector_load %arg8[%swap3A_408, %swap3A_409] {strides = array<i32>} : memref<2x512xf32, #tpu.memory_space<vmem>>, vector<1x16xf32>,
    %swap3A_411 = vector.shape_cast %swap3A_410 : vector<1x16xf32> to vector<16xf32>
    %swap3A_412 = vector.shape_cast %broadcast_in_dim3A_35 : vector<16xf32> to vector<1x16xf32>
    tpu.vector_store %arg8[%swap3A_408, %swap3A_409], %swap3A_412 {strides = array<i32>} : memref<2x512xf32, #tpu.memory_space<vmem>>, vector<1x16xf32>,
    %swap3A_413 = arith.constant 1 : i32
    %swap3A_414 = arith.index_cast %swap3A_413 : i32 to index
    %swap3A_415 = arith.constant 496 : index
    %swap3A_416 = tpu.vector_load %arg8[%swap3A_414, %swap3A_415] {strides = array<i32>} : memref<2x512xf32, #tpu.memory_space<vmem>>, vector<1x16xf32>,
    %swap3A_417 = vector.shape_cast %swap3A_416 : vector<1x16xf32> to vector<16xf32>
    %swap3A_418 = vector.shape_cast %broadcast_in_dim3A_35 : vector<16xf32> to vector<1x16xf32>
    tpu.vector_store %arg8[%swap3A_414, %swap3A_415], %swap3A_418 {strides = array<i32>} : memref<2x512xf32, #tpu.memory_space<vmem>>, vector<1x16xf32>,
    %add3A_419 = arith.constant 0 : i32
    %add3A_420 = arith.addi %add3A_34, %add3A_419 : i32
    %dma_start3A = arith.constant 0 : i32
    %dma_start3A_421 = tpu.memref_slice %arg2[%select_n3A, %add3A_420, %dma_start3A] : memref<16x2048x512xf32, #tpu.memory_space<hbm>> -> memref<1x64x512xf32, #tpu.memory_space<hbm>>
    %dma_start3A_422 = tpu.memref_squeeze %dma_start3A_421 : memref<1x64x512xf32, #tpu.memory_space<hbm>> -> memref<64x512xf32, #tpu.memory_space<hbm>>
    %dma_start3A_423 = arith.constant 0 : i32
    %dma_start3A_424 = tpu.memref_slice %arg2[%select_n3A, %add3A_420, %dma_start3A_423] : memref<16x2048x512xf32, #tpu.memory_space<hbm>> -> memref<1x64x512xf32, #tpu.memory_space<hbm>>
    %dma_start3A_425 = tpu.memref_squeeze %dma_start3A_424 : memref<1x64x512xf32, #tpu.memory_space<hbm>> -> memref<64x512xf32, #tpu.memory_space<hbm>>
    tpu.enqueue_dma source(%dma_start3A_425 : memref<64x512xf32, #tpu.memory_space<hbm>>) target(%arg5 : memref<64x512xf32, #tpu.memory_space<vmem>>) target_semaphore(%arg9 : memref<!tpu.dma_semaphore, #tpu.memory_space<semaphore_mem>>)
    %scan3A = arith.constant 0 : i32
    %scan3A_426 = arith.constant 0 : i32
    %mul3A_427 = arith.constant 2 : i32
    %mul3A_428 = arith.muli %mul3A_427, %scan3A_426 : i32
    %add3A_429 = arith.constant 1 : i32
    %add3A_430 = arith.addi %mul3A_428, %add3A_429 : i32
    %mul3A_431 = arith.constant 64 : i32
    %mul3A_432 = arith.muli %add3A_430, %mul3A_431 : i32
    %add3A_433 = arith.addi %add3A_34, %mul3A_432 : i32
    %dma_start3A_434 = arith.constant 0 : i32
    %dma_start3A_435 = tpu.memref_slice %arg2[%select_n3A, %add3A_433, %dma_start3A_434] : memref<16x2048x512xf32, #tpu.memory_space<hbm>> -> memref<1x64x512xf32, #tpu.memory_space<hbm>>
    %dma_start3A_436 = tpu.memref_squeeze %dma_start3A_435 : memref<1x64x512xf32, #tpu.memory_space<hbm>> -> memref<64x512xf32, #tpu.memory_space<hbm>>
    %dma_start3A_437 = arith.constant 0 : i32
    %dma_start3A_438 = tpu.memref_slice %arg2[%select_n3A, %add3A_433, %dma_start3A_437] : memref<16x2048x512xf32, #tpu.memory_space<hbm>> -> memref<1x64x512xf32, #tpu.memory_space<hbm>>
    %dma_start3A_439 = tpu.memref_squeeze %dma_start3A_438 : memref<1x64x512xf32, #tpu.memory_space<hbm>> -> memref<64x512xf32, #tpu.memory_space<hbm>>
    tpu.enqueue_dma source(%dma_start3A_439 : memref<64x512xf32, #tpu.memory_space<hbm>>) target(%arg6 : memref<64x512xf32, #tpu.memory_space<vmem>>) target_semaphore(%arg10 : memref<!tpu.dma_semaphore, #tpu.memory_space<semaphore_mem>>)
    %dma_wait3A = arith.constant 0 : i32
    %dma_wait3A_440 = tpu.memref_slice %arg2[%select_n3A, %add3A_34, %dma_wait3A] : memref<16x2048x512xf32, #tpu.memory_space<hbm>> -> memref<1x64x512xf32, #tpu.memory_space<hbm>>
    %dma_wait3A_441 = tpu.memref_squeeze %dma_wait3A_440 : memref<1x64x512xf32, #tpu.memory_space<hbm>> -> memref<64x512xf32, #tpu.memory_space<hbm>>
    %dma_wait3A_442 = arith.constant 0 : i32
    %dma_wait3A_443 = tpu.memref_slice %arg2[%select_n3A, %add3A_34, %dma_wait3A_442] : memref<16x2048x512xf32, #tpu.memory_space<hbm>> -> memref<1x64x512xf32, #tpu.memory_space<hbm>>
    %dma_wait3A_444 = tpu.memref_squeeze %dma_wait3A_443 : memref<1x64x512xf32, #tpu.memory_space<hbm>> -> memref<64x512xf32, #tpu.memory_space<hbm>>
    tpu.wait_dma2 semaphore(%arg9 : memref<!tpu.dma_semaphore, #tpu.memory_space<semaphore_mem>>) src(%dma_wait3A_444 : memref<64x512xf32, #tpu.memory_space<hbm>>) dst(%arg5 : memref<64x512xf32, #tpu.memory_space<vmem>>)
    %mul3A_445 = arith.constant 64 : i32
    %mul3A_446 = arith.muli %mul3A_428, %mul3A_445 : i32
    %scan3A_447 = arith.constant 0 : i32
    %scan3A_448 = arith.constant 0 : i32
    %scan3A_449 = arith.constant 4 : i32
    %scan3A_450 = arith.addi %scan3A_448, %scan3A_449 : i32
    %scan3A_451 = arith.constant 1 : i32
    %scan3A_452 = scf.for %scan3A_491 = %scan3A_448 to %scan3A_450 step %scan3A_451 iter_args(%scan3A_492 = %scan3A_447) -> (i32)  : i32 {
      %mul3A_493 = arith.constant 128 : i32
      %mul3A_494 = arith.muli %scan3A_491, %mul3A_493 : i32
      %scan3A_495 = arith.constant 0 : i32
      %scan3A_496 = arith.constant 4 : i32
      %scan3A_497 = arith.addi %scan3A_495, %scan3A_496 : i32
      %scan3A_498 = arith.constant 1 : i32
      %scan3A_499:16 = scf.for %scan3A_630 = %scan3A_495 to %scan3A_497 step %scan3A_498 iter_args(%scan3A_631 = %broadcast_in_dim3A_35, %scan3A_632 = %broadcast_in_dim3A_35, %scan3A_633 = %broadcast_in_dim3A_35, %scan3A_634 = %broadcast_in_dim3A_35, %scan3A_635 = %broadcast_in_dim3A_35, %scan3A_636 = %broadcast_in_dim3A_35, %scan3A_637 = %broadcast_in_dim3A_35, %scan3A_638 = %broadcast_in_dim3A_35, %scan3A_639 = %broadcast_in_dim3A_35, %scan3A_640 = %broadcast_in_dim3A_35, %scan3A_641 = %broadcast_in_dim3A_35, %scan3A_642 = %broadcast_in_dim3A_35, %scan3A_643 = %broadcast_in_dim3A_35, %scan3A_644 = %broadcast_in_dim3A_35, %scan3A_645 = %broadcast_in_dim3A_35, %scan3A_646 = %broadcast_in_dim3A_35) -> (vector<16xf32>, vector<16xf32>, vector<16xf32>, vector<16xf32>, vector<16xf32>, vector<16xf32>, vector<16xf32>, vector<16xf32>, vector<16xf32>, vector<16xf32>, vector<16xf32>, vector<16xf32>, vector<16xf32>, vector<16xf32>, vector<16xf32>, vector<16xf32>)  : i32 {
        %mul3A_647 = arith.constant 16 : i32
        %mul3A_648 = arith.muli %scan3A_630, %mul3A_647 : i32
        %add3A_649 = arith.addi %mul3A_446, %mul3A_648 : i32
        %get3A = arith.index_cast %add3A_649 : i32 to index
        %get3A_650 = tpu.vector_load %arg7[%get3A] {strides = array<i32>} : memref<128xf32, #tpu.memory_space<vmem>>, vector<16xf32>,
        %get3A_651 = vector.shape_cast %get3A_650 : vector<16xf32> to vector<16xf32>
        %slice3A = vector.extract_strided_slice %get3A_651 {offsets = [0], sizes = [1], strides = [1]} : vector<16xf32> to vector<1xf32>
        %squeeze3A = vector.extract %slice3A[0] : f32 from vector<1xf32>
        %mul3A_652 = arith.constant 16 : i32
        %mul3A_653 = arith.muli %scan3A_630, %mul3A_652 : i32
        %add3A_654 = arith.constant 0 : i32
        %add3A_655 = arith.addi %mul3A_653, %add3A_654 : i32
        %add3A_656 = arith.constant 0 : i32
        %add3A_657 = arith.addi %mul3A_494, %add3A_656 : i32
        %get3A_658 = arith.index_cast %add3A_655 : i32 to index
        %get3A_659 = arith.index_cast %add3A_657 : i32 to index
        %get3A_660 = tpu.vector_load %arg5[%get3A_658, %get3A_659] {strides = array<i32>} : memref<64x512xf32, #tpu.memory_space<vmem>>, vector<1x16xf32>,
        %get3A_661 = vector.shape_cast %get3A_660 : vector<1x16xf32> to vector<16xf32>
        %add3A_662 = arith.addf %scan3A_631, %get3A_661 : vector<16xf32>
        %mul3A_663 = vector.broadcast %squeeze3A : f32 to vector<16xf32>
        %mul3A_664 = arith.mulf %get3A_661, %mul3A_663 : vector<16xf32>
        %add3A_665 = arith.addf %scan3A_639, %mul3A_664 : vector<16xf32>
        %add3A_666 = arith.constant 16 : i32
        %add3A_667 = arith.addi %mul3A_494, %add3A_666 : i32
        %get3A_668 = arith.index_cast %add3A_655 : i32 to index
        %get3A_669 = arith.index_cast %add3A_667 : i32 to index
        %get3A_670 = tpu.vector_load %arg5[%get3A_668, %get3A_669] {strides = array<i32>} : memref<64x512xf32, #tpu.memory_space<vmem>>, vector<1x16xf32>,
        %get3A_671 = vector.shape_cast %get3A_670 : vector<1x16xf32> to vector<16xf32>
        %add3A_672 = arith.addf %scan3A_632, %get3A_671 : vector<16xf32>
        %mul3A_673 = vector.broadcast %squeeze3A : f32 to vector<16xf32>
        %mul3A_674 = arith.mulf %get3A_671, %mul3A_673 : vector<16xf32>
        %add3A_675 = arith.addf %scan3A_640, %mul3A_674 : vector<16xf32>
        %add3A_676 = arith.constant 32 : i32
        %add3A_677 = arith.addi %mul3A_494, %add3A_676 : i32
        %get3A_678 = arith.index_cast %add3A_655 : i32 to index
        %get3A_679 = arith.index_cast %add3A_677 : i32 to index
        %get3A_680 = tpu.vector_load %arg5[%get3A_678, %get3A_679] {strides = array<i32>} : memref<64x512xf32, #tpu.memory_space<vmem>>, vector<1x16xf32>,
        %get3A_681 = vector.shape_cast %get3A_680 : vector<1x16xf32> to vector<16xf32>
        %add3A_682 = arith.addf %scan3A_633, %get3A_681 : vector<16xf32>
        %mul3A_683 = vector.broadcast %squeeze3A : f32 to vector<16xf32>
        %mul3A_684 = arith.mulf %get3A_681, %mul3A_683 : vector<16xf32>
        %add3A_685 = arith.addf %scan3A_641, %mul3A_684 : vector<16xf32>
        %add3A_686 = arith.constant 48 : i32
        %add3A_687 = arith.addi %mul3A_494, %add3A_686 : i32
        %get3A_688 = arith.index_cast %add3A_655 : i32 to index
        %get3A_689 = arith.index_cast %add3A_687 : i32 to index
        %get3A_690 = tpu.vector_load %arg5[%get3A_688, %get3A_689] {strides = array<i32>} : memref<64x512xf32, #tpu.memory_space<vmem>>, vector<1x16xf32>,
        %get3A_691 = vector.shape_cast %get3A_690 : vector<1x16xf32> to vector<16xf32>
        %add3A_692 = arith.addf %scan3A_634, %get3A_691 : vector<16xf32>
        %mul3A_693 = vector.broadcast %squeeze3A : f32 to vector<16xf32>
        %mul3A_694 = arith.mulf %get3A_691, %mul3A_693 : vector<16xf32>
        %add3A_695 = arith.addf %scan3A_642, %mul3A_694 : vector<16xf32>
        %add3A_696 = arith.constant 64 : i32
        %add3A_697 = arith.addi %mul3A_494, %add3A_696 : i32
        %get3A_698 = arith.index_cast %add3A_655 : i32 to index
        %get3A_699 = arith.index_cast %add3A_697 : i32 to index
        %get3A_700 = tpu.vector_load %arg5[%get3A_698, %get3A_699] {strides = array<i32>} : memref<64x512xf32, #tpu.memory_space<vmem>>, vector<1x16xf32>,
        %get3A_701 = vector.shape_cast %get3A_700 : vector<1x16xf32> to vector<16xf32>
        %add3A_702 = arith.addf %scan3A_635, %get3A_701 : vector<16xf32>
        %mul3A_703 = vector.broadcast %squeeze3A : f32 to vector<16xf32>
        %mul3A_704 = arith.mulf %get3A_701, %mul3A_703 : vector<16xf32>
        %add3A_705 = arith.addf %scan3A_643, %mul3A_704 : vector<16xf32>
        %add3A_706 = arith.constant 80 : i32
        %add3A_707 = arith.addi %mul3A_494, %add3A_706 : i32
        %get3A_708 = arith.index_cast %add3A_655 : i32 to index
        %get3A_709 = arith.index_cast %add3A_707 : i32 to index
        %get3A_710 = tpu.vector_load %arg5[%get3A_708, %get3A_709] {strides = array<i32>} : memref<64x512xf32, #tpu.memory_space<vmem>>, vector<1x16xf32>,
        %get3A_711 = vector.shape_cast %get3A_710 : vector<1x16xf32> to vector<16xf32>
        %add3A_712 = arith.addf %scan3A_636, %get3A_711 : vector<16xf32>
        %mul3A_713 = vector.broadcast %squeeze3A : f32 to vector<16xf32>
        %mul3A_714 = arith.mulf %get3A_711, %mul3A_713 : vector<16xf32>
        %add3A_715 = arith.addf %scan3A_644, %mul3A_714 : vector<16xf32>
        %add3A_716 = arith.constant 96 : i32
        %add3A_717 = arith.addi %mul3A_494, %add3A_716 : i32
        %get3A_718 = arith.index_cast %add3A_655 : i32 to index
        %get3A_719 = arith.index_cast %add3A_717 : i32 to index
        %get3A_720 = tpu.vector_load %arg5[%get3A_718, %get3A_719] {strides = array<i32>} : memref<64x512xf32, #tpu.memory_space<vmem>>, vector<1x16xf32>,
        %get3A_721 = vector.shape_cast %get3A_720 : vector<1x16xf32> to vector<16xf32>
        %add3A_722 = arith.addf %scan3A_637, %get3A_721 : vector<16xf32>
        %mul3A_723 = vector.broadcast %squeeze3A : f32 to vector<16xf32>
        %mul3A_724 = arith.mulf %get3A_721, %mul3A_723 : vector<16xf32>
        %add3A_725 = arith.addf %scan3A_645, %mul3A_724 : vector<16xf32>
        %add3A_726 = arith.constant 112 : i32
        %add3A_727 = arith.addi %mul3A_494, %add3A_726 : i32
        %get3A_728 = arith.index_cast %add3A_655 : i32 to index
        %get3A_729 = arith.index_cast %add3A_727 : i32 to index
        %get3A_730 = tpu.vector_load %arg5[%get3A_728, %get3A_729] {strides = array<i32>} : memref<64x512xf32, #tpu.memory_space<vmem>>, vector<1x16xf32>,
        %get3A_731 = vector.shape_cast %get3A_730 : vector<1x16xf32> to vector<16xf32>
        %add3A_732 = arith.addf %scan3A_638, %get3A_731 : vector<16xf32>
        %mul3A_733 = vector.broadcast %squeeze3A : f32 to vector<16xf32>
        %mul3A_734 = arith.mulf %get3A_731, %mul3A_733 : vector<16xf32>
        %add3A_735 = arith.addf %scan3A_646, %mul3A_734 : vector<16xf32>
        %slice3A_736 = vector.extract_strided_slice %get3A_651 {offsets = [1], sizes = [1], strides = [1]} : vector<16xf32> to vector<1xf32>
        %squeeze3A_737 = vector.extract %slice3A_736[0] : f32 from vector<1xf32>
        %mul3A_738 = arith.constant 16 : i32
        %mul3A_739 = arith.muli %scan3A_630, %mul3A_738 : i32
        %add3A_740 = arith.constant 1 : i32
        %add3A_741 = arith.addi %mul3A_739, %add3A_740 : i32
        %add3A_742 = arith.constant 0 : i32
        %add3A_743 = arith.addi %mul3A_494, %add3A_742 : i32
        %get3A_744 = arith.index_cast %add3A_741 : i32 to index
        %get3A_745 = arith.index_cast %add3A_743 : i32 to index
        %get3A_746 = tpu.vector_load %arg5[%get3A_744, %get3A_745] {strides = array<i32>} : memref<64x512xf32, #tpu.memory_space<vmem>>, vector<1x16xf32>,
        %get3A_747 = vector.shape_cast %get3A_746 : vector<1x16xf32> to vector<16xf32>
        %add3A_748 = arith.addf %add3A_662, %get3A_747 : vector<16xf32>
        %mul3A_749 = vector.broadcast %squeeze3A_737 : f32 to vector<16xf32>
        %mul3A_750 = arith.mulf %get3A_747, %mul3A_749 : vector<16xf32>
        %add3A_751 = arith.addf %add3A_665, %mul3A_750 : vector<16xf32>
        %add3A_752 = arith.constant 16 : i32
        %add3A_753 = arith.addi %mul3A_494, %add3A_752 : i32
        %get3A_754 = arith.index_cast %add3A_741 : i32 to index
        %get3A_755 = arith.index_cast %add3A_753 : i32 to index
        %get3A_756 = tpu.vector_load %arg5[%get3A_754, %get3A_755] {strides = array<i32>} : memref<64x512xf32, #tpu.memory_space<vmem>>, vector<1x16xf32>,
        %get3A_757 = vector.shape_cast %get3A_756 : vector<1x16xf32> to vector<16xf32>
        %add3A_758 = arith.addf %add3A_672, %get3A_757 : vector<16xf32>
        %mul3A_759 = vector.broadcast %squeeze3A_737 : f32 to vector<16xf32>
        %mul3A_760 = arith.mulf %get3A_757, %mul3A_759 : vector<16xf32>
        %add3A_761 = arith.addf %add3A_675, %mul3A_760 : vector<16xf32>
        %add3A_762 = arith.constant 32 : i32
        %add3A_763 = arith.addi %mul3A_494, %add3A_762 : i32
        %get3A_764 = arith.index_cast %add3A_741 : i32 to index
        %get3A_765 = arith.index_cast %add3A_763 : i32 to index
        %get3A_766 = tpu.vector_load %arg5[%get3A_764, %get3A_765] {strides = array<i32>} : memref<64x512xf32, #tpu.memory_space<vmem>>, vector<1x16xf32>,
        %get3A_767 = vector.shape_cast %get3A_766 : vector<1x16xf32> to vector<16xf32>
        %add3A_768 = arith.addf %add3A_682, %get3A_767 : vector<16xf32>
        %mul3A_769 = vector.broadcast %squeeze3A_737 : f32 to vector<16xf32>
        %mul3A_770 = arith.mulf %get3A_767, %mul3A_769 : vector<16xf32>
        %add3A_771 = arith.addf %add3A_685, %mul3A_770 : vector<16xf32>
        %add3A_772 = arith.constant 48 : i32
        %add3A_773 = arith.addi %mul3A_494, %add3A_772 : i32
        %get3A_774 = arith.index_cast %add3A_741 : i32 to index
        %get3A_775 = arith.index_cast %add3A_773 : i32 to index
        %get3A_776 = tpu.vector_load %arg5[%get3A_774, %get3A_775] {strides = array<i32>} : memref<64x512xf32, #tpu.memory_space<vmem>>, vector<1x16xf32>,
        %get3A_777 = vector.shape_cast %get3A_776 : vector<1x16xf32> to vector<16xf32>
        %add3A_778 = arith.addf %add3A_692, %get3A_777 : vector<16xf32>
        %mul3A_779 = vector.broadcast %squeeze3A_737 : f32 to vector<16xf32>
        %mul3A_780 = arith.mulf %get3A_777, %mul3A_779 : vector<16xf32>
        %add3A_781 = arith.addf %add3A_695, %mul3A_780 : vector<16xf32>
        %add3A_782 = arith.constant 64 : i32
        %add3A_783 = arith.addi %mul3A_494, %add3A_782 : i32
        %get3A_784 = arith.index_cast %add3A_741 : i32 to index
        %get3A_785 = arith.index_cast %add3A_783 : i32 to index
        %get3A_786 = tpu.vector_load %arg5[%get3A_784, %get3A_785] {strides = array<i32>} : memref<64x512xf32, #tpu.memory_space<vmem>>, vector<1x16xf32>,
        %get3A_787 = vector.shape_cast %get3A_786 : vector<1x16xf32> to vector<16xf32>
        %add3A_788 = arith.addf %add3A_702, %get3A_787 : vector<16xf32>
        %mul3A_789 = vector.broadcast %squeeze3A_737 : f32 to vector<16xf32>
        %mul3A_790 = arith.mulf %get3A_787, %mul3A_789 : vector<16xf32>
        %add3A_791 = arith.addf %add3A_705, %mul3A_790 : vector<16xf32>
        %add3A_792 = arith.constant 80 : i32
        %add3A_793 = arith.addi %mul3A_494, %add3A_792 : i32
        %get3A_794 = arith.index_cast %add3A_741 : i32 to index
        %get3A_795 = arith.index_cast %add3A_793 : i32 to index
        %get3A_796 = tpu.vector_load %arg5[%get3A_794, %get3A_795] {strides = array<i32>} : memref<64x512xf32, #tpu.memory_space<vmem>>, vector<1x16xf32>,
        %get3A_797 = vector.shape_cast %get3A_796 : vector<1x16xf32> to vector<16xf32>
        %add3A_798 = arith.addf %add3A_712, %get3A_797 : vector<16xf32>
        %mul3A_799 = vector.broadcast %squeeze3A_737 : f32 to vector<16xf32>
        %mul3A_800 = arith.mulf %get3A_797, %mul3A_799 : vector<16xf32>
        %add3A_801 = arith.addf %add3A_715, %mul3A_800 : vector<16xf32>
        %add3A_802 = arith.constant 96 : i32
        %add3A_803 = arith.addi %mul3A_494, %add3A_802 : i32
        %get3A_804 = arith.index_cast %add3A_741 : i32 to index
        %get3A_805 = arith.index_cast %add3A_803 : i32 to index
        %get3A_806 = tpu.vector_load %arg5[%get3A_804, %get3A_805] {strides = array<i32>} : memref<64x512xf32, #tpu.memory_space<vmem>>, vector<1x16xf32>,
        %get3A_807 = vector.shape_cast %get3A_806 : vector<1x16xf32> to vector<16xf32>
        %add3A_808 = arith.addf %add3A_722, %get3A_807 : vector<16xf32>
        %mul3A_809 = vector.broadcast %squeeze3A_737 : f32 to vector<16xf32>
        %mul3A_810 = arith.mulf %get3A_807, %mul3A_809 : vector<16xf32>
        %add3A_811 = arith.addf %add3A_725, %mul3A_810 : vector<16xf32>
        %add3A_812 = arith.constant 112 : i32
        %add3A_813 = arith.addi %mul3A_494, %add3A_812 : i32
        %get3A_814 = arith.index_cast %add3A_741 : i32 to index
        %get3A_815 = arith.index_cast %add3A_813 : i32 to index
        %get3A_816 = tpu.vector_load %arg5[%get3A_814, %get3A_815] {strides = array<i32>} : memref<64x512xf32, #tpu.memory_space<vmem>>, vector<1x16xf32>,
        %get3A_817 = vector.shape_cast %get3A_816 : vector<1x16xf32> to vector<16xf32>
        %add3A_818 = arith.addf %add3A_732, %get3A_817 : vector<16xf32>
        %mul3A_819 = vector.broadcast %squeeze3A_737 : f32 to vector<16xf32>
        %mul3A_820 = arith.mulf %get3A_817, %mul3A_819 : vector<16xf32>
        %add3A_821 = arith.addf %add3A_735, %mul3A_820 : vector<16xf32>
        %slice3A_822 = vector.extract_strided_slice %get3A_651 {offsets = [2], sizes = [1], strides = [1]} : vector<16xf32> to vector<1xf32>
        %squeeze3A_823 = vector.extract %slice3A_822[0] : f32 from vector<1xf32>
        %mul3A_824 = arith.constant 16 : i32
        %mul3A_825 = arith.muli %scan3A_630, %mul3A_824 : i32
        %add3A_826 = arith.constant 2 : i32
        %add3A_827 = arith.addi %mul3A_825, %add3A_826 : i32
        %add3A_828 = arith.constant 0 : i32
        %add3A_829 = arith.addi %mul3A_494, %add3A_828 : i32
        %get3A_830 = arith.index_cast %add3A_827 : i32 to index
        %get3A_831 = arith.index_cast %add3A_829 : i32 to index
        %get3A_832 = tpu.vector_load %arg5[%get3A_830, %get3A_831] {strides = array<i32>} : memref<64x512xf32, #tpu.memory_space<vmem>>, vector<1x16xf32>,
        %get3A_833 = vector.shape_cast %get3A_832 : vector<1x16xf32> to vector<16xf32>
        %add3A_834 = arith.addf %add3A_748, %get3A_833 : vector<16xf32>
        %mul3A_835 = vector.broadcast %squeeze3A_823 : f32 to vector<16xf32>
        %mul3A_836 = arith.mulf %get3A_833, %mul3A_835 : vector<16xf32>
        %add3A_837 = arith.addf %add3A_751, %mul3A_836 : vector<16xf32>
        %add3A_838 = arith.constant 16 : i32
        %add3A_839 = arith.addi %mul3A_494, %add3A_838 : i32
        %get3A_840 = arith.index_cast %add3A_827 : i32 to index
        %get3A_841 = arith.index_cast %add3A_839 : i32 to index
        %get3A_842 = tpu.vector_load %arg5[%get3A_840, %get3A_841] {strides = array<i32>} : memref<64x512xf32, #tpu.memory_space<vmem>>, vector<1x16xf32>,
        %get3A_843 = vector.shape_cast %get3A_842 : vector<1x16xf32> to vector<16xf32>
        %add3A_844 = arith.addf %add3A_758, %get3A_843 : vector<16xf32>
        %mul3A_845 = vector.broadcast %squeeze3A_823 : f32 to vector<16xf32>
        %mul3A_846 = arith.mulf %get3A_843, %mul3A_845 : vector<16xf32>
        %add3A_847 = arith.addf %add3A_761, %mul3A_846 : vector<16xf32>
        %add3A_848 = arith.constant 32 : i32
        %add3A_849 = arith.addi %mul3A_494, %add3A_848 : i32
        %get3A_850 = arith.index_cast %add3A_827 : i32 to index
        %get3A_851 = arith.index_cast %add3A_849 : i32 to index
        %get3A_852 = tpu.vector_load %arg5[%get3A_850, %get3A_851] {strides = array<i32>} : memref<64x512xf32, #tpu.memory_space<vmem>>, vector<1x16xf32>,
        %get3A_853 = vector.shape_cast %get3A_852 : vector<1x16xf32> to vector<16xf32>
        %add3A_854 = arith.addf %add3A_768, %get3A_853 : vector<16xf32>
        %mul3A_855 = vector.broadcast %squeeze3A_823 : f32 to vector<16xf32>
        %mul3A_856 = arith.mulf %get3A_853, %mul3A_855 : vector<16xf32>
        %add3A_857 = arith.addf %add3A_771, %mul3A_856 : vector<16xf32>
        %add3A_858 = arith.constant 48 : i32
        %add3A_859 = arith.addi %mul3A_494, %add3A_858 : i32
        %get3A_860 = arith.index_cast %add3A_827 : i32 to index
        %get3A_861 = arith.index_cast %add3A_859 : i32 to index
        %get3A_862 = tpu.vector_load %arg5[%get3A_860, %get3A_861] {strides = array<i32>} : memref<64x512xf32, #tpu.memory_space<vmem>>, vector<1x16xf32>,
        %get3A_863 = vector.shape_cast %get3A_862 : vector<1x16xf32> to vector<16xf32>
        %add3A_864 = arith.addf %add3A_778, %get3A_863 : vector<16xf32>
        %mul3A_865 = vector.broadcast %squeeze3A_823 : f32 to vector<16xf32>
        %mul3A_866 = arith.mulf %get3A_863, %mul3A_865 : vector<16xf32>
        %add3A_867 = arith.addf %add3A_781, %mul3A_866 : vector<16xf32>
        %add3A_868 = arith.constant 64 : i32
        %add3A_869 = arith.addi %mul3A_494, %add3A_868 : i32
        %get3A_870 = arith.index_cast %add3A_827 : i32 to index
        %get3A_871 = arith.index_cast %add3A_869 : i32 to index
        %get3A_872 = tpu.vector_load %arg5[%get3A_870, %get3A_871] {strides = array<i32>} : memref<64x512xf32, #tpu.memory_space<vmem>>, vector<1x16xf32>,
        %get3A_873 = vector.shape_cast %get3A_872 : vector<1x16xf32> to vector<16xf32>
        %add3A_874 = arith.addf %add3A_788, %get3A_873 : vector<16xf32>
        %mul3A_875 = vector.broadcast %squeeze3A_823 : f32 to vector<16xf32>
        %mul3A_876 = arith.mulf %get3A_873, %mul3A_875 : vector<16xf32>
        %add3A_877 = arith.addf %add3A_791, %mul3A_876 : vector<16xf32>
        %add3A_878 = arith.constant 80 : i32
        %add3A_879 = arith.addi %mul3A_494, %add3A_878 : i32
        %get3A_880 = arith.index_cast %add3A_827 : i32 to index
        %get3A_881 = arith.index_cast %add3A_879 : i32 to index
        %get3A_882 = tpu.vector_load %arg5[%get3A_880, %get3A_881] {strides = array<i32>} : memref<64x512xf32, #tpu.memory_space<vmem>>, vector<1x16xf32>,
        %get3A_883 = vector.shape_cast %get3A_882 : vector<1x16xf32> to vector<16xf32>
        %add3A_884 = arith.addf %add3A_798, %get3A_883 : vector<16xf32>
        %mul3A_885 = vector.broadcast %squeeze3A_823 : f32 to vector<16xf32>
        %mul3A_886 = arith.mulf %get3A_883, %mul3A_885 : vector<16xf32>
        %add3A_887 = arith.addf %add3A_801, %mul3A_886 : vector<16xf32>
        %add3A_888 = arith.constant 96 : i32
        %add3A_889 = arith.addi %mul3A_494, %add3A_888 : i32
        %get3A_890 = arith.index_cast %add3A_827 : i32 to index
        %get3A_891 = arith.index_cast %add3A_889 : i32 to index
        %get3A_892 = tpu.vector_load %arg5[%get3A_890, %get3A_891] {strides = array<i32>} : memref<64x512xf32, #tpu.memory_space<vmem>>, vector<1x16xf32>,
        %get3A_893 = vector.shape_cast %get3A_892 : vector<1x16xf32> to vector<16xf32>
        %add3A_894 = arith.addf %add3A_808, %get3A_893 : vector<16xf32>
        %mul3A_895 = vector.broadcast %squeeze3A_823 : f32 to vector<16xf32>
        %mul3A_896 = arith.mulf %get3A_893, %mul3A_895 : vector<16xf32>
        %add3A_897 = arith.addf %add3A_811, %mul3A_896 : vector<16xf32>
        %add3A_898 = arith.constant 112 : i32
        %add3A_899 = arith.addi %mul3A_494, %add3A_898 : i32
        %get3A_900 = arith.index_cast %add3A_827 : i32 to index
        %get3A_901 = arith.index_cast %add3A_899 : i32 to index
        %get3A_902 = tpu.vector_load %arg5[%get3A_900, %get3A_901] {strides = array<i32>} : memref<64x512xf32, #tpu.memory_space<vmem>>, vector<1x16xf32>,
        %get3A_903 = vector.shape_cast %get3A_902 : vector<1x16xf32> to vector<16xf32>
        %add3A_904 = arith.addf %add3A_818, %get3A_903 : vector<16xf32>
        %mul3A_905 = vector.broadcast %squeeze3A_823 : f32 to vector<16xf32>
        %mul3A_906 = arith.mulf %get3A_903, %mul3A_905 : vector<16xf32>
        %add3A_907 = arith.addf %add3A_821, %mul3A_906 : vector<16xf32>
        %slice3A_908 = vector.extract_strided_slice %get3A_651 {offsets = [3], sizes = [1], strides = [1]} : vector<16xf32> to vector<1xf32>
        %squeeze3A_909 = vector.extract %slice3A_908[0] : f32 from vector<1xf32>
        %mul3A_910 = arith.constant 16 : i32
        %mul3A_911 = arith.muli %scan3A_630, %mul3A_910 : i32
        %add3A_912 = arith.constant 3 : i32
        %add3A_913 = arith.addi %mul3A_911, %add3A_912 : i32
        %add3A_914 = arith.constant 0 : i32
        %add3A_915 = arith.addi %mul3A_494, %add3A_914 : i32
        %get3A_916 = arith.index_cast %add3A_913 : i32 to index
        %get3A_917 = arith.index_cast %add3A_915 : i32 to index
        %get3A_918 = tpu.vector_load %arg5[%get3A_916, %get3A_917] {strides = array<i32>} : memref<64x512xf32, #tpu.memory_space<vmem>>, vector<1x16xf32>,
        %get3A_919 = vector.shape_cast %get3A_918 : vector<1x16xf32> to vector<16xf32>
        %add3A_920 = arith.addf %add3A_834, %get3A_919 : vector<16xf32>
        %mul3A_921 = vector.broadcast %squeeze3A_909 : f32 to vector<16xf32>
        %mul3A_922 = arith.mulf %get3A_919, %mul3A_921 : vector<16xf32>
        %add3A_923 = arith.addf %add3A_837, %mul3A_922 : vector<16xf32>
        %add3A_924 = arith.constant 16 : i32
        %add3A_925 = arith.addi %mul3A_494, %add3A_924 : i32
        %get3A_926 = arith.index_cast %add3A_913 : i32 to index
        %get3A_927 = arith.index_cast %add3A_925 : i32 to index
        %get3A_928 = tpu.vector_load %arg5[%get3A_926, %get3A_927] {strides = array<i32>} : memref<64x512xf32, #tpu.memory_space<vmem>>, vector<1x16xf32>,
        %get3A_929 = vector.shape_cast %get3A_928 : vector<1x16xf32> to vector<16xf32>
        %add3A_930 = arith.addf %add3A_844, %get3A_929 : vector<16xf32>
        %mul3A_931 = vector.broadcast %squeeze3A_909 : f32 to vector<16xf32>
        %mul3A_932 = arith.mulf %get3A_929, %mul3A_931 : vector<16xf32>
        %add3A_933 = arith.addf %add3A_847, %mul3A_932 : vector<16xf32>
        %add3A_934 = arith.constant 32 : i32
        %add3A_935 = arith.addi %mul3A_494, %add3A_934 : i32
        %get3A_936 = arith.index_cast %add3A_913 : i32 to index
        %get3A_937 = arith.index_cast %add3A_935 : i32 to index
        %get3A_938 = tpu.vector_load %arg5[%get3A_936, %get3A_937] {strides = array<i32>} : memref<64x512xf32, #tpu.memory_space<vmem>>, vector<1x16xf32>,
        %get3A_939 = vector.shape_cast %get3A_938 : vector<1x16xf32> to vector<16xf32>
        %add3A_940 = arith.addf %add3A_854, %get3A_939 : vector<16xf32>
        %mul3A_941 = vector.broadcast %squeeze3A_909 : f32 to vector<16xf32>
        %mul3A_942 = arith.mulf %get3A_939, %mul3A_941 : vector<16xf32>
        %add3A_943 = arith.addf %add3A_857, %mul3A_942 : vector<16xf32>
        %add3A_944 = arith.constant 48 : i32
        %add3A_945 = arith.addi %mul3A_494, %add3A_944 : i32
        %get3A_946 = arith.index_cast %add3A_913 : i32 to index
        %get3A_947 = arith.index_cast %add3A_945 : i32 to index
        %get3A_948 = tpu.vector_load %arg5[%get3A_946, %get3A_947] {strides = array<i32>} : memref<64x512xf32, #tpu.memory_space<vmem>>, vector<1x16xf32>,
        %get3A_949 = vector.shape_cast %get3A_948 : vector<1x16xf32> to vector<16xf32>
        %add3A_950 = arith.addf %add3A_864, %get3A_949 : vector<16xf32>
        %mul3A_951 = vector.broadcast %squeeze3A_909 : f32 to vector<16xf32>
        %mul3A_952 = arith.mulf %get3A_949, %mul3A_951 : vector<16xf32>
        %add3A_953 = arith.addf %add3A_867, %mul3A_952 : vector<16xf32>
        %add3A_954 = arith.constant 64 : i32
        %add3A_955 = arith.addi %mul3A_494, %add3A_954 : i32
        %get3A_956 = arith.index_cast %add3A_913 : i32 to index
        %get3A_957 = arith.index_cast %add3A_955 : i32 to index
        %get3A_958 = tpu.vector_load %arg5[%get3A_956, %get3A_957] {strides = array<i32>} : memref<64x512xf32, #tpu.memory_space<vmem>>, vector<1x16xf32>,
        %get3A_959 = vector.shape_cast %get3A_958 : vector<1x16xf32> to vector<16xf32>
        %add3A_960 = arith.addf %add3A_874, %get3A_959 : vector<16xf32>
        %mul3A_961 = vector.broadcast %squeeze3A_909 : f32 to vector<16xf32>
        %mul3A_962 = arith.mulf %get3A_959, %mul3A_961 : vector<16xf32>
        %add3A_963 = arith.addf %add3A_877, %mul3A_962 : vector<16xf32>
        %add3A_964 = arith.constant 80 : i32
        %add3A_965 = arith.addi %mul3A_494, %add3A_964 : i32
        %get3A_966 = arith.index_cast %add3A_913 : i32 to index
        %get3A_967 = arith.index_cast %add3A_965 : i32 to index
        %get3A_968 = tpu.vector_load %arg5[%get3A_966, %get3A_967] {strides = array<i32>} : memref<64x512xf32, #tpu.memory_space<vmem>>, vector<1x16xf32>,
        %get3A_969 = vector.shape_cast %get3A_968 : vector<1x16xf32> to vector<16xf32>
        %add3A_970 = arith.addf %add3A_884, %get3A_969 : vector<16xf32>
        %mul3A_971 = vector.broadcast %squeeze3A_909 : f32 to vector<16xf32>
        %mul3A_972 = arith.mulf %get3A_969, %mul3A_971 : vector<16xf32>
        %add3A_973 = arith.addf %add3A_887, %mul3A_972 : vector<16xf32>
        %add3A_974 = arith.constant 96 : i32
        %add3A_975 = arith.addi %mul3A_494, %add3A_974 : i32
        %get3A_976 = arith.index_cast %add3A_913 : i32 to index
        %get3A_977 = arith.index_cast %add3A_975 : i32 to index
        %get3A_978 = tpu.vector_load %arg5[%get3A_976, %get3A_977] {strides = array<i32>} : memref<64x512xf32, #tpu.memory_space<vmem>>, vector<1x16xf32>,
        %get3A_979 = vector.shape_cast %get3A_978 : vector<1x16xf32> to vector<16xf32>
        %add3A_980 = arith.addf %add3A_894, %get3A_979 : vector<16xf32>
        %mul3A_981 = vector.broadcast %squeeze3A_909 : f32 to vector<16xf32>
        %mul3A_982 = arith.mulf %get3A_979, %mul3A_981 : vector<16xf32>
        %add3A_983 = arith.addf %add3A_897, %mul3A_982 : vector<16xf32>
        %add3A_984 = arith.constant 112 : i32
        %add3A_985 = arith.addi %mul3A_494, %add3A_984 : i32
        %get3A_986 = arith.index_cast %add3A_913 : i32 to index
        %get3A_987 = arith.index_cast %add3A_985 : i32 to index
        %get3A_988 = tpu.vector_load %arg5[%get3A_986, %get3A_987] {strides = array<i32>} : memref<64x512xf32, #tpu.memory_space<vmem>>, vector<1x16xf32>,
        %get3A_989 = vector.shape_cast %get3A_988 : vector<1x16xf32> to vector<16xf32>
        %add3A_990 = arith.addf %add3A_904, %get3A_989 : vector<16xf32>
        %mul3A_991 = vector.broadcast %squeeze3A_909 : f32 to vector<16xf32>
        %mul3A_992 = arith.mulf %get3A_989, %mul3A_991 : vector<16xf32>
        %add3A_993 = arith.addf %add3A_907, %mul3A_992 : vector<16xf32>
        %slice3A_994 = vector.extract_strided_slice %get3A_651 {offsets = [4], sizes = [1], strides = [1]} : vector<16xf32> to vector<1xf32>
        %squeeze3A_995 = vector.extract %slice3A_994[0] : f32 from vector<1xf32>
        %mul3A_996 = arith.constant 16 : i32
        %mul3A_997 = arith.muli %scan3A_630, %mul3A_996 : i32
        %add3A_998 = arith.constant 4 : i32
        %add3A_999 = arith.addi %mul3A_997, %add3A_998 : i32
        %add3A_1000 = arith.constant 0 : i32
        %add3A_1001 = arith.addi %mul3A_494, %add3A_1000 : i32
        %get3A_1002 = arith.index_cast %add3A_999 : i32 to index
        %get3A_1003 = arith.index_cast %add3A_1001 : i32 to index
        %get3A_1004 = tpu.vector_load %arg5[%get3A_1002, %get3A_1003] {strides = array<i32>} : memref<64x512xf32, #tpu.memory_space<vmem>>, vector<1x16xf32>,
        %get3A_1005 = vector.shape_cast %get3A_1004 : vector<1x16xf32> to vector<16xf32>
        %add3A_1006 = arith.addf %add3A_920, %get3A_1005 : vector<16xf32>
        %mul3A_1007 = vector.broadcast %squeeze3A_995 : f32 to vector<16xf32>
        %mul3A_1008 = arith.mulf %get3A_1005, %mul3A_1007 : vector<16xf32>
        %add3A_1009 = arith.addf %add3A_923, %mul3A_1008 : vector<16xf32>
        %add3A_1010 = arith.constant 16 : i32
        %add3A_1011 = arith.addi %mul3A_494, %add3A_1010 : i32
        %get3A_1012 = arith.index_cast %add3A_999 : i32 to index
        %get3A_1013 = arith.index_cast %add3A_1011 : i32 to index
        %get3A_1014 = tpu.vector_load %arg5[%get3A_1012, %get3A_1013] {strides = array<i32>} : memref<64x512xf32, #tpu.memory_space<vmem>>, vector<1x16xf32>,
        %get3A_1015 = vector.shape_cast %get3A_1014 : vector<1x16xf32> to vector<16xf32>
        %add3A_1016 = arith.addf %add3A_930, %get3A_1015 : vector<16xf32>
        %mul3A_1017 = vector.broadcast %squeeze3A_995 : f32 to vector<16xf32>
        %mul3A_1018 = arith.mulf %get3A_1015, %mul3A_1017 : vector<16xf32>
        %add3A_1019 = arith.addf %add3A_933, %mul3A_1018 : vector<16xf32>
        %add3A_1020 = arith.constant 32 : i32
        %add3A_1021 = arith.addi %mul3A_494, %add3A_1020 : i32
        %get3A_1022 = arith.index_cast %add3A_999 : i32 to index
        %get3A_1023 = arith.index_cast %add3A_1021 : i32 to index
        %get3A_1024 = tpu.vector_load %arg5[%get3A_1022, %get3A_1023] {strides = array<i32>} : memref<64x512xf32, #tpu.memory_space<vmem>>, vector<1x16xf32>,
        %get3A_1025 = vector.shape_cast %get3A_1024 : vector<1x16xf32> to vector<16xf32>
        %add3A_1026 = arith.addf %add3A_940, %get3A_1025 : vector<16xf32>
        %mul3A_1027 = vector.broadcast %squeeze3A_995 : f32 to vector<16xf32>
        %mul3A_1028 = arith.mulf %get3A_1025, %mul3A_1027 : vector<16xf32>
        %add3A_1029 = arith.addf %add3A_943, %mul3A_1028 : vector<16xf32>
        %add3A_1030 = arith.constant 48 : i32
        %add3A_1031 = arith.addi %mul3A_494, %add3A_1030 : i32
        %get3A_1032 = arith.index_cast %add3A_999 : i32 to index
        %get3A_1033 = arith.index_cast %add3A_1031 : i32 to index
        %get3A_1034 = tpu.vector_load %arg5[%get3A_1032, %get3A_1033] {strides = array<i32>} : memref<64x512xf32, #tpu.memory_space<vmem>>, vector<1x16xf32>,
        %get3A_1035 = vector.shape_cast %get3A_1034 : vector<1x16xf32> to vector<16xf32>
        %add3A_1036 = arith.addf %add3A_950, %get3A_1035 : vector<16xf32>
        %mul3A_1037 = vector.broadcast %squeeze3A_995 : f32 to vector<16xf32>
        %mul3A_1038 = arith.mulf %get3A_1035, %mul3A_1037 : vector<16xf32>
        %add3A_1039 = arith.addf %add3A_953, %mul3A_1038 : vector<16xf32>
        %add3A_1040 = arith.constant 64 : i32
        %add3A_1041 = arith.addi %mul3A_494, %add3A_1040 : i32
        %get3A_1042 = arith.index_cast %add3A_999 : i32 to index
        %get3A_1043 = arith.index_cast %add3A_1041 : i32 to index
        %get3A_1044 = tpu.vector_load %arg5[%get3A_1042, %get3A_1043] {strides = array<i32>} : memref<64x512xf32, #tpu.memory_space<vmem>>, vector<1x16xf32>,
        %get3A_1045 = vector.shape_cast %get3A_1044 : vector<1x16xf32> to vector<16xf32>
        %add3A_1046 = arith.addf %add3A_960, %get3A_1045 : vector<16xf32>
        %mul3A_1047 = vector.broadcast %squeeze3A_995 : f32 to vector<16xf32>
        %mul3A_1048 = arith.mulf %get3A_1045, %mul3A_1047 : vector<16xf32>
        %add3A_1049 = arith.addf %add3A_963, %mul3A_1048 : vector<16xf32>
        %add3A_1050 = arith.constant 80 : i32
        %add3A_1051 = arith.addi %mul3A_494, %add3A_1050 : i32
        %get3A_1052 = arith.index_cast %add3A_999 : i32 to index
        %get3A_1053 = arith.index_cast %add3A_1051 : i32 to index
        %get3A_1054 = tpu.vector_load %arg5[%get3A_1052, %get3A_1053] {strides = array<i32>} : memref<64x512xf32, #tpu.memory_space<vmem>>, vector<1x16xf32>,
        %get3A_1055 = vector.shape_cast %get3A_1054 : vector<1x16xf32> to vector<16xf32>
        %add3A_1056 = arith.addf %add3A_970, %get3A_1055 : vector<16xf32>
        %mul3A_1057 = vector.broadcast %squeeze3A_995 : f32 to vector<16xf32>
        %mul3A_1058 = arith.mulf %get3A_1055, %mul3A_1057 : vector<16xf32>
        %add3A_1059 = arith.addf %add3A_973, %mul3A_1058 : vector<16xf32>
        %add3A_1060 = arith.constant 96 : i32
        %add3A_1061 = arith.addi %mul3A_494, %add3A_1060 : i32
        %get3A_1062 = arith.index_cast %add3A_999 : i32 to index
        %get3A_1063 = arith.index_cast %add3A_1061 : i32 to index
        %get3A_1064 = tpu.vector_load %arg5[%get3A_1062, %get3A_1063] {strides = array<i32>} : memref<64x512xf32, #tpu.memory_space<vmem>>, vector<1x16xf32>,
        %get3A_1065 = vector.shape_cast %get3A_1064 : vector<1x16xf32> to vector<16xf32>
        %add3A_1066 = arith.addf %add3A_980, %get3A_1065 : vector<16xf32>
        %mul3A_1067 = vector.broadcast %squeeze3A_995 : f32 to vector<16xf32>
        %mul3A_1068 = arith.mulf %get3A_1065, %mul3A_1067 : vector<16xf32>
        %add3A_1069 = arith.addf %add3A_983, %mul3A_1068 : vector<16xf32>
        %add3A_1070 = arith.constant 112 : i32
        %add3A_1071 = arith.addi %mul3A_494, %add3A_1070 : i32
        %get3A_1072 = arith.index_cast %add3A_999 : i32 to index
        %get3A_1073 = arith.index_cast %add3A_1071 : i32 to index
        %get3A_1074 = tpu.vector_load %arg5[%get3A_1072, %get3A_1073] {strides = array<i32>} : memref<64x512xf32, #tpu.memory_space<vmem>>, vector<1x16xf32>,
        %get3A_1075 = vector.shape_cast %get3A_1074 : vector<1x16xf32> to vector<16xf32>
        %add3A_1076 = arith.addf %add3A_990, %get3A_1075 : vector<16xf32>
        %mul3A_1077 = vector.broadcast %squeeze3A_995 : f32 to vector<16xf32>
        %mul3A_1078 = arith.mulf %get3A_1075, %mul3A_1077 : vector<16xf32>
        %add3A_1079 = arith.addf %add3A_993, %mul3A_1078 : vector<16xf32>
        %slice3A_1080 = vector.extract_strided_slice %get3A_651 {offsets = [5], sizes = [1], strides = [1]} : vector<16xf32> to vector<1xf32>
        %squeeze3A_1081 = vector.extract %slice3A_1080[0] : f32 from vector<1xf32>
        %mul3A_1082 = arith.constant 16 : i32
        %mul3A_1083 = arith.muli %scan3A_630, %mul3A_1082 : i32
        %add3A_1084 = arith.constant 5 : i32
        %add3A_1085 = arith.addi %mul3A_1083, %add3A_1084 : i32
        %add3A_1086 = arith.constant 0 : i32
        %add3A_1087 = arith.addi %mul3A_494, %add3A_1086 : i32
        %get3A_1088 = arith.index_cast %add3A_1085 : i32 to index
        %get3A_1089 = arith.index_cast %add3A_1087 : i32 to index
        %get3A_1090 = tpu.vector_load %arg5[%get3A_1088, %get3A_1089] {strides = array<i32>} : memref<64x512xf32, #tpu.memory_space<vmem>>, vector<1x16xf32>,
        %get3A_1091 = vector.shape_cast %get3A_1090 : vector<1x16xf32> to vector<16xf32>
        %add3A_1092 = arith.addf %add3A_1006, %get3A_1091 : vector<16xf32>
        %mul3A_1093 = vector.broadcast %squeeze3A_1081 : f32 to vector<16xf32>
        %mul3A_1094 = arith.mulf %get3A_1091, %mul3A_1093 : vector<16xf32>
        %add3A_1095 = arith.addf %add3A_1009, %mul3A_1094 : vector<16xf32>
        %add3A_1096 = arith.constant 16 : i32
        %add3A_1097 = arith.addi %mul3A_494, %add3A_1096 : i32
        %get3A_1098 = arith.index_cast %add3A_1085 : i32 to index
        %get3A_1099 = arith.index_cast %add3A_1097 : i32 to index
        %get3A_1100 = tpu.vector_load %arg5[%get3A_1098, %get3A_1099] {strides = array<i32>} : memref<64x512xf32, #tpu.memory_space<vmem>>, vector<1x16xf32>,
        %get3A_1101 = vector.shape_cast %get3A_1100 : vector<1x16xf32> to vector<16xf32>
        %add3A_1102 = arith.addf %add3A_1016, %get3A_1101 : vector<16xf32>
        %mul3A_1103 = vector.broadcast %squeeze3A_1081 : f32 to vector<16xf32>
        %mul3A_1104 = arith.mulf %get3A_1101, %mul3A_1103 : vector<16xf32>
        %add3A_1105 = arith.addf %add3A_1019, %mul3A_1104 : vector<16xf32>
        %add3A_1106 = arith.constant 32 : i32
        %add3A_1107 = arith.addi %mul3A_494, %add3A_1106 : i32
        %get3A_1108 = arith.index_cast %add3A_1085 : i32 to index
        %get3A_1109 = arith.index_cast %add3A_1107 : i32 to index
        %get3A_1110 = tpu.vector_load %arg5[%get3A_1108, %get3A_1109] {strides = array<i32>} : memref<64x512xf32, #tpu.memory_space<vmem>>, vector<1x16xf32>,
        %get3A_1111 = vector.shape_cast %get3A_1110 : vector<1x16xf32> to vector<16xf32>
        %add3A_1112 = arith.addf %add3A_1026, %get3A_1111 : vector<16xf32>
        %mul3A_1113 = vector.broadcast %squeeze3A_1081 : f32 to vector<16xf32>
        %mul3A_1114 = arith.mulf %get3A_1111, %mul3A_1113 : vector<16xf32>
        %add3A_1115 = arith.addf %add3A_1029, %mul3A_1114 : vector<16xf32>
        %add3A_1116 = arith.constant 48 : i32
        %add3A_1117 = arith.addi %mul3A_494, %add3A_1116 : i32
        %get3A_1118 = arith.index_cast %add3A_1085 : i32 to index
        %get3A_1119 = arith.index_cast %add3A_1117 : i32 to index
        %get3A_1120 = tpu.vector_load %arg5[%get3A_1118, %get3A_1119] {strides = array<i32>} : memref<64x512xf32, #tpu.memory_space<vmem>>, vector<1x16xf32>,
        %get3A_1121 = vector.shape_cast %get3A_1120 : vector<1x16xf32> to vector<16xf32>
        %add3A_1122 = arith.addf %add3A_1036, %get3A_1121 : vector<16xf32>
        %mul3A_1123 = vector.broadcast %squeeze3A_1081 : f32 to vector<16xf32>
        %mul3A_1124 = arith.mulf %get3A_1121, %mul3A_1123 : vector<16xf32>
        %add3A_1125 = arith.addf %add3A_1039, %mul3A_1124 : vector<16xf32>
        %add3A_1126 = arith.constant 64 : i32
        %add3A_1127 = arith.addi %mul3A_494, %add3A_1126 : i32
        %get3A_1128 = arith.index_cast %add3A_1085 : i32 to index
        %get3A_1129 = arith.index_cast %add3A_1127 : i32 to index
        %get3A_1130 = tpu.vector_load %arg5[%get3A_1128, %get3A_1129] {strides = array<i32>} : memref<64x512xf32, #tpu.memory_space<vmem>>, vector<1x16xf32>,
        %get3A_1131 = vector.shape_cast %get3A_1130 : vector<1x16xf32> to vector<16xf32>
        %add3A_1132 = arith.addf %add3A_1046, %get3A_1131 : vector<16xf32>
        %mul3A_1133 = vector.broadcast %squeeze3A_1081 : f32 to vector<16xf32>
        %mul3A_1134 = arith.mulf %get3A_1131, %mul3A_1133 : vector<16xf32>
        %add3A_1135 = arith.addf %add3A_1049, %mul3A_1134 : vector<16xf32>
        %add3A_1136 = arith.constant 80 : i32
        %add3A_1137 = arith.addi %mul3A_494, %add3A_1136 : i32
        %get3A_1138 = arith.index_cast %add3A_1085 : i32 to index
        %get3A_1139 = arith.index_cast %add3A_1137 : i32 to index
        %get3A_1140 = tpu.vector_load %arg5[%get3A_1138, %get3A_1139] {strides = array<i32>} : memref<64x512xf32, #tpu.memory_space<vmem>>, vector<1x16xf32>,
        %get3A_1141 = vector.shape_cast %get3A_1140 : vector<1x16xf32> to vector<16xf32>
        %add3A_1142 = arith.addf %add3A_1056, %get3A_1141 : vector<16xf32>
        %mul3A_1143 = vector.broadcast %squeeze3A_1081 : f32 to vector<16xf32>
        %mul3A_1144 = arith.mulf %get3A_1141, %mul3A_1143 : vector<16xf32>
        %add3A_1145 = arith.addf %add3A_1059, %mul3A_1144 : vector<16xf32>
        %add3A_1146 = arith.constant 96 : i32
        %add3A_1147 = arith.addi %mul3A_494, %add3A_1146 : i32
        %get3A_1148 = arith.index_cast %add3A_1085 : i32 to index
        %get3A_1149 = arith.index_cast %add3A_1147 : i32 to index
        %get3A_1150 = tpu.vector_load %arg5[%get3A_1148, %get3A_1149] {strides = array<i32>} : memref<64x512xf32, #tpu.memory_space<vmem>>, vector<1x16xf32>,
        %get3A_1151 = vector.shape_cast %get3A_1150 : vector<1x16xf32> to vector<16xf32>
        %add3A_1152 = arith.addf %add3A_1066, %get3A_1151 : vector<16xf32>
        %mul3A_1153 = vector.broadcast %squeeze3A_1081 : f32 to vector<16xf32>
        %mul3A_1154 = arith.mulf %get3A_1151, %mul3A_1153 : vector<16xf32>
        %add3A_1155 = arith.addf %add3A_1069, %mul3A_1154 : vector<16xf32>
        %add3A_1156 = arith.constant 112 : i32
        %add3A_1157 = arith.addi %mul3A_494, %add3A_1156 : i32
        %get3A_1158 = arith.index_cast %add3A_1085 : i32 to index
        %get3A_1159 = arith.index_cast %add3A_1157 : i32 to index
        %get3A_1160 = tpu.vector_load %arg5[%get3A_1158, %get3A_1159] {strides = array<i32>} : memref<64x512xf32, #tpu.memory_space<vmem>>, vector<1x16xf32>,
        %get3A_1161 = vector.shape_cast %get3A_1160 : vector<1x16xf32> to vector<16xf32>
        %add3A_1162 = arith.addf %add3A_1076, %get3A_1161 : vector<16xf32>
        %mul3A_1163 = vector.broadcast %squeeze3A_1081 : f32 to vector<16xf32>
        %mul3A_1164 = arith.mulf %get3A_1161, %mul3A_1163 : vector<16xf32>
        %add3A_1165 = arith.addf %add3A_1079, %mul3A_1164 : vector<16xf32>
        %slice3A_1166 = vector.extract_strided_slice %get3A_651 {offsets = [6], sizes = [1], strides = [1]} : vector<16xf32> to vector<1xf32>
        %squeeze3A_1167 = vector.extract %slice3A_1166[0] : f32 from vector<1xf32>
        %mul3A_1168 = arith.constant 16 : i32
        %mul3A_1169 = arith.muli %scan3A_630, %mul3A_1168 : i32
        %add3A_1170 = arith.constant 6 : i32
        %add3A_1171 = arith.addi %mul3A_1169, %add3A_1170 : i32
        %add3A_1172 = arith.constant 0 : i32
        %add3A_1173 = arith.addi %mul3A_494, %add3A_1172 : i32
        %get3A_1174 = arith.index_cast %add3A_1171 : i32 to index
        %get3A_1175 = arith.index_cast %add3A_1173 : i32 to index
        %get3A_1176 = tpu.vector_load %arg5[%get3A_1174, %get3A_1175] {strides = array<i32>} : memref<64x512xf32, #tpu.memory_space<vmem>>, vector<1x16xf32>,
        %get3A_1177 = vector.shape_cast %get3A_1176 : vector<1x16xf32> to vector<16xf32>
        %add3A_1178 = arith.addf %add3A_1092, %get3A_1177 : vector<16xf32>
        %mul3A_1179 = vector.broadcast %squeeze3A_1167 : f32 to vector<16xf32>
        %mul3A_1180 = arith.mulf %get3A_1177, %mul3A_1179 : vector<16xf32>
        %add3A_1181 = arith.addf %add3A_1095, %mul3A_1180 : vector<16xf32>
        %add3A_1182 = arith.constant 16 : i32
        %add3A_1183 = arith.addi %mul3A_494, %add3A_1182 : i32
        %get3A_1184 = arith.index_cast %add3A_1171 : i32 to index
        %get3A_1185 = arith.index_cast %add3A_1183 : i32 to index
        %get3A_1186 = tpu.vector_load %arg5[%get3A_1184, %get3A_1185] {strides = array<i32>} : memref<64x512xf32, #tpu.memory_space<vmem>>, vector<1x16xf32>,
        %get3A_1187 = vector.shape_cast %get3A_1186 : vector<1x16xf32> to vector<16xf32>
        %add3A_1188 = arith.addf %add3A_1102, %get3A_1187 : vector<16xf32>
        %mul3A_1189 = vector.broadcast %squeeze3A_1167 : f32 to vector<16xf32>
        %mul3A_1190 = arith.mulf %get3A_1187, %mul3A_1189 : vector<16xf32>
        %add3A_1191 = arith.addf %add3A_1105, %mul3A_1190 : vector<16xf32>
        %add3A_1192 = arith.constant 32 : i32
        %add3A_1193 = arith.addi %mul3A_494, %add3A_1192 : i32
        %get3A_1194 = arith.index_cast %add3A_1171 : i32 to index
        %get3A_1195 = arith.index_cast %add3A_1193 : i32 to index
        %get3A_1196 = tpu.vector_load %arg5[%get3A_1194, %get3A_1195] {strides = array<i32>} : memref<64x512xf32, #tpu.memory_space<vmem>>, vector<1x16xf32>,
        %get3A_1197 = vector.shape_cast %get3A_1196 : vector<1x16xf32> to vector<16xf32>
        %add3A_1198 = arith.addf %add3A_1112, %get3A_1197 : vector<16xf32>
        %mul3A_1199 = vector.broadcast %squeeze3A_1167 : f32 to vector<16xf32>
        %mul3A_1200 = arith.mulf %get3A_1197, %mul3A_1199 : vector<16xf32>
        %add3A_1201 = arith.addf %add3A_1115, %mul3A_1200 : vector<16xf32>
        %add3A_1202 = arith.constant 48 : i32
        %add3A_1203 = arith.addi %mul3A_494, %add3A_1202 : i32
        %get3A_1204 = arith.index_cast %add3A_1171 : i32 to index
        %get3A_1205 = arith.index_cast %add3A_1203 : i32 to index
        %get3A_1206 = tpu.vector_load %arg5[%get3A_1204, %get3A_1205] {strides = array<i32>} : memref<64x512xf32, #tpu.memory_space<vmem>>, vector<1x16xf32>,
        %get3A_1207 = vector.shape_cast %get3A_1206 : vector<1x16xf32> to vector<16xf32>
        %add3A_1208 = arith.addf %add3A_1122, %get3A_1207 : vector<16xf32>
        %mul3A_1209 = vector.broadcast %squeeze3A_1167 : f32 to vector<16xf32>
        %mul3A_1210 = arith.mulf %get3A_1207, %mul3A_1209 : vector<16xf32>
        %add3A_1211 = arith.addf %add3A_1125, %mul3A_1210 : vector<16xf32>
        %add3A_1212 = arith.constant 64 : i32
        %add3A_1213 = arith.addi %mul3A_494, %add3A_1212 : i32
        %get3A_1214 = arith.index_cast %add3A_1171 : i32 to index
        %get3A_1215 = arith.index_cast %add3A_1213 : i32 to index
        %get3A_1216 = tpu.vector_load %arg5[%get3A_1214, %get3A_1215] {strides = array<i32>} : memref<64x512xf32, #tpu.memory_space<vmem>>, vector<1x16xf32>,
        %get3A_1217 = vector.shape_cast %get3A_1216 : vector<1x16xf32> to vector<16xf32>
        %add3A_1218 = arith.addf %add3A_1132, %get3A_1217 : vector<16xf32>
        %mul3A_1219 = vector.broadcast %squeeze3A_1167 : f32 to vector<16xf32>
        %mul3A_1220 = arith.mulf %get3A_1217, %mul3A_1219 : vector<16xf32>
        %add3A_1221 = arith.addf %add3A_1135, %mul3A_1220 : vector<16xf32>
        %add3A_1222 = arith.constant 80 : i32
        %add3A_1223 = arith.addi %mul3A_494, %add3A_1222 : i32
        %get3A_1224 = arith.index_cast %add3A_1171 : i32 to index
        %get3A_1225 = arith.index_cast %add3A_1223 : i32 to index
        %get3A_1226 = tpu.vector_load %arg5[%get3A_1224, %get3A_1225] {strides = array<i32>} : memref<64x512xf32, #tpu.memory_space<vmem>>, vector<1x16xf32>,
        %get3A_1227 = vector.shape_cast %get3A_1226 : vector<1x16xf32> to vector<16xf32>
        %add3A_1228 = arith.addf %add3A_1142, %get3A_1227 : vector<16xf32>
        %mul3A_1229 = vector.broadcast %squeeze3A_1167 : f32 to vector<16xf32>
        %mul3A_1230 = arith.mulf %get3A_1227, %mul3A_1229 : vector<16xf32>
        %add3A_1231 = arith.addf %add3A_1145, %mul3A_1230 : vector<16xf32>
        %add3A_1232 = arith.constant 96 : i32
        %add3A_1233 = arith.addi %mul3A_494, %add3A_1232 : i32
        %get3A_1234 = arith.index_cast %add3A_1171 : i32 to index
        %get3A_1235 = arith.index_cast %add3A_1233 : i32 to index
        %get3A_1236 = tpu.vector_load %arg5[%get3A_1234, %get3A_1235] {strides = array<i32>} : memref<64x512xf32, #tpu.memory_space<vmem>>, vector<1x16xf32>,
        %get3A_1237 = vector.shape_cast %get3A_1236 : vector<1x16xf32> to vector<16xf32>
        %add3A_1238 = arith.addf %add3A_1152, %get3A_1237 : vector<16xf32>
        %mul3A_1239 = vector.broadcast %squeeze3A_1167 : f32 to vector<16xf32>
        %mul3A_1240 = arith.mulf %get3A_1237, %mul3A_1239 : vector<16xf32>
        %add3A_1241 = arith.addf %add3A_1155, %mul3A_1240 : vector<16xf32>
        %add3A_1242 = arith.constant 112 : i32
        %add3A_1243 = arith.addi %mul3A_494, %add3A_1242 : i32
        %get3A_1244 = arith.index_cast %add3A_1171 : i32 to index
        %get3A_1245 = arith.index_cast %add3A_1243 : i32 to index
        %get3A_1246 = tpu.vector_load %arg5[%get3A_1244, %get3A_1245] {strides = array<i32>} : memref<64x512xf32, #tpu.memory_space<vmem>>, vector<1x16xf32>,
        %get3A_1247 = vector.shape_cast %get3A_1246 : vector<1x16xf32> to vector<16xf32>
        %add3A_1248 = arith.addf %add3A_1162, %get3A_1247 : vector<16xf32>
        %mul3A_1249 = vector.broadcast %squeeze3A_1167 : f32 to vector<16xf32>
        %mul3A_1250 = arith.mulf %get3A_1247, %mul3A_1249 : vector<16xf32>
        %add3A_1251 = arith.addf %add3A_1165, %mul3A_1250 : vector<16xf32>
        %slice3A_1252 = vector.extract_strided_slice %get3A_651 {offsets = [7], sizes = [1], strides = [1]} : vector<16xf32> to vector<1xf32>
        %squeeze3A_1253 = vector.extract %slice3A_1252[0] : f32 from vector<1xf32>
        %mul3A_1254 = arith.constant 16 : i32
        %mul3A_1255 = arith.muli %scan3A_630, %mul3A_1254 : i32
        %add3A_1256 = arith.constant 7 : i32
        %add3A_1257 = arith.addi %mul3A_1255, %add3A_1256 : i32
        %add3A_1258 = arith.constant 0 : i32
        %add3A_1259 = arith.addi %mul3A_494, %add3A_1258 : i32
        %get3A_1260 = arith.index_cast %add3A_1257 : i32 to index
        %get3A_1261 = arith.index_cast %add3A_1259 : i32 to index
        %get3A_1262 = tpu.vector_load %arg5[%get3A_1260, %get3A_1261] {strides = array<i32>} : memref<64x512xf32, #tpu.memory_space<vmem>>, vector<1x16xf32>,
        %get3A_1263 = vector.shape_cast %get3A_1262 : vector<1x16xf32> to vector<16xf32>
        %add3A_1264 = arith.addf %add3A_1178, %get3A_1263 : vector<16xf32>
        %mul3A_1265 = vector.broadcast %squeeze3A_1253 : f32 to vector<16xf32>
        %mul3A_1266 = arith.mulf %get3A_1263, %mul3A_1265 : vector<16xf32>
        %add3A_1267 = arith.addf %add3A_1181, %mul3A_1266 : vector<16xf32>
        %add3A_1268 = arith.constant 16 : i32
        %add3A_1269 = arith.addi %mul3A_494, %add3A_1268 : i32
        %get3A_1270 = arith.index_cast %add3A_1257 : i32 to index
        %get3A_1271 = arith.index_cast %add3A_1269 : i32 to index
        %get3A_1272 = tpu.vector_load %arg5[%get3A_1270, %get3A_1271] {strides = array<i32>} : memref<64x512xf32, #tpu.memory_space<vmem>>, vector<1x16xf32>,
        %get3A_1273 = vector.shape_cast %get3A_1272 : vector<1x16xf32> to vector<16xf32>
        %add3A_1274 = arith.addf %add3A_1188, %get3A_1273 : vector<16xf32>
        %mul3A_1275 = vector.broadcast %squeeze3A_1253 : f32 to vector<16xf32>
        %mul3A_1276 = arith.mulf %get3A_1273, %mul3A_1275 : vector<16xf32>
        %add3A_1277 = arith.addf %add3A_1191, %mul3A_1276 : vector<16xf32>
        %add3A_1278 = arith.constant 32 : i32
        %add3A_1279 = arith.addi %mul3A_494, %add3A_1278 : i32
        %get3A_1280 = arith.index_cast %add3A_1257 : i32 to index
        %get3A_1281 = arith.index_cast %add3A_1279 : i32 to index
        %get3A_1282 = tpu.vector_load %arg5[%get3A_1280, %get3A_1281] {strides = array<i32>} : memref<64x512xf32, #tpu.memory_space<vmem>>, vector<1x16xf32>,
        %get3A_1283 = vector.shape_cast %get3A_1282 : vector<1x16xf32> to vector<16xf32>
        %add3A_1284 = arith.addf %add3A_1198, %get3A_1283 : vector<16xf32>
        %mul3A_1285 = vector.broadcast %squeeze3A_1253 : f32 to vector<16xf32>
        %mul3A_1286 = arith.mulf %get3A_1283, %mul3A_1285 : vector<16xf32>
        %add3A_1287 = arith.addf %add3A_1201, %mul3A_1286 : vector<16xf32>
        %add3A_1288 = arith.constant 48 : i32
        %add3A_1289 = arith.addi %mul3A_494, %add3A_1288 : i32
        %get3A_1290 = arith.index_cast %add3A_1257 : i32 to index
        %get3A_1291 = arith.index_cast %add3A_1289 : i32 to index
        %get3A_1292 = tpu.vector_load %arg5[%get3A_1290, %get3A_1291] {strides = array<i32>} : memref<64x512xf32, #tpu.memory_space<vmem>>, vector<1x16xf32>,
        %get3A_1293 = vector.shape_cast %get3A_1292 : vector<1x16xf32> to vector<16xf32>
        %add3A_1294 = arith.addf %add3A_1208, %get3A_1293 : vector<16xf32>
        %mul3A_1295 = vector.broadcast %squeeze3A_1253 : f32 to vector<16xf32>
        %mul3A_1296 = arith.mulf %get3A_1293, %mul3A_1295 : vector<16xf32>
        %add3A_1297 = arith.addf %add3A_1211, %mul3A_1296 : vector<16xf32>
        %add3A_1298 = arith.constant 64 : i32
        %add3A_1299 = arith.addi %mul3A_494, %add3A_1298 : i32
        %get3A_1300 = arith.index_cast %add3A_1257 : i32 to index
        %get3A_1301 = arith.index_cast %add3A_1299 : i32 to index
        %get3A_1302 = tpu.vector_load %arg5[%get3A_1300, %get3A_1301] {strides = array<i32>} : memref<64x512xf32, #tpu.memory_space<vmem>>, vector<1x16xf32>,
        %get3A_1303 = vector.shape_cast %get3A_1302 : vector<1x16xf32> to vector<16xf32>
        %add3A_1304 = arith.addf %add3A_1218, %get3A_1303 : vector<16xf32>
        %mul3A_1305 = vector.broadcast %squeeze3A_1253 : f32 to vector<16xf32>
        %mul3A_1306 = arith.mulf %get3A_1303, %mul3A_1305 : vector<16xf32>
        %add3A_1307 = arith.addf %add3A_1221, %mul3A_1306 : vector<16xf32>
        %add3A_1308 = arith.constant 80 : i32
        %add3A_1309 = arith.addi %mul3A_494, %add3A_1308 : i32
        %get3A_1310 = arith.index_cast %add3A_1257 : i32 to index
        %get3A_1311 = arith.index_cast %add3A_1309 : i32 to index
        %get3A_1312 = tpu.vector_load %arg5[%get3A_1310, %get3A_1311] {strides = array<i32>} : memref<64x512xf32, #tpu.memory_space<vmem>>, vector<1x16xf32>,
        %get3A_1313 = vector.shape_cast %get3A_1312 : vector<1x16xf32> to vector<16xf32>
        %add3A_1314 = arith.addf %add3A_1228, %get3A_1313 : vector<16xf32>
        %mul3A_1315 = vector.broadcast %squeeze3A_1253 : f32 to vector<16xf32>
        %mul3A_1316 = arith.mulf %get3A_1313, %mul3A_1315 : vector<16xf32>
        %add3A_1317 = arith.addf %add3A_1231, %mul3A_1316 : vector<16xf32>
        %add3A_1318 = arith.constant 96 : i32
        %add3A_1319 = arith.addi %mul3A_494, %add3A_1318 : i32
        %get3A_1320 = arith.index_cast %add3A_1257 : i32 to index
        %get3A_1321 = arith.index_cast %add3A_1319 : i32 to index
        %get3A_1322 = tpu.vector_load %arg5[%get3A_1320, %get3A_1321] {strides = array<i32>} : memref<64x512xf32, #tpu.memory_space<vmem>>, vector<1x16xf32>,
        %get3A_1323 = vector.shape_cast %get3A_1322 : vector<1x16xf32> to vector<16xf32>
        %add3A_1324 = arith.addf %add3A_1238, %get3A_1323 : vector<16xf32>
        %mul3A_1325 = vector.broadcast %squeeze3A_1253 : f32 to vector<16xf32>
        %mul3A_1326 = arith.mulf %get3A_1323, %mul3A_1325 : vector<16xf32>
        %add3A_1327 = arith.addf %add3A_1241, %mul3A_1326 : vector<16xf32>
        %add3A_1328 = arith.constant 112 : i32
        %add3A_1329 = arith.addi %mul3A_494, %add3A_1328 : i32
        %get3A_1330 = arith.index_cast %add3A_1257 : i32 to index
        %get3A_1331 = arith.index_cast %add3A_1329 : i32 to index
        %get3A_1332 = tpu.vector_load %arg5[%get3A_1330, %get3A_1331] {strides = array<i32>} : memref<64x512xf32, #tpu.memory_space<vmem>>, vector<1x16xf32>,
        %get3A_1333 = vector.shape_cast %get3A_1332 : vector<1x16xf32> to vector<16xf32>
        %add3A_1334 = arith.addf %add3A_1248, %get3A_1333 : vector<16xf32>
        %mul3A_1335 = vector.broadcast %squeeze3A_1253 : f32 to vector<16xf32>
        %mul3A_1336 = arith.mulf %get3A_1333, %mul3A_1335 : vector<16xf32>
        %add3A_1337 = arith.addf %add3A_1251, %mul3A_1336 : vector<16xf32>
        %slice3A_1338 = vector.extract_strided_slice %get3A_651 {offsets = [8], sizes = [1], strides = [1]} : vector<16xf32> to vector<1xf32>
        %squeeze3A_1339 = vector.extract %slice3A_1338[0] : f32 from vector<1xf32>
        %mul3A_1340 = arith.constant 16 : i32
        %mul3A_1341 = arith.muli %scan3A_630, %mul3A_1340 : i32
        %add3A_1342 = arith.constant 8 : i32
        %add3A_1343 = arith.addi %mul3A_1341, %add3A_1342 : i32
        %add3A_1344 = arith.constant 0 : i32
        %add3A_1345 = arith.addi %mul3A_494, %add3A_1344 : i32
        %get3A_1346 = arith.index_cast %add3A_1343 : i32 to index
        %get3A_1347 = arith.index_cast %add3A_1345 : i32 to index
        %get3A_1348 = tpu.vector_load %arg5[%get3A_1346, %get3A_1347] {strides = array<i32>} : memref<64x512xf32, #tpu.memory_space<vmem>>, vector<1x16xf32>,
        %get3A_1349 = vector.shape_cast %get3A_1348 : vector<1x16xf32> to vector<16xf32>
        %add3A_1350 = arith.addf %add3A_1264, %get3A_1349 : vector<16xf32>
        %mul3A_1351 = vector.broadcast %squeeze3A_1339 : f32 to vector<16xf32>
        %mul3A_1352 = arith.mulf %get3A_1349, %mul3A_1351 : vector<16xf32>
        %add3A_1353 = arith.addf %add3A_1267, %mul3A_1352 : vector<16xf32>
        %add3A_1354 = arith.constant 16 : i32
        %add3A_1355 = arith.addi %mul3A_494, %add3A_1354 : i32
        %get3A_1356 = arith.index_cast %add3A_1343 : i32 to index
        %get3A_1357 = arith.index_cast %add3A_1355 : i32 to index
        %get3A_1358 = tpu.vector_load %arg5[%get3A_1356, %get3A_1357] {strides = array<i32>} : memref<64x512xf32, #tpu.memory_space<vmem>>, vector<1x16xf32>,
        %get3A_1359 = vector.shape_cast %get3A_1358 : vector<1x16xf32> to vector<16xf32>
        %add3A_1360 = arith.addf %add3A_1274, %get3A_1359 : vector<16xf32>
        %mul3A_1361 = vector.broadcast %squeeze3A_1339 : f32 to vector<16xf32>
        %mul3A_1362 = arith.mulf %get3A_1359, %mul3A_1361 : vector<16xf32>
        %add3A_1363 = arith.addf %add3A_1277, %mul3A_1362 : vector<16xf32>
        %add3A_1364 = arith.constant 32 : i32
        %add3A_1365 = arith.addi %mul3A_494, %add3A_1364 : i32
        %get3A_1366 = arith.index_cast %add3A_1343 : i32 to index
        %get3A_1367 = arith.index_cast %add3A_1365 : i32 to index
        %get3A_1368 = tpu.vector_load %arg5[%get3A_1366, %get3A_1367] {strides = array<i32>} : memref<64x512xf32, #tpu.memory_space<vmem>>, vector<1x16xf32>,
        %get3A_1369 = vector.shape_cast %get3A_1368 : vector<1x16xf32> to vector<16xf32>
        %add3A_1370 = arith.addf %add3A_1284, %get3A_1369 : vector<16xf32>
        %mul3A_1371 = vector.broadcast %squeeze3A_1339 : f32 to vector<16xf32>
        %mul3A_1372 = arith.mulf %get3A_1369, %mul3A_1371 : vector<16xf32>
        %add3A_1373 = arith.addf %add3A_1287, %mul3A_1372 : vector<16xf32>
        %add3A_1374 = arith.constant 48 : i32
        %add3A_1375 = arith.addi %mul3A_494, %add3A_1374 : i32
        %get3A_1376 = arith.index_cast %add3A_1343 : i32 to index
        %get3A_1377 = arith.index_cast %add3A_1375 : i32 to index
        %get3A_1378 = tpu.vector_load %arg5[%get3A_1376, %get3A_1377] {strides = array<i32>} : memref<64x512xf32, #tpu.memory_space<vmem>>, vector<1x16xf32>,
        %get3A_1379 = vector.shape_cast %get3A_1378 : vector<1x16xf32> to vector<16xf32>
        %add3A_1380 = arith.addf %add3A_1294, %get3A_1379 : vector<16xf32>
        %mul3A_1381 = vector.broadcast %squeeze3A_1339 : f32 to vector<16xf32>
        %mul3A_1382 = arith.mulf %get3A_1379, %mul3A_1381 : vector<16xf32>
        %add3A_1383 = arith.addf %add3A_1297, %mul3A_1382 : vector<16xf32>
        %add3A_1384 = arith.constant 64 : i32
        %add3A_1385 = arith.addi %mul3A_494, %add3A_1384 : i32
        %get3A_1386 = arith.index_cast %add3A_1343 : i32 to index
        %get3A_1387 = arith.index_cast %add3A_1385 : i32 to index
        %get3A_1388 = tpu.vector_load %arg5[%get3A_1386, %get3A_1387] {strides = array<i32>} : memref<64x512xf32, #tpu.memory_space<vmem>>, vector<1x16xf32>,
        %get3A_1389 = vector.shape_cast %get3A_1388 : vector<1x16xf32> to vector<16xf32>
        %add3A_1390 = arith.addf %add3A_1304, %get3A_1389 : vector<16xf32>
        %mul3A_1391 = vector.broadcast %squeeze3A_1339 : f32 to vector<16xf32>
        %mul3A_1392 = arith.mulf %get3A_1389, %mul3A_1391 : vector<16xf32>
        %add3A_1393 = arith.addf %add3A_1307, %mul3A_1392 : vector<16xf32>
        %add3A_1394 = arith.constant 80 : i32
        %add3A_1395 = arith.addi %mul3A_494, %add3A_1394 : i32
        %get3A_1396 = arith.index_cast %add3A_1343 : i32 to index
        %get3A_1397 = arith.index_cast %add3A_1395 : i32 to index
        %get3A_1398 = tpu.vector_load %arg5[%get3A_1396, %get3A_1397] {strides = array<i32>} : memref<64x512xf32, #tpu.memory_space<vmem>>, vector<1x16xf32>,
        %get3A_1399 = vector.shape_cast %get3A_1398 : vector<1x16xf32> to vector<16xf32>
        %add3A_1400 = arith.addf %add3A_1314, %get3A_1399 : vector<16xf32>
        %mul3A_1401 = vector.broadcast %squeeze3A_1339 : f32 to vector<16xf32>
        %mul3A_1402 = arith.mulf %get3A_1399, %mul3A_1401 : vector<16xf32>
        %add3A_1403 = arith.addf %add3A_1317, %mul3A_1402 : vector<16xf32>
        %add3A_1404 = arith.constant 96 : i32
        %add3A_1405 = arith.addi %mul3A_494, %add3A_1404 : i32
        %get3A_1406 = arith.index_cast %add3A_1343 : i32 to index
        %get3A_1407 = arith.index_cast %add3A_1405 : i32 to index
        %get3A_1408 = tpu.vector_load %arg5[%get3A_1406, %get3A_1407] {strides = array<i32>} : memref<64x512xf32, #tpu.memory_space<vmem>>, vector<1x16xf32>,
        %get3A_1409 = vector.shape_cast %get3A_1408 : vector<1x16xf32> to vector<16xf32>
        %add3A_1410 = arith.addf %add3A_1324, %get3A_1409 : vector<16xf32>
        %mul3A_1411 = vector.broadcast %squeeze3A_1339 : f32 to vector<16xf32>
        %mul3A_1412 = arith.mulf %get3A_1409, %mul3A_1411 : vector<16xf32>
        %add3A_1413 = arith.addf %add3A_1327, %mul3A_1412 : vector<16xf32>
        %add3A_1414 = arith.constant 112 : i32
        %add3A_1415 = arith.addi %mul3A_494, %add3A_1414 : i32
        %get3A_1416 = arith.index_cast %add3A_1343 : i32 to index
        %get3A_1417 = arith.index_cast %add3A_1415 : i32 to index
        %get3A_1418 = tpu.vector_load %arg5[%get3A_1416, %get3A_1417] {strides = array<i32>} : memref<64x512xf32, #tpu.memory_space<vmem>>, vector<1x16xf32>,
        %get3A_1419 = vector.shape_cast %get3A_1418 : vector<1x16xf32> to vector<16xf32>
        %add3A_1420 = arith.addf %add3A_1334, %get3A_1419 : vector<16xf32>
        %mul3A_1421 = vector.broadcast %squeeze3A_1339 : f32 to vector<16xf32>
        %mul3A_1422 = arith.mulf %get3A_1419, %mul3A_1421 : vector<16xf32>
        %add3A_1423 = arith.addf %add3A_1337, %mul3A_1422 : vector<16xf32>
        %slice3A_1424 = vector.extract_strided_slice %get3A_651 {offsets = [9], sizes = [1], strides = [1]} : vector<16xf32> to vector<1xf32>
        %squeeze3A_1425 = vector.extract %slice3A_1424[0] : f32 from vector<1xf32>
        %mul3A_1426 = arith.constant 16 : i32
        %mul3A_1427 = arith.muli %scan3A_630, %mul3A_1426 : i32
        %add3A_1428 = arith.constant 9 : i32
        %add3A_1429 = arith.addi %mul3A_1427, %add3A_1428 : i32
        %add3A_1430 = arith.constant 0 : i32
        %add3A_1431 = arith.addi %mul3A_494, %add3A_1430 : i32
        %get3A_1432 = arith.index_cast %add3A_1429 : i32 to index
        %get3A_1433 = arith.index_cast %add3A_1431 : i32 to index
        %get3A_1434 = tpu.vector_load %arg5[%get3A_1432, %get3A_1433] {strides = array<i32>} : memref<64x512xf32, #tpu.memory_space<vmem>>, vector<1x16xf32>,
        %get3A_1435 = vector.shape_cast %get3A_1434 : vector<1x16xf32> to vector<16xf32>
        %add3A_1436 = arith.addf %add3A_1350, %get3A_1435 : vector<16xf32>
        %mul3A_1437 = vector.broadcast %squeeze3A_1425 : f32 to vector<16xf32>
        %mul3A_1438 = arith.mulf %get3A_1435, %mul3A_1437 : vector<16xf32>
        %add3A_1439 = arith.addf %add3A_1353, %mul3A_1438 : vector<16xf32>
        %add3A_1440 = arith.constant 16 : i32
        %add3A_1441 = arith.addi %mul3A_494, %add3A_1440 : i32
        %get3A_1442 = arith.index_cast %add3A_1429 : i32 to index
        %get3A_1443 = arith.index_cast %add3A_1441 : i32 to index
        %get3A_1444 = tpu.vector_load %arg5[%get3A_1442, %get3A_1443] {strides = array<i32>} : memref<64x512xf32, #tpu.memory_space<vmem>>, vector<1x16xf32>,
        %get3A_1445 = vector.shape_cast %get3A_1444 : vector<1x16xf32> to vector<16xf32>
        %add3A_1446 = arith.addf %add3A_1360, %get3A_1445 : vector<16xf32>
        %mul3A_1447 = vector.broadcast %squeeze3A_1425 : f32 to vector<16xf32>
        %mul3A_1448 = arith.mulf %get3A_1445, %mul3A_1447 : vector<16xf32>
        %add3A_1449 = arith.addf %add3A_1363, %mul3A_1448 : vector<16xf32>
        %add3A_1450 = arith.constant 32 : i32
        %add3A_1451 = arith.addi %mul3A_494, %add3A_1450 : i32
        %get3A_1452 = arith.index_cast %add3A_1429 : i32 to index
        %get3A_1453 = arith.index_cast %add3A_1451 : i32 to index
        %get3A_1454 = tpu.vector_load %arg5[%get3A_1452, %get3A_1453] {strides = array<i32>} : memref<64x512xf32, #tpu.memory_space<vmem>>, vector<1x16xf32>,
        %get3A_1455 = vector.shape_cast %get3A_1454 : vector<1x16xf32> to vector<16xf32>
        %add3A_1456 = arith.addf %add3A_1370, %get3A_1455 : vector<16xf32>
        %mul3A_1457 = vector.broadcast %squeeze3A_1425 : f32 to vector<16xf32>
        %mul3A_1458 = arith.mulf %get3A_1455, %mul3A_1457 : vector<16xf32>
        %add3A_1459 = arith.addf %add3A_1373, %mul3A_1458 : vector<16xf32>
        %add3A_1460 = arith.constant 48 : i32
        %add3A_1461 = arith.addi %mul3A_494, %add3A_1460 : i32
        %get3A_1462 = arith.index_cast %add3A_1429 : i32 to index
        %get3A_1463 = arith.index_cast %add3A_1461 : i32 to index
        %get3A_1464 = tpu.vector_load %arg5[%get3A_1462, %get3A_1463] {strides = array<i32>} : memref<64x512xf32, #tpu.memory_space<vmem>>, vector<1x16xf32>,
        %get3A_1465 = vector.shape_cast %get3A_1464 : vector<1x16xf32> to vector<16xf32>
        %add3A_1466 = arith.addf %add3A_1380, %get3A_1465 : vector<16xf32>
        %mul3A_1467 = vector.broadcast %squeeze3A_1425 : f32 to vector<16xf32>
        %mul3A_1468 = arith.mulf %get3A_1465, %mul3A_1467 : vector<16xf32>
        %add3A_1469 = arith.addf %add3A_1383, %mul3A_1468 : vector<16xf32>
        %add3A_1470 = arith.constant 64 : i32
        %add3A_1471 = arith.addi %mul3A_494, %add3A_1470 : i32
        %get3A_1472 = arith.index_cast %add3A_1429 : i32 to index
        %get3A_1473 = arith.index_cast %add3A_1471 : i32 to index
        %get3A_1474 = tpu.vector_load %arg5[%get3A_1472, %get3A_1473] {strides = array<i32>} : memref<64x512xf32, #tpu.memory_space<vmem>>, vector<1x16xf32>,
        %get3A_1475 = vector.shape_cast %get3A_1474 : vector<1x16xf32> to vector<16xf32>
        %add3A_1476 = arith.addf %add3A_1390, %get3A_1475 : vector<16xf32>
        %mul3A_1477 = vector.broadcast %squeeze3A_1425 : f32 to vector<16xf32>
        %mul3A_1478 = arith.mulf %get3A_1475, %mul3A_1477 : vector<16xf32>
        %add3A_1479 = arith.addf %add3A_1393, %mul3A_1478 : vector<16xf32>
        %add3A_1480 = arith.constant 80 : i32
        %add3A_1481 = arith.addi %mul3A_494, %add3A_1480 : i32
        %get3A_1482 = arith.index_cast %add3A_1429 : i32 to index
        %get3A_1483 = arith.index_cast %add3A_1481 : i32 to index
        %get3A_1484 = tpu.vector_load %arg5[%get3A_1482, %get3A_1483] {strides = array<i32>} : memref<64x512xf32, #tpu.memory_space<vmem>>, vector<1x16xf32>,
        %get3A_1485 = vector.shape_cast %get3A_1484 : vector<1x16xf32> to vector<16xf32>
        %add3A_1486 = arith.addf %add3A_1400, %get3A_1485 : vector<16xf32>
        %mul3A_1487 = vector.broadcast %squeeze3A_1425 : f32 to vector<16xf32>
        %mul3A_1488 = arith.mulf %get3A_1485, %mul3A_1487 : vector<16xf32>
        %add3A_1489 = arith.addf %add3A_1403, %mul3A_1488 : vector<16xf32>
        %add3A_1490 = arith.constant 96 : i32
        %add3A_1491 = arith.addi %mul3A_494, %add3A_1490 : i32
        %get3A_1492 = arith.index_cast %add3A_1429 : i32 to index
        %get3A_1493 = arith.index_cast %add3A_1491 : i32 to index
        %get3A_1494 = tpu.vector_load %arg5[%get3A_1492, %get3A_1493] {strides = array<i32>} : memref<64x512xf32, #tpu.memory_space<vmem>>, vector<1x16xf32>,
        %get3A_1495 = vector.shape_cast %get3A_1494 : vector<1x16xf32> to vector<16xf32>
        %add3A_1496 = arith.addf %add3A_1410, %get3A_1495 : vector<16xf32>
        %mul3A_1497 = vector.broadcast %squeeze3A_1425 : f32 to vector<16xf32>
        %mul3A_1498 = arith.mulf %get3A_1495, %mul3A_1497 : vector<16xf32>
        %add3A_1499 = arith.addf %add3A_1413, %mul3A_1498 : vector<16xf32>
        %add3A_1500 = arith.constant 112 : i32
        %add3A_1501 = arith.addi %mul3A_494, %add3A_1500 : i32
        %get3A_1502 = arith.index_cast %add3A_1429 : i32 to index
        %get3A_1503 = arith.index_cast %add3A_1501 : i32 to index
        %get3A_1504 = tpu.vector_load %arg5[%get3A_1502, %get3A_1503] {strides = array<i32>} : memref<64x512xf32, #tpu.memory_space<vmem>>, vector<1x16xf32>,
        %get3A_1505 = vector.shape_cast %get3A_1504 : vector<1x16xf32> to vector<16xf32>
        %add3A_1506 = arith.addf %add3A_1420, %get3A_1505 : vector<16xf32>
        %mul3A_1507 = vector.broadcast %squeeze3A_1425 : f32 to vector<16xf32>
        %mul3A_1508 = arith.mulf %get3A_1505, %mul3A_1507 : vector<16xf32>
        %add3A_1509 = arith.addf %add3A_1423, %mul3A_1508 : vector<16xf32>
        %slice3A_1510 = vector.extract_strided_slice %get3A_651 {offsets = [10], sizes = [1], strides = [1]} : vector<16xf32> to vector<1xf32>
        %squeeze3A_1511 = vector.extract %slice3A_1510[0] : f32 from vector<1xf32>
        %mul3A_1512 = arith.constant 16 : i32
        %mul3A_1513 = arith.muli %scan3A_630, %mul3A_1512 : i32
        %add3A_1514 = arith.constant 10 : i32
        %add3A_1515 = arith.addi %mul3A_1513, %add3A_1514 : i32
        %add3A_1516 = arith.constant 0 : i32
        %add3A_1517 = arith.addi %mul3A_494, %add3A_1516 : i32
        %get3A_1518 = arith.index_cast %add3A_1515 : i32 to index
        %get3A_1519 = arith.index_cast %add3A_1517 : i32 to index
        %get3A_1520 = tpu.vector_load %arg5[%get3A_1518, %get3A_1519] {strides = array<i32>} : memref<64x512xf32, #tpu.memory_space<vmem>>, vector<1x16xf32>,
        %get3A_1521 = vector.shape_cast %get3A_1520 : vector<1x16xf32> to vector<16xf32>
        %add3A_1522 = arith.addf %add3A_1436, %get3A_1521 : vector<16xf32>
        %mul3A_1523 = vector.broadcast %squeeze3A_1511 : f32 to vector<16xf32>
        %mul3A_1524 = arith.mulf %get3A_1521, %mul3A_1523 : vector<16xf32>
        %add3A_1525 = arith.addf %add3A_1439, %mul3A_1524 : vector<16xf32>
        %add3A_1526 = arith.constant 16 : i32
        %add3A_1527 = arith.addi %mul3A_494, %add3A_1526 : i32
        %get3A_1528 = arith.index_cast %add3A_1515 : i32 to index
        %get3A_1529 = arith.index_cast %add3A_1527 : i32 to index
        %get3A_1530 = tpu.vector_load %arg5[%get3A_1528, %get3A_1529] {strides = array<i32>} : memref<64x512xf32, #tpu.memory_space<vmem>>, vector<1x16xf32>,
        %get3A_1531 = vector.shape_cast %get3A_1530 : vector<1x16xf32> to vector<16xf32>
        %add3A_1532 = arith.addf %add3A_1446, %get3A_1531 : vector<16xf32>
        %mul3A_1533 = vector.broadcast %squeeze3A_1511 : f32 to vector<16xf32>
        %mul3A_1534 = arith.mulf %get3A_1531, %mul3A_1533 : vector<16xf32>
        %add3A_1535 = arith.addf %add3A_1449, %mul3A_1534 : vector<16xf32>
        %add3A_1536 = arith.constant 32 : i32
        %add3A_1537 = arith.addi %mul3A_494, %add3A_1536 : i32
        %get3A_1538 = arith.index_cast %add3A_1515 : i32 to index
        %get3A_1539 = arith.index_cast %add3A_1537 : i32 to index
        %get3A_1540 = tpu.vector_load %arg5[%get3A_1538, %get3A_1539] {strides = array<i32>} : memref<64x512xf32, #tpu.memory_space<vmem>>, vector<1x16xf32>,
        %get3A_1541 = vector.shape_cast %get3A_1540 : vector<1x16xf32> to vector<16xf32>
        %add3A_1542 = arith.addf %add3A_1456, %get3A_1541 : vector<16xf32>
        %mul3A_1543 = vector.broadcast %squeeze3A_1511 : f32 to vector<16xf32>
        %mul3A_1544 = arith.mulf %get3A_1541, %mul3A_1543 : vector<16xf32>
        %add3A_1545 = arith.addf %add3A_1459, %mul3A_1544 : vector<16xf32>
        %add3A_1546 = arith.constant 48 : i32
        %add3A_1547 = arith.addi %mul3A_494, %add3A_1546 : i32
        %get3A_1548 = arith.index_cast %add3A_1515 : i32 to index
        %get3A_1549 = arith.index_cast %add3A_1547 : i32 to index
        %get3A_1550 = tpu.vector_load %arg5[%get3A_1548, %get3A_1549] {strides = array<i32>} : memref<64x512xf32, #tpu.memory_space<vmem>>, vector<1x16xf32>,
        %get3A_1551 = vector.shape_cast %get3A_1550 : vector<1x16xf32> to vector<16xf32>
        %add3A_1552 = arith.addf %add3A_1466, %get3A_1551 : vector<16xf32>
        %mul3A_1553 = vector.broadcast %squeeze3A_1511 : f32 to vector<16xf32>
        %mul3A_1554 = arith.mulf %get3A_1551, %mul3A_1553 : vector<16xf32>
        %add3A_1555 = arith.addf %add3A_1469, %mul3A_1554 : vector<16xf32>
        %add3A_1556 = arith.constant 64 : i32
        %add3A_1557 = arith.addi %mul3A_494, %add3A_1556 : i32
        %get3A_1558 = arith.index_cast %add3A_1515 : i32 to index
        %get3A_1559 = arith.index_cast %add3A_1557 : i32 to index
        %get3A_1560 = tpu.vector_load %arg5[%get3A_1558, %get3A_1559] {strides = array<i32>} : memref<64x512xf32, #tpu.memory_space<vmem>>, vector<1x16xf32>,
        %get3A_1561 = vector.shape_cast %get3A_1560 : vector<1x16xf32> to vector<16xf32>
        %add3A_1562 = arith.addf %add3A_1476, %get3A_1561 : vector<16xf32>
        %mul3A_1563 = vector.broadcast %squeeze3A_1511 : f32 to vector<16xf32>
        %mul3A_1564 = arith.mulf %get3A_1561, %mul3A_1563 : vector<16xf32>
        %add3A_1565 = arith.addf %add3A_1479, %mul3A_1564 : vector<16xf32>
        %add3A_1566 = arith.constant 80 : i32
        %add3A_1567 = arith.addi %mul3A_494, %add3A_1566 : i32
        %get3A_1568 = arith.index_cast %add3A_1515 : i32 to index
        %get3A_1569 = arith.index_cast %add3A_1567 : i32 to index
        %get3A_1570 = tpu.vector_load %arg5[%get3A_1568, %get3A_1569] {strides = array<i32>} : memref<64x512xf32, #tpu.memory_space<vmem>>, vector<1x16xf32>,
        %get3A_1571 = vector.shape_cast %get3A_1570 : vector<1x16xf32> to vector<16xf32>
        %add3A_1572 = arith.addf %add3A_1486, %get3A_1571 : vector<16xf32>
        %mul3A_1573 = vector.broadcast %squeeze3A_1511 : f32 to vector<16xf32>
        %mul3A_1574 = arith.mulf %get3A_1571, %mul3A_1573 : vector<16xf32>
        %add3A_1575 = arith.addf %add3A_1489, %mul3A_1574 : vector<16xf32>
        %add3A_1576 = arith.constant 96 : i32
        %add3A_1577 = arith.addi %mul3A_494, %add3A_1576 : i32
        %get3A_1578 = arith.index_cast %add3A_1515 : i32 to index
        %get3A_1579 = arith.index_cast %add3A_1577 : i32 to index
        %get3A_1580 = tpu.vector_load %arg5[%get3A_1578, %get3A_1579] {strides = array<i32>} : memref<64x512xf32, #tpu.memory_space<vmem>>, vector<1x16xf32>,
        %get3A_1581 = vector.shape_cast %get3A_1580 : vector<1x16xf32> to vector<16xf32>
        %add3A_1582 = arith.addf %add3A_1496, %get3A_1581 : vector<16xf32>
        %mul3A_1583 = vector.broadcast %squeeze3A_1511 : f32 to vector<16xf32>
        %mul3A_1584 = arith.mulf %get3A_1581, %mul3A_1583 : vector<16xf32>
        %add3A_1585 = arith.addf %add3A_1499, %mul3A_1584 : vector<16xf32>
        %add3A_1586 = arith.constant 112 : i32
        %add3A_1587 = arith.addi %mul3A_494, %add3A_1586 : i32
        %get3A_1588 = arith.index_cast %add3A_1515 : i32 to index
        %get3A_1589 = arith.index_cast %add3A_1587 : i32 to index
        %get3A_1590 = tpu.vector_load %arg5[%get3A_1588, %get3A_1589] {strides = array<i32>} : memref<64x512xf32, #tpu.memory_space<vmem>>, vector<1x16xf32>,
        %get3A_1591 = vector.shape_cast %get3A_1590 : vector<1x16xf32> to vector<16xf32>
        %add3A_1592 = arith.addf %add3A_1506, %get3A_1591 : vector<16xf32>
        %mul3A_1593 = vector.broadcast %squeeze3A_1511 : f32 to vector<16xf32>
        %mul3A_1594 = arith.mulf %get3A_1591, %mul3A_1593 : vector<16xf32>
        %add3A_1595 = arith.addf %add3A_1509, %mul3A_1594 : vector<16xf32>
        %slice3A_1596 = vector.extract_strided_slice %get3A_651 {offsets = [11], sizes = [1], strides = [1]} : vector<16xf32> to vector<1xf32>
        %squeeze3A_1597 = vector.extract %slice3A_1596[0] : f32 from vector<1xf32>
        %mul3A_1598 = arith.constant 16 : i32
        %mul3A_1599 = arith.muli %scan3A_630, %mul3A_1598 : i32
        %add3A_1600 = arith.constant 11 : i32
        %add3A_1601 = arith.addi %mul3A_1599, %add3A_1600 : i32
        %add3A_1602 = arith.constant 0 : i32
        %add3A_1603 = arith.addi %mul3A_494, %add3A_1602 : i32
        %get3A_1604 = arith.index_cast %add3A_1601 : i32 to index
        %get3A_1605 = arith.index_cast %add3A_1603 : i32 to index
        %get3A_1606 = tpu.vector_load %arg5[%get3A_1604, %get3A_1605] {strides = array<i32>} : memref<64x512xf32, #tpu.memory_space<vmem>>, vector<1x16xf32>,
        %get3A_1607 = vector.shape_cast %get3A_1606 : vector<1x16xf32> to vector<16xf32>
        %add3A_1608 = arith.addf %add3A_1522, %get3A_1607 : vector<16xf32>
        %mul3A_1609 = vector.broadcast %squeeze3A_1597 : f32 to vector<16xf32>
        %mul3A_1610 = arith.mulf %get3A_1607, %mul3A_1609 : vector<16xf32>
        %add3A_1611 = arith.addf %add3A_1525, %mul3A_1610 : vector<16xf32>
        %add3A_1612 = arith.constant 16 : i32
        %add3A_1613 = arith.addi %mul3A_494, %add3A_1612 : i32
        %get3A_1614 = arith.index_cast %add3A_1601 : i32 to index
        %get3A_1615 = arith.index_cast %add3A_1613 : i32 to index
        %get3A_1616 = tpu.vector_load %arg5[%get3A_1614, %get3A_1615] {strides = array<i32>} : memref<64x512xf32, #tpu.memory_space<vmem>>, vector<1x16xf32>,
        %get3A_1617 = vector.shape_cast %get3A_1616 : vector<1x16xf32> to vector<16xf32>
        %add3A_1618 = arith.addf %add3A_1532, %get3A_1617 : vector<16xf32>
        %mul3A_1619 = vector.broadcast %squeeze3A_1597 : f32 to vector<16xf32>
        %mul3A_1620 = arith.mulf %get3A_1617, %mul3A_1619 : vector<16xf32>
        %add3A_1621 = arith.addf %add3A_1535, %mul3A_1620 : vector<16xf32>
        %add3A_1622 = arith.constant 32 : i32
        %add3A_1623 = arith.addi %mul3A_494, %add3A_1622 : i32
        %get3A_1624 = arith.index_cast %add3A_1601 : i32 to index
        %get3A_1625 = arith.index_cast %add3A_1623 : i32 to index
        %get3A_1626 = tpu.vector_load %arg5[%get3A_1624, %get3A_1625] {strides = array<i32>} : memref<64x512xf32, #tpu.memory_space<vmem>>, vector<1x16xf32>,
        %get3A_1627 = vector.shape_cast %get3A_1626 : vector<1x16xf32> to vector<16xf32>
        %add3A_1628 = arith.addf %add3A_1542, %get3A_1627 : vector<16xf32>
        %mul3A_1629 = vector.broadcast %squeeze3A_1597 : f32 to vector<16xf32>
        %mul3A_1630 = arith.mulf %get3A_1627, %mul3A_1629 : vector<16xf32>
        %add3A_1631 = arith.addf %add3A_1545, %mul3A_1630 : vector<16xf32>
        %add3A_1632 = arith.constant 48 : i32
        %add3A_1633 = arith.addi %mul3A_494, %add3A_1632 : i32
        %get3A_1634 = arith.index_cast %add3A_1601 : i32 to index
        %get3A_1635 = arith.index_cast %add3A_1633 : i32 to index
        %get3A_1636 = tpu.vector_load %arg5[%get3A_1634, %get3A_1635] {strides = array<i32>} : memref<64x512xf32, #tpu.memory_space<vmem>>, vector<1x16xf32>,
        %get3A_1637 = vector.shape_cast %get3A_1636 : vector<1x16xf32> to vector<16xf32>
        %add3A_1638 = arith.addf %add3A_1552, %get3A_1637 : vector<16xf32>
        %mul3A_1639 = vector.broadcast %squeeze3A_1597 : f32 to vector<16xf32>
        %mul3A_1640 = arith.mulf %get3A_1637, %mul3A_1639 : vector<16xf32>
        %add3A_1641 = arith.addf %add3A_1555, %mul3A_1640 : vector<16xf32>
        %add3A_1642 = arith.constant 64 : i32
        %add3A_1643 = arith.addi %mul3A_494, %add3A_1642 : i32
        %get3A_1644 = arith.index_cast %add3A_1601 : i32 to index
        %get3A_1645 = arith.index_cast %add3A_1643 : i32 to index
        %get3A_1646 = tpu.vector_load %arg5[%get3A_1644, %get3A_1645] {strides = array<i32>} : memref<64x512xf32, #tpu.memory_space<vmem>>, vector<1x16xf32>,
        %get3A_1647 = vector.shape_cast %get3A_1646 : vector<1x16xf32> to vector<16xf32>
        %add3A_1648 = arith.addf %add3A_1562, %get3A_1647 : vector<16xf32>
        %mul3A_1649 = vector.broadcast %squeeze3A_1597 : f32 to vector<16xf32>
        %mul3A_1650 = arith.mulf %get3A_1647, %mul3A_1649 : vector<16xf32>
        %add3A_1651 = arith.addf %add3A_1565, %mul3A_1650 : vector<16xf32>
        %add3A_1652 = arith.constant 80 : i32
        %add3A_1653 = arith.addi %mul3A_494, %add3A_1652 : i32
        %get3A_1654 = arith.index_cast %add3A_1601 : i32 to index
        %get3A_1655 = arith.index_cast %add3A_1653 : i32 to index
        %get3A_1656 = tpu.vector_load %arg5[%get3A_1654, %get3A_1655] {strides = array<i32>} : memref<64x512xf32, #tpu.memory_space<vmem>>, vector<1x16xf32>,
        %get3A_1657 = vector.shape_cast %get3A_1656 : vector<1x16xf32> to vector<16xf32>
        %add3A_1658 = arith.addf %add3A_1572, %get3A_1657 : vector<16xf32>
        %mul3A_1659 = vector.broadcast %squeeze3A_1597 : f32 to vector<16xf32>
        %mul3A_1660 = arith.mulf %get3A_1657, %mul3A_1659 : vector<16xf32>
        %add3A_1661 = arith.addf %add3A_1575, %mul3A_1660 : vector<16xf32>
        %add3A_1662 = arith.constant 96 : i32
        %add3A_1663 = arith.addi %mul3A_494, %add3A_1662 : i32
        %get3A_1664 = arith.index_cast %add3A_1601 : i32 to index
        %get3A_1665 = arith.index_cast %add3A_1663 : i32 to index
        %get3A_1666 = tpu.vector_load %arg5[%get3A_1664, %get3A_1665] {strides = array<i32>} : memref<64x512xf32, #tpu.memory_space<vmem>>, vector<1x16xf32>,
        %get3A_1667 = vector.shape_cast %get3A_1666 : vector<1x16xf32> to vector<16xf32>
        %add3A_1668 = arith.addf %add3A_1582, %get3A_1667 : vector<16xf32>
        %mul3A_1669 = vector.broadcast %squeeze3A_1597 : f32 to vector<16xf32>
        %mul3A_1670 = arith.mulf %get3A_1667, %mul3A_1669 : vector<16xf32>
        %add3A_1671 = arith.addf %add3A_1585, %mul3A_1670 : vector<16xf32>
        %add3A_1672 = arith.constant 112 : i32
        %add3A_1673 = arith.addi %mul3A_494, %add3A_1672 : i32
        %get3A_1674 = arith.index_cast %add3A_1601 : i32 to index
        %get3A_1675 = arith.index_cast %add3A_1673 : i32 to index
        %get3A_1676 = tpu.vector_load %arg5[%get3A_1674, %get3A_1675] {strides = array<i32>} : memref<64x512xf32, #tpu.memory_space<vmem>>, vector<1x16xf32>,
        %get3A_1677 = vector.shape_cast %get3A_1676 : vector<1x16xf32> to vector<16xf32>
        %add3A_1678 = arith.addf %add3A_1592, %get3A_1677 : vector<16xf32>
        %mul3A_1679 = vector.broadcast %squeeze3A_1597 : f32 to vector<16xf32>
        %mul3A_1680 = arith.mulf %get3A_1677, %mul3A_1679 : vector<16xf32>
        %add3A_1681 = arith.addf %add3A_1595, %mul3A_1680 : vector<16xf32>
        %slice3A_1682 = vector.extract_strided_slice %get3A_651 {offsets = [12], sizes = [1], strides = [1]} : vector<16xf32> to vector<1xf32>
        %squeeze3A_1683 = vector.extract %slice3A_1682[0] : f32 from vector<1xf32>
        %mul3A_1684 = arith.constant 16 : i32
        %mul3A_1685 = arith.muli %scan3A_630, %mul3A_1684 : i32
        %add3A_1686 = arith.constant 12 : i32
        %add3A_1687 = arith.addi %mul3A_1685, %add3A_1686 : i32
        %add3A_1688 = arith.constant 0 : i32
        %add3A_1689 = arith.addi %mul3A_494, %add3A_1688 : i32
        %get3A_1690 = arith.index_cast %add3A_1687 : i32 to index
        %get3A_1691 = arith.index_cast %add3A_1689 : i32 to index
        %get3A_1692 = tpu.vector_load %arg5[%get3A_1690, %get3A_1691] {strides = array<i32>} : memref<64x512xf32, #tpu.memory_space<vmem>>, vector<1x16xf32>,
        %get3A_1693 = vector.shape_cast %get3A_1692 : vector<1x16xf32> to vector<16xf32>
        %add3A_1694 = arith.addf %add3A_1608, %get3A_1693 : vector<16xf32>
        %mul3A_1695 = vector.broadcast %squeeze3A_1683 : f32 to vector<16xf32>
        %mul3A_1696 = arith.mulf %get3A_1693, %mul3A_1695 : vector<16xf32>
        %add3A_1697 = arith.addf %add3A_1611, %mul3A_1696 : vector<16xf32>
        %add3A_1698 = arith.constant 16 : i32
        %add3A_1699 = arith.addi %mul3A_494, %add3A_1698 : i32
        %get3A_1700 = arith.index_cast %add3A_1687 : i32 to index
        %get3A_1701 = arith.index_cast %add3A_1699 : i32 to index
        %get3A_1702 = tpu.vector_load %arg5[%get3A_1700, %get3A_1701] {strides = array<i32>} : memref<64x512xf32, #tpu.memory_space<vmem>>, vector<1x16xf32>,
        %get3A_1703 = vector.shape_cast %get3A_1702 : vector<1x16xf32> to vector<16xf32>
        %add3A_1704 = arith.addf %add3A_1618, %get3A_1703 : vector<16xf32>
        %mul3A_1705 = vector.broadcast %squeeze3A_1683 : f32 to vector<16xf32>
        %mul3A_1706 = arith.mulf %get3A_1703, %mul3A_1705 : vector<16xf32>
        %add3A_1707 = arith.addf %add3A_1621, %mul3A_1706 : vector<16xf32>
        %add3A_1708 = arith.constant 32 : i32
        %add3A_1709 = arith.addi %mul3A_494, %add3A_1708 : i32
        %get3A_1710 = arith.index_cast %add3A_1687 : i32 to index
        %get3A_1711 = arith.index_cast %add3A_1709 : i32 to index
        %get3A_1712 = tpu.vector_load %arg5[%get3A_1710, %get3A_1711] {strides = array<i32>} : memref<64x512xf32, #tpu.memory_space<vmem>>, vector<1x16xf32>,
        %get3A_1713 = vector.shape_cast %get3A_1712 : vector<1x16xf32> to vector<16xf32>
        %add3A_1714 = arith.addf %add3A_1628, %get3A_1713 : vector<16xf32>
        %mul3A_1715 = vector.broadcast %squeeze3A_1683 : f32 to vector<16xf32>
        %mul3A_1716 = arith.mulf %get3A_1713, %mul3A_1715 : vector<16xf32>
        %add3A_1717 = arith.addf %add3A_1631, %mul3A_1716 : vector<16xf32>
        %add3A_1718 = arith.constant 48 : i32
        %add3A_1719 = arith.addi %mul3A_494, %add3A_1718 : i32
        %get3A_1720 = arith.index_cast %add3A_1687 : i32 to index
        %get3A_1721 = arith.index_cast %add3A_1719 : i32 to index
        %get3A_1722 = tpu.vector_load %arg5[%get3A_1720, %get3A_1721] {strides = array<i32>} : memref<64x512xf32, #tpu.memory_space<vmem>>, vector<1x16xf32>,
        %get3A_1723 = vector.shape_cast %get3A_1722 : vector<1x16xf32> to vector<16xf32>
        %add3A_1724 = arith.addf %add3A_1638, %get3A_1723 : vector<16xf32>
        %mul3A_1725 = vector.broadcast %squeeze3A_1683 : f32 to vector<16xf32>
        %mul3A_1726 = arith.mulf %get3A_1723, %mul3A_1725 : vector<16xf32>
        %add3A_1727 = arith.addf %add3A_1641, %mul3A_1726 : vector<16xf32>
        %add3A_1728 = arith.constant 64 : i32
        %add3A_1729 = arith.addi %mul3A_494, %add3A_1728 : i32
        %get3A_1730 = arith.index_cast %add3A_1687 : i32 to index
        %get3A_1731 = arith.index_cast %add3A_1729 : i32 to index
        %get3A_1732 = tpu.vector_load %arg5[%get3A_1730, %get3A_1731] {strides = array<i32>} : memref<64x512xf32, #tpu.memory_space<vmem>>, vector<1x16xf32>,
        %get3A_1733 = vector.shape_cast %get3A_1732 : vector<1x16xf32> to vector<16xf32>
        %add3A_1734 = arith.addf %add3A_1648, %get3A_1733 : vector<16xf32>
        %mul3A_1735 = vector.broadcast %squeeze3A_1683 : f32 to vector<16xf32>
        %mul3A_1736 = arith.mulf %get3A_1733, %mul3A_1735 : vector<16xf32>
        %add3A_1737 = arith.addf %add3A_1651, %mul3A_1736 : vector<16xf32>
        %add3A_1738 = arith.constant 80 : i32
        %add3A_1739 = arith.addi %mul3A_494, %add3A_1738 : i32
        %get3A_1740 = arith.index_cast %add3A_1687 : i32 to index
        %get3A_1741 = arith.index_cast %add3A_1739 : i32 to index
        %get3A_1742 = tpu.vector_load %arg5[%get3A_1740, %get3A_1741] {strides = array<i32>} : memref<64x512xf32, #tpu.memory_space<vmem>>, vector<1x16xf32>,
        %get3A_1743 = vector.shape_cast %get3A_1742 : vector<1x16xf32> to vector<16xf32>
        %add3A_1744 = arith.addf %add3A_1658, %get3A_1743 : vector<16xf32>
        %mul3A_1745 = vector.broadcast %squeeze3A_1683 : f32 to vector<16xf32>
        %mul3A_1746 = arith.mulf %get3A_1743, %mul3A_1745 : vector<16xf32>
        %add3A_1747 = arith.addf %add3A_1661, %mul3A_1746 : vector<16xf32>
        %add3A_1748 = arith.constant 96 : i32
        %add3A_1749 = arith.addi %mul3A_494, %add3A_1748 : i32
        %get3A_1750 = arith.index_cast %add3A_1687 : i32 to index
        %get3A_1751 = arith.index_cast %add3A_1749 : i32 to index
        %get3A_1752 = tpu.vector_load %arg5[%get3A_1750, %get3A_1751] {strides = array<i32>} : memref<64x512xf32, #tpu.memory_space<vmem>>, vector<1x16xf32>,
        %get3A_1753 = vector.shape_cast %get3A_1752 : vector<1x16xf32> to vector<16xf32>
        %add3A_1754 = arith.addf %add3A_1668, %get3A_1753 : vector<16xf32>
        %mul3A_1755 = vector.broadcast %squeeze3A_1683 : f32 to vector<16xf32>
        %mul3A_1756 = arith.mulf %get3A_1753, %mul3A_1755 : vector<16xf32>
        %add3A_1757 = arith.addf %add3A_1671, %mul3A_1756 : vector<16xf32>
        %add3A_1758 = arith.constant 112 : i32
        %add3A_1759 = arith.addi %mul3A_494, %add3A_1758 : i32
        %get3A_1760 = arith.index_cast %add3A_1687 : i32 to index
        %get3A_1761 = arith.index_cast %add3A_1759 : i32 to index
        %get3A_1762 = tpu.vector_load %arg5[%get3A_1760, %get3A_1761] {strides = array<i32>} : memref<64x512xf32, #tpu.memory_space<vmem>>, vector<1x16xf32>,
        %get3A_1763 = vector.shape_cast %get3A_1762 : vector<1x16xf32> to vector<16xf32>
        %add3A_1764 = arith.addf %add3A_1678, %get3A_1763 : vector<16xf32>
        %mul3A_1765 = vector.broadcast %squeeze3A_1683 : f32 to vector<16xf32>
        %mul3A_1766 = arith.mulf %get3A_1763, %mul3A_1765 : vector<16xf32>
        %add3A_1767 = arith.addf %add3A_1681, %mul3A_1766 : vector<16xf32>
        %slice3A_1768 = vector.extract_strided_slice %get3A_651 {offsets = [13], sizes = [1], strides = [1]} : vector<16xf32> to vector<1xf32>
        %squeeze3A_1769 = vector.extract %slice3A_1768[0] : f32 from vector<1xf32>
        %mul3A_1770 = arith.constant 16 : i32
        %mul3A_1771 = arith.muli %scan3A_630, %mul3A_1770 : i32
        %add3A_1772 = arith.constant 13 : i32
        %add3A_1773 = arith.addi %mul3A_1771, %add3A_1772 : i32
        %add3A_1774 = arith.constant 0 : i32
        %add3A_1775 = arith.addi %mul3A_494, %add3A_1774 : i32
        %get3A_1776 = arith.index_cast %add3A_1773 : i32 to index
        %get3A_1777 = arith.index_cast %add3A_1775 : i32 to index
        %get3A_1778 = tpu.vector_load %arg5[%get3A_1776, %get3A_1777] {strides = array<i32>} : memref<64x512xf32, #tpu.memory_space<vmem>>, vector<1x16xf32>,
        %get3A_1779 = vector.shape_cast %get3A_1778 : vector<1x16xf32> to vector<16xf32>
        %add3A_1780 = arith.addf %add3A_1694, %get3A_1779 : vector<16xf32>
        %mul3A_1781 = vector.broadcast %squeeze3A_1769 : f32 to vector<16xf32>
        %mul3A_1782 = arith.mulf %get3A_1779, %mul3A_1781 : vector<16xf32>
        %add3A_1783 = arith.addf %add3A_1697, %mul3A_1782 : vector<16xf32>
        %add3A_1784 = arith.constant 16 : i32
        %add3A_1785 = arith.addi %mul3A_494, %add3A_1784 : i32
        %get3A_1786 = arith.index_cast %add3A_1773 : i32 to index
        %get3A_1787 = arith.index_cast %add3A_1785 : i32 to index
        %get3A_1788 = tpu.vector_load %arg5[%get3A_1786, %get3A_1787] {strides = array<i32>} : memref<64x512xf32, #tpu.memory_space<vmem>>, vector<1x16xf32>,
        %get3A_1789 = vector.shape_cast %get3A_1788 : vector<1x16xf32> to vector<16xf32>
        %add3A_1790 = arith.addf %add3A_1704, %get3A_1789 : vector<16xf32>
        %mul3A_1791 = vector.broadcast %squeeze3A_1769 : f32 to vector<16xf32>
        %mul3A_1792 = arith.mulf %get3A_1789, %mul3A_1791 : vector<16xf32>
        %add3A_1793 = arith.addf %add3A_1707, %mul3A_1792 : vector<16xf32>
        %add3A_1794 = arith.constant 32 : i32
        %add3A_1795 = arith.addi %mul3A_494, %add3A_1794 : i32
        %get3A_1796 = arith.index_cast %add3A_1773 : i32 to index
        %get3A_1797 = arith.index_cast %add3A_1795 : i32 to index
        %get3A_1798 = tpu.vector_load %arg5[%get3A_1796, %get3A_1797] {strides = array<i32>} : memref<64x512xf32, #tpu.memory_space<vmem>>, vector<1x16xf32>,
        %get3A_1799 = vector.shape_cast %get3A_1798 : vector<1x16xf32> to vector<16xf32>
        %add3A_1800 = arith.addf %add3A_1714, %get3A_1799 : vector<16xf32>
        %mul3A_1801 = vector.broadcast %squeeze3A_1769 : f32 to vector<16xf32>
        %mul3A_1802 = arith.mulf %get3A_1799, %mul3A_1801 : vector<16xf32>
        %add3A_1803 = arith.addf %add3A_1717, %mul3A_1802 : vector<16xf32>
        %add3A_1804 = arith.constant 48 : i32
        %add3A_1805 = arith.addi %mul3A_494, %add3A_1804 : i32
        %get3A_1806 = arith.index_cast %add3A_1773 : i32 to index
        %get3A_1807 = arith.index_cast %add3A_1805 : i32 to index
        %get3A_1808 = tpu.vector_load %arg5[%get3A_1806, %get3A_1807] {strides = array<i32>} : memref<64x512xf32, #tpu.memory_space<vmem>>, vector<1x16xf32>,
        %get3A_1809 = vector.shape_cast %get3A_1808 : vector<1x16xf32> to vector<16xf32>
        %add3A_1810 = arith.addf %add3A_1724, %get3A_1809 : vector<16xf32>
        %mul3A_1811 = vector.broadcast %squeeze3A_1769 : f32 to vector<16xf32>
        %mul3A_1812 = arith.mulf %get3A_1809, %mul3A_1811 : vector<16xf32>
        %add3A_1813 = arith.addf %add3A_1727, %mul3A_1812 : vector<16xf32>
        %add3A_1814 = arith.constant 64 : i32
        %add3A_1815 = arith.addi %mul3A_494, %add3A_1814 : i32
        %get3A_1816 = arith.index_cast %add3A_1773 : i32 to index
        %get3A_1817 = arith.index_cast %add3A_1815 : i32 to index
        %get3A_1818 = tpu.vector_load %arg5[%get3A_1816, %get3A_1817] {strides = array<i32>} : memref<64x512xf32, #tpu.memory_space<vmem>>, vector<1x16xf32>,
        %get3A_1819 = vector.shape_cast %get3A_1818 : vector<1x16xf32> to vector<16xf32>
        %add3A_1820 = arith.addf %add3A_1734, %get3A_1819 : vector<16xf32>
        %mul3A_1821 = vector.broadcast %squeeze3A_1769 : f32 to vector<16xf32>
        %mul3A_1822 = arith.mulf %get3A_1819, %mul3A_1821 : vector<16xf32>
        %add3A_1823 = arith.addf %add3A_1737, %mul3A_1822 : vector<16xf32>
        %add3A_1824 = arith.constant 80 : i32
        %add3A_1825 = arith.addi %mul3A_494, %add3A_1824 : i32
        %get3A_1826 = arith.index_cast %add3A_1773 : i32 to index
        %get3A_1827 = arith.index_cast %add3A_1825 : i32 to index
        %get3A_1828 = tpu.vector_load %arg5[%get3A_1826, %get3A_1827] {strides = array<i32>} : memref<64x512xf32, #tpu.memory_space<vmem>>, vector<1x16xf32>,
        %get3A_1829 = vector.shape_cast %get3A_1828 : vector<1x16xf32> to vector<16xf32>
        %add3A_1830 = arith.addf %add3A_1744, %get3A_1829 : vector<16xf32>
        %mul3A_1831 = vector.broadcast %squeeze3A_1769 : f32 to vector<16xf32>
        %mul3A_1832 = arith.mulf %get3A_1829, %mul3A_1831 : vector<16xf32>
        %add3A_1833 = arith.addf %add3A_1747, %mul3A_1832 : vector<16xf32>
        %add3A_1834 = arith.constant 96 : i32
        %add3A_1835 = arith.addi %mul3A_494, %add3A_1834 : i32
        %get3A_1836 = arith.index_cast %add3A_1773 : i32 to index
        %get3A_1837 = arith.index_cast %add3A_1835 : i32 to index
        %get3A_1838 = tpu.vector_load %arg5[%get3A_1836, %get3A_1837] {strides = array<i32>} : memref<64x512xf32, #tpu.memory_space<vmem>>, vector<1x16xf32>,
        %get3A_1839 = vector.shape_cast %get3A_1838 : vector<1x16xf32> to vector<16xf32>
        %add3A_1840 = arith.addf %add3A_1754, %get3A_1839 : vector<16xf32>
        %mul3A_1841 = vector.broadcast %squeeze3A_1769 : f32 to vector<16xf32>
        %mul3A_1842 = arith.mulf %get3A_1839, %mul3A_1841 : vector<16xf32>
        %add3A_1843 = arith.addf %add3A_1757, %mul3A_1842 : vector<16xf32>
        %add3A_1844 = arith.constant 112 : i32
        %add3A_1845 = arith.addi %mul3A_494, %add3A_1844 : i32
        %get3A_1846 = arith.index_cast %add3A_1773 : i32 to index
        %get3A_1847 = arith.index_cast %add3A_1845 : i32 to index
        %get3A_1848 = tpu.vector_load %arg5[%get3A_1846, %get3A_1847] {strides = array<i32>} : memref<64x512xf32, #tpu.memory_space<vmem>>, vector<1x16xf32>,
        %get3A_1849 = vector.shape_cast %get3A_1848 : vector<1x16xf32> to vector<16xf32>
        %add3A_1850 = arith.addf %add3A_1764, %get3A_1849 : vector<16xf32>
        %mul3A_1851 = vector.broadcast %squeeze3A_1769 : f32 to vector<16xf32>
        %mul3A_1852 = arith.mulf %get3A_1849, %mul3A_1851 : vector<16xf32>
        %add3A_1853 = arith.addf %add3A_1767, %mul3A_1852 : vector<16xf32>
        %slice3A_1854 = vector.extract_strided_slice %get3A_651 {offsets = [14], sizes = [1], strides = [1]} : vector<16xf32> to vector<1xf32>
        %squeeze3A_1855 = vector.extract %slice3A_1854[0] : f32 from vector<1xf32>
        %mul3A_1856 = arith.constant 16 : i32
        %mul3A_1857 = arith.muli %scan3A_630, %mul3A_1856 : i32
        %add3A_1858 = arith.constant 14 : i32
        %add3A_1859 = arith.addi %mul3A_1857, %add3A_1858 : i32
        %add3A_1860 = arith.constant 0 : i32
        %add3A_1861 = arith.addi %mul3A_494, %add3A_1860 : i32
        %get3A_1862 = arith.index_cast %add3A_1859 : i32 to index
        %get3A_1863 = arith.index_cast %add3A_1861 : i32 to index
        %get3A_1864 = tpu.vector_load %arg5[%get3A_1862, %get3A_1863] {strides = array<i32>} : memref<64x512xf32, #tpu.memory_space<vmem>>, vector<1x16xf32>,
        %get3A_1865 = vector.shape_cast %get3A_1864 : vector<1x16xf32> to vector<16xf32>
        %add3A_1866 = arith.addf %add3A_1780, %get3A_1865 : vector<16xf32>
        %mul3A_1867 = vector.broadcast %squeeze3A_1855 : f32 to vector<16xf32>
        %mul3A_1868 = arith.mulf %get3A_1865, %mul3A_1867 : vector<16xf32>
        %add3A_1869 = arith.addf %add3A_1783, %mul3A_1868 : vector<16xf32>
        %add3A_1870 = arith.constant 16 : i32
        %add3A_1871 = arith.addi %mul3A_494, %add3A_1870 : i32
        %get3A_1872 = arith.index_cast %add3A_1859 : i32 to index
        %get3A_1873 = arith.index_cast %add3A_1871 : i32 to index
        %get3A_1874 = tpu.vector_load %arg5[%get3A_1872, %get3A_1873] {strides = array<i32>} : memref<64x512xf32, #tpu.memory_space<vmem>>, vector<1x16xf32>,
        %get3A_1875 = vector.shape_cast %get3A_1874 : vector<1x16xf32> to vector<16xf32>
        %add3A_1876 = arith.addf %add3A_1790, %get3A_1875 : vector<16xf32>
        %mul3A_1877 = vector.broadcast %squeeze3A_1855 : f32 to vector<16xf32>
        %mul3A_1878 = arith.mulf %get3A_1875, %mul3A_1877 : vector<16xf32>
        %add3A_1879 = arith.addf %add3A_1793, %mul3A_1878 : vector<16xf32>
        %add3A_1880 = arith.constant 32 : i32
        %add3A_1881 = arith.addi %mul3A_494, %add3A_1880 : i32
        %get3A_1882 = arith.index_cast %add3A_1859 : i32 to index
        %get3A_1883 = arith.index_cast %add3A_1881 : i32 to index
        %get3A_1884 = tpu.vector_load %arg5[%get3A_1882, %get3A_1883] {strides = array<i32>} : memref<64x512xf32, #tpu.memory_space<vmem>>, vector<1x16xf32>,
        %get3A_1885 = vector.shape_cast %get3A_1884 : vector<1x16xf32> to vector<16xf32>
        %add3A_1886 = arith.addf %add3A_1800, %get3A_1885 : vector<16xf32>
        %mul3A_1887 = vector.broadcast %squeeze3A_1855 : f32 to vector<16xf32>
        %mul3A_1888 = arith.mulf %get3A_1885, %mul3A_1887 : vector<16xf32>
        %add3A_1889 = arith.addf %add3A_1803, %mul3A_1888 : vector<16xf32>
        %add3A_1890 = arith.constant 48 : i32
        %add3A_1891 = arith.addi %mul3A_494, %add3A_1890 : i32
        %get3A_1892 = arith.index_cast %add3A_1859 : i32 to index
        %get3A_1893 = arith.index_cast %add3A_1891 : i32 to index
        %get3A_1894 = tpu.vector_load %arg5[%get3A_1892, %get3A_1893] {strides = array<i32>} : memref<64x512xf32, #tpu.memory_space<vmem>>, vector<1x16xf32>,
        %get3A_1895 = vector.shape_cast %get3A_1894 : vector<1x16xf32> to vector<16xf32>
        %add3A_1896 = arith.addf %add3A_1810, %get3A_1895 : vector<16xf32>
        %mul3A_1897 = vector.broadcast %squeeze3A_1855 : f32 to vector<16xf32>
        %mul3A_1898 = arith.mulf %get3A_1895, %mul3A_1897 : vector<16xf32>
        %add3A_1899 = arith.addf %add3A_1813, %mul3A_1898 : vector<16xf32>
        %add3A_1900 = arith.constant 64 : i32
        %add3A_1901 = arith.addi %mul3A_494, %add3A_1900 : i32
        %get3A_1902 = arith.index_cast %add3A_1859 : i32 to index
        %get3A_1903 = arith.index_cast %add3A_1901 : i32 to index
        %get3A_1904 = tpu.vector_load %arg5[%get3A_1902, %get3A_1903] {strides = array<i32>} : memref<64x512xf32, #tpu.memory_space<vmem>>, vector<1x16xf32>,
        %get3A_1905 = vector.shape_cast %get3A_1904 : vector<1x16xf32> to vector<16xf32>
        %add3A_1906 = arith.addf %add3A_1820, %get3A_1905 : vector<16xf32>
        %mul3A_1907 = vector.broadcast %squeeze3A_1855 : f32 to vector<16xf32>
        %mul3A_1908 = arith.mulf %get3A_1905, %mul3A_1907 : vector<16xf32>
        %add3A_1909 = arith.addf %add3A_1823, %mul3A_1908 : vector<16xf32>
        %add3A_1910 = arith.constant 80 : i32
        %add3A_1911 = arith.addi %mul3A_494, %add3A_1910 : i32
        %get3A_1912 = arith.index_cast %add3A_1859 : i32 to index
        %get3A_1913 = arith.index_cast %add3A_1911 : i32 to index
        %get3A_1914 = tpu.vector_load %arg5[%get3A_1912, %get3A_1913] {strides = array<i32>} : memref<64x512xf32, #tpu.memory_space<vmem>>, vector<1x16xf32>,
        %get3A_1915 = vector.shape_cast %get3A_1914 : vector<1x16xf32> to vector<16xf32>
        %add3A_1916 = arith.addf %add3A_1830, %get3A_1915 : vector<16xf32>
        %mul3A_1917 = vector.broadcast %squeeze3A_1855 : f32 to vector<16xf32>
        %mul3A_1918 = arith.mulf %get3A_1915, %mul3A_1917 : vector<16xf32>
        %add3A_1919 = arith.addf %add3A_1833, %mul3A_1918 : vector<16xf32>
        %add3A_1920 = arith.constant 96 : i32
        %add3A_1921 = arith.addi %mul3A_494, %add3A_1920 : i32
        %get3A_1922 = arith.index_cast %add3A_1859 : i32 to index
        %get3A_1923 = arith.index_cast %add3A_1921 : i32 to index
        %get3A_1924 = tpu.vector_load %arg5[%get3A_1922, %get3A_1923] {strides = array<i32>} : memref<64x512xf32, #tpu.memory_space<vmem>>, vector<1x16xf32>,
        %get3A_1925 = vector.shape_cast %get3A_1924 : vector<1x16xf32> to vector<16xf32>
        %add3A_1926 = arith.addf %add3A_1840, %get3A_1925 : vector<16xf32>
        %mul3A_1927 = vector.broadcast %squeeze3A_1855 : f32 to vector<16xf32>
        %mul3A_1928 = arith.mulf %get3A_1925, %mul3A_1927 : vector<16xf32>
        %add3A_1929 = arith.addf %add3A_1843, %mul3A_1928 : vector<16xf32>
        %add3A_1930 = arith.constant 112 : i32
        %add3A_1931 = arith.addi %mul3A_494, %add3A_1930 : i32
        %get3A_1932 = arith.index_cast %add3A_1859 : i32 to index
        %get3A_1933 = arith.index_cast %add3A_1931 : i32 to index
        %get3A_1934 = tpu.vector_load %arg5[%get3A_1932, %get3A_1933] {strides = array<i32>} : memref<64x512xf32, #tpu.memory_space<vmem>>, vector<1x16xf32>,
        %get3A_1935 = vector.shape_cast %get3A_1934 : vector<1x16xf32> to vector<16xf32>
        %add3A_1936 = arith.addf %add3A_1850, %get3A_1935 : vector<16xf32>
        %mul3A_1937 = vector.broadcast %squeeze3A_1855 : f32 to vector<16xf32>
        %mul3A_1938 = arith.mulf %get3A_1935, %mul3A_1937 : vector<16xf32>
        %add3A_1939 = arith.addf %add3A_1853, %mul3A_1938 : vector<16xf32>
        %slice3A_1940 = vector.extract_strided_slice %get3A_651 {offsets = [15], sizes = [1], strides = [1]} : vector<16xf32> to vector<1xf32>
        %squeeze3A_1941 = vector.extract %slice3A_1940[0] : f32 from vector<1xf32>
        %mul3A_1942 = arith.constant 16 : i32
        %mul3A_1943 = arith.muli %scan3A_630, %mul3A_1942 : i32
        %add3A_1944 = arith.constant 15 : i32
        %add3A_1945 = arith.addi %mul3A_1943, %add3A_1944 : i32
        %add3A_1946 = arith.constant 0 : i32
        %add3A_1947 = arith.addi %mul3A_494, %add3A_1946 : i32
        %get3A_1948 = arith.index_cast %add3A_1945 : i32 to index
        %get3A_1949 = arith.index_cast %add3A_1947 : i32 to index
        %get3A_1950 = tpu.vector_load %arg5[%get3A_1948, %get3A_1949] {strides = array<i32>} : memref<64x512xf32, #tpu.memory_space<vmem>>, vector<1x16xf32>,
        %get3A_1951 = vector.shape_cast %get3A_1950 : vector<1x16xf32> to vector<16xf32>
        %add3A_1952 = arith.addf %add3A_1866, %get3A_1951 : vector<16xf32>
        %mul3A_1953 = vector.broadcast %squeeze3A_1941 : f32 to vector<16xf32>
        %mul3A_1954 = arith.mulf %get3A_1951, %mul3A_1953 : vector<16xf32>
        %add3A_1955 = arith.addf %add3A_1869, %mul3A_1954 : vector<16xf32>
        %add3A_1956 = arith.constant 16 : i32
        %add3A_1957 = arith.addi %mul3A_494, %add3A_1956 : i32
        %get3A_1958 = arith.index_cast %add3A_1945 : i32 to index
        %get3A_1959 = arith.index_cast %add3A_1957 : i32 to index
        %get3A_1960 = tpu.vector_load %arg5[%get3A_1958, %get3A_1959] {strides = array<i32>} : memref<64x512xf32, #tpu.memory_space<vmem>>, vector<1x16xf32>,
        %get3A_1961 = vector.shape_cast %get3A_1960 : vector<1x16xf32> to vector<16xf32>
        %add3A_1962 = arith.addf %add3A_1876, %get3A_1961 : vector<16xf32>
        %mul3A_1963 = vector.broadcast %squeeze3A_1941 : f32 to vector<16xf32>
        %mul3A_1964 = arith.mulf %get3A_1961, %mul3A_1963 : vector<16xf32>
        %add3A_1965 = arith.addf %add3A_1879, %mul3A_1964 : vector<16xf32>
        %add3A_1966 = arith.constant 32 : i32
        %add3A_1967 = arith.addi %mul3A_494, %add3A_1966 : i32
        %get3A_1968 = arith.index_cast %add3A_1945 : i32 to index
        %get3A_1969 = arith.index_cast %add3A_1967 : i32 to index
        %get3A_1970 = tpu.vector_load %arg5[%get3A_1968, %get3A_1969] {strides = array<i32>} : memref<64x512xf32, #tpu.memory_space<vmem>>, vector<1x16xf32>,
        %get3A_1971 = vector.shape_cast %get3A_1970 : vector<1x16xf32> to vector<16xf32>
        %add3A_1972 = arith.addf %add3A_1886, %get3A_1971 : vector<16xf32>
        %mul3A_1973 = vector.broadcast %squeeze3A_1941 : f32 to vector<16xf32>
        %mul3A_1974 = arith.mulf %get3A_1971, %mul3A_1973 : vector<16xf32>
        %add3A_1975 = arith.addf %add3A_1889, %mul3A_1974 : vector<16xf32>
        %add3A_1976 = arith.constant 48 : i32
        %add3A_1977 = arith.addi %mul3A_494, %add3A_1976 : i32
        %get3A_1978 = arith.index_cast %add3A_1945 : i32 to index
        %get3A_1979 = arith.index_cast %add3A_1977 : i32 to index
        %get3A_1980 = tpu.vector_load %arg5[%get3A_1978, %get3A_1979] {strides = array<i32>} : memref<64x512xf32, #tpu.memory_space<vmem>>, vector<1x16xf32>,
        %get3A_1981 = vector.shape_cast %get3A_1980 : vector<1x16xf32> to vector<16xf32>
        %add3A_1982 = arith.addf %add3A_1896, %get3A_1981 : vector<16xf32>
        %mul3A_1983 = vector.broadcast %squeeze3A_1941 : f32 to vector<16xf32>
        %mul3A_1984 = arith.mulf %get3A_1981, %mul3A_1983 : vector<16xf32>
        %add3A_1985 = arith.addf %add3A_1899, %mul3A_1984 : vector<16xf32>
        %add3A_1986 = arith.constant 64 : i32
        %add3A_1987 = arith.addi %mul3A_494, %add3A_1986 : i32
        %get3A_1988 = arith.index_cast %add3A_1945 : i32 to index
        %get3A_1989 = arith.index_cast %add3A_1987 : i32 to index
        %get3A_1990 = tpu.vector_load %arg5[%get3A_1988, %get3A_1989] {strides = array<i32>} : memref<64x512xf32, #tpu.memory_space<vmem>>, vector<1x16xf32>,
        %get3A_1991 = vector.shape_cast %get3A_1990 : vector<1x16xf32> to vector<16xf32>
        %add3A_1992 = arith.addf %add3A_1906, %get3A_1991 : vector<16xf32>
        %mul3A_1993 = vector.broadcast %squeeze3A_1941 : f32 to vector<16xf32>
        %mul3A_1994 = arith.mulf %get3A_1991, %mul3A_1993 : vector<16xf32>
        %add3A_1995 = arith.addf %add3A_1909, %mul3A_1994 : vector<16xf32>
        %add3A_1996 = arith.constant 80 : i32
        %add3A_1997 = arith.addi %mul3A_494, %add3A_1996 : i32
        %get3A_1998 = arith.index_cast %add3A_1945 : i32 to index
        %get3A_1999 = arith.index_cast %add3A_1997 : i32 to index
        %get3A_2000 = tpu.vector_load %arg5[%get3A_1998, %get3A_1999] {strides = array<i32>} : memref<64x512xf32, #tpu.memory_space<vmem>>, vector<1x16xf32>,
        %get3A_2001 = vector.shape_cast %get3A_2000 : vector<1x16xf32> to vector<16xf32>
        %add3A_2002 = arith.addf %add3A_1916, %get3A_2001 : vector<16xf32>
        %mul3A_2003 = vector.broadcast %squeeze3A_1941 : f32 to vector<16xf32>
        %mul3A_2004 = arith.mulf %get3A_2001, %mul3A_2003 : vector<16xf32>
        %add3A_2005 = arith.addf %add3A_1919, %mul3A_2004 : vector<16xf32>
        %add3A_2006 = arith.constant 96 : i32
        %add3A_2007 = arith.addi %mul3A_494, %add3A_2006 : i32
        %get3A_2008 = arith.index_cast %add3A_1945 : i32 to index
        %get3A_2009 = arith.index_cast %add3A_2007 : i32 to index
        %get3A_2010 = tpu.vector_load %arg5[%get3A_2008, %get3A_2009] {strides = array<i32>} : memref<64x512xf32, #tpu.memory_space<vmem>>, vector<1x16xf32>,
        %get3A_2011 = vector.shape_cast %get3A_2010 : vector<1x16xf32> to vector<16xf32>
        %add3A_2012 = arith.addf %add3A_1926, %get3A_2011 : vector<16xf32>
        %mul3A_2013 = vector.broadcast %squeeze3A_1941 : f32 to vector<16xf32>
        %mul3A_2014 = arith.mulf %get3A_2011, %mul3A_2013 : vector<16xf32>
        %add3A_2015 = arith.addf %add3A_1929, %mul3A_2014 : vector<16xf32>
        %add3A_2016 = arith.constant 112 : i32
        %add3A_2017 = arith.addi %mul3A_494, %add3A_2016 : i32
        %get3A_2018 = arith.index_cast %add3A_1945 : i32 to index
        %get3A_2019 = arith.index_cast %add3A_2017 : i32 to index
        %get3A_2020 = tpu.vector_load %arg5[%get3A_2018, %get3A_2019] {strides = array<i32>} : memref<64x512xf32, #tpu.memory_space<vmem>>, vector<1x16xf32>,
        %get3A_2021 = vector.shape_cast %get3A_2020 : vector<1x16xf32> to vector<16xf32>
        %add3A_2022 = arith.addf %add3A_1936, %get3A_2021 : vector<16xf32>
        %mul3A_2023 = vector.broadcast %squeeze3A_1941 : f32 to vector<16xf32>
        %mul3A_2024 = arith.mulf %get3A_2021, %mul3A_2023 : vector<16xf32>
        %add3A_2025 = arith.addf %add3A_1939, %mul3A_2024 : vector<16xf32>
        scf.yield %add3A_1952, %add3A_1962, %add3A_1972, %add3A_1982, %add3A_1992, %add3A_2002, %add3A_2012, %add3A_2022, %add3A_1955, %add3A_1965, %add3A_1975, %add3A_1985, %add3A_1995, %add3A_2005, %add3A_2015, %add3A_2025 : vector<16xf32>, vector<16xf32>, vector<16xf32>, vector<16xf32>, vector<16xf32>, vector<16xf32>, vector<16xf32>, vector<16xf32>, vector<16xf32>, vector<16xf32>, vector<16xf32>, vector<16xf32>, vector<16xf32>, vector<16xf32>, vector<16xf32>, vector<16xf32>
      }
      %scan3A_500 = arith.constant 4 : i32
      %add3A_501 = arith.constant 0 : i32
      %add3A_502 = arith.addi %mul3A_494, %add3A_501 : i32
      %swap3A_503 = arith.constant 0 : i32
      %swap3A_504 = arith.index_cast %swap3A_503 : i32 to index
      %swap3A_505 = arith.index_cast %add3A_502 : i32 to index
      %swap3A_506 = tpu.vector_load %arg8[%swap3A_504, %swap3A_505] {strides = array<i32>} : memref<2x512xf32, #tpu.memory_space<vmem>>, vector<1x16xf32>,
      %swap3A_507 = vector.shape_cast %swap3A_506 : vector<1x16xf32> to vector<16xf32>
      %swap3A_508 = vector.shape_cast %scan3A_499#0 : vector<16xf32> to vector<1x16xf32>
      tpu.vector_store %arg8[%swap3A_504, %swap3A_505], %swap3A_508 {add = true, strides = array<i32>} : memref<2x512xf32, #tpu.memory_space<vmem>>, vector<1x16xf32>,
      %add3A_509 = arith.constant 0 : i32
      %add3A_510 = arith.addi %mul3A_494, %add3A_509 : i32
      %swap3A_511 = arith.constant 1 : i32
      %swap3A_512 = arith.index_cast %swap3A_511 : i32 to index
      %swap3A_513 = arith.index_cast %add3A_510 : i32 to index
      %swap3A_514 = tpu.vector_load %arg8[%swap3A_512, %swap3A_513] {strides = array<i32>} : memref<2x512xf32, #tpu.memory_space<vmem>>, vector<1x16xf32>,
      %swap3A_515 = vector.shape_cast %swap3A_514 : vector<1x16xf32> to vector<16xf32>
      %swap3A_516 = vector.shape_cast %scan3A_499#8 : vector<16xf32> to vector<1x16xf32>
      tpu.vector_store %arg8[%swap3A_512, %swap3A_513], %swap3A_516 {add = true, strides = array<i32>} : memref<2x512xf32, #tpu.memory_space<vmem>>, vector<1x16xf32>,
      %add3A_517 = arith.constant 16 : i32
      %add3A_518 = arith.addi %mul3A_494, %add3A_517 : i32
      %swap3A_519 = arith.constant 0 : i32
      %swap3A_520 = arith.index_cast %swap3A_519 : i32 to index
      %swap3A_521 = arith.index_cast %add3A_518 : i32 to index
      %swap3A_522 = tpu.vector_load %arg8[%swap3A_520, %swap3A_521] {strides = array<i32>} : memref<2x512xf32, #tpu.memory_space<vmem>>, vector<1x16xf32>,
      %swap3A_523 = vector.shape_cast %swap3A_522 : vector<1x16xf32> to vector<16xf32>
      %swap3A_524 = vector.shape_cast %scan3A_499#1 : vector<16xf32> to vector<1x16xf32>
      tpu.vector_store %arg8[%swap3A_520, %swap3A_521], %swap3A_524 {add = true, strides = array<i32>} : memref<2x512xf32, #tpu.memory_space<vmem>>, vector<1x16xf32>,
      %add3A_525 = arith.constant 16 : i32
      %add3A_526 = arith.addi %mul3A_494, %add3A_525 : i32
      %swap3A_527 = arith.constant 1 : i32
      %swap3A_528 = arith.index_cast %swap3A_527 : i32 to index
      %swap3A_529 = arith.index_cast %add3A_526 : i32 to index
      %swap3A_530 = tpu.vector_load %arg8[%swap3A_528, %swap3A_529] {strides = array<i32>} : memref<2x512xf32, #tpu.memory_space<vmem>>, vector<1x16xf32>,
      %swap3A_531 = vector.shape_cast %swap3A_530 : vector<1x16xf32> to vector<16xf32>
      %swap3A_532 = vector.shape_cast %scan3A_499#9 : vector<16xf32> to vector<1x16xf32>
      tpu.vector_store %arg8[%swap3A_528, %swap3A_529], %swap3A_532 {add = true, strides = array<i32>} : memref<2x512xf32, #tpu.memory_space<vmem>>, vector<1x16xf32>,
      %add3A_533 = arith.constant 32 : i32
      %add3A_534 = arith.addi %mul3A_494, %add3A_533 : i32
      %swap3A_535 = arith.constant 0 : i32
      %swap3A_536 = arith.index_cast %swap3A_535 : i32 to index
      %swap3A_537 = arith.index_cast %add3A_534 : i32 to index
      %swap3A_538 = tpu.vector_load %arg8[%swap3A_536, %swap3A_537] {strides = array<i32>} : memref<2x512xf32, #tpu.memory_space<vmem>>, vector<1x16xf32>,
      %swap3A_539 = vector.shape_cast %swap3A_538 : vector<1x16xf32> to vector<16xf32>
      %swap3A_540 = vector.shape_cast %scan3A_499#2 : vector<16xf32> to vector<1x16xf32>
      tpu.vector_store %arg8[%swap3A_536, %swap3A_537], %swap3A_540 {add = true, strides = array<i32>} : memref<2x512xf32, #tpu.memory_space<vmem>>, vector<1x16xf32>,
      %add3A_541 = arith.constant 32 : i32
      %add3A_542 = arith.addi %mul3A_494, %add3A_541 : i32
      %swap3A_543 = arith.constant 1 : i32
      %swap3A_544 = arith.index_cast %swap3A_543 : i32 to index
      %swap3A_545 = arith.index_cast %add3A_542 : i32 to index
      %swap3A_546 = tpu.vector_load %arg8[%swap3A_544, %swap3A_545] {strides = array<i32>} : memref<2x512xf32, #tpu.memory_space<vmem>>, vector<1x16xf32>,
      %swap3A_547 = vector.shape_cast %swap3A_546 : vector<1x16xf32> to vector<16xf32>
      %swap3A_548 = vector.shape_cast %scan3A_499#10 : vector<16xf32> to vector<1x16xf32>
      tpu.vector_store %arg8[%swap3A_544, %swap3A_545], %swap3A_548 {add = true, strides = array<i32>} : memref<2x512xf32, #tpu.memory_space<vmem>>, vector<1x16xf32>,
      %add3A_549 = arith.constant 48 : i32
      %add3A_550 = arith.addi %mul3A_494, %add3A_549 : i32
      %swap3A_551 = arith.constant 0 : i32
      %swap3A_552 = arith.index_cast %swap3A_551 : i32 to index
      %swap3A_553 = arith.index_cast %add3A_550 : i32 to index
      %swap3A_554 = tpu.vector_load %arg8[%swap3A_552, %swap3A_553] {strides = array<i32>} : memref<2x512xf32, #tpu.memory_space<vmem>>, vector<1x16xf32>,
      %swap3A_555 = vector.shape_cast %swap3A_554 : vector<1x16xf32> to vector<16xf32>
      %swap3A_556 = vector.shape_cast %scan3A_499#3 : vector<16xf32> to vector<1x16xf32>
      tpu.vector_store %arg8[%swap3A_552, %swap3A_553], %swap3A_556 {add = true, strides = array<i32>} : memref<2x512xf32, #tpu.memory_space<vmem>>, vector<1x16xf32>,
      %add3A_557 = arith.constant 48 : i32
      %add3A_558 = arith.addi %mul3A_494, %add3A_557 : i32
      %swap3A_559 = arith.constant 1 : i32
      %swap3A_560 = arith.index_cast %swap3A_559 : i32 to index
      %swap3A_561 = arith.index_cast %add3A_558 : i32 to index
      %swap3A_562 = tpu.vector_load %arg8[%swap3A_560, %swap3A_561] {strides = array<i32>} : memref<2x512xf32, #tpu.memory_space<vmem>>, vector<1x16xf32>,
      %swap3A_563 = vector.shape_cast %swap3A_562 : vector<1x16xf32> to vector<16xf32>
      %swap3A_564 = vector.shape_cast %scan3A_499#11 : vector<16xf32> to vector<1x16xf32>
      tpu.vector_store %arg8[%swap3A_560, %swap3A_561], %swap3A_564 {add = true, strides = array<i32>} : memref<2x512xf32, #tpu.memory_space<vmem>>, vector<1x16xf32>,
      %add3A_565 = arith.constant 64 : i32
      %add3A_566 = arith.addi %mul3A_494, %add3A_565 : i32
      %swap3A_567 = arith.constant 0 : i32
      %swap3A_568 = arith.index_cast %swap3A_567 : i32 to index
      %swap3A_569 = arith.index_cast %add3A_566 : i32 to index
      %swap3A_570 = tpu.vector_load %arg8[%swap3A_568, %swap3A_569] {strides = array<i32>} : memref<2x512xf32, #tpu.memory_space<vmem>>, vector<1x16xf32>,
      %swap3A_571 = vector.shape_cast %swap3A_570 : vector<1x16xf32> to vector<16xf32>
      %swap3A_572 = vector.shape_cast %scan3A_499#4 : vector<16xf32> to vector<1x16xf32>
      tpu.vector_store %arg8[%swap3A_568, %swap3A_569], %swap3A_572 {add = true, strides = array<i32>} : memref<2x512xf32, #tpu.memory_space<vmem>>, vector<1x16xf32>,
      %add3A_573 = arith.constant 64 : i32
      %add3A_574 = arith.addi %mul3A_494, %add3A_573 : i32
      %swap3A_575 = arith.constant 1 : i32
      %swap3A_576 = arith.index_cast %swap3A_575 : i32 to index
      %swap3A_577 = arith.index_cast %add3A_574 : i32 to index
      %swap3A_578 = tpu.vector_load %arg8[%swap3A_576, %swap3A_577] {strides = array<i32>} : memref<2x512xf32, #tpu.memory_space<vmem>>, vector<1x16xf32>,
      %swap3A_579 = vector.shape_cast %swap3A_578 : vector<1x16xf32> to vector<16xf32>
      %swap3A_580 = vector.shape_cast %scan3A_499#12 : vector<16xf32> to vector<1x16xf32>
      tpu.vector_store %arg8[%swap3A_576, %swap3A_577], %swap3A_580 {add = true, strides = array<i32>} : memref<2x512xf32, #tpu.memory_space<vmem>>, vector<1x16xf32>,
      %add3A_581 = arith.constant 80 : i32
      %add3A_582 = arith.addi %mul3A_494, %add3A_581 : i32
      %swap3A_583 = arith.constant 0 : i32
      %swap3A_584 = arith.index_cast %swap3A_583 : i32 to index
      %swap3A_585 = arith.index_cast %add3A_582 : i32 to index
      %swap3A_586 = tpu.vector_load %arg8[%swap3A_584, %swap3A_585] {strides = array<i32>} : memref<2x512xf32, #tpu.memory_space<vmem>>, vector<1x16xf32>,
      %swap3A_587 = vector.shape_cast %swap3A_586 : vector<1x16xf32> to vector<16xf32>
      %swap3A_588 = vector.shape_cast %scan3A_499#5 : vector<16xf32> to vector<1x16xf32>
      tpu.vector_store %arg8[%swap3A_584, %swap3A_585], %swap3A_588 {add = true, strides = array<i32>} : memref<2x512xf32, #tpu.memory_space<vmem>>, vector<1x16xf32>,
      %add3A_589 = arith.constant 80 : i32
      %add3A_590 = arith.addi %mul3A_494, %add3A_589 : i32
      %swap3A_591 = arith.constant 1 : i32
      %swap3A_592 = arith.index_cast %swap3A_591 : i32 to index
      %swap3A_593 = arith.index_cast %add3A_590 : i32 to index
      %swap3A_594 = tpu.vector_load %arg8[%swap3A_592, %swap3A_593] {strides = array<i32>} : memref<2x512xf32, #tpu.memory_space<vmem>>, vector<1x16xf32>,
      %swap3A_595 = vector.shape_cast %swap3A_594 : vector<1x16xf32> to vector<16xf32>
      %swap3A_596 = vector.shape_cast %scan3A_499#13 : vector<16xf32> to vector<1x16xf32>
      tpu.vector_store %arg8[%swap3A_592, %swap3A_593], %swap3A_596 {add = true, strides = array<i32>} : memref<2x512xf32, #tpu.memory_space<vmem>>, vector<1x16xf32>,
      %add3A_597 = arith.constant 96 : i32
      %add3A_598 = arith.addi %mul3A_494, %add3A_597 : i32
      %swap3A_599 = arith.constant 0 : i32
      %swap3A_600 = arith.index_cast %swap3A_599 : i32 to index
      %swap3A_601 = arith.index_cast %add3A_598 : i32 to index
      %swap3A_602 = tpu.vector_load %arg8[%swap3A_600, %swap3A_601] {strides = array<i32>} : memref<2x512xf32, #tpu.memory_space<vmem>>, vector<1x16xf32>,
      %swap3A_603 = vector.shape_cast %swap3A_602 : vector<1x16xf32> to vector<16xf32>
      %swap3A_604 = vector.shape_cast %scan3A_499#6 : vector<16xf32> to vector<1x16xf32>
      tpu.vector_store %arg8[%swap3A_600, %swap3A_601], %swap3A_604 {add = true, strides = array<i32>} : memref<2x512xf32, #tpu.memory_space<vmem>>, vector<1x16xf32>,
      %add3A_605 = arith.constant 96 : i32
      %add3A_606 = arith.addi %mul3A_494, %add3A_605 : i32
      %swap3A_607 = arith.constant 1 : i32
      %swap3A_608 = arith.index_cast %swap3A_607 : i32 to index
      %swap3A_609 = arith.index_cast %add3A_606 : i32 to index
      %swap3A_610 = tpu.vector_load %arg8[%swap3A_608, %swap3A_609] {strides = array<i32>} : memref<2x512xf32, #tpu.memory_space<vmem>>, vector<1x16xf32>,
      %swap3A_611 = vector.shape_cast %swap3A_610 : vector<1x16xf32> to vector<16xf32>
      %swap3A_612 = vector.shape_cast %scan3A_499#14 : vector<16xf32> to vector<1x16xf32>
      tpu.vector_store %arg8[%swap3A_608, %swap3A_609], %swap3A_612 {add = true, strides = array<i32>} : memref<2x512xf32, #tpu.memory_space<vmem>>, vector<1x16xf32>,
      %add3A_613 = arith.constant 112 : i32
      %add3A_614 = arith.addi %mul3A_494, %add3A_613 : i32
      %swap3A_615 = arith.constant 0 : i32
      %swap3A_616 = arith.index_cast %swap3A_615 : i32 to index
      %swap3A_617 = arith.index_cast %add3A_614 : i32 to index
      %swap3A_618 = tpu.vector_load %arg8[%swap3A_616, %swap3A_617] {strides = array<i32>} : memref<2x512xf32, #tpu.memory_space<vmem>>, vector<1x16xf32>,
      %swap3A_619 = vector.shape_cast %swap3A_618 : vector<1x16xf32> to vector<16xf32>
      %swap3A_620 = vector.shape_cast %scan3A_499#7 : vector<16xf32> to vector<1x16xf32>
      tpu.vector_store %arg8[%swap3A_616, %swap3A_617], %swap3A_620 {add = true, strides = array<i32>} : memref<2x512xf32, #tpu.memory_space<vmem>>, vector<1x16xf32>,
      %add3A_621 = arith.constant 112 : i32
      %add3A_622 = arith.addi %mul3A_494, %add3A_621 : i32
      %swap3A_623 = arith.constant 1 : i32
      %swap3A_624 = arith.index_cast %swap3A_623 : i32 to index
      %swap3A_625 = arith.index_cast %add3A_622 : i32 to index
      %swap3A_626 = tpu.vector_load %arg8[%swap3A_624, %swap3A_625] {strides = array<i32>} : memref<2x512xf32, #tpu.memory_space<vmem>>, vector<1x16xf32>,
      %swap3A_627 = vector.shape_cast %swap3A_626 : vector<1x16xf32> to vector<16xf32>
      %swap3A_628 = vector.shape_cast %scan3A_499#15 : vector<16xf32> to vector<1x16xf32>
      tpu.vector_store %arg8[%swap3A_624, %swap3A_625], %swap3A_628 {add = true, strides = array<i32>} : memref<2x512xf32, #tpu.memory_space<vmem>>, vector<1x16xf32>,
      %scan3A_629 = arith.constant 0 : i32
      scf.yield %scan3A_629 : i32
    }
    %scan3A_453 = arith.constant 4 : i32
    %add3A_454 = arith.constant 2 : i32
    %add3A_455 = arith.addi %mul3A_428, %add3A_454 : i32
    %min3A = arith.constant 1 : i32
    %min3A_456 = arith.minsi %add3A_455, %min3A : i32
    %mul3A_457 = arith.constant 64 : i32
    %mul3A_458 = arith.muli %min3A_456, %mul3A_457 : i32
    %add3A_459 = arith.addi %add3A_34, %mul3A_458 : i32
    %dma_start3A_460 = arith.constant 0 : i32
    %dma_start3A_461 = tpu.memref_slice %arg2[%select_n3A, %add3A_459, %dma_start3A_460] : memref<16x2048x512xf32, #tpu.memory_space<hbm>> -> memref<1x64x512xf32, #tpu.memory_space<hbm>>
    %dma_start3A_462 = tpu.memref_squeeze %dma_start3A_461 : memref<1x64x512xf32, #tpu.memory_space<hbm>> -> memref<64x512xf32, #tpu.memory_space<hbm>>
    %dma_start3A_463 = arith.constant 0 : i32
    %dma_start3A_464 = tpu.memref_slice %arg2[%select_n3A, %add3A_459, %dma_start3A_463] : memref<16x2048x512xf32, #tpu.memory_space<hbm>> -> memref<1x64x512xf32, #tpu.memory_space<hbm>>
    %dma_start3A_465 = tpu.memref_squeeze %dma_start3A_464 : memref<1x64x512xf32, #tpu.memory_space<hbm>> -> memref<64x512xf32, #tpu.memory_space<hbm>>
    tpu.enqueue_dma source(%dma_start3A_465 : memref<64x512xf32, #tpu.memory_space<hbm>>) target(%arg5 : memref<64x512xf32, #tpu.memory_space<vmem>>) target_semaphore(%arg9 : memref<!tpu.dma_semaphore, #tpu.memory_space<semaphore_mem>>)
    %dma_wait3A_466 = arith.constant 0 : i32
    %dma_wait3A_467 = tpu.memref_slice %arg2[%select_n3A, %add3A_34, %dma_wait3A_466] : memref<16x2048x512xf32, #tpu.memory_space<hbm>> -> memref<1x64x512xf32, #tpu.memory_space<hbm>>
    %dma_wait3A_468 = tpu.memref_squeeze %dma_wait3A_467 : memref<1x64x512xf32, #tpu.memory_space<hbm>> -> memref<64x512xf32, #tpu.memory_space<hbm>>
    %dma_wait3A_469 = arith.constant 0 : i32
    %dma_wait3A_470 = tpu.memref_slice %arg2[%select_n3A, %add3A_34, %dma_wait3A_469] : memref<16x2048x512xf32, #tpu.memory_space<hbm>> -> memref<1x64x512xf32, #tpu.memory_space<hbm>>
    %dma_wait3A_471 = tpu.memref_squeeze %dma_wait3A_470 : memref<1x64x512xf32, #tpu.memory_space<hbm>> -> memref<64x512xf32, #tpu.memory_space<hbm>>
    tpu.wait_dma2 semaphore(%arg10 : memref<!tpu.dma_semaphore, #tpu.memory_space<semaphore_mem>>) src(%dma_wait3A_471 : memref<64x512xf32, #tpu.memory_space<hbm>>) dst(%arg6 : memref<64x512xf32, #tpu.memory_space<vmem>>)
    %add3A_472 = arith.constant 1 : i32
    %add3A_473 = arith.addi %mul3A_428, %add3A_472 : i32
    %mul3A_474 = arith.constant 64 : i32
    %mul3A_475 = arith.muli %add3A_473, %mul3A_474 : i32
    %scan3A_476 = arith.constant 0 : i32
    %scan3A_477 = arith.constant 0 : i32
    %scan3A_478 = arith.constant 4 : i32
    %scan3A_479 = arith.addi %scan3A_477, %scan3A_478 : i32
    %scan3A_480 = arith.constant 1 : i32
    %scan3A_481 = scf.for %scan3A_491 = %scan3A_477 to %scan3A_479 step %scan3A_480 iter_args(%scan3A_492 = %scan3A_476) -> (i32)  : i32 {
      %mul3A_493 = arith.constant 128 : i32
      %mul3A_494 = arith.muli %scan3A_491, %mul3A_493 : i32
      %scan3A_495 = arith.constant 0 : i32
      %scan3A_496 = arith.constant 4 : i32
      %scan3A_497 = arith.addi %scan3A_495, %scan3A_496 : i32
      %scan3A_498 = arith.constant 1 : i32
      %scan3A_499:16 = scf.for %scan3A_630 = %scan3A_495 to %scan3A_497 step %scan3A_498 iter_args(%scan3A_631 = %broadcast_in_dim3A_35, %scan3A_632 = %broadcast_in_dim3A_35, %scan3A_633 = %broadcast_in_dim3A_35, %scan3A_634 = %broadcast_in_dim3A_35, %scan3A_635 = %broadcast_in_dim3A_35, %scan3A_636 = %broadcast_in_dim3A_35, %scan3A_637 = %broadcast_in_dim3A_35, %scan3A_638 = %broadcast_in_dim3A_35, %scan3A_639 = %broadcast_in_dim3A_35, %scan3A_640 = %broadcast_in_dim3A_35, %scan3A_641 = %broadcast_in_dim3A_35, %scan3A_642 = %broadcast_in_dim3A_35, %scan3A_643 = %broadcast_in_dim3A_35, %scan3A_644 = %broadcast_in_dim3A_35, %scan3A_645 = %broadcast_in_dim3A_35, %scan3A_646 = %broadcast_in_dim3A_35) -> (vector<16xf32>, vector<16xf32>, vector<16xf32>, vector<16xf32>, vector<16xf32>, vector<16xf32>, vector<16xf32>, vector<16xf32>, vector<16xf32>, vector<16xf32>, vector<16xf32>, vector<16xf32>, vector<16xf32>, vector<16xf32>, vector<16xf32>, vector<16xf32>)  : i32 {
        %mul3A_647 = arith.constant 16 : i32
        %mul3A_648 = arith.muli %scan3A_630, %mul3A_647 : i32
        %add3A_649 = arith.addi %mul3A_475, %mul3A_648 : i32
        %get3A = arith.index_cast %add3A_649 : i32 to index
        %get3A_650 = tpu.vector_load %arg7[%get3A] {strides = array<i32>} : memref<128xf32, #tpu.memory_space<vmem>>, vector<16xf32>,
        %get3A_651 = vector.shape_cast %get3A_650 : vector<16xf32> to vector<16xf32>
        %slice3A = vector.extract_strided_slice %get3A_651 {offsets = [0], sizes = [1], strides = [1]} : vector<16xf32> to vector<1xf32>
        %squeeze3A = vector.extract %slice3A[0] : f32 from vector<1xf32>
        %mul3A_652 = arith.constant 16 : i32
        %mul3A_653 = arith.muli %scan3A_630, %mul3A_652 : i32
        %add3A_654 = arith.constant 0 : i32
        %add3A_655 = arith.addi %mul3A_653, %add3A_654 : i32
        %add3A_656 = arith.constant 0 : i32
        %add3A_657 = arith.addi %mul3A_494, %add3A_656 : i32
        %get3A_658 = arith.index_cast %add3A_655 : i32 to index
        %get3A_659 = arith.index_cast %add3A_657 : i32 to index
        %get3A_660 = tpu.vector_load %arg6[%get3A_658, %get3A_659] {strides = array<i32>} : memref<64x512xf32, #tpu.memory_space<vmem>>, vector<1x16xf32>,
        %get3A_661 = vector.shape_cast %get3A_660 : vector<1x16xf32> to vector<16xf32>
        %add3A_662 = arith.addf %scan3A_631, %get3A_661 : vector<16xf32>
        %mul3A_663 = vector.broadcast %squeeze3A : f32 to vector<16xf32>
        %mul3A_664 = arith.mulf %get3A_661, %mul3A_663 : vector<16xf32>
        %add3A_665 = arith.addf %scan3A_639, %mul3A_664 : vector<16xf32>
        %add3A_666 = arith.constant 16 : i32
        %add3A_667 = arith.addi %mul3A_494, %add3A_666 : i32
        %get3A_668 = arith.index_cast %add3A_655 : i32 to index
        %get3A_669 = arith.index_cast %add3A_667 : i32 to index
        %get3A_670 = tpu.vector_load %arg6[%get3A_668, %get3A_669] {strides = array<i32>} : memref<64x512xf32, #tpu.memory_space<vmem>>, vector<1x16xf32>,
        %get3A_671 = vector.shape_cast %get3A_670 : vector<1x16xf32> to vector<16xf32>
        %add3A_672 = arith.addf %scan3A_632, %get3A_671 : vector<16xf32>
        %mul3A_673 = vector.broadcast %squeeze3A : f32 to vector<16xf32>
        %mul3A_674 = arith.mulf %get3A_671, %mul3A_673 : vector<16xf32>
        %add3A_675 = arith.addf %scan3A_640, %mul3A_674 : vector<16xf32>
        %add3A_676 = arith.constant 32 : i32
        %add3A_677 = arith.addi %mul3A_494, %add3A_676 : i32
        %get3A_678 = arith.index_cast %add3A_655 : i32 to index
        %get3A_679 = arith.index_cast %add3A_677 : i32 to index
        %get3A_680 = tpu.vector_load %arg6[%get3A_678, %get3A_679] {strides = array<i32>} : memref<64x512xf32, #tpu.memory_space<vmem>>, vector<1x16xf32>,
        %get3A_681 = vector.shape_cast %get3A_680 : vector<1x16xf32> to vector<16xf32>
        %add3A_682 = arith.addf %scan3A_633, %get3A_681 : vector<16xf32>
        %mul3A_683 = vector.broadcast %squeeze3A : f32 to vector<16xf32>
        %mul3A_684 = arith.mulf %get3A_681, %mul3A_683 : vector<16xf32>
        %add3A_685 = arith.addf %scan3A_641, %mul3A_684 : vector<16xf32>
        %add3A_686 = arith.constant 48 : i32
        %add3A_687 = arith.addi %mul3A_494, %add3A_686 : i32
        %get3A_688 = arith.index_cast %add3A_655 : i32 to index
        %get3A_689 = arith.index_cast %add3A_687 : i32 to index
        %get3A_690 = tpu.vector_load %arg6[%get3A_688, %get3A_689] {strides = array<i32>} : memref<64x512xf32, #tpu.memory_space<vmem>>, vector<1x16xf32>,
        %get3A_691 = vector.shape_cast %get3A_690 : vector<1x16xf32> to vector<16xf32>
        %add3A_692 = arith.addf %scan3A_634, %get3A_691 : vector<16xf32>
        %mul3A_693 = vector.broadcast %squeeze3A : f32 to vector<16xf32>
        %mul3A_694 = arith.mulf %get3A_691, %mul3A_693 : vector<16xf32>
        %add3A_695 = arith.addf %scan3A_642, %mul3A_694 : vector<16xf32>
        %add3A_696 = arith.constant 64 : i32
        %add3A_697 = arith.addi %mul3A_494, %add3A_696 : i32
        %get3A_698 = arith.index_cast %add3A_655 : i32 to index
        %get3A_699 = arith.index_cast %add3A_697 : i32 to index
        %get3A_700 = tpu.vector_load %arg6[%get3A_698, %get3A_699] {strides = array<i32>} : memref<64x512xf32, #tpu.memory_space<vmem>>, vector<1x16xf32>,
        %get3A_701 = vector.shape_cast %get3A_700 : vector<1x16xf32> to vector<16xf32>
        %add3A_702 = arith.addf %scan3A_635, %get3A_701 : vector<16xf32>
        %mul3A_703 = vector.broadcast %squeeze3A : f32 to vector<16xf32>
        %mul3A_704 = arith.mulf %get3A_701, %mul3A_703 : vector<16xf32>
        %add3A_705 = arith.addf %scan3A_643, %mul3A_704 : vector<16xf32>
        %add3A_706 = arith.constant 80 : i32
        %add3A_707 = arith.addi %mul3A_494, %add3A_706 : i32
        %get3A_708 = arith.index_cast %add3A_655 : i32 to index
        %get3A_709 = arith.index_cast %add3A_707 : i32 to index
        %get3A_710 = tpu.vector_load %arg6[%get3A_708, %get3A_709] {strides = array<i32>} : memref<64x512xf32, #tpu.memory_space<vmem>>, vector<1x16xf32>,
        %get3A_711 = vector.shape_cast %get3A_710 : vector<1x16xf32> to vector<16xf32>
        %add3A_712 = arith.addf %scan3A_636, %get3A_711 : vector<16xf32>
        %mul3A_713 = vector.broadcast %squeeze3A : f32 to vector<16xf32>
        %mul3A_714 = arith.mulf %get3A_711, %mul3A_713 : vector<16xf32>
        %add3A_715 = arith.addf %scan3A_644, %mul3A_714 : vector<16xf32>
        %add3A_716 = arith.constant 96 : i32
        %add3A_717 = arith.addi %mul3A_494, %add3A_716 : i32
        %get3A_718 = arith.index_cast %add3A_655 : i32 to index
        %get3A_719 = arith.index_cast %add3A_717 : i32 to index
        %get3A_720 = tpu.vector_load %arg6[%get3A_718, %get3A_719] {strides = array<i32>} : memref<64x512xf32, #tpu.memory_space<vmem>>, vector<1x16xf32>,
        %get3A_721 = vector.shape_cast %get3A_720 : vector<1x16xf32> to vector<16xf32>
        %add3A_722 = arith.addf %scan3A_637, %get3A_721 : vector<16xf32>
        %mul3A_723 = vector.broadcast %squeeze3A : f32 to vector<16xf32>
        %mul3A_724 = arith.mulf %get3A_721, %mul3A_723 : vector<16xf32>
        %add3A_725 = arith.addf %scan3A_645, %mul3A_724 : vector<16xf32>
        %add3A_726 = arith.constant 112 : i32
        %add3A_727 = arith.addi %mul3A_494, %add3A_726 : i32
        %get3A_728 = arith.index_cast %add3A_655 : i32 to index
        %get3A_729 = arith.index_cast %add3A_727 : i32 to index
        %get3A_730 = tpu.vector_load %arg6[%get3A_728, %get3A_729] {strides = array<i32>} : memref<64x512xf32, #tpu.memory_space<vmem>>, vector<1x16xf32>,
        %get3A_731 = vector.shape_cast %get3A_730 : vector<1x16xf32> to vector<16xf32>
        %add3A_732 = arith.addf %scan3A_638, %get3A_731 : vector<16xf32>
        %mul3A_733 = vector.broadcast %squeeze3A : f32 to vector<16xf32>
        %mul3A_734 = arith.mulf %get3A_731, %mul3A_733 : vector<16xf32>
        %add3A_735 = arith.addf %scan3A_646, %mul3A_734 : vector<16xf32>
        %slice3A_736 = vector.extract_strided_slice %get3A_651 {offsets = [1], sizes = [1], strides = [1]} : vector<16xf32> to vector<1xf32>
        %squeeze3A_737 = vector.extract %slice3A_736[0] : f32 from vector<1xf32>
        %mul3A_738 = arith.constant 16 : i32
        %mul3A_739 = arith.muli %scan3A_630, %mul3A_738 : i32
        %add3A_740 = arith.constant 1 : i32
        %add3A_741 = arith.addi %mul3A_739, %add3A_740 : i32
        %add3A_742 = arith.constant 0 : i32
        %add3A_743 = arith.addi %mul3A_494, %add3A_742 : i32
        %get3A_744 = arith.index_cast %add3A_741 : i32 to index
        %get3A_745 = arith.index_cast %add3A_743 : i32 to index
        %get3A_746 = tpu.vector_load %arg6[%get3A_744, %get3A_745] {strides = array<i32>} : memref<64x512xf32, #tpu.memory_space<vmem>>, vector<1x16xf32>,
        %get3A_747 = vector.shape_cast %get3A_746 : vector<1x16xf32> to vector<16xf32>
        %add3A_748 = arith.addf %add3A_662, %get3A_747 : vector<16xf32>
        %mul3A_749 = vector.broadcast %squeeze3A_737 : f32 to vector<16xf32>
        %mul3A_750 = arith.mulf %get3A_747, %mul3A_749 : vector<16xf32>
        %add3A_751 = arith.addf %add3A_665, %mul3A_750 : vector<16xf32>
        %add3A_752 = arith.constant 16 : i32
        %add3A_753 = arith.addi %mul3A_494, %add3A_752 : i32
        %get3A_754 = arith.index_cast %add3A_741 : i32 to index
        %get3A_755 = arith.index_cast %add3A_753 : i32 to index
        %get3A_756 = tpu.vector_load %arg6[%get3A_754, %get3A_755] {strides = array<i32>} : memref<64x512xf32, #tpu.memory_space<vmem>>, vector<1x16xf32>,
        %get3A_757 = vector.shape_cast %get3A_756 : vector<1x16xf32> to vector<16xf32>
        %add3A_758 = arith.addf %add3A_672, %get3A_757 : vector<16xf32>
        %mul3A_759 = vector.broadcast %squeeze3A_737 : f32 to vector<16xf32>
        %mul3A_760 = arith.mulf %get3A_757, %mul3A_759 : vector<16xf32>
        %add3A_761 = arith.addf %add3A_675, %mul3A_760 : vector<16xf32>
        %add3A_762 = arith.constant 32 : i32
        %add3A_763 = arith.addi %mul3A_494, %add3A_762 : i32
        %get3A_764 = arith.index_cast %add3A_741 : i32 to index
        %get3A_765 = arith.index_cast %add3A_763 : i32 to index
        %get3A_766 = tpu.vector_load %arg6[%get3A_764, %get3A_765] {strides = array<i32>} : memref<64x512xf32, #tpu.memory_space<vmem>>, vector<1x16xf32>,
        %get3A_767 = vector.shape_cast %get3A_766 : vector<1x16xf32> to vector<16xf32>
        %add3A_768 = arith.addf %add3A_682, %get3A_767 : vector<16xf32>
        %mul3A_769 = vector.broadcast %squeeze3A_737 : f32 to vector<16xf32>
        %mul3A_770 = arith.mulf %get3A_767, %mul3A_769 : vector<16xf32>
        %add3A_771 = arith.addf %add3A_685, %mul3A_770 : vector<16xf32>
        %add3A_772 = arith.constant 48 : i32
        %add3A_773 = arith.addi %mul3A_494, %add3A_772 : i32
        %get3A_774 = arith.index_cast %add3A_741 : i32 to index
        %get3A_775 = arith.index_cast %add3A_773 : i32 to index
        %get3A_776 = tpu.vector_load %arg6[%get3A_774, %get3A_775] {strides = array<i32>} : memref<64x512xf32, #tpu.memory_space<vmem>>, vector<1x16xf32>,
        %get3A_777 = vector.shape_cast %get3A_776 : vector<1x16xf32> to vector<16xf32>
        %add3A_778 = arith.addf %add3A_692, %get3A_777 : vector<16xf32>
        %mul3A_779 = vector.broadcast %squeeze3A_737 : f32 to vector<16xf32>
        %mul3A_780 = arith.mulf %get3A_777, %mul3A_779 : vector<16xf32>
        %add3A_781 = arith.addf %add3A_695, %mul3A_780 : vector<16xf32>
        %add3A_782 = arith.constant 64 : i32
        %add3A_783 = arith.addi %mul3A_494, %add3A_782 : i32
        %get3A_784 = arith.index_cast %add3A_741 : i32 to index
        %get3A_785 = arith.index_cast %add3A_783 : i32 to index
        %get3A_786 = tpu.vector_load %arg6[%get3A_784, %get3A_785] {strides = array<i32>} : memref<64x512xf32, #tpu.memory_space<vmem>>, vector<1x16xf32>,
        %get3A_787 = vector.shape_cast %get3A_786 : vector<1x16xf32> to vector<16xf32>
        %add3A_788 = arith.addf %add3A_702, %get3A_787 : vector<16xf32>
        %mul3A_789 = vector.broadcast %squeeze3A_737 : f32 to vector<16xf32>
        %mul3A_790 = arith.mulf %get3A_787, %mul3A_789 : vector<16xf32>
        %add3A_791 = arith.addf %add3A_705, %mul3A_790 : vector<16xf32>
        %add3A_792 = arith.constant 80 : i32
        %add3A_793 = arith.addi %mul3A_494, %add3A_792 : i32
        %get3A_794 = arith.index_cast %add3A_741 : i32 to index
        %get3A_795 = arith.index_cast %add3A_793 : i32 to index
        %get3A_796 = tpu.vector_load %arg6[%get3A_794, %get3A_795] {strides = array<i32>} : memref<64x512xf32, #tpu.memory_space<vmem>>, vector<1x16xf32>,
        %get3A_797 = vector.shape_cast %get3A_796 : vector<1x16xf32> to vector<16xf32>
        %add3A_798 = arith.addf %add3A_712, %get3A_797 : vector<16xf32>
        %mul3A_799 = vector.broadcast %squeeze3A_737 : f32 to vector<16xf32>
        %mul3A_800 = arith.mulf %get3A_797, %mul3A_799 : vector<16xf32>
        %add3A_801 = arith.addf %add3A_715, %mul3A_800 : vector<16xf32>
        %add3A_802 = arith.constant 96 : i32
        %add3A_803 = arith.addi %mul3A_494, %add3A_802 : i32
        %get3A_804 = arith.index_cast %add3A_741 : i32 to index
        %get3A_805 = arith.index_cast %add3A_803 : i32 to index
        %get3A_806 = tpu.vector_load %arg6[%get3A_804, %get3A_805] {strides = array<i32>} : memref<64x512xf32, #tpu.memory_space<vmem>>, vector<1x16xf32>,
        %get3A_807 = vector.shape_cast %get3A_806 : vector<1x16xf32> to vector<16xf32>
        %add3A_808 = arith.addf %add3A_722, %get3A_807 : vector<16xf32>
        %mul3A_809 = vector.broadcast %squeeze3A_737 : f32 to vector<16xf32>
        %mul3A_810 = arith.mulf %get3A_807, %mul3A_809 : vector<16xf32>
        %add3A_811 = arith.addf %add3A_725, %mul3A_810 : vector<16xf32>
        %add3A_812 = arith.constant 112 : i32
        %add3A_813 = arith.addi %mul3A_494, %add3A_812 : i32
        %get3A_814 = arith.index_cast %add3A_741 : i32 to index
        %get3A_815 = arith.index_cast %add3A_813 : i32 to index
        %get3A_816 = tpu.vector_load %arg6[%get3A_814, %get3A_815] {strides = array<i32>} : memref<64x512xf32, #tpu.memory_space<vmem>>, vector<1x16xf32>,
        %get3A_817 = vector.shape_cast %get3A_816 : vector<1x16xf32> to vector<16xf32>
        %add3A_818 = arith.addf %add3A_732, %get3A_817 : vector<16xf32>
        %mul3A_819 = vector.broadcast %squeeze3A_737 : f32 to vector<16xf32>
        %mul3A_820 = arith.mulf %get3A_817, %mul3A_819 : vector<16xf32>
        %add3A_821 = arith.addf %add3A_735, %mul3A_820 : vector<16xf32>
        %slice3A_822 = vector.extract_strided_slice %get3A_651 {offsets = [2], sizes = [1], strides = [1]} : vector<16xf32> to vector<1xf32>
        %squeeze3A_823 = vector.extract %slice3A_822[0] : f32 from vector<1xf32>
        %mul3A_824 = arith.constant 16 : i32
        %mul3A_825 = arith.muli %scan3A_630, %mul3A_824 : i32
        %add3A_826 = arith.constant 2 : i32
        %add3A_827 = arith.addi %mul3A_825, %add3A_826 : i32
        %add3A_828 = arith.constant 0 : i32
        %add3A_829 = arith.addi %mul3A_494, %add3A_828 : i32
        %get3A_830 = arith.index_cast %add3A_827 : i32 to index
        %get3A_831 = arith.index_cast %add3A_829 : i32 to index
        %get3A_832 = tpu.vector_load %arg6[%get3A_830, %get3A_831] {strides = array<i32>} : memref<64x512xf32, #tpu.memory_space<vmem>>, vector<1x16xf32>,
        %get3A_833 = vector.shape_cast %get3A_832 : vector<1x16xf32> to vector<16xf32>
        %add3A_834 = arith.addf %add3A_748, %get3A_833 : vector<16xf32>
        %mul3A_835 = vector.broadcast %squeeze3A_823 : f32 to vector<16xf32>
        %mul3A_836 = arith.mulf %get3A_833, %mul3A_835 : vector<16xf32>
        %add3A_837 = arith.addf %add3A_751, %mul3A_836 : vector<16xf32>
        %add3A_838 = arith.constant 16 : i32
        %add3A_839 = arith.addi %mul3A_494, %add3A_838 : i32
        %get3A_840 = arith.index_cast %add3A_827 : i32 to index
        %get3A_841 = arith.index_cast %add3A_839 : i32 to index
        %get3A_842 = tpu.vector_load %arg6[%get3A_840, %get3A_841] {strides = array<i32>} : memref<64x512xf32, #tpu.memory_space<vmem>>, vector<1x16xf32>,
        %get3A_843 = vector.shape_cast %get3A_842 : vector<1x16xf32> to vector<16xf32>
        %add3A_844 = arith.addf %add3A_758, %get3A_843 : vector<16xf32>
        %mul3A_845 = vector.broadcast %squeeze3A_823 : f32 to vector<16xf32>
        %mul3A_846 = arith.mulf %get3A_843, %mul3A_845 : vector<16xf32>
        %add3A_847 = arith.addf %add3A_761, %mul3A_846 : vector<16xf32>
        %add3A_848 = arith.constant 32 : i32
        %add3A_849 = arith.addi %mul3A_494, %add3A_848 : i32
        %get3A_850 = arith.index_cast %add3A_827 : i32 to index
        %get3A_851 = arith.index_cast %add3A_849 : i32 to index
        %get3A_852 = tpu.vector_load %arg6[%get3A_850, %get3A_851] {strides = array<i32>} : memref<64x512xf32, #tpu.memory_space<vmem>>, vector<1x16xf32>,
        %get3A_853 = vector.shape_cast %get3A_852 : vector<1x16xf32> to vector<16xf32>
        %add3A_854 = arith.addf %add3A_768, %get3A_853 : vector<16xf32>
        %mul3A_855 = vector.broadcast %squeeze3A_823 : f32 to vector<16xf32>
        %mul3A_856 = arith.mulf %get3A_853, %mul3A_855 : vector<16xf32>
        %add3A_857 = arith.addf %add3A_771, %mul3A_856 : vector<16xf32>
        %add3A_858 = arith.constant 48 : i32
        %add3A_859 = arith.addi %mul3A_494, %add3A_858 : i32
        %get3A_860 = arith.index_cast %add3A_827 : i32 to index
        %get3A_861 = arith.index_cast %add3A_859 : i32 to index
        %get3A_862 = tpu.vector_load %arg6[%get3A_860, %get3A_861] {strides = array<i32>} : memref<64x512xf32, #tpu.memory_space<vmem>>, vector<1x16xf32>,
        %get3A_863 = vector.shape_cast %get3A_862 : vector<1x16xf32> to vector<16xf32>
        %add3A_864 = arith.addf %add3A_778, %get3A_863 : vector<16xf32>
        %mul3A_865 = vector.broadcast %squeeze3A_823 : f32 to vector<16xf32>
        %mul3A_866 = arith.mulf %get3A_863, %mul3A_865 : vector<16xf32>
        %add3A_867 = arith.addf %add3A_781, %mul3A_866 : vector<16xf32>
        %add3A_868 = arith.constant 64 : i32
        %add3A_869 = arith.addi %mul3A_494, %add3A_868 : i32
        %get3A_870 = arith.index_cast %add3A_827 : i32 to index
        %get3A_871 = arith.index_cast %add3A_869 : i32 to index
        %get3A_872 = tpu.vector_load %arg6[%get3A_870, %get3A_871] {strides = array<i32>} : memref<64x512xf32, #tpu.memory_space<vmem>>, vector<1x16xf32>,
        %get3A_873 = vector.shape_cast %get3A_872 : vector<1x16xf32> to vector<16xf32>
        %add3A_874 = arith.addf %add3A_788, %get3A_873 : vector<16xf32>
        %mul3A_875 = vector.broadcast %squeeze3A_823 : f32 to vector<16xf32>
        %mul3A_876 = arith.mulf %get3A_873, %mul3A_875 : vector<16xf32>
        %add3A_877 = arith.addf %add3A_791, %mul3A_876 : vector<16xf32>
        %add3A_878 = arith.constant 80 : i32
        %add3A_879 = arith.addi %mul3A_494, %add3A_878 : i32
        %get3A_880 = arith.index_cast %add3A_827 : i32 to index
        %get3A_881 = arith.index_cast %add3A_879 : i32 to index
        %get3A_882 = tpu.vector_load %arg6[%get3A_880, %get3A_881] {strides = array<i32>} : memref<64x512xf32, #tpu.memory_space<vmem>>, vector<1x16xf32>,
        %get3A_883 = vector.shape_cast %get3A_882 : vector<1x16xf32> to vector<16xf32>
        %add3A_884 = arith.addf %add3A_798, %get3A_883 : vector<16xf32>
        %mul3A_885 = vector.broadcast %squeeze3A_823 : f32 to vector<16xf32>
        %mul3A_886 = arith.mulf %get3A_883, %mul3A_885 : vector<16xf32>
        %add3A_887 = arith.addf %add3A_801, %mul3A_886 : vector<16xf32>
        %add3A_888 = arith.constant 96 : i32
        %add3A_889 = arith.addi %mul3A_494, %add3A_888 : i32
        %get3A_890 = arith.index_cast %add3A_827 : i32 to index
        %get3A_891 = arith.index_cast %add3A_889 : i32 to index
        %get3A_892 = tpu.vector_load %arg6[%get3A_890, %get3A_891] {strides = array<i32>} : memref<64x512xf32, #tpu.memory_space<vmem>>, vector<1x16xf32>,
        %get3A_893 = vector.shape_cast %get3A_892 : vector<1x16xf32> to vector<16xf32>
        %add3A_894 = arith.addf %add3A_808, %get3A_893 : vector<16xf32>
        %mul3A_895 = vector.broadcast %squeeze3A_823 : f32 to vector<16xf32>
        %mul3A_896 = arith.mulf %get3A_893, %mul3A_895 : vector<16xf32>
        %add3A_897 = arith.addf %add3A_811, %mul3A_896 : vector<16xf32>
        %add3A_898 = arith.constant 112 : i32
        %add3A_899 = arith.addi %mul3A_494, %add3A_898 : i32
        %get3A_900 = arith.index_cast %add3A_827 : i32 to index
        %get3A_901 = arith.index_cast %add3A_899 : i32 to index
        %get3A_902 = tpu.vector_load %arg6[%get3A_900, %get3A_901] {strides = array<i32>} : memref<64x512xf32, #tpu.memory_space<vmem>>, vector<1x16xf32>,
        %get3A_903 = vector.shape_cast %get3A_902 : vector<1x16xf32> to vector<16xf32>
        %add3A_904 = arith.addf %add3A_818, %get3A_903 : vector<16xf32>
        %mul3A_905 = vector.broadcast %squeeze3A_823 : f32 to vector<16xf32>
        %mul3A_906 = arith.mulf %get3A_903, %mul3A_905 : vector<16xf32>
        %add3A_907 = arith.addf %add3A_821, %mul3A_906 : vector<16xf32>
        %slice3A_908 = vector.extract_strided_slice %get3A_651 {offsets = [3], sizes = [1], strides = [1]} : vector<16xf32> to vector<1xf32>
        %squeeze3A_909 = vector.extract %slice3A_908[0] : f32 from vector<1xf32>
        %mul3A_910 = arith.constant 16 : i32
        %mul3A_911 = arith.muli %scan3A_630, %mul3A_910 : i32
        %add3A_912 = arith.constant 3 : i32
        %add3A_913 = arith.addi %mul3A_911, %add3A_912 : i32
        %add3A_914 = arith.constant 0 : i32
        %add3A_915 = arith.addi %mul3A_494, %add3A_914 : i32
        %get3A_916 = arith.index_cast %add3A_913 : i32 to index
        %get3A_917 = arith.index_cast %add3A_915 : i32 to index
        %get3A_918 = tpu.vector_load %arg6[%get3A_916, %get3A_917] {strides = array<i32>} : memref<64x512xf32, #tpu.memory_space<vmem>>, vector<1x16xf32>,
        %get3A_919 = vector.shape_cast %get3A_918 : vector<1x16xf32> to vector<16xf32>
        %add3A_920 = arith.addf %add3A_834, %get3A_919 : vector<16xf32>
        %mul3A_921 = vector.broadcast %squeeze3A_909 : f32 to vector<16xf32>
        %mul3A_922 = arith.mulf %get3A_919, %mul3A_921 : vector<16xf32>
        %add3A_923 = arith.addf %add3A_837, %mul3A_922 : vector<16xf32>
        %add3A_924 = arith.constant 16 : i32
        %add3A_925 = arith.addi %mul3A_494, %add3A_924 : i32
        %get3A_926 = arith.index_cast %add3A_913 : i32 to index
        %get3A_927 = arith.index_cast %add3A_925 : i32 to index
        %get3A_928 = tpu.vector_load %arg6[%get3A_926, %get3A_927] {strides = array<i32>} : memref<64x512xf32, #tpu.memory_space<vmem>>, vector<1x16xf32>,
        %get3A_929 = vector.shape_cast %get3A_928 : vector<1x16xf32> to vector<16xf32>
        %add3A_930 = arith.addf %add3A_844, %get3A_929 : vector<16xf32>
        %mul3A_931 = vector.broadcast %squeeze3A_909 : f32 to vector<16xf32>
        %mul3A_932 = arith.mulf %get3A_929, %mul3A_931 : vector<16xf32>
        %add3A_933 = arith.addf %add3A_847, %mul3A_932 : vector<16xf32>
        %add3A_934 = arith.constant 32 : i32
        %add3A_935 = arith.addi %mul3A_494, %add3A_934 : i32
        %get3A_936 = arith.index_cast %add3A_913 : i32 to index
        %get3A_937 = arith.index_cast %add3A_935 : i32 to index
        %get3A_938 = tpu.vector_load %arg6[%get3A_936, %get3A_937] {strides = array<i32>} : memref<64x512xf32, #tpu.memory_space<vmem>>, vector<1x16xf32>,
        %get3A_939 = vector.shape_cast %get3A_938 : vector<1x16xf32> to vector<16xf32>
        %add3A_940 = arith.addf %add3A_854, %get3A_939 : vector<16xf32>
        %mul3A_941 = vector.broadcast %squeeze3A_909 : f32 to vector<16xf32>
        %mul3A_942 = arith.mulf %get3A_939, %mul3A_941 : vector<16xf32>
        %add3A_943 = arith.addf %add3A_857, %mul3A_942 : vector<16xf32>
        %add3A_944 = arith.constant 48 : i32
        %add3A_945 = arith.addi %mul3A_494, %add3A_944 : i32
        %get3A_946 = arith.index_cast %add3A_913 : i32 to index
        %get3A_947 = arith.index_cast %add3A_945 : i32 to index
        %get3A_948 = tpu.vector_load %arg6[%get3A_946, %get3A_947] {strides = array<i32>} : memref<64x512xf32, #tpu.memory_space<vmem>>, vector<1x16xf32>,
        %get3A_949 = vector.shape_cast %get3A_948 : vector<1x16xf32> to vector<16xf32>
        %add3A_950 = arith.addf %add3A_864, %get3A_949 : vector<16xf32>
        %mul3A_951 = vector.broadcast %squeeze3A_909 : f32 to vector<16xf32>
        %mul3A_952 = arith.mulf %get3A_949, %mul3A_951 : vector<16xf32>
        %add3A_953 = arith.addf %add3A_867, %mul3A_952 : vector<16xf32>
        %add3A_954 = arith.constant 64 : i32
        %add3A_955 = arith.addi %mul3A_494, %add3A_954 : i32
        %get3A_956 = arith.index_cast %add3A_913 : i32 to index
        %get3A_957 = arith.index_cast %add3A_955 : i32 to index
        %get3A_958 = tpu.vector_load %arg6[%get3A_956, %get3A_957] {strides = array<i32>} : memref<64x512xf32, #tpu.memory_space<vmem>>, vector<1x16xf32>,
        %get3A_959 = vector.shape_cast %get3A_958 : vector<1x16xf32> to vector<16xf32>
        %add3A_960 = arith.addf %add3A_874, %get3A_959 : vector<16xf32>
        %mul3A_961 = vector.broadcast %squeeze3A_909 : f32 to vector<16xf32>
        %mul3A_962 = arith.mulf %get3A_959, %mul3A_961 : vector<16xf32>
        %add3A_963 = arith.addf %add3A_877, %mul3A_962 : vector<16xf32>
        %add3A_964 = arith.constant 80 : i32
        %add3A_965 = arith.addi %mul3A_494, %add3A_964 : i32
        %get3A_966 = arith.index_cast %add3A_913 : i32 to index
        %get3A_967 = arith.index_cast %add3A_965 : i32 to index
        %get3A_968 = tpu.vector_load %arg6[%get3A_966, %get3A_967] {strides = array<i32>} : memref<64x512xf32, #tpu.memory_space<vmem>>, vector<1x16xf32>,
        %get3A_969 = vector.shape_cast %get3A_968 : vector<1x16xf32> to vector<16xf32>
        %add3A_970 = arith.addf %add3A_884, %get3A_969 : vector<16xf32>
        %mul3A_971 = vector.broadcast %squeeze3A_909 : f32 to vector<16xf32>
        %mul3A_972 = arith.mulf %get3A_969, %mul3A_971 : vector<16xf32>
        %add3A_973 = arith.addf %add3A_887, %mul3A_972 : vector<16xf32>
        %add3A_974 = arith.constant 96 : i32
        %add3A_975 = arith.addi %mul3A_494, %add3A_974 : i32
        %get3A_976 = arith.index_cast %add3A_913 : i32 to index
        %get3A_977 = arith.index_cast %add3A_975 : i32 to index
        %get3A_978 = tpu.vector_load %arg6[%get3A_976, %get3A_977] {strides = array<i32>} : memref<64x512xf32, #tpu.memory_space<vmem>>, vector<1x16xf32>,
        %get3A_979 = vector.shape_cast %get3A_978 : vector<1x16xf32> to vector<16xf32>
        %add3A_980 = arith.addf %add3A_894, %get3A_979 : vector<16xf32>
        %mul3A_981 = vector.broadcast %squeeze3A_909 : f32 to vector<16xf32>
        %mul3A_982 = arith.mulf %get3A_979, %mul3A_981 : vector<16xf32>
        %add3A_983 = arith.addf %add3A_897, %mul3A_982 : vector<16xf32>
        %add3A_984 = arith.constant 112 : i32
        %add3A_985 = arith.addi %mul3A_494, %add3A_984 : i32
        %get3A_986 = arith.index_cast %add3A_913 : i32 to index
        %get3A_987 = arith.index_cast %add3A_985 : i32 to index
        %get3A_988 = tpu.vector_load %arg6[%get3A_986, %get3A_987] {strides = array<i32>} : memref<64x512xf32, #tpu.memory_space<vmem>>, vector<1x16xf32>,
        %get3A_989 = vector.shape_cast %get3A_988 : vector<1x16xf32> to vector<16xf32>
        %add3A_990 = arith.addf %add3A_904, %get3A_989 : vector<16xf32>
        %mul3A_991 = vector.broadcast %squeeze3A_909 : f32 to vector<16xf32>
        %mul3A_992 = arith.mulf %get3A_989, %mul3A_991 : vector<16xf32>
        %add3A_993 = arith.addf %add3A_907, %mul3A_992 : vector<16xf32>
        %slice3A_994 = vector.extract_strided_slice %get3A_651 {offsets = [4], sizes = [1], strides = [1]} : vector<16xf32> to vector<1xf32>
        %squeeze3A_995 = vector.extract %slice3A_994[0] : f32 from vector<1xf32>
        %mul3A_996 = arith.constant 16 : i32
        %mul3A_997 = arith.muli %scan3A_630, %mul3A_996 : i32
        %add3A_998 = arith.constant 4 : i32
        %add3A_999 = arith.addi %mul3A_997, %add3A_998 : i32
        %add3A_1000 = arith.constant 0 : i32
        %add3A_1001 = arith.addi %mul3A_494, %add3A_1000 : i32
        %get3A_1002 = arith.index_cast %add3A_999 : i32 to index
        %get3A_1003 = arith.index_cast %add3A_1001 : i32 to index
        %get3A_1004 = tpu.vector_load %arg6[%get3A_1002, %get3A_1003] {strides = array<i32>} : memref<64x512xf32, #tpu.memory_space<vmem>>, vector<1x16xf32>,
        %get3A_1005 = vector.shape_cast %get3A_1004 : vector<1x16xf32> to vector<16xf32>
        %add3A_1006 = arith.addf %add3A_920, %get3A_1005 : vector<16xf32>
        %mul3A_1007 = vector.broadcast %squeeze3A_995 : f32 to vector<16xf32>
        %mul3A_1008 = arith.mulf %get3A_1005, %mul3A_1007 : vector<16xf32>
        %add3A_1009 = arith.addf %add3A_923, %mul3A_1008 : vector<16xf32>
        %add3A_1010 = arith.constant 16 : i32
        %add3A_1011 = arith.addi %mul3A_494, %add3A_1010 : i32
        %get3A_1012 = arith.index_cast %add3A_999 : i32 to index
        %get3A_1013 = arith.index_cast %add3A_1011 : i32 to index
        %get3A_1014 = tpu.vector_load %arg6[%get3A_1012, %get3A_1013] {strides = array<i32>} : memref<64x512xf32, #tpu.memory_space<vmem>>, vector<1x16xf32>,
        %get3A_1015 = vector.shape_cast %get3A_1014 : vector<1x16xf32> to vector<16xf32>
        %add3A_1016 = arith.addf %add3A_930, %get3A_1015 : vector<16xf32>
        %mul3A_1017 = vector.broadcast %squeeze3A_995 : f32 to vector<16xf32>
        %mul3A_1018 = arith.mulf %get3A_1015, %mul3A_1017 : vector<16xf32>
        %add3A_1019 = arith.addf %add3A_933, %mul3A_1018 : vector<16xf32>
        %add3A_1020 = arith.constant 32 : i32
        %add3A_1021 = arith.addi %mul3A_494, %add3A_1020 : i32
        %get3A_1022 = arith.index_cast %add3A_999 : i32 to index
        %get3A_1023 = arith.index_cast %add3A_1021 : i32 to index
        %get3A_1024 = tpu.vector_load %arg6[%get3A_1022, %get3A_1023] {strides = array<i32>} : memref<64x512xf32, #tpu.memory_space<vmem>>, vector<1x16xf32>,
        %get3A_1025 = vector.shape_cast %get3A_1024 : vector<1x16xf32> to vector<16xf32>
        %add3A_1026 = arith.addf %add3A_940, %get3A_1025 : vector<16xf32>
        %mul3A_1027 = vector.broadcast %squeeze3A_995 : f32 to vector<16xf32>
        %mul3A_1028 = arith.mulf %get3A_1025, %mul3A_1027 : vector<16xf32>
        %add3A_1029 = arith.addf %add3A_943, %mul3A_1028 : vector<16xf32>
        %add3A_1030 = arith.constant 48 : i32
        %add3A_1031 = arith.addi %mul3A_494, %add3A_1030 : i32
        %get3A_1032 = arith.index_cast %add3A_999 : i32 to index
        %get3A_1033 = arith.index_cast %add3A_1031 : i32 to index
        %get3A_1034 = tpu.vector_load %arg6[%get3A_1032, %get3A_1033] {strides = array<i32>} : memref<64x512xf32, #tpu.memory_space<vmem>>, vector<1x16xf32>,
        %get3A_1035 = vector.shape_cast %get3A_1034 : vector<1x16xf32> to vector<16xf32>
        %add3A_1036 = arith.addf %add3A_950, %get3A_1035 : vector<16xf32>
        %mul3A_1037 = vector.broadcast %squeeze3A_995 : f32 to vector<16xf32>
        %mul3A_1038 = arith.mulf %get3A_1035, %mul3A_1037 : vector<16xf32>
        %add3A_1039 = arith.addf %add3A_953, %mul3A_1038 : vector<16xf32>
        %add3A_1040 = arith.constant 64 : i32
        %add3A_1041 = arith.addi %mul3A_494, %add3A_1040 : i32
        %get3A_1042 = arith.index_cast %add3A_999 : i32 to index
        %get3A_1043 = arith.index_cast %add3A_1041 : i32 to index
        %get3A_1044 = tpu.vector_load %arg6[%get3A_1042, %get3A_1043] {strides = array<i32>} : memref<64x512xf32, #tpu.memory_space<vmem>>, vector<1x16xf32>,
        %get3A_1045 = vector.shape_cast %get3A_1044 : vector<1x16xf32> to vector<16xf32>
        %add3A_1046 = arith.addf %add3A_960, %get3A_1045 : vector<16xf32>
        %mul3A_1047 = vector.broadcast %squeeze3A_995 : f32 to vector<16xf32>
        %mul3A_1048 = arith.mulf %get3A_1045, %mul3A_1047 : vector<16xf32>
        %add3A_1049 = arith.addf %add3A_963, %mul3A_1048 : vector<16xf32>
        %add3A_1050 = arith.constant 80 : i32
        %add3A_1051 = arith.addi %mul3A_494, %add3A_1050 : i32
        %get3A_1052 = arith.index_cast %add3A_999 : i32 to index
        %get3A_1053 = arith.index_cast %add3A_1051 : i32 to index
        %get3A_1054 = tpu.vector_load %arg6[%get3A_1052, %get3A_1053] {strides = array<i32>} : memref<64x512xf32, #tpu.memory_space<vmem>>, vector<1x16xf32>,
        %get3A_1055 = vector.shape_cast %get3A_1054 : vector<1x16xf32> to vector<16xf32>
        %add3A_1056 = arith.addf %add3A_970, %get3A_1055 : vector<16xf32>
        %mul3A_1057 = vector.broadcast %squeeze3A_995 : f32 to vector<16xf32>
        %mul3A_1058 = arith.mulf %get3A_1055, %mul3A_1057 : vector<16xf32>
        %add3A_1059 = arith.addf %add3A_973, %mul3A_1058 : vector<16xf32>
        %add3A_1060 = arith.constant 96 : i32
        %add3A_1061 = arith.addi %mul3A_494, %add3A_1060 : i32
        %get3A_1062 = arith.index_cast %add3A_999 : i32 to index
        %get3A_1063 = arith.index_cast %add3A_1061 : i32 to index
        %get3A_1064 = tpu.vector_load %arg6[%get3A_1062, %get3A_1063] {strides = array<i32>} : memref<64x512xf32, #tpu.memory_space<vmem>>, vector<1x16xf32>,
        %get3A_1065 = vector.shape_cast %get3A_1064 : vector<1x16xf32> to vector<16xf32>
        %add3A_1066 = arith.addf %add3A_980, %get3A_1065 : vector<16xf32>
        %mul3A_1067 = vector.broadcast %squeeze3A_995 : f32 to vector<16xf32>
        %mul3A_1068 = arith.mulf %get3A_1065, %mul3A_1067 : vector<16xf32>
        %add3A_1069 = arith.addf %add3A_983, %mul3A_1068 : vector<16xf32>
        %add3A_1070 = arith.constant 112 : i32
        %add3A_1071 = arith.addi %mul3A_494, %add3A_1070 : i32
        %get3A_1072 = arith.index_cast %add3A_999 : i32 to index
        %get3A_1073 = arith.index_cast %add3A_1071 : i32 to index
        %get3A_1074 = tpu.vector_load %arg6[%get3A_1072, %get3A_1073] {strides = array<i32>} : memref<64x512xf32, #tpu.memory_space<vmem>>, vector<1x16xf32>,
        %get3A_1075 = vector.shape_cast %get3A_1074 : vector<1x16xf32> to vector<16xf32>
        %add3A_1076 = arith.addf %add3A_990, %get3A_1075 : vector<16xf32>
        %mul3A_1077 = vector.broadcast %squeeze3A_995 : f32 to vector<16xf32>
        %mul3A_1078 = arith.mulf %get3A_1075, %mul3A_1077 : vector<16xf32>
        %add3A_1079 = arith.addf %add3A_993, %mul3A_1078 : vector<16xf32>
        %slice3A_1080 = vector.extract_strided_slice %get3A_651 {offsets = [5], sizes = [1], strides = [1]} : vector<16xf32> to vector<1xf32>
        %squeeze3A_1081 = vector.extract %slice3A_1080[0] : f32 from vector<1xf32>
        %mul3A_1082 = arith.constant 16 : i32
        %mul3A_1083 = arith.muli %scan3A_630, %mul3A_1082 : i32
        %add3A_1084 = arith.constant 5 : i32
        %add3A_1085 = arith.addi %mul3A_1083, %add3A_1084 : i32
        %add3A_1086 = arith.constant 0 : i32
        %add3A_1087 = arith.addi %mul3A_494, %add3A_1086 : i32
        %get3A_1088 = arith.index_cast %add3A_1085 : i32 to index
        %get3A_1089 = arith.index_cast %add3A_1087 : i32 to index
        %get3A_1090 = tpu.vector_load %arg6[%get3A_1088, %get3A_1089] {strides = array<i32>} : memref<64x512xf32, #tpu.memory_space<vmem>>, vector<1x16xf32>,
        %get3A_1091 = vector.shape_cast %get3A_1090 : vector<1x16xf32> to vector<16xf32>
        %add3A_1092 = arith.addf %add3A_1006, %get3A_1091 : vector<16xf32>
        %mul3A_1093 = vector.broadcast %squeeze3A_1081 : f32 to vector<16xf32>
        %mul3A_1094 = arith.mulf %get3A_1091, %mul3A_1093 : vector<16xf32>
        %add3A_1095 = arith.addf %add3A_1009, %mul3A_1094 : vector<16xf32>
        %add3A_1096 = arith.constant 16 : i32
        %add3A_1097 = arith.addi %mul3A_494, %add3A_1096 : i32
        %get3A_1098 = arith.index_cast %add3A_1085 : i32 to index
        %get3A_1099 = arith.index_cast %add3A_1097 : i32 to index
        %get3A_1100 = tpu.vector_load %arg6[%get3A_1098, %get3A_1099] {strides = array<i32>} : memref<64x512xf32, #tpu.memory_space<vmem>>, vector<1x16xf32>,
        %get3A_1101 = vector.shape_cast %get3A_1100 : vector<1x16xf32> to vector<16xf32>
        %add3A_1102 = arith.addf %add3A_1016, %get3A_1101 : vector<16xf32>
        %mul3A_1103 = vector.broadcast %squeeze3A_1081 : f32 to vector<16xf32>
        %mul3A_1104 = arith.mulf %get3A_1101, %mul3A_1103 : vector<16xf32>
        %add3A_1105 = arith.addf %add3A_1019, %mul3A_1104 : vector<16xf32>
        %add3A_1106 = arith.constant 32 : i32
        %add3A_1107 = arith.addi %mul3A_494, %add3A_1106 : i32
        %get3A_1108 = arith.index_cast %add3A_1085 : i32 to index
        %get3A_1109 = arith.index_cast %add3A_1107 : i32 to index
        %get3A_1110 = tpu.vector_load %arg6[%get3A_1108, %get3A_1109] {strides = array<i32>} : memref<64x512xf32, #tpu.memory_space<vmem>>, vector<1x16xf32>,
        %get3A_1111 = vector.shape_cast %get3A_1110 : vector<1x16xf32> to vector<16xf32>
        %add3A_1112 = arith.addf %add3A_1026, %get3A_1111 : vector<16xf32>
        %mul3A_1113 = vector.broadcast %squeeze3A_1081 : f32 to vector<16xf32>
        %mul3A_1114 = arith.mulf %get3A_1111, %mul3A_1113 : vector<16xf32>
        %add3A_1115 = arith.addf %add3A_1029, %mul3A_1114 : vector<16xf32>
        %add3A_1116 = arith.constant 48 : i32
        %add3A_1117 = arith.addi %mul3A_494, %add3A_1116 : i32
        %get3A_1118 = arith.index_cast %add3A_1085 : i32 to index
        %get3A_1119 = arith.index_cast %add3A_1117 : i32 to index
        %get3A_1120 = tpu.vector_load %arg6[%get3A_1118, %get3A_1119] {strides = array<i32>} : memref<64x512xf32, #tpu.memory_space<vmem>>, vector<1x16xf32>,
        %get3A_1121 = vector.shape_cast %get3A_1120 : vector<1x16xf32> to vector<16xf32>
        %add3A_1122 = arith.addf %add3A_1036, %get3A_1121 : vector<16xf32>
        %mul3A_1123 = vector.broadcast %squeeze3A_1081 : f32 to vector<16xf32>
        %mul3A_1124 = arith.mulf %get3A_1121, %mul3A_1123 : vector<16xf32>
        %add3A_1125 = arith.addf %add3A_1039, %mul3A_1124 : vector<16xf32>
        %add3A_1126 = arith.constant 64 : i32
        %add3A_1127 = arith.addi %mul3A_494, %add3A_1126 : i32
        %get3A_1128 = arith.index_cast %add3A_1085 : i32 to index
        %get3A_1129 = arith.index_cast %add3A_1127 : i32 to index
        %get3A_1130 = tpu.vector_load %arg6[%get3A_1128, %get3A_1129] {strides = array<i32>} : memref<64x512xf32, #tpu.memory_space<vmem>>, vector<1x16xf32>,
        %get3A_1131 = vector.shape_cast %get3A_1130 : vector<1x16xf32> to vector<16xf32>
        %add3A_1132 = arith.addf %add3A_1046, %get3A_1131 : vector<16xf32>
        %mul3A_1133 = vector.broadcast %squeeze3A_1081 : f32 to vector<16xf32>
        %mul3A_1134 = arith.mulf %get3A_1131, %mul3A_1133 : vector<16xf32>
        %add3A_1135 = arith.addf %add3A_1049, %mul3A_1134 : vector<16xf32>
        %add3A_1136 = arith.constant 80 : i32
        %add3A_1137 = arith.addi %mul3A_494, %add3A_1136 : i32
        %get3A_1138 = arith.index_cast %add3A_1085 : i32 to index
        %get3A_1139 = arith.index_cast %add3A_1137 : i32 to index
        %get3A_1140 = tpu.vector_load %arg6[%get3A_1138, %get3A_1139] {strides = array<i32>} : memref<64x512xf32, #tpu.memory_space<vmem>>, vector<1x16xf32>,
        %get3A_1141 = vector.shape_cast %get3A_1140 : vector<1x16xf32> to vector<16xf32>
        %add3A_1142 = arith.addf %add3A_1056, %get3A_1141 : vector<16xf32>
        %mul3A_1143 = vector.broadcast %squeeze3A_1081 : f32 to vector<16xf32>
        %mul3A_1144 = arith.mulf %get3A_1141, %mul3A_1143 : vector<16xf32>
        %add3A_1145 = arith.addf %add3A_1059, %mul3A_1144 : vector<16xf32>
        %add3A_1146 = arith.constant 96 : i32
        %add3A_1147 = arith.addi %mul3A_494, %add3A_1146 : i32
        %get3A_1148 = arith.index_cast %add3A_1085 : i32 to index
        %get3A_1149 = arith.index_cast %add3A_1147 : i32 to index
        %get3A_1150 = tpu.vector_load %arg6[%get3A_1148, %get3A_1149] {strides = array<i32>} : memref<64x512xf32, #tpu.memory_space<vmem>>, vector<1x16xf32>,
        %get3A_1151 = vector.shape_cast %get3A_1150 : vector<1x16xf32> to vector<16xf32>
        %add3A_1152 = arith.addf %add3A_1066, %get3A_1151 : vector<16xf32>
        %mul3A_1153 = vector.broadcast %squeeze3A_1081 : f32 to vector<16xf32>
        %mul3A_1154 = arith.mulf %get3A_1151, %mul3A_1153 : vector<16xf32>
        %add3A_1155 = arith.addf %add3A_1069, %mul3A_1154 : vector<16xf32>
        %add3A_1156 = arith.constant 112 : i32
        %add3A_1157 = arith.addi %mul3A_494, %add3A_1156 : i32
        %get3A_1158 = arith.index_cast %add3A_1085 : i32 to index
        %get3A_1159 = arith.index_cast %add3A_1157 : i32 to index
        %get3A_1160 = tpu.vector_load %arg6[%get3A_1158, %get3A_1159] {strides = array<i32>} : memref<64x512xf32, #tpu.memory_space<vmem>>, vector<1x16xf32>,
        %get3A_1161 = vector.shape_cast %get3A_1160 : vector<1x16xf32> to vector<16xf32>
        %add3A_1162 = arith.addf %add3A_1076, %get3A_1161 : vector<16xf32>
        %mul3A_1163 = vector.broadcast %squeeze3A_1081 : f32 to vector<16xf32>
        %mul3A_1164 = arith.mulf %get3A_1161, %mul3A_1163 : vector<16xf32>
        %add3A_1165 = arith.addf %add3A_1079, %mul3A_1164 : vector<16xf32>
        %slice3A_1166 = vector.extract_strided_slice %get3A_651 {offsets = [6], sizes = [1], strides = [1]} : vector<16xf32> to vector<1xf32>
        %squeeze3A_1167 = vector.extract %slice3A_1166[0] : f32 from vector<1xf32>
        %mul3A_1168 = arith.constant 16 : i32
        %mul3A_1169 = arith.muli %scan3A_630, %mul3A_1168 : i32
        %add3A_1170 = arith.constant 6 : i32
        %add3A_1171 = arith.addi %mul3A_1169, %add3A_1170 : i32
        %add3A_1172 = arith.constant 0 : i32
        %add3A_1173 = arith.addi %mul3A_494, %add3A_1172 : i32
        %get3A_1174 = arith.index_cast %add3A_1171 : i32 to index
        %get3A_1175 = arith.index_cast %add3A_1173 : i32 to index
        %get3A_1176 = tpu.vector_load %arg6[%get3A_1174, %get3A_1175] {strides = array<i32>} : memref<64x512xf32, #tpu.memory_space<vmem>>, vector<1x16xf32>,
        %get3A_1177 = vector.shape_cast %get3A_1176 : vector<1x16xf32> to vector<16xf32>
        %add3A_1178 = arith.addf %add3A_1092, %get3A_1177 : vector<16xf32>
        %mul3A_1179 = vector.broadcast %squeeze3A_1167 : f32 to vector<16xf32>
        %mul3A_1180 = arith.mulf %get3A_1177, %mul3A_1179 : vector<16xf32>
        %add3A_1181 = arith.addf %add3A_1095, %mul3A_1180 : vector<16xf32>
        %add3A_1182 = arith.constant 16 : i32
        %add3A_1183 = arith.addi %mul3A_494, %add3A_1182 : i32
        %get3A_1184 = arith.index_cast %add3A_1171 : i32 to index
        %get3A_1185 = arith.index_cast %add3A_1183 : i32 to index
        %get3A_1186 = tpu.vector_load %arg6[%get3A_1184, %get3A_1185] {strides = array<i32>} : memref<64x512xf32, #tpu.memory_space<vmem>>, vector<1x16xf32>,
        %get3A_1187 = vector.shape_cast %get3A_1186 : vector<1x16xf32> to vector<16xf32>
        %add3A_1188 = arith.addf %add3A_1102, %get3A_1187 : vector<16xf32>
        %mul3A_1189 = vector.broadcast %squeeze3A_1167 : f32 to vector<16xf32>
        %mul3A_1190 = arith.mulf %get3A_1187, %mul3A_1189 : vector<16xf32>
        %add3A_1191 = arith.addf %add3A_1105, %mul3A_1190 : vector<16xf32>
        %add3A_1192 = arith.constant 32 : i32
        %add3A_1193 = arith.addi %mul3A_494, %add3A_1192 : i32
        %get3A_1194 = arith.index_cast %add3A_1171 : i32 to index
        %get3A_1195 = arith.index_cast %add3A_1193 : i32 to index
        %get3A_1196 = tpu.vector_load %arg6[%get3A_1194, %get3A_1195] {strides = array<i32>} : memref<64x512xf32, #tpu.memory_space<vmem>>, vector<1x16xf32>,
        %get3A_1197 = vector.shape_cast %get3A_1196 : vector<1x16xf32> to vector<16xf32>
        %add3A_1198 = arith.addf %add3A_1112, %get3A_1197 : vector<16xf32>
        %mul3A_1199 = vector.broadcast %squeeze3A_1167 : f32 to vector<16xf32>
        %mul3A_1200 = arith.mulf %get3A_1197, %mul3A_1199 : vector<16xf32>
        %add3A_1201 = arith.addf %add3A_1115, %mul3A_1200 : vector<16xf32>
        %add3A_1202 = arith.constant 48 : i32
        %add3A_1203 = arith.addi %mul3A_494, %add3A_1202 : i32
        %get3A_1204 = arith.index_cast %add3A_1171 : i32 to index
        %get3A_1205 = arith.index_cast %add3A_1203 : i32 to index
        %get3A_1206 = tpu.vector_load %arg6[%get3A_1204, %get3A_1205] {strides = array<i32>} : memref<64x512xf32, #tpu.memory_space<vmem>>, vector<1x16xf32>,
        %get3A_1207 = vector.shape_cast %get3A_1206 : vector<1x16xf32> to vector<16xf32>
        %add3A_1208 = arith.addf %add3A_1122, %get3A_1207 : vector<16xf32>
        %mul3A_1209 = vector.broadcast %squeeze3A_1167 : f32 to vector<16xf32>
        %mul3A_1210 = arith.mulf %get3A_1207, %mul3A_1209 : vector<16xf32>
        %add3A_1211 = arith.addf %add3A_1125, %mul3A_1210 : vector<16xf32>
        %add3A_1212 = arith.constant 64 : i32
        %add3A_1213 = arith.addi %mul3A_494, %add3A_1212 : i32
        %get3A_1214 = arith.index_cast %add3A_1171 : i32 to index
        %get3A_1215 = arith.index_cast %add3A_1213 : i32 to index
        %get3A_1216 = tpu.vector_load %arg6[%get3A_1214, %get3A_1215] {strides = array<i32>} : memref<64x512xf32, #tpu.memory_space<vmem>>, vector<1x16xf32>,
        %get3A_1217 = vector.shape_cast %get3A_1216 : vector<1x16xf32> to vector<16xf32>
        %add3A_1218 = arith.addf %add3A_1132, %get3A_1217 : vector<16xf32>
        %mul3A_1219 = vector.broadcast %squeeze3A_1167 : f32 to vector<16xf32>
        %mul3A_1220 = arith.mulf %get3A_1217, %mul3A_1219 : vector<16xf32>
        %add3A_1221 = arith.addf %add3A_1135, %mul3A_1220 : vector<16xf32>
        %add3A_1222 = arith.constant 80 : i32
        %add3A_1223 = arith.addi %mul3A_494, %add3A_1222 : i32
        %get3A_1224 = arith.index_cast %add3A_1171 : i32 to index
        %get3A_1225 = arith.index_cast %add3A_1223 : i32 to index
        %get3A_1226 = tpu.vector_load %arg6[%get3A_1224, %get3A_1225] {strides = array<i32>} : memref<64x512xf32, #tpu.memory_space<vmem>>, vector<1x16xf32>,
        %get3A_1227 = vector.shape_cast %get3A_1226 : vector<1x16xf32> to vector<16xf32>
        %add3A_1228 = arith.addf %add3A_1142, %get3A_1227 : vector<16xf32>
        %mul3A_1229 = vector.broadcast %squeeze3A_1167 : f32 to vector<16xf32>
        %mul3A_1230 = arith.mulf %get3A_1227, %mul3A_1229 : vector<16xf32>
        %add3A_1231 = arith.addf %add3A_1145, %mul3A_1230 : vector<16xf32>
        %add3A_1232 = arith.constant 96 : i32
        %add3A_1233 = arith.addi %mul3A_494, %add3A_1232 : i32
        %get3A_1234 = arith.index_cast %add3A_1171 : i32 to index
        %get3A_1235 = arith.index_cast %add3A_1233 : i32 to index
        %get3A_1236 = tpu.vector_load %arg6[%get3A_1234, %get3A_1235] {strides = array<i32>} : memref<64x512xf32, #tpu.memory_space<vmem>>, vector<1x16xf32>,
        %get3A_1237 = vector.shape_cast %get3A_1236 : vector<1x16xf32> to vector<16xf32>
        %add3A_1238 = arith.addf %add3A_1152, %get3A_1237 : vector<16xf32>
        %mul3A_1239 = vector.broadcast %squeeze3A_1167 : f32 to vector<16xf32>
        %mul3A_1240 = arith.mulf %get3A_1237, %mul3A_1239 : vector<16xf32>
        %add3A_1241 = arith.addf %add3A_1155, %mul3A_1240 : vector<16xf32>
        %add3A_1242 = arith.constant 112 : i32
        %add3A_1243 = arith.addi %mul3A_494, %add3A_1242 : i32
        %get3A_1244 = arith.index_cast %add3A_1171 : i32 to index
        %get3A_1245 = arith.index_cast %add3A_1243 : i32 to index
        %get3A_1246 = tpu.vector_load %arg6[%get3A_1244, %get3A_1245] {strides = array<i32>} : memref<64x512xf32, #tpu.memory_space<vmem>>, vector<1x16xf32>,
        %get3A_1247 = vector.shape_cast %get3A_1246 : vector<1x16xf32> to vector<16xf32>
        %add3A_1248 = arith.addf %add3A_1162, %get3A_1247 : vector<16xf32>
        %mul3A_1249 = vector.broadcast %squeeze3A_1167 : f32 to vector<16xf32>
        %mul3A_1250 = arith.mulf %get3A_1247, %mul3A_1249 : vector<16xf32>
        %add3A_1251 = arith.addf %add3A_1165, %mul3A_1250 : vector<16xf32>
        %slice3A_1252 = vector.extract_strided_slice %get3A_651 {offsets = [7], sizes = [1], strides = [1]} : vector<16xf32> to vector<1xf32>
        %squeeze3A_1253 = vector.extract %slice3A_1252[0] : f32 from vector<1xf32>
        %mul3A_1254 = arith.constant 16 : i32
        %mul3A_1255 = arith.muli %scan3A_630, %mul3A_1254 : i32
        %add3A_1256 = arith.constant 7 : i32
        %add3A_1257 = arith.addi %mul3A_1255, %add3A_1256 : i32
        %add3A_1258 = arith.constant 0 : i32
        %add3A_1259 = arith.addi %mul3A_494, %add3A_1258 : i32
        %get3A_1260 = arith.index_cast %add3A_1257 : i32 to index
        %get3A_1261 = arith.index_cast %add3A_1259 : i32 to index
        %get3A_1262 = tpu.vector_load %arg6[%get3A_1260, %get3A_1261] {strides = array<i32>} : memref<64x512xf32, #tpu.memory_space<vmem>>, vector<1x16xf32>,
        %get3A_1263 = vector.shape_cast %get3A_1262 : vector<1x16xf32> to vector<16xf32>
        %add3A_1264 = arith.addf %add3A_1178, %get3A_1263 : vector<16xf32>
        %mul3A_1265 = vector.broadcast %squeeze3A_1253 : f32 to vector<16xf32>
        %mul3A_1266 = arith.mulf %get3A_1263, %mul3A_1265 : vector<16xf32>
        %add3A_1267 = arith.addf %add3A_1181, %mul3A_1266 : vector<16xf32>
        %add3A_1268 = arith.constant 16 : i32
        %add3A_1269 = arith.addi %mul3A_494, %add3A_1268 : i32
        %get3A_1270 = arith.index_cast %add3A_1257 : i32 to index
        %get3A_1271 = arith.index_cast %add3A_1269 : i32 to index
        %get3A_1272 = tpu.vector_load %arg6[%get3A_1270, %get3A_1271] {strides = array<i32>} : memref<64x512xf32, #tpu.memory_space<vmem>>, vector<1x16xf32>,
        %get3A_1273 = vector.shape_cast %get3A_1272 : vector<1x16xf32> to vector<16xf32>
        %add3A_1274 = arith.addf %add3A_1188, %get3A_1273 : vector<16xf32>
        %mul3A_1275 = vector.broadcast %squeeze3A_1253 : f32 to vector<16xf32>
        %mul3A_1276 = arith.mulf %get3A_1273, %mul3A_1275 : vector<16xf32>
        %add3A_1277 = arith.addf %add3A_1191, %mul3A_1276 : vector<16xf32>
        %add3A_1278 = arith.constant 32 : i32
        %add3A_1279 = arith.addi %mul3A_494, %add3A_1278 : i32
        %get3A_1280 = arith.index_cast %add3A_1257 : i32 to index
        %get3A_1281 = arith.index_cast %add3A_1279 : i32 to index
        %get3A_1282 = tpu.vector_load %arg6[%get3A_1280, %get3A_1281] {strides = array<i32>} : memref<64x512xf32, #tpu.memory_space<vmem>>, vector<1x16xf32>,
        %get3A_1283 = vector.shape_cast %get3A_1282 : vector<1x16xf32> to vector<16xf32>
        %add3A_1284 = arith.addf %add3A_1198, %get3A_1283 : vector<16xf32>
        %mul3A_1285 = vector.broadcast %squeeze3A_1253 : f32 to vector<16xf32>
        %mul3A_1286 = arith.mulf %get3A_1283, %mul3A_1285 : vector<16xf32>
        %add3A_1287 = arith.addf %add3A_1201, %mul3A_1286 : vector<16xf32>
        %add3A_1288 = arith.constant 48 : i32
        %add3A_1289 = arith.addi %mul3A_494, %add3A_1288 : i32
        %get3A_1290 = arith.index_cast %add3A_1257 : i32 to index
        %get3A_1291 = arith.index_cast %add3A_1289 : i32 to index
        %get3A_1292 = tpu.vector_load %arg6[%get3A_1290, %get3A_1291] {strides = array<i32>} : memref<64x512xf32, #tpu.memory_space<vmem>>, vector<1x16xf32>,
        %get3A_1293 = vector.shape_cast %get3A_1292 : vector<1x16xf32> to vector<16xf32>
        %add3A_1294 = arith.addf %add3A_1208, %get3A_1293 : vector<16xf32>
        %mul3A_1295 = vector.broadcast %squeeze3A_1253 : f32 to vector<16xf32>
        %mul3A_1296 = arith.mulf %get3A_1293, %mul3A_1295 : vector<16xf32>
        %add3A_1297 = arith.addf %add3A_1211, %mul3A_1296 : vector<16xf32>
        %add3A_1298 = arith.constant 64 : i32
        %add3A_1299 = arith.addi %mul3A_494, %add3A_1298 : i32
        %get3A_1300 = arith.index_cast %add3A_1257 : i32 to index
        %get3A_1301 = arith.index_cast %add3A_1299 : i32 to index
        %get3A_1302 = tpu.vector_load %arg6[%get3A_1300, %get3A_1301] {strides = array<i32>} : memref<64x512xf32, #tpu.memory_space<vmem>>, vector<1x16xf32>,
        %get3A_1303 = vector.shape_cast %get3A_1302 : vector<1x16xf32> to vector<16xf32>
        %add3A_1304 = arith.addf %add3A_1218, %get3A_1303 : vector<16xf32>
        %mul3A_1305 = vector.broadcast %squeeze3A_1253 : f32 to vector<16xf32>
        %mul3A_1306 = arith.mulf %get3A_1303, %mul3A_1305 : vector<16xf32>
        %add3A_1307 = arith.addf %add3A_1221, %mul3A_1306 : vector<16xf32>
        %add3A_1308 = arith.constant 80 : i32
        %add3A_1309 = arith.addi %mul3A_494, %add3A_1308 : i32
        %get3A_1310 = arith.index_cast %add3A_1257 : i32 to index
        %get3A_1311 = arith.index_cast %add3A_1309 : i32 to index
        %get3A_1312 = tpu.vector_load %arg6[%get3A_1310, %get3A_1311] {strides = array<i32>} : memref<64x512xf32, #tpu.memory_space<vmem>>, vector<1x16xf32>,
        %get3A_1313 = vector.shape_cast %get3A_1312 : vector<1x16xf32> to vector<16xf32>
        %add3A_1314 = arith.addf %add3A_1228, %get3A_1313 : vector<16xf32>
        %mul3A_1315 = vector.broadcast %squeeze3A_1253 : f32 to vector<16xf32>
        %mul3A_1316 = arith.mulf %get3A_1313, %mul3A_1315 : vector<16xf32>
        %add3A_1317 = arith.addf %add3A_1231, %mul3A_1316 : vector<16xf32>
        %add3A_1318 = arith.constant 96 : i32
        %add3A_1319 = arith.addi %mul3A_494, %add3A_1318 : i32
        %get3A_1320 = arith.index_cast %add3A_1257 : i32 to index
        %get3A_1321 = arith.index_cast %add3A_1319 : i32 to index
        %get3A_1322 = tpu.vector_load %arg6[%get3A_1320, %get3A_1321] {strides = array<i32>} : memref<64x512xf32, #tpu.memory_space<vmem>>, vector<1x16xf32>,
        %get3A_1323 = vector.shape_cast %get3A_1322 : vector<1x16xf32> to vector<16xf32>
        %add3A_1324 = arith.addf %add3A_1238, %get3A_1323 : vector<16xf32>
        %mul3A_1325 = vector.broadcast %squeeze3A_1253 : f32 to vector<16xf32>
        %mul3A_1326 = arith.mulf %get3A_1323, %mul3A_1325 : vector<16xf32>
        %add3A_1327 = arith.addf %add3A_1241, %mul3A_1326 : vector<16xf32>
        %add3A_1328 = arith.constant 112 : i32
        %add3A_1329 = arith.addi %mul3A_494, %add3A_1328 : i32
        %get3A_1330 = arith.index_cast %add3A_1257 : i32 to index
        %get3A_1331 = arith.index_cast %add3A_1329 : i32 to index
        %get3A_1332 = tpu.vector_load %arg6[%get3A_1330, %get3A_1331] {strides = array<i32>} : memref<64x512xf32, #tpu.memory_space<vmem>>, vector<1x16xf32>,
        %get3A_1333 = vector.shape_cast %get3A_1332 : vector<1x16xf32> to vector<16xf32>
        %add3A_1334 = arith.addf %add3A_1248, %get3A_1333 : vector<16xf32>
        %mul3A_1335 = vector.broadcast %squeeze3A_1253 : f32 to vector<16xf32>
        %mul3A_1336 = arith.mulf %get3A_1333, %mul3A_1335 : vector<16xf32>
        %add3A_1337 = arith.addf %add3A_1251, %mul3A_1336 : vector<16xf32>
        %slice3A_1338 = vector.extract_strided_slice %get3A_651 {offsets = [8], sizes = [1], strides = [1]} : vector<16xf32> to vector<1xf32>
        %squeeze3A_1339 = vector.extract %slice3A_1338[0] : f32 from vector<1xf32>
        %mul3A_1340 = arith.constant 16 : i32
        %mul3A_1341 = arith.muli %scan3A_630, %mul3A_1340 : i32
        %add3A_1342 = arith.constant 8 : i32
        %add3A_1343 = arith.addi %mul3A_1341, %add3A_1342 : i32
        %add3A_1344 = arith.constant 0 : i32
        %add3A_1345 = arith.addi %mul3A_494, %add3A_1344 : i32
        %get3A_1346 = arith.index_cast %add3A_1343 : i32 to index
        %get3A_1347 = arith.index_cast %add3A_1345 : i32 to index
        %get3A_1348 = tpu.vector_load %arg6[%get3A_1346, %get3A_1347] {strides = array<i32>} : memref<64x512xf32, #tpu.memory_space<vmem>>, vector<1x16xf32>,
        %get3A_1349 = vector.shape_cast %get3A_1348 : vector<1x16xf32> to vector<16xf32>
        %add3A_1350 = arith.addf %add3A_1264, %get3A_1349 : vector<16xf32>
        %mul3A_1351 = vector.broadcast %squeeze3A_1339 : f32 to vector<16xf32>
        %mul3A_1352 = arith.mulf %get3A_1349, %mul3A_1351 : vector<16xf32>
        %add3A_1353 = arith.addf %add3A_1267, %mul3A_1352 : vector<16xf32>
        %add3A_1354 = arith.constant 16 : i32
        %add3A_1355 = arith.addi %mul3A_494, %add3A_1354 : i32
        %get3A_1356 = arith.index_cast %add3A_1343 : i32 to index
        %get3A_1357 = arith.index_cast %add3A_1355 : i32 to index
        %get3A_1358 = tpu.vector_load %arg6[%get3A_1356, %get3A_1357] {strides = array<i32>} : memref<64x512xf32, #tpu.memory_space<vmem>>, vector<1x16xf32>,
        %get3A_1359 = vector.shape_cast %get3A_1358 : vector<1x16xf32> to vector<16xf32>
        %add3A_1360 = arith.addf %add3A_1274, %get3A_1359 : vector<16xf32>
        %mul3A_1361 = vector.broadcast %squeeze3A_1339 : f32 to vector<16xf32>
        %mul3A_1362 = arith.mulf %get3A_1359, %mul3A_1361 : vector<16xf32>
        %add3A_1363 = arith.addf %add3A_1277, %mul3A_1362 : vector<16xf32>
        %add3A_1364 = arith.constant 32 : i32
        %add3A_1365 = arith.addi %mul3A_494, %add3A_1364 : i32
        %get3A_1366 = arith.index_cast %add3A_1343 : i32 to index
        %get3A_1367 = arith.index_cast %add3A_1365 : i32 to index
        %get3A_1368 = tpu.vector_load %arg6[%get3A_1366, %get3A_1367] {strides = array<i32>} : memref<64x512xf32, #tpu.memory_space<vmem>>, vector<1x16xf32>,
        %get3A_1369 = vector.shape_cast %get3A_1368 : vector<1x16xf32> to vector<16xf32>
        %add3A_1370 = arith.addf %add3A_1284, %get3A_1369 : vector<16xf32>
        %mul3A_1371 = vector.broadcast %squeeze3A_1339 : f32 to vector<16xf32>
        %mul3A_1372 = arith.mulf %get3A_1369, %mul3A_1371 : vector<16xf32>
        %add3A_1373 = arith.addf %add3A_1287, %mul3A_1372 : vector<16xf32>
        %add3A_1374 = arith.constant 48 : i32
        %add3A_1375 = arith.addi %mul3A_494, %add3A_1374 : i32
        %get3A_1376 = arith.index_cast %add3A_1343 : i32 to index
        %get3A_1377 = arith.index_cast %add3A_1375 : i32 to index
        %get3A_1378 = tpu.vector_load %arg6[%get3A_1376, %get3A_1377] {strides = array<i32>} : memref<64x512xf32, #tpu.memory_space<vmem>>, vector<1x16xf32>,
        %get3A_1379 = vector.shape_cast %get3A_1378 : vector<1x16xf32> to vector<16xf32>
        %add3A_1380 = arith.addf %add3A_1294, %get3A_1379 : vector<16xf32>
        %mul3A_1381 = vector.broadcast %squeeze3A_1339 : f32 to vector<16xf32>
        %mul3A_1382 = arith.mulf %get3A_1379, %mul3A_1381 : vector<16xf32>
        %add3A_1383 = arith.addf %add3A_1297, %mul3A_1382 : vector<16xf32>
        %add3A_1384 = arith.constant 64 : i32
        %add3A_1385 = arith.addi %mul3A_494, %add3A_1384 : i32
        %get3A_1386 = arith.index_cast %add3A_1343 : i32 to index
        %get3A_1387 = arith.index_cast %add3A_1385 : i32 to index
        %get3A_1388 = tpu.vector_load %arg6[%get3A_1386, %get3A_1387] {strides = array<i32>} : memref<64x512xf32, #tpu.memory_space<vmem>>, vector<1x16xf32>,
        %get3A_1389 = vector.shape_cast %get3A_1388 : vector<1x16xf32> to vector<16xf32>
        %add3A_1390 = arith.addf %add3A_1304, %get3A_1389 : vector<16xf32>
        %mul3A_1391 = vector.broadcast %squeeze3A_1339 : f32 to vector<16xf32>
        %mul3A_1392 = arith.mulf %get3A_1389, %mul3A_1391 : vector<16xf32>
        %add3A_1393 = arith.addf %add3A_1307, %mul3A_1392 : vector<16xf32>
        %add3A_1394 = arith.constant 80 : i32
        %add3A_1395 = arith.addi %mul3A_494, %add3A_1394 : i32
        %get3A_1396 = arith.index_cast %add3A_1343 : i32 to index
        %get3A_1397 = arith.index_cast %add3A_1395 : i32 to index
        %get3A_1398 = tpu.vector_load %arg6[%get3A_1396, %get3A_1397] {strides = array<i32>} : memref<64x512xf32, #tpu.memory_space<vmem>>, vector<1x16xf32>,
        %get3A_1399 = vector.shape_cast %get3A_1398 : vector<1x16xf32> to vector<16xf32>
        %add3A_1400 = arith.addf %add3A_1314, %get3A_1399 : vector<16xf32>
        %mul3A_1401 = vector.broadcast %squeeze3A_1339 : f32 to vector<16xf32>
        %mul3A_1402 = arith.mulf %get3A_1399, %mul3A_1401 : vector<16xf32>
        %add3A_1403 = arith.addf %add3A_1317, %mul3A_1402 : vector<16xf32>
        %add3A_1404 = arith.constant 96 : i32
        %add3A_1405 = arith.addi %mul3A_494, %add3A_1404 : i32
        %get3A_1406 = arith.index_cast %add3A_1343 : i32 to index
        %get3A_1407 = arith.index_cast %add3A_1405 : i32 to index
        %get3A_1408 = tpu.vector_load %arg6[%get3A_1406, %get3A_1407] {strides = array<i32>} : memref<64x512xf32, #tpu.memory_space<vmem>>, vector<1x16xf32>,
        %get3A_1409 = vector.shape_cast %get3A_1408 : vector<1x16xf32> to vector<16xf32>
        %add3A_1410 = arith.addf %add3A_1324, %get3A_1409 : vector<16xf32>
        %mul3A_1411 = vector.broadcast %squeeze3A_1339 : f32 to vector<16xf32>
        %mul3A_1412 = arith.mulf %get3A_1409, %mul3A_1411 : vector<16xf32>
        %add3A_1413 = arith.addf %add3A_1327, %mul3A_1412 : vector<16xf32>
        %add3A_1414 = arith.constant 112 : i32
        %add3A_1415 = arith.addi %mul3A_494, %add3A_1414 : i32
        %get3A_1416 = arith.index_cast %add3A_1343 : i32 to index
        %get3A_1417 = arith.index_cast %add3A_1415 : i32 to index
        %get3A_1418 = tpu.vector_load %arg6[%get3A_1416, %get3A_1417] {strides = array<i32>} : memref<64x512xf32, #tpu.memory_space<vmem>>, vector<1x16xf32>,
        %get3A_1419 = vector.shape_cast %get3A_1418 : vector<1x16xf32> to vector<16xf32>
        %add3A_1420 = arith.addf %add3A_1334, %get3A_1419 : vector<16xf32>
        %mul3A_1421 = vector.broadcast %squeeze3A_1339 : f32 to vector<16xf32>
        %mul3A_1422 = arith.mulf %get3A_1419, %mul3A_1421 : vector<16xf32>
        %add3A_1423 = arith.addf %add3A_1337, %mul3A_1422 : vector<16xf32>
        %slice3A_1424 = vector.extract_strided_slice %get3A_651 {offsets = [9], sizes = [1], strides = [1]} : vector<16xf32> to vector<1xf32>
        %squeeze3A_1425 = vector.extract %slice3A_1424[0] : f32 from vector<1xf32>
        %mul3A_1426 = arith.constant 16 : i32
        %mul3A_1427 = arith.muli %scan3A_630, %mul3A_1426 : i32
        %add3A_1428 = arith.constant 9 : i32
        %add3A_1429 = arith.addi %mul3A_1427, %add3A_1428 : i32
        %add3A_1430 = arith.constant 0 : i32
        %add3A_1431 = arith.addi %mul3A_494, %add3A_1430 : i32
        %get3A_1432 = arith.index_cast %add3A_1429 : i32 to index
        %get3A_1433 = arith.index_cast %add3A_1431 : i32 to index
        %get3A_1434 = tpu.vector_load %arg6[%get3A_1432, %get3A_1433] {strides = array<i32>} : memref<64x512xf32, #tpu.memory_space<vmem>>, vector<1x16xf32>,
        %get3A_1435 = vector.shape_cast %get3A_1434 : vector<1x16xf32> to vector<16xf32>
        %add3A_1436 = arith.addf %add3A_1350, %get3A_1435 : vector<16xf32>
        %mul3A_1437 = vector.broadcast %squeeze3A_1425 : f32 to vector<16xf32>
        %mul3A_1438 = arith.mulf %get3A_1435, %mul3A_1437 : vector<16xf32>
        %add3A_1439 = arith.addf %add3A_1353, %mul3A_1438 : vector<16xf32>
        %add3A_1440 = arith.constant 16 : i32
        %add3A_1441 = arith.addi %mul3A_494, %add3A_1440 : i32
        %get3A_1442 = arith.index_cast %add3A_1429 : i32 to index
        %get3A_1443 = arith.index_cast %add3A_1441 : i32 to index
        %get3A_1444 = tpu.vector_load %arg6[%get3A_1442, %get3A_1443] {strides = array<i32>} : memref<64x512xf32, #tpu.memory_space<vmem>>, vector<1x16xf32>,
        %get3A_1445 = vector.shape_cast %get3A_1444 : vector<1x16xf32> to vector<16xf32>
        %add3A_1446 = arith.addf %add3A_1360, %get3A_1445 : vector<16xf32>
        %mul3A_1447 = vector.broadcast %squeeze3A_1425 : f32 to vector<16xf32>
        %mul3A_1448 = arith.mulf %get3A_1445, %mul3A_1447 : vector<16xf32>
        %add3A_1449 = arith.addf %add3A_1363, %mul3A_1448 : vector<16xf32>
        %add3A_1450 = arith.constant 32 : i32
        %add3A_1451 = arith.addi %mul3A_494, %add3A_1450 : i32
        %get3A_1452 = arith.index_cast %add3A_1429 : i32 to index
        %get3A_1453 = arith.index_cast %add3A_1451 : i32 to index
        %get3A_1454 = tpu.vector_load %arg6[%get3A_1452, %get3A_1453] {strides = array<i32>} : memref<64x512xf32, #tpu.memory_space<vmem>>, vector<1x16xf32>,
        %get3A_1455 = vector.shape_cast %get3A_1454 : vector<1x16xf32> to vector<16xf32>
        %add3A_1456 = arith.addf %add3A_1370, %get3A_1455 : vector<16xf32>
        %mul3A_1457 = vector.broadcast %squeeze3A_1425 : f32 to vector<16xf32>
        %mul3A_1458 = arith.mulf %get3A_1455, %mul3A_1457 : vector<16xf32>
        %add3A_1459 = arith.addf %add3A_1373, %mul3A_1458 : vector<16xf32>
        %add3A_1460 = arith.constant 48 : i32
        %add3A_1461 = arith.addi %mul3A_494, %add3A_1460 : i32
        %get3A_1462 = arith.index_cast %add3A_1429 : i32 to index
        %get3A_1463 = arith.index_cast %add3A_1461 : i32 to index
        %get3A_1464 = tpu.vector_load %arg6[%get3A_1462, %get3A_1463] {strides = array<i32>} : memref<64x512xf32, #tpu.memory_space<vmem>>, vector<1x16xf32>,
        %get3A_1465 = vector.shape_cast %get3A_1464 : vector<1x16xf32> to vector<16xf32>
        %add3A_1466 = arith.addf %add3A_1380, %get3A_1465 : vector<16xf32>
        %mul3A_1467 = vector.broadcast %squeeze3A_1425 : f32 to vector<16xf32>
        %mul3A_1468 = arith.mulf %get3A_1465, %mul3A_1467 : vector<16xf32>
        %add3A_1469 = arith.addf %add3A_1383, %mul3A_1468 : vector<16xf32>
        %add3A_1470 = arith.constant 64 : i32
        %add3A_1471 = arith.addi %mul3A_494, %add3A_1470 : i32
        %get3A_1472 = arith.index_cast %add3A_1429 : i32 to index
        %get3A_1473 = arith.index_cast %add3A_1471 : i32 to index
        %get3A_1474 = tpu.vector_load %arg6[%get3A_1472, %get3A_1473] {strides = array<i32>} : memref<64x512xf32, #tpu.memory_space<vmem>>, vector<1x16xf32>,
        %get3A_1475 = vector.shape_cast %get3A_1474 : vector<1x16xf32> to vector<16xf32>
        %add3A_1476 = arith.addf %add3A_1390, %get3A_1475 : vector<16xf32>
        %mul3A_1477 = vector.broadcast %squeeze3A_1425 : f32 to vector<16xf32>
        %mul3A_1478 = arith.mulf %get3A_1475, %mul3A_1477 : vector<16xf32>
        %add3A_1479 = arith.addf %add3A_1393, %mul3A_1478 : vector<16xf32>
        %add3A_1480 = arith.constant 80 : i32
        %add3A_1481 = arith.addi %mul3A_494, %add3A_1480 : i32
        %get3A_1482 = arith.index_cast %add3A_1429 : i32 to index
        %get3A_1483 = arith.index_cast %add3A_1481 : i32 to index
        %get3A_1484 = tpu.vector_load %arg6[%get3A_1482, %get3A_1483] {strides = array<i32>} : memref<64x512xf32, #tpu.memory_space<vmem>>, vector<1x16xf32>,
        %get3A_1485 = vector.shape_cast %get3A_1484 : vector<1x16xf32> to vector<16xf32>
        %add3A_1486 = arith.addf %add3A_1400, %get3A_1485 : vector<16xf32>
        %mul3A_1487 = vector.broadcast %squeeze3A_1425 : f32 to vector<16xf32>
        %mul3A_1488 = arith.mulf %get3A_1485, %mul3A_1487 : vector<16xf32>
        %add3A_1489 = arith.addf %add3A_1403, %mul3A_1488 : vector<16xf32>
        %add3A_1490 = arith.constant 96 : i32
        %add3A_1491 = arith.addi %mul3A_494, %add3A_1490 : i32
        %get3A_1492 = arith.index_cast %add3A_1429 : i32 to index
        %get3A_1493 = arith.index_cast %add3A_1491 : i32 to index
        %get3A_1494 = tpu.vector_load %arg6[%get3A_1492, %get3A_1493] {strides = array<i32>} : memref<64x512xf32, #tpu.memory_space<vmem>>, vector<1x16xf32>,
        %get3A_1495 = vector.shape_cast %get3A_1494 : vector<1x16xf32> to vector<16xf32>
        %add3A_1496 = arith.addf %add3A_1410, %get3A_1495 : vector<16xf32>
        %mul3A_1497 = vector.broadcast %squeeze3A_1425 : f32 to vector<16xf32>
        %mul3A_1498 = arith.mulf %get3A_1495, %mul3A_1497 : vector<16xf32>
        %add3A_1499 = arith.addf %add3A_1413, %mul3A_1498 : vector<16xf32>
        %add3A_1500 = arith.constant 112 : i32
        %add3A_1501 = arith.addi %mul3A_494, %add3A_1500 : i32
        %get3A_1502 = arith.index_cast %add3A_1429 : i32 to index
        %get3A_1503 = arith.index_cast %add3A_1501 : i32 to index
        %get3A_1504 = tpu.vector_load %arg6[%get3A_1502, %get3A_1503] {strides = array<i32>} : memref<64x512xf32, #tpu.memory_space<vmem>>, vector<1x16xf32>,
        %get3A_1505 = vector.shape_cast %get3A_1504 : vector<1x16xf32> to vector<16xf32>
        %add3A_1506 = arith.addf %add3A_1420, %get3A_1505 : vector<16xf32>
        %mul3A_1507 = vector.broadcast %squeeze3A_1425 : f32 to vector<16xf32>
        %mul3A_1508 = arith.mulf %get3A_1505, %mul3A_1507 : vector<16xf32>
        %add3A_1509 = arith.addf %add3A_1423, %mul3A_1508 : vector<16xf32>
        %slice3A_1510 = vector.extract_strided_slice %get3A_651 {offsets = [10], sizes = [1], strides = [1]} : vector<16xf32> to vector<1xf32>
        %squeeze3A_1511 = vector.extract %slice3A_1510[0] : f32 from vector<1xf32>
        %mul3A_1512 = arith.constant 16 : i32
        %mul3A_1513 = arith.muli %scan3A_630, %mul3A_1512 : i32
        %add3A_1514 = arith.constant 10 : i32
        %add3A_1515 = arith.addi %mul3A_1513, %add3A_1514 : i32
        %add3A_1516 = arith.constant 0 : i32
        %add3A_1517 = arith.addi %mul3A_494, %add3A_1516 : i32
        %get3A_1518 = arith.index_cast %add3A_1515 : i32 to index
        %get3A_1519 = arith.index_cast %add3A_1517 : i32 to index
        %get3A_1520 = tpu.vector_load %arg6[%get3A_1518, %get3A_1519] {strides = array<i32>} : memref<64x512xf32, #tpu.memory_space<vmem>>, vector<1x16xf32>,
        %get3A_1521 = vector.shape_cast %get3A_1520 : vector<1x16xf32> to vector<16xf32>
        %add3A_1522 = arith.addf %add3A_1436, %get3A_1521 : vector<16xf32>
        %mul3A_1523 = vector.broadcast %squeeze3A_1511 : f32 to vector<16xf32>
        %mul3A_1524 = arith.mulf %get3A_1521, %mul3A_1523 : vector<16xf32>
        %add3A_1525 = arith.addf %add3A_1439, %mul3A_1524 : vector<16xf32>
        %add3A_1526 = arith.constant 16 : i32
        %add3A_1527 = arith.addi %mul3A_494, %add3A_1526 : i32
        %get3A_1528 = arith.index_cast %add3A_1515 : i32 to index
        %get3A_1529 = arith.index_cast %add3A_1527 : i32 to index
        %get3A_1530 = tpu.vector_load %arg6[%get3A_1528, %get3A_1529] {strides = array<i32>} : memref<64x512xf32, #tpu.memory_space<vmem>>, vector<1x16xf32>,
        %get3A_1531 = vector.shape_cast %get3A_1530 : vector<1x16xf32> to vector<16xf32>
        %add3A_1532 = arith.addf %add3A_1446, %get3A_1531 : vector<16xf32>
        %mul3A_1533 = vector.broadcast %squeeze3A_1511 : f32 to vector<16xf32>
        %mul3A_1534 = arith.mulf %get3A_1531, %mul3A_1533 : vector<16xf32>
        %add3A_1535 = arith.addf %add3A_1449, %mul3A_1534 : vector<16xf32>
        %add3A_1536 = arith.constant 32 : i32
        %add3A_1537 = arith.addi %mul3A_494, %add3A_1536 : i32
        %get3A_1538 = arith.index_cast %add3A_1515 : i32 to index
        %get3A_1539 = arith.index_cast %add3A_1537 : i32 to index
        %get3A_1540 = tpu.vector_load %arg6[%get3A_1538, %get3A_1539] {strides = array<i32>} : memref<64x512xf32, #tpu.memory_space<vmem>>, vector<1x16xf32>,
        %get3A_1541 = vector.shape_cast %get3A_1540 : vector<1x16xf32> to vector<16xf32>
        %add3A_1542 = arith.addf %add3A_1456, %get3A_1541 : vector<16xf32>
        %mul3A_1543 = vector.broadcast %squeeze3A_1511 : f32 to vector<16xf32>
        %mul3A_1544 = arith.mulf %get3A_1541, %mul3A_1543 : vector<16xf32>
        %add3A_1545 = arith.addf %add3A_1459, %mul3A_1544 : vector<16xf32>
        %add3A_1546 = arith.constant 48 : i32
        %add3A_1547 = arith.addi %mul3A_494, %add3A_1546 : i32
        %get3A_1548 = arith.index_cast %add3A_1515 : i32 to index
        %get3A_1549 = arith.index_cast %add3A_1547 : i32 to index
        %get3A_1550 = tpu.vector_load %arg6[%get3A_1548, %get3A_1549] {strides = array<i32>} : memref<64x512xf32, #tpu.memory_space<vmem>>, vector<1x16xf32>,
        %get3A_1551 = vector.shape_cast %get3A_1550 : vector<1x16xf32> to vector<16xf32>
        %add3A_1552 = arith.addf %add3A_1466, %get3A_1551 : vector<16xf32>
        %mul3A_1553 = vector.broadcast %squeeze3A_1511 : f32 to vector<16xf32>
        %mul3A_1554 = arith.mulf %get3A_1551, %mul3A_1553 : vector<16xf32>
        %add3A_1555 = arith.addf %add3A_1469, %mul3A_1554 : vector<16xf32>
        %add3A_1556 = arith.constant 64 : i32
        %add3A_1557 = arith.addi %mul3A_494, %add3A_1556 : i32
        %get3A_1558 = arith.index_cast %add3A_1515 : i32 to index
        %get3A_1559 = arith.index_cast %add3A_1557 : i32 to index
        %get3A_1560 = tpu.vector_load %arg6[%get3A_1558, %get3A_1559] {strides = array<i32>} : memref<64x512xf32, #tpu.memory_space<vmem>>, vector<1x16xf32>,
        %get3A_1561 = vector.shape_cast %get3A_1560 : vector<1x16xf32> to vector<16xf32>
        %add3A_1562 = arith.addf %add3A_1476, %get3A_1561 : vector<16xf32>
        %mul3A_1563 = vector.broadcast %squeeze3A_1511 : f32 to vector<16xf32>
        %mul3A_1564 = arith.mulf %get3A_1561, %mul3A_1563 : vector<16xf32>
        %add3A_1565 = arith.addf %add3A_1479, %mul3A_1564 : vector<16xf32>
        %add3A_1566 = arith.constant 80 : i32
        %add3A_1567 = arith.addi %mul3A_494, %add3A_1566 : i32
        %get3A_1568 = arith.index_cast %add3A_1515 : i32 to index
        %get3A_1569 = arith.index_cast %add3A_1567 : i32 to index
        %get3A_1570 = tpu.vector_load %arg6[%get3A_1568, %get3A_1569] {strides = array<i32>} : memref<64x512xf32, #tpu.memory_space<vmem>>, vector<1x16xf32>,
        %get3A_1571 = vector.shape_cast %get3A_1570 : vector<1x16xf32> to vector<16xf32>
        %add3A_1572 = arith.addf %add3A_1486, %get3A_1571 : vector<16xf32>
        %mul3A_1573 = vector.broadcast %squeeze3A_1511 : f32 to vector<16xf32>
        %mul3A_1574 = arith.mulf %get3A_1571, %mul3A_1573 : vector<16xf32>
        %add3A_1575 = arith.addf %add3A_1489, %mul3A_1574 : vector<16xf32>
        %add3A_1576 = arith.constant 96 : i32
        %add3A_1577 = arith.addi %mul3A_494, %add3A_1576 : i32
        %get3A_1578 = arith.index_cast %add3A_1515 : i32 to index
        %get3A_1579 = arith.index_cast %add3A_1577 : i32 to index
        %get3A_1580 = tpu.vector_load %arg6[%get3A_1578, %get3A_1579] {strides = array<i32>} : memref<64x512xf32, #tpu.memory_space<vmem>>, vector<1x16xf32>,
        %get3A_1581 = vector.shape_cast %get3A_1580 : vector<1x16xf32> to vector<16xf32>
        %add3A_1582 = arith.addf %add3A_1496, %get3A_1581 : vector<16xf32>
        %mul3A_1583 = vector.broadcast %squeeze3A_1511 : f32 to vector<16xf32>
        %mul3A_1584 = arith.mulf %get3A_1581, %mul3A_1583 : vector<16xf32>
        %add3A_1585 = arith.addf %add3A_1499, %mul3A_1584 : vector<16xf32>
        %add3A_1586 = arith.constant 112 : i32
        %add3A_1587 = arith.addi %mul3A_494, %add3A_1586 : i32
        %get3A_1588 = arith.index_cast %add3A_1515 : i32 to index
        %get3A_1589 = arith.index_cast %add3A_1587 : i32 to index
        %get3A_1590 = tpu.vector_load %arg6[%get3A_1588, %get3A_1589] {strides = array<i32>} : memref<64x512xf32, #tpu.memory_space<vmem>>, vector<1x16xf32>,
        %get3A_1591 = vector.shape_cast %get3A_1590 : vector<1x16xf32> to vector<16xf32>
        %add3A_1592 = arith.addf %add3A_1506, %get3A_1591 : vector<16xf32>
        %mul3A_1593 = vector.broadcast %squeeze3A_1511 : f32 to vector<16xf32>
        %mul3A_1594 = arith.mulf %get3A_1591, %mul3A_1593 : vector<16xf32>
        %add3A_1595 = arith.addf %add3A_1509, %mul3A_1594 : vector<16xf32>
        %slice3A_1596 = vector.extract_strided_slice %get3A_651 {offsets = [11], sizes = [1], strides = [1]} : vector<16xf32> to vector<1xf32>
        %squeeze3A_1597 = vector.extract %slice3A_1596[0] : f32 from vector<1xf32>
        %mul3A_1598 = arith.constant 16 : i32
        %mul3A_1599 = arith.muli %scan3A_630, %mul3A_1598 : i32
        %add3A_1600 = arith.constant 11 : i32
        %add3A_1601 = arith.addi %mul3A_1599, %add3A_1600 : i32
        %add3A_1602 = arith.constant 0 : i32
        %add3A_1603 = arith.addi %mul3A_494, %add3A_1602 : i32
        %get3A_1604 = arith.index_cast %add3A_1601 : i32 to index
        %get3A_1605 = arith.index_cast %add3A_1603 : i32 to index
        %get3A_1606 = tpu.vector_load %arg6[%get3A_1604, %get3A_1605] {strides = array<i32>} : memref<64x512xf32, #tpu.memory_space<vmem>>, vector<1x16xf32>,
        %get3A_1607 = vector.shape_cast %get3A_1606 : vector<1x16xf32> to vector<16xf32>
        %add3A_1608 = arith.addf %add3A_1522, %get3A_1607 : vector<16xf32>
        %mul3A_1609 = vector.broadcast %squeeze3A_1597 : f32 to vector<16xf32>
        %mul3A_1610 = arith.mulf %get3A_1607, %mul3A_1609 : vector<16xf32>
        %add3A_1611 = arith.addf %add3A_1525, %mul3A_1610 : vector<16xf32>
        %add3A_1612 = arith.constant 16 : i32
        %add3A_1613 = arith.addi %mul3A_494, %add3A_1612 : i32
        %get3A_1614 = arith.index_cast %add3A_1601 : i32 to index
        %get3A_1615 = arith.index_cast %add3A_1613 : i32 to index
        %get3A_1616 = tpu.vector_load %arg6[%get3A_1614, %get3A_1615] {strides = array<i32>} : memref<64x512xf32, #tpu.memory_space<vmem>>, vector<1x16xf32>,
        %get3A_1617 = vector.shape_cast %get3A_1616 : vector<1x16xf32> to vector<16xf32>
        %add3A_1618 = arith.addf %add3A_1532, %get3A_1617 : vector<16xf32>
        %mul3A_1619 = vector.broadcast %squeeze3A_1597 : f32 to vector<16xf32>
        %mul3A_1620 = arith.mulf %get3A_1617, %mul3A_1619 : vector<16xf32>
        %add3A_1621 = arith.addf %add3A_1535, %mul3A_1620 : vector<16xf32>
        %add3A_1622 = arith.constant 32 : i32
        %add3A_1623 = arith.addi %mul3A_494, %add3A_1622 : i32
        %get3A_1624 = arith.index_cast %add3A_1601 : i32 to index
        %get3A_1625 = arith.index_cast %add3A_1623 : i32 to index
        %get3A_1626 = tpu.vector_load %arg6[%get3A_1624, %get3A_1625] {strides = array<i32>} : memref<64x512xf32, #tpu.memory_space<vmem>>, vector<1x16xf32>,
        %get3A_1627 = vector.shape_cast %get3A_1626 : vector<1x16xf32> to vector<16xf32>
        %add3A_1628 = arith.addf %add3A_1542, %get3A_1627 : vector<16xf32>
        %mul3A_1629 = vector.broadcast %squeeze3A_1597 : f32 to vector<16xf32>
        %mul3A_1630 = arith.mulf %get3A_1627, %mul3A_1629 : vector<16xf32>
        %add3A_1631 = arith.addf %add3A_1545, %mul3A_1630 : vector<16xf32>
        %add3A_1632 = arith.constant 48 : i32
        %add3A_1633 = arith.addi %mul3A_494, %add3A_1632 : i32
        %get3A_1634 = arith.index_cast %add3A_1601 : i32 to index
        %get3A_1635 = arith.index_cast %add3A_1633 : i32 to index
        %get3A_1636 = tpu.vector_load %arg6[%get3A_1634, %get3A_1635] {strides = array<i32>} : memref<64x512xf32, #tpu.memory_space<vmem>>, vector<1x16xf32>,
        %get3A_1637 = vector.shape_cast %get3A_1636 : vector<1x16xf32> to vector<16xf32>
        %add3A_1638 = arith.addf %add3A_1552, %get3A_1637 : vector<16xf32>
        %mul3A_1639 = vector.broadcast %squeeze3A_1597 : f32 to vector<16xf32>
        %mul3A_1640 = arith.mulf %get3A_1637, %mul3A_1639 : vector<16xf32>
        %add3A_1641 = arith.addf %add3A_1555, %mul3A_1640 : vector<16xf32>
        %add3A_1642 = arith.constant 64 : i32
        %add3A_1643 = arith.addi %mul3A_494, %add3A_1642 : i32
        %get3A_1644 = arith.index_cast %add3A_1601 : i32 to index
        %get3A_1645 = arith.index_cast %add3A_1643 : i32 to index
        %get3A_1646 = tpu.vector_load %arg6[%get3A_1644, %get3A_1645] {strides = array<i32>} : memref<64x512xf32, #tpu.memory_space<vmem>>, vector<1x16xf32>,
        %get3A_1647 = vector.shape_cast %get3A_1646 : vector<1x16xf32> to vector<16xf32>
        %add3A_1648 = arith.addf %add3A_1562, %get3A_1647 : vector<16xf32>
        %mul3A_1649 = vector.broadcast %squeeze3A_1597 : f32 to vector<16xf32>
        %mul3A_1650 = arith.mulf %get3A_1647, %mul3A_1649 : vector<16xf32>
        %add3A_1651 = arith.addf %add3A_1565, %mul3A_1650 : vector<16xf32>
        %add3A_1652 = arith.constant 80 : i32
        %add3A_1653 = arith.addi %mul3A_494, %add3A_1652 : i32
        %get3A_1654 = arith.index_cast %add3A_1601 : i32 to index
        %get3A_1655 = arith.index_cast %add3A_1653 : i32 to index
        %get3A_1656 = tpu.vector_load %arg6[%get3A_1654, %get3A_1655] {strides = array<i32>} : memref<64x512xf32, #tpu.memory_space<vmem>>, vector<1x16xf32>,
        %get3A_1657 = vector.shape_cast %get3A_1656 : vector<1x16xf32> to vector<16xf32>
        %add3A_1658 = arith.addf %add3A_1572, %get3A_1657 : vector<16xf32>
        %mul3A_1659 = vector.broadcast %squeeze3A_1597 : f32 to vector<16xf32>
        %mul3A_1660 = arith.mulf %get3A_1657, %mul3A_1659 : vector<16xf32>
        %add3A_1661 = arith.addf %add3A_1575, %mul3A_1660 : vector<16xf32>
        %add3A_1662 = arith.constant 96 : i32
        %add3A_1663 = arith.addi %mul3A_494, %add3A_1662 : i32
        %get3A_1664 = arith.index_cast %add3A_1601 : i32 to index
        %get3A_1665 = arith.index_cast %add3A_1663 : i32 to index
        %get3A_1666 = tpu.vector_load %arg6[%get3A_1664, %get3A_1665] {strides = array<i32>} : memref<64x512xf32, #tpu.memory_space<vmem>>, vector<1x16xf32>,
        %get3A_1667 = vector.shape_cast %get3A_1666 : vector<1x16xf32> to vector<16xf32>
        %add3A_1668 = arith.addf %add3A_1582, %get3A_1667 : vector<16xf32>
        %mul3A_1669 = vector.broadcast %squeeze3A_1597 : f32 to vector<16xf32>
        %mul3A_1670 = arith.mulf %get3A_1667, %mul3A_1669 : vector<16xf32>
        %add3A_1671 = arith.addf %add3A_1585, %mul3A_1670 : vector<16xf32>
        %add3A_1672 = arith.constant 112 : i32
        %add3A_1673 = arith.addi %mul3A_494, %add3A_1672 : i32
        %get3A_1674 = arith.index_cast %add3A_1601 : i32 to index
        %get3A_1675 = arith.index_cast %add3A_1673 : i32 to index
        %get3A_1676 = tpu.vector_load %arg6[%get3A_1674, %get3A_1675] {strides = array<i32>} : memref<64x512xf32, #tpu.memory_space<vmem>>, vector<1x16xf32>,
        %get3A_1677 = vector.shape_cast %get3A_1676 : vector<1x16xf32> to vector<16xf32>
        %add3A_1678 = arith.addf %add3A_1592, %get3A_1677 : vector<16xf32>
        %mul3A_1679 = vector.broadcast %squeeze3A_1597 : f32 to vector<16xf32>
        %mul3A_1680 = arith.mulf %get3A_1677, %mul3A_1679 : vector<16xf32>
        %add3A_1681 = arith.addf %add3A_1595, %mul3A_1680 : vector<16xf32>
        %slice3A_1682 = vector.extract_strided_slice %get3A_651 {offsets = [12], sizes = [1], strides = [1]} : vector<16xf32> to vector<1xf32>
        %squeeze3A_1683 = vector.extract %slice3A_1682[0] : f32 from vector<1xf32>
        %mul3A_1684 = arith.constant 16 : i32
        %mul3A_1685 = arith.muli %scan3A_630, %mul3A_1684 : i32
        %add3A_1686 = arith.constant 12 : i32
        %add3A_1687 = arith.addi %mul3A_1685, %add3A_1686 : i32
        %add3A_1688 = arith.constant 0 : i32
        %add3A_1689 = arith.addi %mul3A_494, %add3A_1688 : i32
        %get3A_1690 = arith.index_cast %add3A_1687 : i32 to index
        %get3A_1691 = arith.index_cast %add3A_1689 : i32 to index
        %get3A_1692 = tpu.vector_load %arg6[%get3A_1690, %get3A_1691] {strides = array<i32>} : memref<64x512xf32, #tpu.memory_space<vmem>>, vector<1x16xf32>,
        %get3A_1693 = vector.shape_cast %get3A_1692 : vector<1x16xf32> to vector<16xf32>
        %add3A_1694 = arith.addf %add3A_1608, %get3A_1693 : vector<16xf32>
        %mul3A_1695 = vector.broadcast %squeeze3A_1683 : f32 to vector<16xf32>
        %mul3A_1696 = arith.mulf %get3A_1693, %mul3A_1695 : vector<16xf32>
        %add3A_1697 = arith.addf %add3A_1611, %mul3A_1696 : vector<16xf32>
        %add3A_1698 = arith.constant 16 : i32
        %add3A_1699 = arith.addi %mul3A_494, %add3A_1698 : i32
        %get3A_1700 = arith.index_cast %add3A_1687 : i32 to index
        %get3A_1701 = arith.index_cast %add3A_1699 : i32 to index
        %get3A_1702 = tpu.vector_load %arg6[%get3A_1700, %get3A_1701] {strides = array<i32>} : memref<64x512xf32, #tpu.memory_space<vmem>>, vector<1x16xf32>,
        %get3A_1703 = vector.shape_cast %get3A_1702 : vector<1x16xf32> to vector<16xf32>
        %add3A_1704 = arith.addf %add3A_1618, %get3A_1703 : vector<16xf32>
        %mul3A_1705 = vector.broadcast %squeeze3A_1683 : f32 to vector<16xf32>
        %mul3A_1706 = arith.mulf %get3A_1703, %mul3A_1705 : vector<16xf32>
        %add3A_1707 = arith.addf %add3A_1621, %mul3A_1706 : vector<16xf32>
        %add3A_1708 = arith.constant 32 : i32
        %add3A_1709 = arith.addi %mul3A_494, %add3A_1708 : i32
        %get3A_1710 = arith.index_cast %add3A_1687 : i32 to index
        %get3A_1711 = arith.index_cast %add3A_1709 : i32 to index
        %get3A_1712 = tpu.vector_load %arg6[%get3A_1710, %get3A_1711] {strides = array<i32>} : memref<64x512xf32, #tpu.memory_space<vmem>>, vector<1x16xf32>,
        %get3A_1713 = vector.shape_cast %get3A_1712 : vector<1x16xf32> to vector<16xf32>
        %add3A_1714 = arith.addf %add3A_1628, %get3A_1713 : vector<16xf32>
        %mul3A_1715 = vector.broadcast %squeeze3A_1683 : f32 to vector<16xf32>
        %mul3A_1716 = arith.mulf %get3A_1713, %mul3A_1715 : vector<16xf32>
        %add3A_1717 = arith.addf %add3A_1631, %mul3A_1716 : vector<16xf32>
        %add3A_1718 = arith.constant 48 : i32
        %add3A_1719 = arith.addi %mul3A_494, %add3A_1718 : i32
        %get3A_1720 = arith.index_cast %add3A_1687 : i32 to index
        %get3A_1721 = arith.index_cast %add3A_1719 : i32 to index
        %get3A_1722 = tpu.vector_load %arg6[%get3A_1720, %get3A_1721] {strides = array<i32>} : memref<64x512xf32, #tpu.memory_space<vmem>>, vector<1x16xf32>,
        %get3A_1723 = vector.shape_cast %get3A_1722 : vector<1x16xf32> to vector<16xf32>
        %add3A_1724 = arith.addf %add3A_1638, %get3A_1723 : vector<16xf32>
        %mul3A_1725 = vector.broadcast %squeeze3A_1683 : f32 to vector<16xf32>
        %mul3A_1726 = arith.mulf %get3A_1723, %mul3A_1725 : vector<16xf32>
        %add3A_1727 = arith.addf %add3A_1641, %mul3A_1726 : vector<16xf32>
        %add3A_1728 = arith.constant 64 : i32
        %add3A_1729 = arith.addi %mul3A_494, %add3A_1728 : i32
        %get3A_1730 = arith.index_cast %add3A_1687 : i32 to index
        %get3A_1731 = arith.index_cast %add3A_1729 : i32 to index
        %get3A_1732 = tpu.vector_load %arg6[%get3A_1730, %get3A_1731] {strides = array<i32>} : memref<64x512xf32, #tpu.memory_space<vmem>>, vector<1x16xf32>,
        %get3A_1733 = vector.shape_cast %get3A_1732 : vector<1x16xf32> to vector<16xf32>
        %add3A_1734 = arith.addf %add3A_1648, %get3A_1733 : vector<16xf32>
        %mul3A_1735 = vector.broadcast %squeeze3A_1683 : f32 to vector<16xf32>
        %mul3A_1736 = arith.mulf %get3A_1733, %mul3A_1735 : vector<16xf32>
        %add3A_1737 = arith.addf %add3A_1651, %mul3A_1736 : vector<16xf32>
        %add3A_1738 = arith.constant 80 : i32
        %add3A_1739 = arith.addi %mul3A_494, %add3A_1738 : i32
        %get3A_1740 = arith.index_cast %add3A_1687 : i32 to index
        %get3A_1741 = arith.index_cast %add3A_1739 : i32 to index
        %get3A_1742 = tpu.vector_load %arg6[%get3A_1740, %get3A_1741] {strides = array<i32>} : memref<64x512xf32, #tpu.memory_space<vmem>>, vector<1x16xf32>,
        %get3A_1743 = vector.shape_cast %get3A_1742 : vector<1x16xf32> to vector<16xf32>
        %add3A_1744 = arith.addf %add3A_1658, %get3A_1743 : vector<16xf32>
        %mul3A_1745 = vector.broadcast %squeeze3A_1683 : f32 to vector<16xf32>
        %mul3A_1746 = arith.mulf %get3A_1743, %mul3A_1745 : vector<16xf32>
        %add3A_1747 = arith.addf %add3A_1661, %mul3A_1746 : vector<16xf32>
        %add3A_1748 = arith.constant 96 : i32
        %add3A_1749 = arith.addi %mul3A_494, %add3A_1748 : i32
        %get3A_1750 = arith.index_cast %add3A_1687 : i32 to index
        %get3A_1751 = arith.index_cast %add3A_1749 : i32 to index
        %get3A_1752 = tpu.vector_load %arg6[%get3A_1750, %get3A_1751] {strides = array<i32>} : memref<64x512xf32, #tpu.memory_space<vmem>>, vector<1x16xf32>,
        %get3A_1753 = vector.shape_cast %get3A_1752 : vector<1x16xf32> to vector<16xf32>
        %add3A_1754 = arith.addf %add3A_1668, %get3A_1753 : vector<16xf32>
        %mul3A_1755 = vector.broadcast %squeeze3A_1683 : f32 to vector<16xf32>
        %mul3A_1756 = arith.mulf %get3A_1753, %mul3A_1755 : vector<16xf32>
        %add3A_1757 = arith.addf %add3A_1671, %mul3A_1756 : vector<16xf32>
        %add3A_1758 = arith.constant 112 : i32
        %add3A_1759 = arith.addi %mul3A_494, %add3A_1758 : i32
        %get3A_1760 = arith.index_cast %add3A_1687 : i32 to index
        %get3A_1761 = arith.index_cast %add3A_1759 : i32 to index
        %get3A_1762 = tpu.vector_load %arg6[%get3A_1760, %get3A_1761] {strides = array<i32>} : memref<64x512xf32, #tpu.memory_space<vmem>>, vector<1x16xf32>,
        %get3A_1763 = vector.shape_cast %get3A_1762 : vector<1x16xf32> to vector<16xf32>
        %add3A_1764 = arith.addf %add3A_1678, %get3A_1763 : vector<16xf32>
        %mul3A_1765 = vector.broadcast %squeeze3A_1683 : f32 to vector<16xf32>
        %mul3A_1766 = arith.mulf %get3A_1763, %mul3A_1765 : vector<16xf32>
        %add3A_1767 = arith.addf %add3A_1681, %mul3A_1766 : vector<16xf32>
        %slice3A_1768 = vector.extract_strided_slice %get3A_651 {offsets = [13], sizes = [1], strides = [1]} : vector<16xf32> to vector<1xf32>
        %squeeze3A_1769 = vector.extract %slice3A_1768[0] : f32 from vector<1xf32>
        %mul3A_1770 = arith.constant 16 : i32
        %mul3A_1771 = arith.muli %scan3A_630, %mul3A_1770 : i32
        %add3A_1772 = arith.constant 13 : i32
        %add3A_1773 = arith.addi %mul3A_1771, %add3A_1772 : i32
        %add3A_1774 = arith.constant 0 : i32
        %add3A_1775 = arith.addi %mul3A_494, %add3A_1774 : i32
        %get3A_1776 = arith.index_cast %add3A_1773 : i32 to index
        %get3A_1777 = arith.index_cast %add3A_1775 : i32 to index
        %get3A_1778 = tpu.vector_load %arg6[%get3A_1776, %get3A_1777] {strides = array<i32>} : memref<64x512xf32, #tpu.memory_space<vmem>>, vector<1x16xf32>,
        %get3A_1779 = vector.shape_cast %get3A_1778 : vector<1x16xf32> to vector<16xf32>
        %add3A_1780 = arith.addf %add3A_1694, %get3A_1779 : vector<16xf32>
        %mul3A_1781 = vector.broadcast %squeeze3A_1769 : f32 to vector<16xf32>
        %mul3A_1782 = arith.mulf %get3A_1779, %mul3A_1781 : vector<16xf32>
        %add3A_1783 = arith.addf %add3A_1697, %mul3A_1782 : vector<16xf32>
        %add3A_1784 = arith.constant 16 : i32
        %add3A_1785 = arith.addi %mul3A_494, %add3A_1784 : i32
        %get3A_1786 = arith.index_cast %add3A_1773 : i32 to index
        %get3A_1787 = arith.index_cast %add3A_1785 : i32 to index
        %get3A_1788 = tpu.vector_load %arg6[%get3A_1786, %get3A_1787] {strides = array<i32>} : memref<64x512xf32, #tpu.memory_space<vmem>>, vector<1x16xf32>,
        %get3A_1789 = vector.shape_cast %get3A_1788 : vector<1x16xf32> to vector<16xf32>
        %add3A_1790 = arith.addf %add3A_1704, %get3A_1789 : vector<16xf32>
        %mul3A_1791 = vector.broadcast %squeeze3A_1769 : f32 to vector<16xf32>
        %mul3A_1792 = arith.mulf %get3A_1789, %mul3A_1791 : vector<16xf32>
        %add3A_1793 = arith.addf %add3A_1707, %mul3A_1792 : vector<16xf32>
        %add3A_1794 = arith.constant 32 : i32
        %add3A_1795 = arith.addi %mul3A_494, %add3A_1794 : i32
        %get3A_1796 = arith.index_cast %add3A_1773 : i32 to index
        %get3A_1797 = arith.index_cast %add3A_1795 : i32 to index
        %get3A_1798 = tpu.vector_load %arg6[%get3A_1796, %get3A_1797] {strides = array<i32>} : memref<64x512xf32, #tpu.memory_space<vmem>>, vector<1x16xf32>,
        %get3A_1799 = vector.shape_cast %get3A_1798 : vector<1x16xf32> to vector<16xf32>
        %add3A_1800 = arith.addf %add3A_1714, %get3A_1799 : vector<16xf32>
        %mul3A_1801 = vector.broadcast %squeeze3A_1769 : f32 to vector<16xf32>
        %mul3A_1802 = arith.mulf %get3A_1799, %mul3A_1801 : vector<16xf32>
        %add3A_1803 = arith.addf %add3A_1717, %mul3A_1802 : vector<16xf32>
        %add3A_1804 = arith.constant 48 : i32
        %add3A_1805 = arith.addi %mul3A_494, %add3A_1804 : i32
        %get3A_1806 = arith.index_cast %add3A_1773 : i32 to index
        %get3A_1807 = arith.index_cast %add3A_1805 : i32 to index
        %get3A_1808 = tpu.vector_load %arg6[%get3A_1806, %get3A_1807] {strides = array<i32>} : memref<64x512xf32, #tpu.memory_space<vmem>>, vector<1x16xf32>,
        %get3A_1809 = vector.shape_cast %get3A_1808 : vector<1x16xf32> to vector<16xf32>
        %add3A_1810 = arith.addf %add3A_1724, %get3A_1809 : vector<16xf32>
        %mul3A_1811 = vector.broadcast %squeeze3A_1769 : f32 to vector<16xf32>
        %mul3A_1812 = arith.mulf %get3A_1809, %mul3A_1811 : vector<16xf32>
        %add3A_1813 = arith.addf %add3A_1727, %mul3A_1812 : vector<16xf32>
        %add3A_1814 = arith.constant 64 : i32
        %add3A_1815 = arith.addi %mul3A_494, %add3A_1814 : i32
        %get3A_1816 = arith.index_cast %add3A_1773 : i32 to index
        %get3A_1817 = arith.index_cast %add3A_1815 : i32 to index
        %get3A_1818 = tpu.vector_load %arg6[%get3A_1816, %get3A_1817] {strides = array<i32>} : memref<64x512xf32, #tpu.memory_space<vmem>>, vector<1x16xf32>,
        %get3A_1819 = vector.shape_cast %get3A_1818 : vector<1x16xf32> to vector<16xf32>
        %add3A_1820 = arith.addf %add3A_1734, %get3A_1819 : vector<16xf32>
        %mul3A_1821 = vector.broadcast %squeeze3A_1769 : f32 to vector<16xf32>
        %mul3A_1822 = arith.mulf %get3A_1819, %mul3A_1821 : vector<16xf32>
        %add3A_1823 = arith.addf %add3A_1737, %mul3A_1822 : vector<16xf32>
        %add3A_1824 = arith.constant 80 : i32
        %add3A_1825 = arith.addi %mul3A_494, %add3A_1824 : i32
        %get3A_1826 = arith.index_cast %add3A_1773 : i32 to index
        %get3A_1827 = arith.index_cast %add3A_1825 : i32 to index
        %get3A_1828 = tpu.vector_load %arg6[%get3A_1826, %get3A_1827] {strides = array<i32>} : memref<64x512xf32, #tpu.memory_space<vmem>>, vector<1x16xf32>,
        %get3A_1829 = vector.shape_cast %get3A_1828 : vector<1x16xf32> to vector<16xf32>
        %add3A_1830 = arith.addf %add3A_1744, %get3A_1829 : vector<16xf32>
        %mul3A_1831 = vector.broadcast %squeeze3A_1769 : f32 to vector<16xf32>
        %mul3A_1832 = arith.mulf %get3A_1829, %mul3A_1831 : vector<16xf32>
        %add3A_1833 = arith.addf %add3A_1747, %mul3A_1832 : vector<16xf32>
        %add3A_1834 = arith.constant 96 : i32
        %add3A_1835 = arith.addi %mul3A_494, %add3A_1834 : i32
        %get3A_1836 = arith.index_cast %add3A_1773 : i32 to index
        %get3A_1837 = arith.index_cast %add3A_1835 : i32 to index
        %get3A_1838 = tpu.vector_load %arg6[%get3A_1836, %get3A_1837] {strides = array<i32>} : memref<64x512xf32, #tpu.memory_space<vmem>>, vector<1x16xf32>,
        %get3A_1839 = vector.shape_cast %get3A_1838 : vector<1x16xf32> to vector<16xf32>
        %add3A_1840 = arith.addf %add3A_1754, %get3A_1839 : vector<16xf32>
        %mul3A_1841 = vector.broadcast %squeeze3A_1769 : f32 to vector<16xf32>
        %mul3A_1842 = arith.mulf %get3A_1839, %mul3A_1841 : vector<16xf32>
        %add3A_1843 = arith.addf %add3A_1757, %mul3A_1842 : vector<16xf32>
        %add3A_1844 = arith.constant 112 : i32
        %add3A_1845 = arith.addi %mul3A_494, %add3A_1844 : i32
        %get3A_1846 = arith.index_cast %add3A_1773 : i32 to index
        %get3A_1847 = arith.index_cast %add3A_1845 : i32 to index
        %get3A_1848 = tpu.vector_load %arg6[%get3A_1846, %get3A_1847] {strides = array<i32>} : memref<64x512xf32, #tpu.memory_space<vmem>>, vector<1x16xf32>,
        %get3A_1849 = vector.shape_cast %get3A_1848 : vector<1x16xf32> to vector<16xf32>
        %add3A_1850 = arith.addf %add3A_1764, %get3A_1849 : vector<16xf32>
        %mul3A_1851 = vector.broadcast %squeeze3A_1769 : f32 to vector<16xf32>
        %mul3A_1852 = arith.mulf %get3A_1849, %mul3A_1851 : vector<16xf32>
        %add3A_1853 = arith.addf %add3A_1767, %mul3A_1852 : vector<16xf32>
        %slice3A_1854 = vector.extract_strided_slice %get3A_651 {offsets = [14], sizes = [1], strides = [1]} : vector<16xf32> to vector<1xf32>
        %squeeze3A_1855 = vector.extract %slice3A_1854[0] : f32 from vector<1xf32>
        %mul3A_1856 = arith.constant 16 : i32
        %mul3A_1857 = arith.muli %scan3A_630, %mul3A_1856 : i32
        %add3A_1858 = arith.constant 14 : i32
        %add3A_1859 = arith.addi %mul3A_1857, %add3A_1858 : i32
        %add3A_1860 = arith.constant 0 : i32
        %add3A_1861 = arith.addi %mul3A_494, %add3A_1860 : i32
        %get3A_1862 = arith.index_cast %add3A_1859 : i32 to index
        %get3A_1863 = arith.index_cast %add3A_1861 : i32 to index
        %get3A_1864 = tpu.vector_load %arg6[%get3A_1862, %get3A_1863] {strides = array<i32>} : memref<64x512xf32, #tpu.memory_space<vmem>>, vector<1x16xf32>,
        %get3A_1865 = vector.shape_cast %get3A_1864 : vector<1x16xf32> to vector<16xf32>
        %add3A_1866 = arith.addf %add3A_1780, %get3A_1865 : vector<16xf32>
        %mul3A_1867 = vector.broadcast %squeeze3A_1855 : f32 to vector<16xf32>
        %mul3A_1868 = arith.mulf %get3A_1865, %mul3A_1867 : vector<16xf32>
        %add3A_1869 = arith.addf %add3A_1783, %mul3A_1868 : vector<16xf32>
        %add3A_1870 = arith.constant 16 : i32
        %add3A_1871 = arith.addi %mul3A_494, %add3A_1870 : i32
        %get3A_1872 = arith.index_cast %add3A_1859 : i32 to index
        %get3A_1873 = arith.index_cast %add3A_1871 : i32 to index
        %get3A_1874 = tpu.vector_load %arg6[%get3A_1872, %get3A_1873] {strides = array<i32>} : memref<64x512xf32, #tpu.memory_space<vmem>>, vector<1x16xf32>,
        %get3A_1875 = vector.shape_cast %get3A_1874 : vector<1x16xf32> to vector<16xf32>
        %add3A_1876 = arith.addf %add3A_1790, %get3A_1875 : vector<16xf32>
        %mul3A_1877 = vector.broadcast %squeeze3A_1855 : f32 to vector<16xf32>
        %mul3A_1878 = arith.mulf %get3A_1875, %mul3A_1877 : vector<16xf32>
        %add3A_1879 = arith.addf %add3A_1793, %mul3A_1878 : vector<16xf32>
        %add3A_1880 = arith.constant 32 : i32
        %add3A_1881 = arith.addi %mul3A_494, %add3A_1880 : i32
        %get3A_1882 = arith.index_cast %add3A_1859 : i32 to index
        %get3A_1883 = arith.index_cast %add3A_1881 : i32 to index
        %get3A_1884 = tpu.vector_load %arg6[%get3A_1882, %get3A_1883] {strides = array<i32>} : memref<64x512xf32, #tpu.memory_space<vmem>>, vector<1x16xf32>,
        %get3A_1885 = vector.shape_cast %get3A_1884 : vector<1x16xf32> to vector<16xf32>
        %add3A_1886 = arith.addf %add3A_1800, %get3A_1885 : vector<16xf32>
        %mul3A_1887 = vector.broadcast %squeeze3A_1855 : f32 to vector<16xf32>
        %mul3A_1888 = arith.mulf %get3A_1885, %mul3A_1887 : vector<16xf32>
        %add3A_1889 = arith.addf %add3A_1803, %mul3A_1888 : vector<16xf32>
        %add3A_1890 = arith.constant 48 : i32
        %add3A_1891 = arith.addi %mul3A_494, %add3A_1890 : i32
        %get3A_1892 = arith.index_cast %add3A_1859 : i32 to index
        %get3A_1893 = arith.index_cast %add3A_1891 : i32 to index
        %get3A_1894 = tpu.vector_load %arg6[%get3A_1892, %get3A_1893] {strides = array<i32>} : memref<64x512xf32, #tpu.memory_space<vmem>>, vector<1x16xf32>,
        %get3A_1895 = vector.shape_cast %get3A_1894 : vector<1x16xf32> to vector<16xf32>
        %add3A_1896 = arith.addf %add3A_1810, %get3A_1895 : vector<16xf32>
        %mul3A_1897 = vector.broadcast %squeeze3A_1855 : f32 to vector<16xf32>
        %mul3A_1898 = arith.mulf %get3A_1895, %mul3A_1897 : vector<16xf32>
        %add3A_1899 = arith.addf %add3A_1813, %mul3A_1898 : vector<16xf32>
        %add3A_1900 = arith.constant 64 : i32
        %add3A_1901 = arith.addi %mul3A_494, %add3A_1900 : i32
        %get3A_1902 = arith.index_cast %add3A_1859 : i32 to index
        %get3A_1903 = arith.index_cast %add3A_1901 : i32 to index
        %get3A_1904 = tpu.vector_load %arg6[%get3A_1902, %get3A_1903] {strides = array<i32>} : memref<64x512xf32, #tpu.memory_space<vmem>>, vector<1x16xf32>,
        %get3A_1905 = vector.shape_cast %get3A_1904 : vector<1x16xf32> to vector<16xf32>
        %add3A_1906 = arith.addf %add3A_1820, %get3A_1905 : vector<16xf32>
        %mul3A_1907 = vector.broadcast %squeeze3A_1855 : f32 to vector<16xf32>
        %mul3A_1908 = arith.mulf %get3A_1905, %mul3A_1907 : vector<16xf32>
        %add3A_1909 = arith.addf %add3A_1823, %mul3A_1908 : vector<16xf32>
        %add3A_1910 = arith.constant 80 : i32
        %add3A_1911 = arith.addi %mul3A_494, %add3A_1910 : i32
        %get3A_1912 = arith.index_cast %add3A_1859 : i32 to index
        %get3A_1913 = arith.index_cast %add3A_1911 : i32 to index
        %get3A_1914 = tpu.vector_load %arg6[%get3A_1912, %get3A_1913] {strides = array<i32>} : memref<64x512xf32, #tpu.memory_space<vmem>>, vector<1x16xf32>,
        %get3A_1915 = vector.shape_cast %get3A_1914 : vector<1x16xf32> to vector<16xf32>
        %add3A_1916 = arith.addf %add3A_1830, %get3A_1915 : vector<16xf32>
        %mul3A_1917 = vector.broadcast %squeeze3A_1855 : f32 to vector<16xf32>
        %mul3A_1918 = arith.mulf %get3A_1915, %mul3A_1917 : vector<16xf32>
        %add3A_1919 = arith.addf %add3A_1833, %mul3A_1918 : vector<16xf32>
        %add3A_1920 = arith.constant 96 : i32
        %add3A_1921 = arith.addi %mul3A_494, %add3A_1920 : i32
        %get3A_1922 = arith.index_cast %add3A_1859 : i32 to index
        %get3A_1923 = arith.index_cast %add3A_1921 : i32 to index
        %get3A_1924 = tpu.vector_load %arg6[%get3A_1922, %get3A_1923] {strides = array<i32>} : memref<64x512xf32, #tpu.memory_space<vmem>>, vector<1x16xf32>,
        %get3A_1925 = vector.shape_cast %get3A_1924 : vector<1x16xf32> to vector<16xf32>
        %add3A_1926 = arith.addf %add3A_1840, %get3A_1925 : vector<16xf32>
        %mul3A_1927 = vector.broadcast %squeeze3A_1855 : f32 to vector<16xf32>
        %mul3A_1928 = arith.mulf %get3A_1925, %mul3A_1927 : vector<16xf32>
        %add3A_1929 = arith.addf %add3A_1843, %mul3A_1928 : vector<16xf32>
        %add3A_1930 = arith.constant 112 : i32
        %add3A_1931 = arith.addi %mul3A_494, %add3A_1930 : i32
        %get3A_1932 = arith.index_cast %add3A_1859 : i32 to index
        %get3A_1933 = arith.index_cast %add3A_1931 : i32 to index
        %get3A_1934 = tpu.vector_load %arg6[%get3A_1932, %get3A_1933] {strides = array<i32>} : memref<64x512xf32, #tpu.memory_space<vmem>>, vector<1x16xf32>,
        %get3A_1935 = vector.shape_cast %get3A_1934 : vector<1x16xf32> to vector<16xf32>
        %add3A_1936 = arith.addf %add3A_1850, %get3A_1935 : vector<16xf32>
        %mul3A_1937 = vector.broadcast %squeeze3A_1855 : f32 to vector<16xf32>
        %mul3A_1938 = arith.mulf %get3A_1935, %mul3A_1937 : vector<16xf32>
        %add3A_1939 = arith.addf %add3A_1853, %mul3A_1938 : vector<16xf32>
        %slice3A_1940 = vector.extract_strided_slice %get3A_651 {offsets = [15], sizes = [1], strides = [1]} : vector<16xf32> to vector<1xf32>
        %squeeze3A_1941 = vector.extract %slice3A_1940[0] : f32 from vector<1xf32>
        %mul3A_1942 = arith.constant 16 : i32
        %mul3A_1943 = arith.muli %scan3A_630, %mul3A_1942 : i32
        %add3A_1944 = arith.constant 15 : i32
        %add3A_1945 = arith.addi %mul3A_1943, %add3A_1944 : i32
        %add3A_1946 = arith.constant 0 : i32
        %add3A_1947 = arith.addi %mul3A_494, %add3A_1946 : i32
        %get3A_1948 = arith.index_cast %add3A_1945 : i32 to index
        %get3A_1949 = arith.index_cast %add3A_1947 : i32 to index
        %get3A_1950 = tpu.vector_load %arg6[%get3A_1948, %get3A_1949] {strides = array<i32>} : memref<64x512xf32, #tpu.memory_space<vmem>>, vector<1x16xf32>,
        %get3A_1951 = vector.shape_cast %get3A_1950 : vector<1x16xf32> to vector<16xf32>
        %add3A_1952 = arith.addf %add3A_1866, %get3A_1951 : vector<16xf32>
        %mul3A_1953 = vector.broadcast %squeeze3A_1941 : f32 to vector<16xf32>
        %mul3A_1954 = arith.mulf %get3A_1951, %mul3A_1953 : vector<16xf32>
        %add3A_1955 = arith.addf %add3A_1869, %mul3A_1954 : vector<16xf32>
        %add3A_1956 = arith.constant 16 : i32
        %add3A_1957 = arith.addi %mul3A_494, %add3A_1956 : i32
        %get3A_1958 = arith.index_cast %add3A_1945 : i32 to index
        %get3A_1959 = arith.index_cast %add3A_1957 : i32 to index
        %get3A_1960 = tpu.vector_load %arg6[%get3A_1958, %get3A_1959] {strides = array<i32>} : memref<64x512xf32, #tpu.memory_space<vmem>>, vector<1x16xf32>,
        %get3A_1961 = vector.shape_cast %get3A_1960 : vector<1x16xf32> to vector<16xf32>
        %add3A_1962 = arith.addf %add3A_1876, %get3A_1961 : vector<16xf32>
        %mul3A_1963 = vector.broadcast %squeeze3A_1941 : f32 to vector<16xf32>
        %mul3A_1964 = arith.mulf %get3A_1961, %mul3A_1963 : vector<16xf32>
        %add3A_1965 = arith.addf %add3A_1879, %mul3A_1964 : vector<16xf32>
        %add3A_1966 = arith.constant 32 : i32
        %add3A_1967 = arith.addi %mul3A_494, %add3A_1966 : i32
        %get3A_1968 = arith.index_cast %add3A_1945 : i32 to index
        %get3A_1969 = arith.index_cast %add3A_1967 : i32 to index
        %get3A_1970 = tpu.vector_load %arg6[%get3A_1968, %get3A_1969] {strides = array<i32>} : memref<64x512xf32, #tpu.memory_space<vmem>>, vector<1x16xf32>,
        %get3A_1971 = vector.shape_cast %get3A_1970 : vector<1x16xf32> to vector<16xf32>
        %add3A_1972 = arith.addf %add3A_1886, %get3A_1971 : vector<16xf32>
        %mul3A_1973 = vector.broadcast %squeeze3A_1941 : f32 to vector<16xf32>
        %mul3A_1974 = arith.mulf %get3A_1971, %mul3A_1973 : vector<16xf32>
        %add3A_1975 = arith.addf %add3A_1889, %mul3A_1974 : vector<16xf32>
        %add3A_1976 = arith.constant 48 : i32
        %add3A_1977 = arith.addi %mul3A_494, %add3A_1976 : i32
        %get3A_1978 = arith.index_cast %add3A_1945 : i32 to index
        %get3A_1979 = arith.index_cast %add3A_1977 : i32 to index
        %get3A_1980 = tpu.vector_load %arg6[%get3A_1978, %get3A_1979] {strides = array<i32>} : memref<64x512xf32, #tpu.memory_space<vmem>>, vector<1x16xf32>,
        %get3A_1981 = vector.shape_cast %get3A_1980 : vector<1x16xf32> to vector<16xf32>
        %add3A_1982 = arith.addf %add3A_1896, %get3A_1981 : vector<16xf32>
        %mul3A_1983 = vector.broadcast %squeeze3A_1941 : f32 to vector<16xf32>
        %mul3A_1984 = arith.mulf %get3A_1981, %mul3A_1983 : vector<16xf32>
        %add3A_1985 = arith.addf %add3A_1899, %mul3A_1984 : vector<16xf32>
        %add3A_1986 = arith.constant 64 : i32
        %add3A_1987 = arith.addi %mul3A_494, %add3A_1986 : i32
        %get3A_1988 = arith.index_cast %add3A_1945 : i32 to index
        %get3A_1989 = arith.index_cast %add3A_1987 : i32 to index
        %get3A_1990 = tpu.vector_load %arg6[%get3A_1988, %get3A_1989] {strides = array<i32>} : memref<64x512xf32, #tpu.memory_space<vmem>>, vector<1x16xf32>,
        %get3A_1991 = vector.shape_cast %get3A_1990 : vector<1x16xf32> to vector<16xf32>
        %add3A_1992 = arith.addf %add3A_1906, %get3A_1991 : vector<16xf32>
        %mul3A_1993 = vector.broadcast %squeeze3A_1941 : f32 to vector<16xf32>
        %mul3A_1994 = arith.mulf %get3A_1991, %mul3A_1993 : vector<16xf32>
        %add3A_1995 = arith.addf %add3A_1909, %mul3A_1994 : vector<16xf32>
        %add3A_1996 = arith.constant 80 : i32
        %add3A_1997 = arith.addi %mul3A_494, %add3A_1996 : i32
        %get3A_1998 = arith.index_cast %add3A_1945 : i32 to index
        %get3A_1999 = arith.index_cast %add3A_1997 : i32 to index
        %get3A_2000 = tpu.vector_load %arg6[%get3A_1998, %get3A_1999] {strides = array<i32>} : memref<64x512xf32, #tpu.memory_space<vmem>>, vector<1x16xf32>,
        %get3A_2001 = vector.shape_cast %get3A_2000 : vector<1x16xf32> to vector<16xf32>
        %add3A_2002 = arith.addf %add3A_1916, %get3A_2001 : vector<16xf32>
        %mul3A_2003 = vector.broadcast %squeeze3A_1941 : f32 to vector<16xf32>
        %mul3A_2004 = arith.mulf %get3A_2001, %mul3A_2003 : vector<16xf32>
        %add3A_2005 = arith.addf %add3A_1919, %mul3A_2004 : vector<16xf32>
        %add3A_2006 = arith.constant 96 : i32
        %add3A_2007 = arith.addi %mul3A_494, %add3A_2006 : i32
        %get3A_2008 = arith.index_cast %add3A_1945 : i32 to index
        %get3A_2009 = arith.index_cast %add3A_2007 : i32 to index
        %get3A_2010 = tpu.vector_load %arg6[%get3A_2008, %get3A_2009] {strides = array<i32>} : memref<64x512xf32, #tpu.memory_space<vmem>>, vector<1x16xf32>,
        %get3A_2011 = vector.shape_cast %get3A_2010 : vector<1x16xf32> to vector<16xf32>
        %add3A_2012 = arith.addf %add3A_1926, %get3A_2011 : vector<16xf32>
        %mul3A_2013 = vector.broadcast %squeeze3A_1941 : f32 to vector<16xf32>
        %mul3A_2014 = arith.mulf %get3A_2011, %mul3A_2013 : vector<16xf32>
        %add3A_2015 = arith.addf %add3A_1929, %mul3A_2014 : vector<16xf32>
        %add3A_2016 = arith.constant 112 : i32
        %add3A_2017 = arith.addi %mul3A_494, %add3A_2016 : i32
        %get3A_2018 = arith.index_cast %add3A_1945 : i32 to index
        %get3A_2019 = arith.index_cast %add3A_2017 : i32 to index
        %get3A_2020 = tpu.vector_load %arg6[%get3A_2018, %get3A_2019] {strides = array<i32>} : memref<64x512xf32, #tpu.memory_space<vmem>>, vector<1x16xf32>,
        %get3A_2021 = vector.shape_cast %get3A_2020 : vector<1x16xf32> to vector<16xf32>
        %add3A_2022 = arith.addf %add3A_1936, %get3A_2021 : vector<16xf32>
        %mul3A_2023 = vector.broadcast %squeeze3A_1941 : f32 to vector<16xf32>
        %mul3A_2024 = arith.mulf %get3A_2021, %mul3A_2023 : vector<16xf32>
        %add3A_2025 = arith.addf %add3A_1939, %mul3A_2024 : vector<16xf32>
        scf.yield %add3A_1952, %add3A_1962, %add3A_1972, %add3A_1982, %add3A_1992, %add3A_2002, %add3A_2012, %add3A_2022, %add3A_1955, %add3A_1965, %add3A_1975, %add3A_1985, %add3A_1995, %add3A_2005, %add3A_2015, %add3A_2025 : vector<16xf32>, vector<16xf32>, vector<16xf32>, vector<16xf32>, vector<16xf32>, vector<16xf32>, vector<16xf32>, vector<16xf32>, vector<16xf32>, vector<16xf32>, vector<16xf32>, vector<16xf32>, vector<16xf32>, vector<16xf32>, vector<16xf32>, vector<16xf32>
      }
      %scan3A_500 = arith.constant 4 : i32
      %add3A_501 = arith.constant 0 : i32
      %add3A_502 = arith.addi %mul3A_494, %add3A_501 : i32
      %swap3A_503 = arith.constant 0 : i32
      %swap3A_504 = arith.index_cast %swap3A_503 : i32 to index
      %swap3A_505 = arith.index_cast %add3A_502 : i32 to index
      %swap3A_506 = tpu.vector_load %arg8[%swap3A_504, %swap3A_505] {strides = array<i32>} : memref<2x512xf32, #tpu.memory_space<vmem>>, vector<1x16xf32>,
      %swap3A_507 = vector.shape_cast %swap3A_506 : vector<1x16xf32> to vector<16xf32>
      %swap3A_508 = vector.shape_cast %scan3A_499#0 : vector<16xf32> to vector<1x16xf32>
      tpu.vector_store %arg8[%swap3A_504, %swap3A_505], %swap3A_508 {add = true, strides = array<i32>} : memref<2x512xf32, #tpu.memory_space<vmem>>, vector<1x16xf32>,
      %add3A_509 = arith.constant 0 : i32
      %add3A_510 = arith.addi %mul3A_494, %add3A_509 : i32
      %swap3A_511 = arith.constant 1 : i32
      %swap3A_512 = arith.index_cast %swap3A_511 : i32 to index
      %swap3A_513 = arith.index_cast %add3A_510 : i32 to index
      %swap3A_514 = tpu.vector_load %arg8[%swap3A_512, %swap3A_513] {strides = array<i32>} : memref<2x512xf32, #tpu.memory_space<vmem>>, vector<1x16xf32>,
      %swap3A_515 = vector.shape_cast %swap3A_514 : vector<1x16xf32> to vector<16xf32>
      %swap3A_516 = vector.shape_cast %scan3A_499#8 : vector<16xf32> to vector<1x16xf32>
      tpu.vector_store %arg8[%swap3A_512, %swap3A_513], %swap3A_516 {add = true, strides = array<i32>} : memref<2x512xf32, #tpu.memory_space<vmem>>, vector<1x16xf32>,
      %add3A_517 = arith.constant 16 : i32
      %add3A_518 = arith.addi %mul3A_494, %add3A_517 : i32
      %swap3A_519 = arith.constant 0 : i32
      %swap3A_520 = arith.index_cast %swap3A_519 : i32 to index
      %swap3A_521 = arith.index_cast %add3A_518 : i32 to index
      %swap3A_522 = tpu.vector_load %arg8[%swap3A_520, %swap3A_521] {strides = array<i32>} : memref<2x512xf32, #tpu.memory_space<vmem>>, vector<1x16xf32>,
      %swap3A_523 = vector.shape_cast %swap3A_522 : vector<1x16xf32> to vector<16xf32>
      %swap3A_524 = vector.shape_cast %scan3A_499#1 : vector<16xf32> to vector<1x16xf32>
      tpu.vector_store %arg8[%swap3A_520, %swap3A_521], %swap3A_524 {add = true, strides = array<i32>} : memref<2x512xf32, #tpu.memory_space<vmem>>, vector<1x16xf32>,
      %add3A_525 = arith.constant 16 : i32
      %add3A_526 = arith.addi %mul3A_494, %add3A_525 : i32
      %swap3A_527 = arith.constant 1 : i32
      %swap3A_528 = arith.index_cast %swap3A_527 : i32 to index
      %swap3A_529 = arith.index_cast %add3A_526 : i32 to index
      %swap3A_530 = tpu.vector_load %arg8[%swap3A_528, %swap3A_529] {strides = array<i32>} : memref<2x512xf32, #tpu.memory_space<vmem>>, vector<1x16xf32>,
      %swap3A_531 = vector.shape_cast %swap3A_530 : vector<1x16xf32> to vector<16xf32>
      %swap3A_532 = vector.shape_cast %scan3A_499#9 : vector<16xf32> to vector<1x16xf32>
      tpu.vector_store %arg8[%swap3A_528, %swap3A_529], %swap3A_532 {add = true, strides = array<i32>} : memref<2x512xf32, #tpu.memory_space<vmem>>, vector<1x16xf32>,
      %add3A_533 = arith.constant 32 : i32
      %add3A_534 = arith.addi %mul3A_494, %add3A_533 : i32
      %swap3A_535 = arith.constant 0 : i32
      %swap3A_536 = arith.index_cast %swap3A_535 : i32 to index
      %swap3A_537 = arith.index_cast %add3A_534 : i32 to index
      %swap3A_538 = tpu.vector_load %arg8[%swap3A_536, %swap3A_537] {strides = array<i32>} : memref<2x512xf32, #tpu.memory_space<vmem>>, vector<1x16xf32>,
      %swap3A_539 = vector.shape_cast %swap3A_538 : vector<1x16xf32> to vector<16xf32>
      %swap3A_540 = vector.shape_cast %scan3A_499#2 : vector<16xf32> to vector<1x16xf32>
      tpu.vector_store %arg8[%swap3A_536, %swap3A_537], %swap3A_540 {add = true, strides = array<i32>} : memref<2x512xf32, #tpu.memory_space<vmem>>, vector<1x16xf32>,
      %add3A_541 = arith.constant 32 : i32
      %add3A_542 = arith.addi %mul3A_494, %add3A_541 : i32
      %swap3A_543 = arith.constant 1 : i32
      %swap3A_544 = arith.index_cast %swap3A_543 : i32 to index
      %swap3A_545 = arith.index_cast %add3A_542 : i32 to index
      %swap3A_546 = tpu.vector_load %arg8[%swap3A_544, %swap3A_545] {strides = array<i32>} : memref<2x512xf32, #tpu.memory_space<vmem>>, vector<1x16xf32>,
      %swap3A_547 = vector.shape_cast %swap3A_546 : vector<1x16xf32> to vector<16xf32>
      %swap3A_548 = vector.shape_cast %scan3A_499#10 : vector<16xf32> to vector<1x16xf32>
      tpu.vector_store %arg8[%swap3A_544, %swap3A_545], %swap3A_548 {add = true, strides = array<i32>} : memref<2x512xf32, #tpu.memory_space<vmem>>, vector<1x16xf32>,
      %add3A_549 = arith.constant 48 : i32
      %add3A_550 = arith.addi %mul3A_494, %add3A_549 : i32
      %swap3A_551 = arith.constant 0 : i32
      %swap3A_552 = arith.index_cast %swap3A_551 : i32 to index
      %swap3A_553 = arith.index_cast %add3A_550 : i32 to index
      %swap3A_554 = tpu.vector_load %arg8[%swap3A_552, %swap3A_553] {strides = array<i32>} : memref<2x512xf32, #tpu.memory_space<vmem>>, vector<1x16xf32>,
      %swap3A_555 = vector.shape_cast %swap3A_554 : vector<1x16xf32> to vector<16xf32>
      %swap3A_556 = vector.shape_cast %scan3A_499#3 : vector<16xf32> to vector<1x16xf32>
      tpu.vector_store %arg8[%swap3A_552, %swap3A_553], %swap3A_556 {add = true, strides = array<i32>} : memref<2x512xf32, #tpu.memory_space<vmem>>, vector<1x16xf32>,
      %add3A_557 = arith.constant 48 : i32
      %add3A_558 = arith.addi %mul3A_494, %add3A_557 : i32
      %swap3A_559 = arith.constant 1 : i32
      %swap3A_560 = arith.index_cast %swap3A_559 : i32 to index
      %swap3A_561 = arith.index_cast %add3A_558 : i32 to index
      %swap3A_562 = tpu.vector_load %arg8[%swap3A_560, %swap3A_561] {strides = array<i32>} : memref<2x512xf32, #tpu.memory_space<vmem>>, vector<1x16xf32>,
      %swap3A_563 = vector.shape_cast %swap3A_562 : vector<1x16xf32> to vector<16xf32>
      %swap3A_564 = vector.shape_cast %scan3A_499#11 : vector<16xf32> to vector<1x16xf32>
      tpu.vector_store %arg8[%swap3A_560, %swap3A_561], %swap3A_564 {add = true, strides = array<i32>} : memref<2x512xf32, #tpu.memory_space<vmem>>, vector<1x16xf32>,
      %add3A_565 = arith.constant 64 : i32
      %add3A_566 = arith.addi %mul3A_494, %add3A_565 : i32
      %swap3A_567 = arith.constant 0 : i32
      %swap3A_568 = arith.index_cast %swap3A_567 : i32 to index
      %swap3A_569 = arith.index_cast %add3A_566 : i32 to index
      %swap3A_570 = tpu.vector_load %arg8[%swap3A_568, %swap3A_569] {strides = array<i32>} : memref<2x512xf32, #tpu.memory_space<vmem>>, vector<1x16xf32>,
      %swap3A_571 = vector.shape_cast %swap3A_570 : vector<1x16xf32> to vector<16xf32>
      %swap3A_572 = vector.shape_cast %scan3A_499#4 : vector<16xf32> to vector<1x16xf32>
      tpu.vector_store %arg8[%swap3A_568, %swap3A_569], %swap3A_572 {add = true, strides = array<i32>} : memref<2x512xf32, #tpu.memory_space<vmem>>, vector<1x16xf32>,
      %add3A_573 = arith.constant 64 : i32
      %add3A_574 = arith.addi %mul3A_494, %add3A_573 : i32
      %swap3A_575 = arith.constant 1 : i32
      %swap3A_576 = arith.index_cast %swap3A_575 : i32 to index
      %swap3A_577 = arith.index_cast %add3A_574 : i32 to index
      %swap3A_578 = tpu.vector_load %arg8[%swap3A_576, %swap3A_577] {strides = array<i32>} : memref<2x512xf32, #tpu.memory_space<vmem>>, vector<1x16xf32>,
      %swap3A_579 = vector.shape_cast %swap3A_578 : vector<1x16xf32> to vector<16xf32>
      %swap3A_580 = vector.shape_cast %scan3A_499#12 : vector<16xf32> to vector<1x16xf32>
      tpu.vector_store %arg8[%swap3A_576, %swap3A_577], %swap3A_580 {add = true, strides = array<i32>} : memref<2x512xf32, #tpu.memory_space<vmem>>, vector<1x16xf32>,
      %add3A_581 = arith.constant 80 : i32
      %add3A_582 = arith.addi %mul3A_494, %add3A_581 : i32
      %swap3A_583 = arith.constant 0 : i32
      %swap3A_584 = arith.index_cast %swap3A_583 : i32 to index
      %swap3A_585 = arith.index_cast %add3A_582 : i32 to index
      %swap3A_586 = tpu.vector_load %arg8[%swap3A_584, %swap3A_585] {strides = array<i32>} : memref<2x512xf32, #tpu.memory_space<vmem>>, vector<1x16xf32>,
      %swap3A_587 = vector.shape_cast %swap3A_586 : vector<1x16xf32> to vector<16xf32>
      %swap3A_588 = vector.shape_cast %scan3A_499#5 : vector<16xf32> to vector<1x16xf32>
      tpu.vector_store %arg8[%swap3A_584, %swap3A_585], %swap3A_588 {add = true, strides = array<i32>} : memref<2x512xf32, #tpu.memory_space<vmem>>, vector<1x16xf32>,
      %add3A_589 = arith.constant 80 : i32
      %add3A_590 = arith.addi %mul3A_494, %add3A_589 : i32
      %swap3A_591 = arith.constant 1 : i32
      %swap3A_592 = arith.index_cast %swap3A_591 : i32 to index
      %swap3A_593 = arith.index_cast %add3A_590 : i32 to index
      %swap3A_594 = tpu.vector_load %arg8[%swap3A_592, %swap3A_593] {strides = array<i32>} : memref<2x512xf32, #tpu.memory_space<vmem>>, vector<1x16xf32>,
      %swap3A_595 = vector.shape_cast %swap3A_594 : vector<1x16xf32> to vector<16xf32>
      %swap3A_596 = vector.shape_cast %scan3A_499#13 : vector<16xf32> to vector<1x16xf32>
      tpu.vector_store %arg8[%swap3A_592, %swap3A_593], %swap3A_596 {add = true, strides = array<i32>} : memref<2x512xf32, #tpu.memory_space<vmem>>, vector<1x16xf32>,
      %add3A_597 = arith.constant 96 : i32
      %add3A_598 = arith.addi %mul3A_494, %add3A_597 : i32
      %swap3A_599 = arith.constant 0 : i32
      %swap3A_600 = arith.index_cast %swap3A_599 : i32 to index
      %swap3A_601 = arith.index_cast %add3A_598 : i32 to index
      %swap3A_602 = tpu.vector_load %arg8[%swap3A_600, %swap3A_601] {strides = array<i32>} : memref<2x512xf32, #tpu.memory_space<vmem>>, vector<1x16xf32>,
      %swap3A_603 = vector.shape_cast %swap3A_602 : vector<1x16xf32> to vector<16xf32>
      %swap3A_604 = vector.shape_cast %scan3A_499#6 : vector<16xf32> to vector<1x16xf32>
      tpu.vector_store %arg8[%swap3A_600, %swap3A_601], %swap3A_604 {add = true, strides = array<i32>} : memref<2x512xf32, #tpu.memory_space<vmem>>, vector<1x16xf32>,
      %add3A_605 = arith.constant 96 : i32
      %add3A_606 = arith.addi %mul3A_494, %add3A_605 : i32
      %swap3A_607 = arith.constant 1 : i32
      %swap3A_608 = arith.index_cast %swap3A_607 : i32 to index
      %swap3A_609 = arith.index_cast %add3A_606 : i32 to index
      %swap3A_610 = tpu.vector_load %arg8[%swap3A_608, %swap3A_609] {strides = array<i32>} : memref<2x512xf32, #tpu.memory_space<vmem>>, vector<1x16xf32>,
      %swap3A_611 = vector.shape_cast %swap3A_610 : vector<1x16xf32> to vector<16xf32>
      %swap3A_612 = vector.shape_cast %scan3A_499#14 : vector<16xf32> to vector<1x16xf32>
      tpu.vector_store %arg8[%swap3A_608, %swap3A_609], %swap3A_612 {add = true, strides = array<i32>} : memref<2x512xf32, #tpu.memory_space<vmem>>, vector<1x16xf32>,
      %add3A_613 = arith.constant 112 : i32
      %add3A_614 = arith.addi %mul3A_494, %add3A_613 : i32
      %swap3A_615 = arith.constant 0 : i32
      %swap3A_616 = arith.index_cast %swap3A_615 : i32 to index
      %swap3A_617 = arith.index_cast %add3A_614 : i32 to index
      %swap3A_618 = tpu.vector_load %arg8[%swap3A_616, %swap3A_617] {strides = array<i32>} : memref<2x512xf32, #tpu.memory_space<vmem>>, vector<1x16xf32>,
      %swap3A_619 = vector.shape_cast %swap3A_618 : vector<1x16xf32> to vector<16xf32>
      %swap3A_620 = vector.shape_cast %scan3A_499#7 : vector<16xf32> to vector<1x16xf32>
      tpu.vector_store %arg8[%swap3A_616, %swap3A_617], %swap3A_620 {add = true, strides = array<i32>} : memref<2x512xf32, #tpu.memory_space<vmem>>, vector<1x16xf32>,
      %add3A_621 = arith.constant 112 : i32
      %add3A_622 = arith.addi %mul3A_494, %add3A_621 : i32
      %swap3A_623 = arith.constant 1 : i32
      %swap3A_624 = arith.index_cast %swap3A_623 : i32 to index
      %swap3A_625 = arith.index_cast %add3A_622 : i32 to index
      %swap3A_626 = tpu.vector_load %arg8[%swap3A_624, %swap3A_625] {strides = array<i32>} : memref<2x512xf32, #tpu.memory_space<vmem>>, vector<1x16xf32>,
      %swap3A_627 = vector.shape_cast %swap3A_626 : vector<1x16xf32> to vector<16xf32>
      %swap3A_628 = vector.shape_cast %scan3A_499#15 : vector<16xf32> to vector<1x16xf32>
      tpu.vector_store %arg8[%swap3A_624, %swap3A_625], %swap3A_628 {add = true, strides = array<i32>} : memref<2x512xf32, #tpu.memory_space<vmem>>, vector<1x16xf32>,
      %scan3A_629 = arith.constant 0 : i32
      scf.yield %scan3A_629 : i32
    }
    %scan3A_482 = arith.constant 4 : i32
    %scan3A_483 = arith.constant 0 : i32
    %scan3A_484 = arith.constant 1 : i32
    %dma_wait3A_485 = arith.constant 0 : i32
    %dma_wait3A_486 = tpu.memref_slice %arg2[%select_n3A, %add3A_34, %dma_wait3A_485] : memref<16x2048x512xf32, #tpu.memory_space<hbm>> -> memref<1x64x512xf32, #tpu.memory_space<hbm>>
    %dma_wait3A_487 = tpu.memref_squeeze %dma_wait3A_486 : memref<1x64x512xf32, #tpu.memory_space<hbm>> -> memref<64x512xf32, #tpu.memory_space<hbm>>
    %dma_wait3A_488 = arith.constant 0 : i32
    %dma_wait3A_489 = tpu.memref_slice %arg2[%select_n3A, %add3A_34, %dma_wait3A_488] : memref<16x2048x512xf32, #tpu.memory_space<hbm>> -> memref<1x64x512xf32, #tpu.memory_space<hbm>>
    %dma_wait3A_490 = tpu.memref_squeeze %dma_wait3A_489 : memref<1x64x512xf32, #tpu.memory_space<hbm>> -> memref<64x512xf32, #tpu.memory_space<hbm>>
    tpu.wait_dma2 semaphore(%arg9 : memref<!tpu.dma_semaphore, #tpu.memory_space<semaphore_mem>>) src(%dma_wait3A_490 : memref<64x512xf32, #tpu.memory_space<hbm>>) dst(%arg5 : memref<64x512xf32, #tpu.memory_space<vmem>>)
    "tpu.region"() ({
      %run_scoped3A_491 = tpu.sem_alloc : memref<!tpu.dma_semaphore, #tpu.memory_space<semaphore_mem>>
      %dma_start3A_492 = arith.constant 0 : i32
      %dma_start3A_493 = arith.constant 0 : i32
      %dma_start3A_494 = tpu.memref_slice %arg4[%add3A, %dma_start3A_492, %dma_start3A_493] : memref<32x2x512xf32, #tpu.memory_space<hbm>> -> memref<1x2x512xf32, #tpu.memory_space<hbm>>
      %dma_start3A_495 = tpu.memref_squeeze %dma_start3A_494 : memref<1x2x512xf32, #tpu.memory_space<hbm>> -> memref<2x512xf32, #tpu.memory_space<hbm>>
      %dma_start3A_496 = arith.constant 0 : i32
      %dma_start3A_497 = arith.constant 0 : i32
      %dma_start3A_498 = tpu.memref_slice %arg4[%add3A, %dma_start3A_496, %dma_start3A_497] : memref<32x2x512xf32, #tpu.memory_space<hbm>> -> memref<1x2x512xf32, #tpu.memory_space<hbm>>
      %dma_start3A_499 = tpu.memref_squeeze %dma_start3A_498 : memref<1x2x512xf32, #tpu.memory_space<hbm>> -> memref<2x512xf32, #tpu.memory_space<hbm>>
      tpu.enqueue_dma source(%arg8 : memref<2x512xf32, #tpu.memory_space<vmem>>) target(%dma_start3A_499 : memref<2x512xf32, #tpu.memory_space<hbm>>) target_semaphore(%run_scoped3A_491 : memref<!tpu.dma_semaphore, #tpu.memory_space<semaphore_mem>>)
      %dma_wait3A_500 = arith.constant 0 : i32
      %dma_wait3A_501 = arith.constant 0 : i32
      %dma_wait3A_502 = tpu.memref_slice %arg4[%add3A, %dma_wait3A_500, %dma_wait3A_501] : memref<32x2x512xf32, #tpu.memory_space<hbm>> -> memref<1x2x512xf32, #tpu.memory_space<hbm>>
      %dma_wait3A_503 = tpu.memref_squeeze %dma_wait3A_502 : memref<1x2x512xf32, #tpu.memory_space<hbm>> -> memref<2x512xf32, #tpu.memory_space<hbm>>
      %dma_wait3A_504 = arith.constant 0 : i32
      %dma_wait3A_505 = arith.constant 0 : i32
      %dma_wait3A_506 = tpu.memref_slice %arg4[%add3A, %dma_wait3A_504, %dma_wait3A_505] : memref<32x2x512xf32, #tpu.memory_space<hbm>> -> memref<1x2x512xf32, #tpu.memory_space<hbm>>
      %dma_wait3A_507 = tpu.memref_squeeze %dma_wait3A_506 : memref<1x2x512xf32, #tpu.memory_space<hbm>> -> memref<2x512xf32, #tpu.memory_space<hbm>>
      tpu.wait_dma2 semaphore(%run_scoped3A_491 : memref<!tpu.dma_semaphore, #tpu.memory_space<semaphore_mem>>) src(%arg8 : memref<2x512xf32, #tpu.memory_space<vmem>>) dst(%dma_wait3A_507 : memref<2x512xf32, #tpu.memory_space<hbm>>)
      tpu.yield
    }) : () -> ()
    return
  }
}

module attributes {stable_mosaic.version = 14 : i64} {
  func.func @_pool_body(%arg0: i32, %arg1: memref<1x2x1792xf32, #tpu.memory_space<vmem>>, %arg2: memref<1x1792x512xf32, #tpu.memory_space<vmem>>, %arg3: memref<1x2x512xf32, #tpu.memory_space<vmem>>) attributes {dimension_semantics = [#tpu.dimension_semantics<arbitrary>], iteration_bounds = array<i64: 16>, scalar_prefetch = 0 : i64, scratch_operands = 0 : i64, tpu.core_type = #tpu.core_type<tc>, window_params = [{transform_indices = @transform_0, window_bounds = array<i64: 1, 2, 1792>}, {transform_indices = @transform_1, window_bounds = array<i64: 1, 1792, 512>}, {transform_indices = @transform_2, window_bounds = array<i64: 1, 2, 512>}]} {
    %get3A = arith.constant 0 : index
    %get3A_0 = arith.constant 0 : index
    %get3A_1 = arith.constant 0 : index
    %get3A_2 = vector.load %arg2[%get3A, %get3A_0, %get3A_1] : memref<1x1792x512xf32, #tpu.memory_space<vmem>>, vector<1x1792x512xf32>
    %get3A_3 = vector.shape_cast %get3A_2 : vector<1x1792x512xf32> to vector<1792x512xf32>
    %get3A_4 = arith.constant 0 : index
    %get3A_5 = arith.constant 1 : index
    %get3A_6 = arith.constant 0 : index
    %get3A_7 = vector.load %arg1[%get3A_4, %get3A_5, %get3A_6] : memref<1x2x1792xf32, #tpu.memory_space<vmem>>, vector<1x1x1792xf32>
    %get3A_8 = vector.shape_cast %get3A_7 : vector<1x1x1792xf32> to vector<1792xf32>
    %reshape3A = vector.shape_cast %get3A_8 : vector<1792xf32> to vector<1792x1xf32>
    %reduce_sum3A = arith.constant dense<0.000000e+00> : vector<512xf32>
    %reduce_sum3A_9 = vector.multi_reduction <add>, %get3A_3, %reduce_sum3A [0] : vector<1792x512xf32> to vector<512xf32>
    %mul3A = vector.broadcast %reshape3A : vector<1792x1xf32> to vector<1792x512xf32>
    %mul3A_10 = arith.mulf %get3A_3, %mul3A : vector<1792x512xf32>
    %reduce_sum3A_11 = arith.constant dense<0.000000e+00> : vector<512xf32>
    %reduce_sum3A_12 = vector.multi_reduction <add>, %mul3A_10, %reduce_sum3A_11 [0] : vector<1792x512xf32> to vector<512xf32>
    %stack3A = vector.shape_cast %reduce_sum3A_9 : vector<512xf32> to vector<1x512xf32>
    %stack3A_13 = vector.shape_cast %reduce_sum3A_12 : vector<512xf32> to vector<1x512xf32>
    %stack3A_14 = tpu.concatenate %stack3A, %stack3A_13 in 0 : vector<1x512xf32>, vector<1x512xf32> -> vector<2x512xf32>
    %swap3A = arith.constant 0 : index
    %swap3A_15 = arith.constant 0 : index
    %swap3A_16 = arith.constant 0 : index
    %swap3A_17 = vector.load %arg3[%swap3A, %swap3A_15, %swap3A_16] : memref<1x2x512xf32, #tpu.memory_space<vmem>>, vector<1x2x512xf32>
    %swap3A_18 = vector.shape_cast %swap3A_17 : vector<1x2x512xf32> to vector<2x512xf32>
    %swap3A_19 = vector.shape_cast %stack3A_14 : vector<2x512xf32> to vector<1x2x512xf32>
    tpu.vector_store %arg3[%swap3A, %swap3A_15, %swap3A_16], %swap3A_19 {strides = array<i32>} : memref<1x2x512xf32, #tpu.memory_space<vmem>>, vector<1x2x512xf32>,
    return
  }
  func.func @transform_0(%arg0: i32) -> (i32, i32, i32) {
    %c0_i32 = arith.constant 0 : i32
    %c0_i32_0 = arith.constant 0 : i32
    %c0_i32_1 = arith.constant 0 : i32
    return %arg0, %c0_i32, %c0_i32_0 : i32, i32, i32
  }
  func.func @transform_1(%arg0: i32) -> (i32, i32, i32) {
    %c0_i32 = arith.constant 0 : i32
    %c0_i32_0 = arith.constant 0 : i32
    %c0_i32_1 = arith.constant 0 : i32
    return %arg0, %c0_i32, %c0_i32_0 : i32, i32, i32
  }
  func.func @transform_2(%arg0: i32) -> (i32, i32, i32) {
    %c0_i32 = arith.constant 0 : i32
    %c0_i32_0 = arith.constant 0 : i32
    %c0_i32_1 = arith.constant 0 : i32
    return %arg0, %c0_i32, %c0_i32_0 : i32, i32, i32
  }
}

module attributes {stable_mosaic.version = 14 : i64} {
  func.func @_loss_body(%arg0: memref<16x2x512xf32, #tpu.memory_space<vmem>>, %arg1: memref<32x2x512xf32, #tpu.memory_space<vmem>>, %arg2: memref<16x2x2048xf32, #tpu.memory_space<vmem>>, %arg3: memref<1x1xf32, #tpu.memory_space<vmem>>) attributes {dimension_semantics = [], scalar_prefetch = 0 : i64, scratch_operands = 0 : i64, tpu.core_type = #tpu.core_type<tc>} {
    %get3A = arith.constant 0 : index
    %get3A_0 = arith.constant 0 : index
    %get3A_1 = arith.constant 0 : index
    %get3A_2 = vector.load %arg0[%get3A, %get3A_0, %get3A_1] : memref<16x2x512xf32, #tpu.memory_space<vmem>>, vector<16x2x512xf32>
    %get3A_3 = arith.constant 0 : index
    %get3A_4 = arith.constant 0 : index
    %get3A_5 = arith.constant 0 : index
    %get3A_6 = vector.load %arg1[%get3A_3, %get3A_4, %get3A_5] : memref<32x2x512xf32, #tpu.memory_space<vmem>>, vector<32x2x512xf32>
    %reshape3A = vector.shape_cast %get3A_6 : vector<32x2x512xf32> to vector<16x2x2x512xf32>
    %reduce_sum3A = arith.constant dense<0.000000e+00> : vector<16x2x512xf32>
    %reduce_sum3A_7 = vector.multi_reduction <add>, %reshape3A, %reduce_sum3A [1] : vector<16x2x2x512xf32> to vector<16x2x512xf32>
    %add3A = arith.addf %get3A_2, %reduce_sum3A_7 : vector<16x2x512xf32>
    %get3A_8 = arith.constant 0 : index
    %get3A_9 = arith.constant 1 : index
    %get3A_10 = arith.constant 0 : index
    %get3A_11 = vector.load %arg2[%get3A_8, %get3A_9, %get3A_10] : memref<16x2x2048xf32, #tpu.memory_space<vmem>>, vector<16x1x2048xf32>
    %get3A_12 = vector.shape_cast %get3A_11 : vector<16x1x2048xf32> to vector<16x2048xf32>
    %reduce_sum3A_13 = arith.constant dense<0.000000e+00> : vector<16xf32>
    %reduce_sum3A_14 = vector.multi_reduction <add>, %get3A_12, %reduce_sum3A_13 [1] : vector<16x2048xf32> to vector<16xf32>
    %sub3A = arith.constant 2.048000e+03 : f32
    %sub3A_15 = vector.broadcast %sub3A : f32 to vector<16xf32>
    %sub3A_16 = arith.subf %sub3A_15, %reduce_sum3A_14 : vector<16xf32>
    %slice3A = vector.extract_strided_slice %add3A {offsets = [0, 0, 0], sizes = [16, 1, 512], strides = [1, 1, 1]} : vector<16x2x512xf32> to vector<16x1x512xf32>
    %squeeze3A = vector.shape_cast %slice3A : vector<16x1x512xf32> to vector<16x512xf32>
    %slice3A_17 = vector.extract_strided_slice %add3A {offsets = [0, 1, 0], sizes = [16, 1, 512], strides = [1, 1, 1]} : vector<16x2x512xf32> to vector<16x1x512xf32>
    %squeeze3A_18 = vector.shape_cast %slice3A_17 : vector<16x1x512xf32> to vector<16x512xf32>
    %sub3A_19 = arith.subf %squeeze3A, %squeeze3A_18 : vector<16x512xf32>
    %max3A = arith.constant 1.000000e+00 : f32
    %max3A_20 = vector.broadcast %max3A : f32 to vector<16xf32>
    %max3A_21 = arith.maximumf %sub3A_16, %max3A_20 : vector<16xf32>
    %broadcast_in_dim3A = vector.shape_cast %max3A_21 : vector<16xf32> to vector<16x1xf32>
    %div3A = vector.broadcast %broadcast_in_dim3A : vector<16x1xf32> to vector<16x512xf32>
    %div3A_22 = arith.divf %sub3A_19, %div3A : vector<16x512xf32>
    %max3A_23 = arith.constant 1.000000e+00 : f32
    %max3A_24 = vector.broadcast %max3A_23 : f32 to vector<16xf32>
    %max3A_25 = arith.maximumf %reduce_sum3A_14, %max3A_24 : vector<16xf32>
    %broadcast_in_dim3A_26 = vector.shape_cast %max3A_25 : vector<16xf32> to vector<16x1xf32>
    %div3A_27 = vector.broadcast %broadcast_in_dim3A_26 : vector<16x1xf32> to vector<16x512xf32>
    %div3A_28 = arith.divf %squeeze3A_18, %div3A_27 : vector<16x512xf32>
    %mul3A = arith.mulf %div3A_22, %div3A_22 : vector<16x512xf32>
    %reduce_sum3A_29 = arith.constant dense<0.000000e+00> : vector<16xf32>
    %reduce_sum3A_30 = vector.multi_reduction <add>, %mul3A, %reduce_sum3A_29 [1] : vector<16x512xf32> to vector<16xf32>
    %broadcast_in_dim3A_31 = vector.shape_cast %reduce_sum3A_30 : vector<16xf32> to vector<16x1xf32>
    %sqrt3A = math.sqrt %broadcast_in_dim3A_31 : vector<16x1xf32>
    %max3A_32 = arith.constant 9.99999996E-13 : f32
    %max3A_33 = vector.broadcast %max3A_32 : f32 to vector<16x1xf32>
    %max3A_34 = arith.maximumf %sqrt3A, %max3A_33 : vector<16x1xf32>
    %div3A_35 = vector.broadcast %max3A_34 : vector<16x1xf32> to vector<16x512xf32>
    %div3A_36 = arith.divf %div3A_22, %div3A_35 : vector<16x512xf32>
    %mul3A_37 = arith.mulf %div3A_28, %div3A_28 : vector<16x512xf32>
    %reduce_sum3A_38 = arith.constant dense<0.000000e+00> : vector<16xf32>
    %reduce_sum3A_39 = vector.multi_reduction <add>, %mul3A_37, %reduce_sum3A_38 [1] : vector<16x512xf32> to vector<16xf32>
    %broadcast_in_dim3A_40 = vector.shape_cast %reduce_sum3A_39 : vector<16xf32> to vector<16x1xf32>
    %sqrt3A_41 = math.sqrt %broadcast_in_dim3A_40 : vector<16x1xf32>
    %max3A_42 = arith.constant 9.99999996E-13 : f32
    %max3A_43 = vector.broadcast %max3A_42 : f32 to vector<16x1xf32>
    %max3A_44 = arith.maximumf %sqrt3A_41, %max3A_43 : vector<16x1xf32>
    %div3A_45 = vector.broadcast %max3A_44 : vector<16x1xf32> to vector<16x512xf32>
    %div3A_46 = arith.divf %div3A_28, %div3A_45 : vector<16x512xf32>
    %dot_general3A = arith.constant dense<0.000000e+00> : vector<16x16xf32>
    %dot_general3A_47 = tpu.matmul %div3A_36, %div3A_46, %dot_general3A {dimension_numbers = #tpu.dot_dimension_numbers<[1], [1], [0], [0], [0, 0, 1, 0], [], []>, precision = #tpu.contract_precision<fp32>, transpose_lhs_hint = false} : vector<16x512xf32>, vector<16x512xf32>, vector<16x16xf32> -> vector<16x16xf32>
    %div3A_48 = arith.constant 1.500000e-01 : f32
    %div3A_49 = vector.broadcast %div3A_48 : f32 to vector<16x16xf32>
    %div3A_50 = arith.divf %dot_general3A_47, %div3A_49 : vector<16x16xf32>
    %gt3A = arith.constant 0.000000e+00 : f32
    %gt3A_51 = vector.broadcast %gt3A : f32 to vector<16xf32>
    %gt3A_52 = arith.cmpf ogt, %reduce_sum3A_14, %gt3A_51 : vector<16xf32>
    %broadcast_in_dim3A_53 = vector.shape_cast %gt3A_52 : vector<16xi1> to vector<1x16xi1>
    %jit3A = arith.constant 0xFF800000 : f32
    %broadcast_in_dim3A_54 = vector.shape_cast %broadcast_in_dim3A_53 : vector<1x16xi1> to vector<1x16xi1>
    %broadcast_in_dim3A_55 = vector.broadcast %broadcast_in_dim3A_54 : vector<1x16xi1> to vector<16x16xi1>
    %broadcast_in_dim3A_56 = vector.broadcast %jit3A : f32 to vector<16x16xf32>
    %select_n3A = arith.select %broadcast_in_dim3A_55, %div3A_50, %broadcast_in_dim3A_56 : vector<16x16xi1>, vector<16x16xf32>
    %reduce_max3A = arith.constant dense<0xFF800000> : vector<16xf32>
    %reduce_max3A_57 = vector.multi_reduction <maximumf>, %select_n3A, %reduce_max3A [1] : vector<16x16xf32> to vector<16xf32>
    %broadcast_in_dim3A_58 = vector.shape_cast %reduce_max3A_57 : vector<16xf32> to vector<16x1xf32>
    %is_finite3A = tpu.weird %broadcast_in_dim3A_58 : vector<16x1xf32> -> vector<16x1xi1>
    %is_finite3A_59 = arith.constant dense<true> : vector<16x1xi1>
    %is_finite3A_60 = arith.xori %is_finite3A, %is_finite3A_59 : vector<16x1xi1>
    %jit3A_61 = arith.constant 0.000000e+00 : f32
    %broadcast_in_dim3A_62 = vector.broadcast %jit3A_61 : f32 to vector<16x1xf32>
    %select_n3A_63 = arith.select %is_finite3A_60, %broadcast_in_dim3A_58, %broadcast_in_dim3A_62 : vector<16x1xi1>, vector<16x1xf32>
    %sub3A_64 = vector.broadcast %select_n3A_63 : vector<16x1xf32> to vector<16x16xf32>
    %sub3A_65 = arith.subf %select_n3A, %sub3A_64 : vector<16x16xf32>
    %exp3A = math.exp %sub3A_65 : vector<16x16xf32>
    %reduce_sum3A_66 = arith.constant dense<0.000000e+00> : vector<16xf32>
    %reduce_sum3A_67 = vector.multi_reduction <add>, %exp3A, %reduce_sum3A_66 [1] : vector<16x16xf32> to vector<16xf32>
    %broadcast_in_dim3A_68 = vector.shape_cast %reduce_sum3A_67 : vector<16xf32> to vector<16x1xf32>
    %log3A = math.log %broadcast_in_dim3A_68 : vector<16x1xf32>
    %add3A_69 = arith.addf %log3A, %broadcast_in_dim3A_58 : vector<16x1xf32>
    %iota3A = tpu.iota {dimensions = array<i32: 0>} : vector<16x16xi32>
    %iota3A_70 = tpu.iota {dimensions = array<i32: 1>} : vector<16x16xi32>
    %eq3A = arith.cmpi eq, %iota3A, %iota3A_70 : vector<16x16xi32>
    %sub3A_71 = vector.broadcast %add3A_69 : vector<16x1xf32> to vector<16x16xf32>
    %sub3A_72 = arith.subf %div3A_50, %sub3A_71 : vector<16x16xf32>
    %jit3A_73 = arith.constant 0.000000e+00 : f32
    %broadcast_in_dim3A_74 = vector.broadcast %jit3A_73 : f32 to vector<16x16xf32>
    %select_n3A_75 = arith.select %eq3A, %sub3A_72, %broadcast_in_dim3A_74 : vector<16x16xi1>, vector<16x16xf32>
    %reduce_sum3A_76 = arith.constant dense<0.000000e+00> : vector<16xf32>
    %reduce_sum3A_77 = vector.multi_reduction <add>, %select_n3A_75, %reduce_sum3A_76 [1] : vector<16x16xf32> to vector<16xf32>
    %convert_element_type3A = arith.extui %gt3A_52 : vector<16xi1> to vector<16xi32>
    %convert_element_type3A_78 = arith.sitofp %convert_element_type3A : vector<16xi32> to vector<16xf32>
    %reduce_sum3A_79 = vector.shape_cast %convert_element_type3A_78 : vector<16xf32> to vector<1x16xf32>
    %reduce_sum3A_80 = arith.constant dense<0.000000e+00> : vector<1xf32>
    %reduce_sum3A_81 = vector.multi_reduction <add>, %reduce_sum3A_79, %reduce_sum3A_80 [1] : vector<1x16xf32> to vector<1xf32>
    %reduce_sum3A_82 = vector.shape_cast %reduce_sum3A_81 : vector<1xf32> to vector<1x1xf32>
    %reduce_sum3A_83 = vector.extract %reduce_sum3A_82[0, 0] : f32 from vector<1x1xf32>
    %jit3A_84 = arith.constant 0.000000e+00 : f32
    %broadcast_in_dim3A_85 = vector.broadcast %jit3A_84 : f32 to vector<16xf32>
    %select_n3A_86 = arith.select %gt3A_52, %reduce_sum3A_77, %broadcast_in_dim3A_85 : vector<16xi1>, vector<16xf32>
    %reduce_sum3A_87 = vector.shape_cast %select_n3A_86 : vector<16xf32> to vector<1x16xf32>
    %reduce_sum3A_88 = arith.constant dense<0.000000e+00> : vector<1xf32>
    %reduce_sum3A_89 = vector.multi_reduction <add>, %reduce_sum3A_87, %reduce_sum3A_88 [1] : vector<1x16xf32> to vector<1xf32>
    %reduce_sum3A_90 = vector.shape_cast %reduce_sum3A_89 : vector<1xf32> to vector<1x1xf32>
    %reduce_sum3A_91 = vector.extract %reduce_sum3A_90[0, 0] : f32 from vector<1x1xf32>
    %neg3A = arith.constant 0.000000e+00 : f32
    %neg3A_92 = arith.subf %neg3A, %reduce_sum3A_91 : f32
    %div3A_93 = arith.divf %neg3A_92, %reduce_sum3A_83 : f32
    %broadcast_in_dim3A_94 = vector.broadcast %div3A_93 : f32 to vector<1x1xf32>
    %swap3A = arith.constant 0 : index
    %swap3A_95 = arith.constant 0 : index
    %swap3A_96 = vector.load %arg3[%swap3A, %swap3A_95] : memref<1x1xf32, #tpu.memory_space<vmem>>, vector<1x1xf32>
    tpu.vector_store %arg3[%swap3A, %swap3A_95], %broadcast_in_dim3A_94 {strides = array<i32>} : memref<1x1xf32, #tpu.memory_space<vmem>>, vector<1x1xf32>,
    return
  }
}

</mosaic_0001>

<sc_bundles>
// kernel: kernel.5.cloned.1.call-start
scs
__scs_entry_jumppad:
0x0: {  	(pc) =	sbr.rel $0x88, $3  }
0x1: {  	(tag) =	ssettag $0x0;
	lr =	simm.s32 $0x1  }
0x2: {  	[smem:$0x3F9F] =	sst lr;
	_ =	strace $0xD0000000  }
0x3: {  	_ = 	snop  }
0x4: {  	_ = 	snop  }
0x5: {  	_ = 	snop  }
0x6: {  	_ = 	snop  }
0x7: {  	_ = 	snop  }
__scs_overlays_trampoline_lowered:
0x8: {  	[smem:$0x3FAE] =	sst s0  }
0x9: {  	[smem:$0x3FAF] =	sst s1  }
0xa: {  	[smem:$0x3FB0] =	sst s2  }
0xb: {  	[smem:$0x3FB1] =	sst s3  }
0xc: {  	[smem:$0x3FB2] =	sst s4  }
0xd: {  	[smem:$0x3FB3] =	sst s5  }
0xe: {  	[smem:$0x3FB4] =	sst s6  }
0xf: {  	[smem:$0x3FB5] =	sst s7  }
0x10: {  	[smem:$0x3FB6] =	sst s8  }
0x11: {  	[smem:$0x3FB7] =	sst s9;
	s0 =	simm.s32 @!p0 $0x0  }
0x12: {  	s1 =	sld [smem:$0x3F9D];
	s0 =	simm.s32 @p0 $0x1  }
0x13: {  	[smem:$0x3FB8] =	sst s0;
	s0 =	simm.s32 @!p1 $0x0  }
0x14: {  	s2 =	sld [smem:$0x3F9C];
	s0 =	simm.s32 @p1 $0x1  }
0x15: {  	[smem:$0x3FB9] =	sst s0;
	s0 =	simm.s32 @!p2 $0x0  }
0x16: {  	s3 =	sld [smem:$0x3FDB];
	s0 =	simm.s32 @p2 $0x1  }
0x17: {  	s4 =	simm.s32 $0x1BF5;
	[smem:$0x3FBB] =	sst s0  }
0x18: {  	s0 =	sld [smem:$0x3F9E];
	_ =	swait.ge [sflag:s4], $0x0  }
0x19: {  	s7 =	sld [smem:$0x3F9F]  }
0x1a: {  	s8 =	sadd.s32 $0xFFFFE003, lr  }
0x1b: {  	s9 =	sadd.s32 $0xFFFFFEF7, lr;
	s5 =	simm.s32 $0xFFFFFFFF;
	p2 =	slt.u32 s8, $0xFFFFF086  }
0x1c: {  	p1 =	slt.u32 s9, $0xF7A;
	s5 =	simm.s32 @!p2 $0x0  }
0x1d: {  	s5 =	simm.s32 @p1 $0x1;
	p0 =	seq.s32 s7, s2  }
0x1e: {  	s7 =	smul.u32 @!p0 $0xF7A, s2;
	p2 =	seq.s32 @!p0 s5, $0x0  }
0x1f: {  	s9 =	smul.u32 $0xF7A, s1;
	s8 =	simm.s32 @!p0 $0x1BF5;
	p2 =	por !p2, p0  }
0x20: {  	[sflag:s8] =	ssyncset.s32 @!p0 $0xFFFFF086;
	s6 =	sadd.s32 @!p0 s3, s7;
	s7 =	simm.s32 @!p0 $0x108  }
0x21: {  	s3 =	sadd.s32 s3, s9;
	s6 =	sadd.s32 @!p0 $0x88, s6;
	s7 =	simm.s32 @p2 $0x1082  }
0x22: {  	[simem:s7], [sflag:s8] =	dma.local @!p0 [hbm:s6], $0xF7A  }
0x23: {  	s9 =	sor.u32 $0xD0000000, s2;
	s6 =	simm.s32 $0x108;
	_ =	swait.ge @!p0 [sflag:s8], $0x0  }
0x24: {  	s3 =	sadd.s32 $0x88, s3;
	s6 =	simm.s32 @!p1 $0x1082;
	[sflag:s4] =	ssyncset.s32 $0xFFFFF086  }
0x25: {  	[simem:s6], [sflag:s4] =	dma.local [hbm:s3], $0xF7A  }
0x26: {  	[smem:$0x3F9F] =	sst s1;
	(tag) =	ssettag s2;
	_ =	strace s9  }
0x27: {  	s1 =	sld [smem:$0x3FAF]  }
0x28: {  	s2 =	sld [smem:$0x3FB0]  }
0x29: {  	s4 =	sld [smem:$0x3FB2]  }
0x2a: {  	p0 =	seq.s32 s5, $0x0;
	s5 =	sld [smem:$0x3FB3]  }
0x2b: {  	s6 =	sld [smem:$0x3FB4]  }
0x2c: {  	s7 =	sld [smem:$0x3FB5]  }
0x2d: {  	s3 =	simm.s32 $0x108;
	s8 =	sld [smem:$0x3FB6]  }
0x2e: {  	s3 =	simm.s32 @!p0 $0x1082;
	s9 =	sld [smem:$0x3FB7]  }
0x2f: {  	lr =	sadd.s32 s0, s3;
	s0 =	sld [smem:$0x3FAE]  }
0x30: {  	s3 =	sld [smem:$0x3FB1]  }
0x31: {  	[smem:$0x3FBA] =	sst s10  }
0x32: {  	s10 =	sld [smem:$0x3FB8];
	_ =	sdelay $0x3  }
0x33: {  	p0 =	seq.s32 s10, $0x1;
	s10 =	sld [smem:$0x3FBA];
	_ =	sdelay $0x3  }
0x34: {  	[smem:$0x3FBA] =	sst s10  }
0x35: {  	s10 =	sld [smem:$0x3FB9];
	_ =	sdelay $0x3  }
0x36: {  	p1 =	seq.s32 s10, $0x1;
	s10 =	sld [smem:$0x3FBA];
	_ =	sdelay $0x3  }
0x37: {  	[smem:$0x3FBA] =	sst s10  }
0x38: {  	s10 =	sld [smem:$0x3FBB]  }
0x39: {  	_ = 	snop;
	(pc) =	sbr.ind lr, $3  }
0x3a: {  	_ = 	snop  }
0x3b: {  	_ = 	snop  }
0x3c: {  	p2 =	seq.s32 s10, $0x1;
	s10 =	sld [smem:$0x3FBA]  }
0x3d: {  	_ =	shalt  }
0x3e: {  	_ =	shalt  }
0x3f: {  	_ =	shalt  }
0x40: {  	_ =	shalt  }
0x41: {  	_ =	shalt  }
0x42: {  	_ =	shalt  }
0x43: {  	_ =	shalt  }
0x44: {  	_ =	shalt  }
0x45: {  	_ =	shalt  }
0x46: {  	_ =	shalt  }
0x47: {  	_ =	shalt  }
0x48: {  	_ =	shalt  }
0x49: {  	_ =	shalt  }
0x4a: {  	_ =	shalt  }
0x4b: {  	_ =	shalt  }
0x4c: {  	_ =	shalt  }
0x4d: {  	_ =	shalt  }
0x4e: {  	_ =	shalt  }
0x4f: {  	_ =	shalt  }
0x50: {  	_ =	shalt  }
0x51: {  	_ =	shalt  }
0x52: {  	_ =	shalt  }
0x53: {  	_ =	shalt  }
0x54: {  	_ =	shalt  }
0x55: {  	_ =	shalt  }
0x56: {  	_ =	shalt  }
0x57: {  	_ =	shalt  }
0x58: {  	_ =	shalt  }
0x59: {  	_ =	shalt  }
0x5a: {  	_ =	shalt  }
0x5b: {  	_ =	shalt  }
0x5c: {  	_ =	shalt  }
0x5d: {  	_ =	shalt  }
0x5e: {  	_ =	shalt  }
0x5f: {  	_ =	shalt  }
0x60: {  	_ =	shalt  }
0x61: {  	_ =	shalt  }
0x62: {  	_ =	shalt  }
0x63: {  	_ =	shalt  }
0x64: {  	_ =	shalt  }
0x65: {  	_ =	shalt  }
0x66: {  	_ =	shalt  }
0x67: {  	_ =	shalt  }
0x68: {  	_ =	shalt  }
0x69: {  	_ =	shalt  }
0x6a: {  	_ =	shalt  }
0x6b: {  	_ =	shalt  }
0x6c: {  	_ =	shalt  }
0x6d: {  	_ =	shalt  }
0x6e: {  	_ =	shalt  }
0x6f: {  	_ =	shalt  }
0x70: {  	_ =	shalt  }
0x71: {  	_ =	shalt  }
0x72: {  	_ =	shalt  }
0x73: {  	_ =	shalt  }
0x74: {  	_ =	shalt  }
0x75: {  	_ =	shalt  }
0x76: {  	_ =	shalt  }
0x77: {  	_ =	shalt  }
0x78: {  	_ =	shalt  }
0x79: {  	_ =	shalt  }
0x7a: {  	_ =	shalt  }
0x7b: {  	_ =	shalt  }
0x7c: {  	_ =	shalt  }
0x7d: {  	_ =	shalt  }
0x7e: {  	_ =	shalt  }
0x7f: {  	_ =	shalt  }
0x80: {  	_ =	shalt  }
0x81: {  	_ =	shalt  }
0x82: {  	_ =	shalt  }
0x83: {  	_ =	shalt  }
0x84: {  	_ =	shalt  }
0x85: {  	_ =	shalt  }
0x86: {  	_ =	shalt  }
0x87: {  	_ =	shalt  }
.Lfunc_end0:
.L_simem_size_0:
called_computation_lowered:
.L_overlay_start_0:
0x88: {  	s2 =	sld [smem:$0x3FD9]  }
0x89: {  	s3 =	sld [smem:$0x3FFE];
	_ =	sdelay $0x1  }
0x8a: {  	s1 =	srdreg.scid  }
0x8b: {  	s0 =	sand.u32 $0x1, s1  }
0x8c: {  	s17 =	sshll.u32 s0, $0xA;
	s2 =	sadd.s32 s3, s2  }
0x8d: {  	s2 =	sadd.s32 s2, s17  }
0x8e: {  	[smem:$0x3FC6] =	sst s2  }
0x8f: {  	_ = 	snop  }
0x90: {  	s2 =	sld [smem:$0x3FC9];
	(tm) =	ssettm $0x1  }
0x91: {  	s18 =	sld [smem:$0x3FFB];
	_ =	sdelay $0x3  }
0x92: {  	_ =	strace s18  }
0x93: {  	s3 =	sld [smem:$0x3FFC];
	_ =	sdelay $0x3  }
0x94: {  	_ =	strace s3  }
0x95: {  	s3 =	sld [smem:$0x3FFD];
	_ =	sdelay $0x3  }
0x96: {  	_ =	strace s3  }
0x97: {  	_ =	strace $0x8FFFFFFF  }
0x98: {  	s19 =	sld [smem:$0x3FDB];
	_ =	sdelay $0x1  }
0x99: {  	s4 =	simm.s32 $_scs_section_size  }
0x9a: {  	s5 =	simm.s32 $_size__tile_overlayer_lowered;
	s6 =	simm.s32 $_tile_overlayer_lowered  }
0x9b: {  	s22 =	simm.s32 $0x1BFF;
	s21 =	sshll.u32 s6, $0x1;
	s3 =	sadd.s32 s4, s19  }
0x9c: {  	s7 =	simm.s32 $0x0;
	s20 =	sshll.u32 s5, $0x1;
	s5 =	sadd.s32 s21, s3  }
0x9d: {  	[timem:s7], [sflag:s22] =	dma.local [hbm:s5], s20  }
0x9e: {  	_ =	swait.ge [sflag:s22], s20  }
0x9f: {  	s4 =	ssub.s32 $0x0, s20;
	[sflag:s22] =	ssyncset.done $0x0  }
0xa0: {  	[sflag:s22] =	ssyncadd.s32 s4;
	_ =	sdelay $0x1  }
0xa1: {  	s23 =	simm.s32 $0x1B8B  }
0xa2: {  	_ =	swait.ge [sflag:s23], $0x1  }
0xa3: {  	[sflag:s23] =	ssyncset.done $0x0  }
0xa4: {  	s25 =	simm.s32 $0x1B8E;
	s24 =	sld [smem:$0x3FFE];
	[sflag:s23] =	ssyncadd.s32 $0xFFFFFFFF  }
0xa5: {  	s26 =	simm.s32 $execute0_lowered;
	[smem:$0x3FD2] =	sst s25  }
0xa6: {  	s5 =	sshll.u32 s26, $0x1;
	_ =	strace $0x80000046;
	[dreg:$0x1] =	wrdreg $0xFFFFFFFF  }
0xa7: {  	s28 =	simm.s32 $_size_execute0_lowered;
	s3 =	sadd.s32 s3, s5;
	[dreg:$0x0] =	wrdreg $0x0  }
0xa8: {  	s5 =	sshll.u32 s28, $0x1;
	[dreg:$0x2] =	wrdreg s3  }
0xa9: {  	[dreg:$0x3] =	wrdreg s5  }
0xaa: {  	[dreg:$0x4] =	wrdreg $0xC0  }
0xab: {  	_ =	task [dreg:s7], $0x5FFFF  }
0xac: {  	[dreg:$0x1] =	wrdreg $0xFFFFFFFF  }
0xad: {  	[dreg:$0x0] =	wrdreg $0x60  }
0xae: {  	[dreg:$0x2] =	wrdreg s2  }
0xaf: {  	[dreg:$0x3] =	wrdreg s24  }
0xb0: {  	[dreg:$0x4] =	wrdreg $0x9  }
0xb1: {  	_ =	task.clear_ibuf [dreg:s7], $0x5FFFF;
	_ =	strace $0x90000046  }
0xb2: {  	s29 =	simm.s32 $0x9;
	_ =	strace $0x80000048  }
0xb3: {  	_ =	swait.ge [sflag:s29], $0x1  }
0xb4: {  	[sflag:s29] =	ssyncadd.s32 $0xFFFFFFFF  }
0xb5: {  	_ =	strace $0x90000048  }
0xb6: {  	_ =	sfence  }
0xb7: {  	s30 =	sld [smem:$0x0];
	_ =	sdelay $0x2  }
0xb8: {  	s31 =	sshll.u32 s1, $0xD;
	s1 =	sshrl.u32 s1, $0x2  }
0xb9: {  	s3 =	sand.u32 $0x4000, s31;
	s1 =	sadd.s32 s1, s30  }
0xba: {  	s0 =	sor.u32 s3, s0;
	s1 =	sshll.u32 s1, $0x11  }
0xbb: {  	s0 =	sor.u32 s1, s0  }
0xbc: {  	s0 =	sadd.s32 $0x8F2B, s0  }
0xbd: {  	[sflag:s0] =	ssyncadd.remote.s32 $0x1  }
0xbe: {  	_ =	sfence.sel $0xFFFF  }
0xbf: {  	[dreg:$0x0] =	wrdreg $0xFFFFFFFF;
	(pc) =	sbr.abs _section_cstart, $3  }
0xc0: {  	[dreg:$0x1] =	wrdreg $0xFFFFFFFF  }
0xc1: {  	_ =	task.clear_ibuf [dreg:s7], $0x2FFFF;
	_ =	strace $0x9FFFFFFF  }
0xc2: {  	(tm) =	ssettm $0x7FFFFFFF  }
0xc3: {  	_ =	shalt  }
tec
execute0_lowered:
.L_overlay_start_1:
0x0: {  	(tag) =	ssettag $0x1  }
0x1: {  	s1 =	srdreg.scid;
	s6 =	rddreg [dreg:$0x0]  }
0x2: {  	s0 =	stileid.u32;
	s7 =	rddreg [dreg:$0x1];
	s3 =	simm.s32 $0x1  }
0x3: {  	s2 =	simm.s32 $0x0;
	s12 =	simm.s32 $0x2;
	s13 =	simm.s32 $0x10080  }
0x4: {  	s4 =	sand.u32 $0x1, s1;
	s26 =	sshll.u32 s0, $0x1;
	s1 =	rddreg [dreg:$0x2]  }
0x5: {  	s14 =	simm.s32 $0x0;
	[smem:$0x7FF] =	sst s2;
	s5 =	sor.u32 s4, s26  }
0x6: {  	p1 =	seq.s32 s4, $0x1;
	s8 =	sshll.u32 s4, $0x7;
	p0 =	seq.s32 s5, $0x0  }
0x7: {  	_ =	strace $0x80000047;
	s28 =	ssub.s32 $0x2, s4;
	p0 =	por !p0, !p1  }
0x8: {  	s4 =	sshll.u32 s4, $0x10;
	s8 =	sor.u32 $0x700, s8;
	p0 =	por !p0, !p0  }
0x9: {  	s5 =	sshll.u32 s5, $0x7;
	s11 =	sshrl.u32 s28, $0x1;
	s3 =	simm.s32 @!p0 $0x0  }
0xa: {  	s10 =	sshll.u32 s8, $0x1;
	s8 =	sshll.u32 s8, $0x9;
	s9 =	ssub.s32 s0, s3  }
0xb: {  	s29 =	ssub.s32 s28, s11;
	s11 =	simm.s32 $0x8000;
	s3 =	sshll.u32 s9, $0xC  }
0xc: {  	s9 =	sshll.u32 s9, $0x14;
	s10 =	sor.u32 s10, s3;
	s3 =	simm.s32 $0x1  }
0xd: {  	s8 =	sor.u32 s8, s9;
	s4 =	sor.u32 s9, s4;
	s9 =	simm.s32 $0x10000  }
0xe: {  	s10 =	sshrl.u32 s10, $0x3;
	s30 =	sshrl.u32 s8, $0x3;
	s31 =	sor.u32 $0xE8000, s4  }
0xf: {  	s10 =	sadd.s32 s10, s7;
	s7 =	sadd.s32 s5, s7;
	s8 =	sshrl.u32 s31, $0x3  }
0x10: {  	s5 =	sadd.s32 s6, s30;
	s4 =	sadd.s32 $0x810, s10;
	s6 =	sadd.s32 s6, s8  }
0x11: {  	v0 =	vimm.f32 $0.0e+00;
	s7 =	sadd.s32 $0x2800, s7;
	s8 =	smax.u32 s29, $0x1;
	s10 =	simm.s32 $0x3  }
.LBB2_1:
0x12: {  	[tilespmem:s9], [sflag:$0x3] =	stream.linear.gather [hbm4b:s4+s2], $0x80, $0x38;
	[tilespmem:$0x10480] =	vst v63  }
0x13: {  	_ =	swait.ge [sflag:s10], $0x80  }
0x14: {  	[sflag:s10] =	ssyncset.done $0x0  }
0x15: {  	[sflag:s10] =	ssyncadd.s32 $0xFFFFFF80  }
0x16: {  	[tilespmem:$0x10080] =	vst v0  }
0x17: {  	[tilespmem:$0x10090] =	vst v0  }
0x18: {  	[tilespmem:$0x100A0] =	vst v0  }
0x19: {  	[tilespmem:$0x100B0] =	vst v0  }
0x1a: {  	[tilespmem:$0x100C0] =	vst v0  }
0x1b: {  	[tilespmem:$0x100D0] =	vst v0  }
0x1c: {  	[tilespmem:$0x100E0] =	vst v0  }
0x1d: {  	[tilespmem:$0x100F0] =	vst v0  }
0x1e: {  	[tilespmem:$0x10180] =	vst v0  }
0x1f: {  	[tilespmem:$0x10190] =	vst v0  }
0x20: {  	[tilespmem:$0x101A0] =	vst v0  }
0x21: {  	[tilespmem:$0x101B0] =	vst v0  }
0x22: {  	[tilespmem:$0x101C0] =	vst v0  }
0x23: {  	[tilespmem:$0x101D0] =	vst v0  }
0x24: {  	[tilespmem:$0x101E0] =	vst v0  }
0x25: {  	[tilespmem:$0x101F0] =	vst v0  }
0x26: {  	[tilespmem:$0x10280] =	vst v0  }
0x27: {  	[tilespmem:$0x10290] =	vst v0  }
0x28: {  	[tilespmem:$0x102A0] =	vst v0  }
0x29: {  	[tilespmem:$0x102B0] =	vst v0  }
0x2a: {  	[tilespmem:$0x102C0] =	vst v0  }
0x2b: {  	[tilespmem:$0x102D0] =	vst v0  }
0x2c: {  	[tilespmem:$0x102E0] =	vst v0  }
0x2d: {  	[tilespmem:$0x102F0] =	vst v0  }
0x2e: {  	[tilespmem:$0x10380] =	vst v0  }
0x2f: {  	[tilespmem:$0x10390] =	vst v0  }
0x30: {  	[tilespmem:$0x103A0] =	vst v0  }
0x31: {  	[tilespmem:$0x103B0] =	vst v0  }
0x32: {  	[tilespmem:$0x103C0] =	vst v0  }
0x33: {  	[tilespmem:$0x103D0] =	vst v0  }
0x34: {  	[tilespmem:$0x103E0] =	vst v0  }
0x35: {  	[tilespmem:$0x103F0] =	vst v0  }
0x36: {  	[tilespmem:$0x10100] =	vst v0  }
0x37: {  	[tilespmem:$0x10110] =	vst v0  }
0x38: {  	[tilespmem:$0x10120] =	vst v0  }
0x39: {  	[tilespmem:$0x10130] =	vst v0  }
0x3a: {  	[tilespmem:$0x10140] =	vst v0  }
0x3b: {  	[tilespmem:$0x10150] =	vst v0  }
0x3c: {  	[tilespmem:$0x10160] =	vst v0  }
0x3d: {  	[tilespmem:$0x10170] =	vst v0  }
0x3e: {  	[tilespmem:$0x10200] =	vst v0  }
0x3f: {  	[tilespmem:$0x10210] =	vst v0  }
0x40: {  	[tilespmem:$0x10220] =	vst v0  }
0x41: {  	[tilespmem:$0x10230] =	vst v0  }
0x42: {  	[tilespmem:$0x10240] =	vst v0  }
0x43: {  	[tilespmem:$0x10250] =	vst v0  }
0x44: {  	[tilespmem:$0x10260] =	vst v0  }
0x45: {  	[tilespmem:$0x10270] =	vst v0  }
0x46: {  	[tilespmem:$0x10300] =	vst v0  }
0x47: {  	[tilespmem:$0x10310] =	vst v0  }
0x48: {  	[tilespmem:$0x10320] =	vst v0  }
0x49: {  	[tilespmem:$0x10330] =	vst v0  }
0x4a: {  	[tilespmem:$0x10340] =	vst v0  }
0x4b: {  	[tilespmem:$0x10350] =	vst v0  }
0x4c: {  	[tilespmem:$0x10360] =	vst v0  }
0x4d: {  	[tilespmem:$0x10370] =	vst v0  }
0x4e: {  	[tilespmem:$0x10400] =	vst v0  }
0x4f: {  	[tilespmem:$0x10410] =	vst v0  }
0x50: {  	[tilespmem:$0x10420] =	vst v0  }
0x51: {  	[tilespmem:$0x10430] =	vst v0  }
0x52: {  	[tilespmem:$0x10440] =	vst v0  }
0x53: {  	[tilespmem:$0x10450] =	vst v0  }
0x54: {  	[tilespmem:$0x10460] =	vst v0  }
0x55: {  	[tilespmem:$0x10470] =	vst v0  }
0x56: {  	[tilespmem:s2], [sflag:$0x1] =	stream.linear.gather [hbm4b:s5+s2], $0x8000, $0x38;
	[tilespmem:$0x10480] =	vst v63  }
0x57: {  	_ = 	snop  }
0x58: {  	[tilespmem:s11], [sflag:$0x2] =	stream.linear.gather [hbm4b:s6+s2], $0x8000, $0x38;
	[tilespmem:$0x10480] =	vst v63  }
0x59: {  	_ =	swait.ge [sflag:s3], $0x8000  }
0x5a: {  	[sflag:s3] =	ssyncset.done $0x0  }
0x5b: {  	s15 =	simm.s32 $0x1000;
	s16 =	simm.s32 $0x0;
	[sflag:s3] =	ssyncadd.s32 $0xFFFF8000  }
.LBB2_2:
0x5c: {  	s17 =	simm.s32 $0x0  }
0x5d: {  	v15 =	vld [tilespmem:s17+$0x10000];
	_ =	sdelay $0x4  }
0x5e: {  	v1 =	vbroadcast v15, $0xF;
	v2 =	vbroadcast v15, $0xE  }
0x5f: {  	v18 =	vld [tilespmem:s15+$0xFFFFF000];
	v4 =	vbroadcast v15, $0xC;
	v3 =	vbroadcast v15, $0xD  }
0x60: {  	v19 =	vld [tilespmem:s15+$0xFFFFF010];
	v6 =	vbroadcast v15, $0xA;
	v5 =	vbroadcast v15, $0xB  }
0x61: {  	v20 =	vld [tilespmem:s15+$0xFFFFF080];
	v8 =	vbroadcast v15, $0x8;
	v7 =	vbroadcast v15, $0x9  }
0x62: {  	v21 =	vld [tilespmem:s15+$0xFFFFF090];
	v10 =	vbroadcast v15, $0x6;
	v9 =	vbroadcast v15, $0x7  }
0x63: {  	v31 =	vld [tilespmem:s15+$0xFFFFF020];
	v17 =	vbroadcast v15, $0x0;
	v11 =	vbroadcast v15, $0x5  }
0x64: {  	v35 =	vld [tilespmem:s15+$0xFFFFF040];
	v13 =	vbroadcast v15, $0x3;
	v12 =	vbroadcast v15, $0x4  }
0x65: {  	v22 =	vld [tilespmem:s15+$0xFFFFF100];
	v16 =	vbroadcast v15, $0x1;
	v15 =	vbroadcast v15, $0x2  }
0x66: {  	v24 =	vld [tilespmem:s15+$0xFFFFF110];
	v14 =	vimm.f32 $0.0e+00;
	v23 =	vmul.f32 v17, v18;
	v25 =	vmul.f32 v19, v17  }
0x67: {  	v26 =	vld [tilespmem:s15+$0xFFFFF180];
	v18 =	vadd.f32 v18, v14;
	v27 =	vmul.f32 v20, v16;
	v19 =	vadd.f32 v19, v14  }
0x68: {  	v28 =	vld [tilespmem:s15+$0xFFFFF190];
	v29 =	vmul.f32 v21, v16;
	v32 =	vmul.f32 v31, v17;
	v23 =	vadd.f32 v23, v14  }
0x69: {  	v30 =	vld [tilespmem:s15+$0xFFFFF200];
	v37 =	vmul.f32 v35, v17;
	v25 =	vadd.f32 v25, v14;
	v18 =	vadd.f32 v20, v18  }
0x6a: {  	v19 =	vadd.f32 v21, v19;
	v20 =	vadd.f32 v27, v23;
	v23 =	vmul.f32 v22, v15;
	v27 =	vld [tilespmem:s15+$0xFFFFF210]  }
0x6b: {  	v21 =	vadd.f32 v29, v25;
	v25 =	vmul.f32 v24, v15;
	v29 =	vld [tilespmem:s15+$0xFFFFF280];
	v18 =	vadd.f32 v22, v18  }
0x6c: {  	v22 =	vmul.f32 v26, v13;
	v19 =	vadd.f32 v24, v19;
	v20 =	vadd.f32 v23, v20;
	v23 =	vld [tilespmem:s15+$0xFFFFF290]  }
0x6d: {  	v24 =	vmul.f32 v28, v13;
	v21 =	vadd.f32 v25, v21;
	v25 =	vld [tilespmem:s15+$0xFFFFF300];
	v18 =	vadd.f32 v26, v18  }
0x6e: {  	v26 =	vld [tilespmem:s15+$0xFFFFF310];
	v19 =	vadd.f32 v28, v19;
	v20 =	vadd.f32 v22, v20;
	v22 =	vmul.f32 v30, v12  }
0x6f: {  	v28 =	vld [tilespmem:s15+$0xFFFFF380];
	v21 =	vadd.f32 v24, v21;
	v18 =	vadd.f32 v30, v18;
	v24 =	vmul.f32 v27, v12  }
0x70: {  	v30 =	vld [tilespmem:s15+$0xFFFFF390];
	v19 =	vadd.f32 v27, v19;
	v20 =	vadd.f32 v22, v20;
	v22 =	vmul.f32 v29, v11  }
0x71: {  	v27 =	vld [tilespmem:s15+$0x0];
	v18 =	vadd.f32 v29, v18;
	v21 =	vadd.f32 v24, v21;
	v24 =	vmul.f32 v23, v11  }
0x72: {  	v29 =	vld [tilespmem:s15+$0x10];
	v19 =	vadd.f32 v23, v19;
	v20 =	vadd.f32 v22, v20;
	v22 =	vmul.f32 v25, v10  }
0x73: {  	v23 =	vmul.f32 v26, v10;
	v18 =	vadd.f32 v25, v18;
	v21 =	vadd.f32 v24, v21;
	v24 =	vld [tilespmem:s15+$0x80]  }
0x74: {  	v25 =	vld [tilespmem:s15+$0x90];
	v19 =	vadd.f32 v26, v19;
	v20 =	vadd.f32 v22, v20;
	v22 =	vmul.f32 v28, v9  }
0x75: {  	v26 =	vld [tilespmem:s15+$0x100];
	v18 =	vadd.f32 v28, v18;
	v21 =	vadd.f32 v23, v21;
	v23 =	vmul.f32 v30, v9  }
0x76: {  	v28 =	vld [tilespmem:s15+$0x110];
	v19 =	vadd.f32 v30, v19;
	v20 =	vadd.f32 v22, v20;
	v22 =	vmul.f32 v27, v8  }
0x77: {  	v30 =	vld [tilespmem:s15+$0x180];
	v18 =	vadd.f32 v27, v18;
	v21 =	vadd.f32 v23, v21;
	v23 =	vmul.f32 v29, v8  }
0x78: {  	v27 =	vld [tilespmem:s15+$0x190];
	v19 =	vadd.f32 v29, v19;
	v20 =	vadd.f32 v22, v20;
	v22 =	vmul.f32 v24, v7  }
0x79: {  	v29 =	vld [tilespmem:s15+$0x200];
	v18 =	vadd.f32 v24, v18;
	v21 =	vadd.f32 v23, v21;
	v23 =	vmul.f32 v25, v7  }
0x7a: {  	v24 =	vld [tilespmem:s15+$0x210];
	v19 =	vadd.f32 v25, v19;
	v20 =	vadd.f32 v22, v20;
	v22 =	vmul.f32 v26, v6  }
0x7b: {  	v25 =	vld [tilespmem:s15+$0x280];
	v18 =	vadd.f32 v26, v18;
	v21 =	vadd.f32 v23, v21;
	v23 =	vmul.f32 v28, v6  }
0x7c: {  	v26 =	vld [tilespmem:s15+$0x290];
	v19 =	vadd.f32 v28, v19;
	v20 =	vadd.f32 v22, v20;
	v22 =	vmul.f32 v30, v5  }
0x7d: {  	v28 =	vld [tilespmem:s15+$0x300];
	v18 =	vadd.f32 v30, v18;
	v21 =	vadd.f32 v23, v21;
	v23 =	vmul.f32 v27, v5  }
0x7e: {  	v30 =	vld [tilespmem:s15+$0x310];
	v19 =	vadd.f32 v27, v19;
	v20 =	vadd.f32 v22, v20;
	v22 =	vmul.f32 v29, v4  }
0x7f: {  	v27 =	vld [tilespmem:s15+$0x380];
	v18 =	vadd.f32 v29, v18;
	v21 =	vadd.f32 v23, v21;
	v23 =	vmul.f32 v24, v4  }
0x80: {  	v29 =	vld [tilespmem:s15+$0x390];
	v19 =	vadd.f32 v24, v19;
	v20 =	vadd.f32 v22, v20;
	v22 =	vmul.f32 v25, v3  }
0x81: {  	v63 =	vld [tilespmem:s15+$0xFFFFF0C0];
	v18 =	vadd.f32 v25, v18;
	v21 =	vadd.f32 v23, v21;
	v23 =	vmul.f32 v26, v3  }
0x82: {  	v24 =	vld [tilespmem:s15+$0xFFFFF030];
	v19 =	vadd.f32 v26, v19;
	v20 =	vadd.f32 v22, v20;
	v22 =	vmul.f32 v28, v2  }
0x83: {  	v25 =	vld [tilespmem:s15+$0xFFFFF0A0];
	v18 =	vadd.f32 v28, v18;
	v21 =	vadd.f32 v23, v21;
	v23 =	vmul.f32 v30, v2  }
0x84: {  	v26 =	vld [tilespmem:s15+$0xFFFFF0B0];
	v19 =	vadd.f32 v30, v19;
	v20 =	vadd.f32 v22, v20;
	v22 =	vmul.f32 v27, v1  }
0x85: {  	v28 =	vld [tilespmem:s15+$0xFFFFF120];
	v30 =	vmul.f32 v29, v1;
	v23 =	vadd.f32 v23, v21;
	v21 =	vadd.f32 v27, v18  }
0x86: {  	v33 =	vld [tilespmem:s15+$0xFFFFF130];
	v40 =	vmul.f32 v63, v16;
	v19 =	vadd.f32 v29, v19;
	v20 =	vadd.f32 v22, v20  }
0x87: {  	v27 =	vld [tilespmem:s15+$0xFFFFF1A0];
	v22 =	vmul.f32 v24, v17;
	v18 =	vadd.f32 v30, v23;
	v23 =	vadd.f32 v31, v14  }
0x88: {  	v29 =	vadd.f32 v32, v14;
	v24 =	vadd.f32 v24, v14;
	v30 =	vmul.f32 v25, v16;
	v31 =	vld [tilespmem:s15+$0xFFFFF1B0]  }
0x89: {  	v34 =	vld [tilespmem:s15+$0xFFFFF220];
	v52 =	vmul.f32 v26, v16;
	v22 =	vadd.f32 v22, v14;
	v23 =	vadd.f32 v25, v23  }
0x8a: {  	v24 =	vadd.f32 v26, v24;
	v25 =	vadd.f32 v30, v29;
	v29 =	vmul.f32 v28, v15;
	v30 =	vld [tilespmem:s15+$0xFFFFF230]  }
0x8b: {  	v53 =	vld [tilespmem:s15+$0xFFFFF2A0];
	v26 =	vmul.f32 v33, v15;
	v22 =	vadd.f32 v52, v22;
	v23 =	vadd.f32 v28, v23  }
0x8c: {  	v24 =	vadd.f32 v33, v24;
	v25 =	vadd.f32 v29, v25;
	v28 =	vmul.f32 v27, v13;
	v29 =	vld [tilespmem:s15+$0xFFFFF2B0]  }
0x8d: {  	v54 =	vld [tilespmem:s15+$0xFFFFF320];
	v22 =	vadd.f32 v26, v22;
	v26 =	vmul.f32 v31, v13;
	v23 =	vadd.f32 v27, v23  }
0x8e: {  	v24 =	vadd.f32 v31, v24;
	v25 =	vadd.f32 v28, v25;
	v27 =	vmul.f32 v34, v12;
	v28 =	vld [tilespmem:s15+$0xFFFFF330]  }
0x8f: {  	v31 =	vld [tilespmem:s15+$0xFFFFF3A0];
	v22 =	vadd.f32 v26, v22;
	v26 =	vmul.f32 v30, v12;
	v23 =	vadd.f32 v34, v23  }
0x90: {  	v55 =	vld [tilespmem:s15+$0xFFFFF3B0];
	v24 =	vadd.f32 v30, v24;
	v25 =	vadd.f32 v27, v25;
	v27 =	vmul.f32 v53, v11  }
0x91: {  	v30 =	vld [tilespmem:s15+$0x20];
	v22 =	vadd.f32 v26, v22;
	v26 =	vmul.f32 v29, v11;
	v23 =	vadd.f32 v53, v23  }
0x92: {  	v56 =	vld [tilespmem:s15+$0x30];
	v24 =	vadd.f32 v29, v24;
	v25 =	vadd.f32 v27, v25;
	v27 =	vmul.f32 v54, v10  }
0x93: {  	v29 =	vld [tilespmem:s15+$0xA0];
	v22 =	vadd.f32 v26, v22;
	v26 =	vmul.f32 v28, v10;
	v23 =	vadd.f32 v54, v23  }
0x94: {  	v57 =	vld [tilespmem:s15+$0xB0];
	v24 =	vadd.f32 v28, v24;
	v25 =	vadd.f32 v27, v25;
	v27 =	vmul.f32 v31, v9  }
0x95: {  	v28 =	vld [tilespmem:s15+$0x120];
	v22 =	vadd.f32 v26, v22;
	v26 =	vmul.f32 v55, v9;
	v23 =	vadd.f32 v31, v23  }
0x96: {  	v24 =	vadd.f32 v55, v24;
	v25 =	vadd.f32 v27, v25;
	v27 =	vmul.f32 v30, v8;
	v31 =	vld [tilespmem:s15+$0x130]  }
0x97: {  	v58 =	vld [tilespmem:s15+$0x1A0];
	v22 =	vadd.f32 v26, v22;
	v26 =	vmul.f32 v56, v8;
	v23 =	vadd.f32 v30, v23  }
0x98: {  	v24 =	vadd.f32 v56, v24;
	v25 =	vadd.f32 v27, v25;
	v27 =	vmul.f32 v29, v7;
	v30 =	vld [tilespmem:s15+$0x1B0]  }
0x99: {  	v59 =	vld [tilespmem:s15+$0x220];
	v22 =	vadd.f32 v26, v22;
	v26 =	vmul.f32 v57, v7;
	v23 =	vadd.f32 v29, v23  }
0x9a: {  	v24 =	vadd.f32 v57, v24;
	v25 =	vadd.f32 v27, v25;
	v27 =	vmul.f32 v28, v6;
	v29 =	vld [tilespmem:s15+$0x230]  }
0x9b: {  	v60 =	vld [tilespmem:s15+$0x2A0];
	v22 =	vadd.f32 v26, v22;
	v26 =	vmul.f32 v31, v6;
	v23 =	vadd.f32 v28, v23  }
0x9c: {  	v24 =	vadd.f32 v31, v24;
	v25 =	vadd.f32 v27, v25;
	v27 =	vmul.f32 v58, v5;
	v28 =	vld [tilespmem:s15+$0x2B0]  }
0x9d: {  	v31 =	vld [tilespmem:s15+$0x320];
	v22 =	vadd.f32 v26, v22;
	v26 =	vmul.f32 v30, v5;
	v23 =	vadd.f32 v58, v23  }
0x9e: {  	v61 =	vld [tilespmem:s15+$0x330];
	v24 =	vadd.f32 v30, v24;
	v25 =	vadd.f32 v27, v25;
	v27 =	vmul.f32 v59, v4  }
0x9f: {  	v30 =	vld [tilespmem:s15+$0x3A0];
	v22 =	vadd.f32 v26, v22;
	v26 =	vmul.f32 v29, v4;
	v23 =	vadd.f32 v59, v23  }
0xa0: {  	v36 =	vld [tilespmem:s15+$0xFFFFF140];
	v24 =	vadd.f32 v29, v24;
	v25 =	vadd.f32 v27, v25;
	v27 =	vmul.f32 v60, v3  }
0xa1: {  	v62 =	vld [tilespmem:s15+$0x3B0];
	v22 =	vadd.f32 v26, v22;
	v26 =	vmul.f32 v28, v3;
	v23 =	vadd.f32 v60, v23  }
0xa2: {  	v29 =	vld [tilespmem:s15+$0xFFFFF050];
	v24 =	vadd.f32 v28, v24;
	v25 =	vadd.f32 v27, v25;
	v27 =	vmul.f32 v31, v2  }
0xa3: {  	v57 =	vld [tilespmem:s15+$0x140];
	v22 =	vadd.f32 v26, v22;
	v26 =	vmul.f32 v61, v2;
	v23 =	vadd.f32 v31, v23  }
0xa4: {  	v28 =	vld [tilespmem:s15+$0xFFFFF0D0];
	v34 =	vadd.f32 v61, v24;
	v27 =	vadd.f32 v27, v25;
	v31 =	vmul.f32 v30, v1  }
0xa5: {  	v44 =	vmul.f32 v36, v15;
	v58 =	vld [tilespmem:s15+$0x150];
	v22 =	vadd.f32 v26, v22;
	v25 =	vadd.f32 v30, v23  }
0xa6: {  	v38 =	vld [tilespmem:s15+$0xFFFFF150];
	v26 =	vmul.f32 v62, v1;
	v24 =	vadd.f32 v31, v27;
	v23 =	vadd.f32 v62, v34  }
0xa7: {  	v27 =	vmul.f32 v29, v17;
	v30 =	vld [tilespmem:s15+$0xFFFFF1C0];
	v31 =	vadd.f32 v37, v14;
	v29 =	vadd.f32 v29, v14  }
0xa8: {  	v41 =	vld [tilespmem:s15+$0xFFFFF1D0];
	v60 =	vmul.f32 v57, v6;
	v22 =	vadd.f32 v26, v22;
	v26 =	vadd.f32 v35, v14  }
0xa9: {  	v43 =	vld [tilespmem:s15+$0xFFFFF240];
	v42 =	vmul.f32 v28, v16;
	v27 =	vadd.f32 v27, v14;
	v28 =	vadd.f32 v28, v29  }
0xaa: {  	v45 =	vld [tilespmem:s15+$0xFFFFF250];
	v61 =	vmul.f32 v58, v6;
	v31 =	vadd.f32 v40, v31;
	v26 =	vadd.f32 v63, v26  }
0xab: {  	v46 =	vld [tilespmem:s15+$0xFFFFF2C0];
	v29 =	vmul.f32 v38, v15;
	v27 =	vadd.f32 v42, v27;
	v28 =	vadd.f32 v38, v28  }
0xac: {  	v48 =	vld [tilespmem:s15+$0xFFFFF2D0];
	v31 =	vadd.f32 v44, v31;
	v26 =	vadd.f32 v36, v26;
	v47 =	vmul.f32 v30, v13  }
0xad: {  	v49 =	vld [tilespmem:s15+$0xFFFFF340];
	v27 =	vadd.f32 v29, v27;
	v29 =	vmul.f32 v41, v13;
	v28 =	vadd.f32 v41, v28  }
0xae: {  	v50 =	vld [tilespmem:s15+$0xFFFFF350];
	v26 =	vadd.f32 v30, v26;
	v30 =	vadd.f32 v47, v31;
	v31 =	vmul.f32 v43, v12  }
0xaf: {  	v51 =	vld [tilespmem:s15+$0xFFFFF3C0];
	v27 =	vadd.f32 v29, v27;
	v29 =	vmul.f32 v45, v12;
	v28 =	vadd.f32 v45, v28  }
0xb0: {  	v52 =	vld [tilespmem:s15+$0xFFFFF3D0];
	v26 =	vadd.f32 v43, v26;
	v30 =	vadd.f32 v31, v30;
	v31 =	vmul.f32 v46, v11  }
0xb1: {  	v53 =	vld [tilespmem:s15+$0x40];
	v27 =	vadd.f32 v29, v27;
	v29 =	vmul.f32 v48, v11;
	v28 =	vadd.f32 v48, v28  }
0xb2: {  	v54 =	vld [tilespmem:s15+$0x50];
	v26 =	vadd.f32 v46, v26;
	v30 =	vadd.f32 v31, v30;
	v31 =	vmul.f32 v49, v10  }
0xb3: {  	v55 =	vld [tilespmem:s15+$0xC0];
	v27 =	vadd.f32 v29, v27;
	v29 =	vmul.f32 v50, v10;
	v28 =	vadd.f32 v50, v28  }
0xb4: {  	v56 =	vld [tilespmem:s15+$0xD0];
	v26 =	vadd.f32 v49, v26;
	v30 =	vadd.f32 v31, v30;
	v31 =	vmul.f32 v51, v9  }
0xb5: {  	v59 =	vld [tilespmem:s15+$0x1C0];
	v27 =	vadd.f32 v29, v27;
	v29 =	vmul.f32 v52, v9;
	v28 =	vadd.f32 v52, v28  }
0xb6: {  	v35 =	vld [tilespmem:s15+$0x240];
	v26 =	vadd.f32 v51, v26;
	v30 =	vadd.f32 v31, v30;
	v31 =	vmul.f32 v53, v8  }
0xb7: {  	v40 =	vld [tilespmem:s15+$0x1D0];
	v27 =	vadd.f32 v29, v27;
	v29 =	vmul.f32 v54, v8;
	v28 =	vadd.f32 v54, v28  }
0xb8: {  	v26 =	vadd.f32 v53, v26;
	v30 =	vadd.f32 v31, v30;
	v31 =	vmul.f32 v55, v7  }
0xb9: {  	v27 =	vadd.f32 v29, v27;
	v29 =	vmul.f32 v56, v7;
	v28 =	vadd.f32 v56, v28  }
0xba: {  	v62 =	vmul.f32 v59, v5;
	v26 =	vadd.f32 v55, v26;
	v31 =	vadd.f32 v31, v30;
	v30 =	vld [tilespmem:s15+$0x250]  }
0xbb: {  	v41 =	vmul.f32 v35, v4;
	v27 =	vadd.f32 v29, v27;
	v29 =	vld [tilespmem:s15+$0x2C0];
	v28 =	vadd.f32 v58, v28  }
0xbc: {  	v63 =	vmul.f32 v40, v5;
	v26 =	vadd.f32 v57, v26;
	v33 =	vadd.f32 v60, v31;
	v31 =	vld [tilespmem:s15+$0x2D0]  }
0xbd: {  	v32 =	vld [tilespmem:s15+$0x340];
	v27 =	vadd.f32 v61, v27;
	v38 =	vadd.f32 v40, v28;
	v28 =	vimm.f32 $0.0e+00  }
0xbe: {  	v39 =	vadd.f32 v59, v26;
	v37 =	vadd.f32 v62, v33;
	v33 =	vld [tilespmem:s15+$0x350];
	v26 =	vimm.f32 $0.0e+00  }
0xbf: {  	s19 =	simm.s32 $0x40;
	s18 =	smov.u32 s15;
	s17 =	sshll.u32 s16, $0xA;
	v34 =	vld [tilespmem:s15+$0x3C0];
	v36 =	vadd.f32 v63, v27;
	v40 =	vmul.f32 v30, v4;
	v27 =	vimm.f32 $0.0e+00  }
.LBB2_3:
0xc0: {  	p0 =	sne.s32 s19, $0xC0;
	v35 =	vadd.f32 v35, v39;
	v37 =	vadd.f32 v41, v37;
	v39 =	vmul.f32 v29, v3;
	v41 =	vld [tilespmem:s18+$0x3D0]  }
0xc1: {  	v42 =	vld [tilespmem:s18+$0xFFFFF060];
	v30 =	vadd.f32 v30, v38;
	v36 =	vadd.f32 v40, v36;
	v38 =	vmul.f32 v31, v3  }
0xc2: {  	v40 =	vld [tilespmem:s18+$0xFFFFF070];
	v29 =	vadd.f32 v29, v35;
	v35 =	vadd.f32 v39, v37;
	v37 =	vmul.f32 v32, v2  }
0xc3: {  	v39 =	vld [tilespmem:s18+$0xFFFFF0E0];
	v30 =	vadd.f32 v31, v30;
	v31 =	vadd.f32 v38, v36;
	v36 =	vmul.f32 v33, v2  }
0xc4: {  	v38 =	vld [tilespmem:s18+$0xFFFFF0F0];
	v29 =	vadd.f32 v32, v29;
	v32 =	vadd.f32 v37, v35;
	v35 =	vmul.f32 v34, v1  }
0xc5: {  	v37 =	vld [tilespmem:s18+$0xFFFFF160];
	v33 =	vadd.f32 v33, v30;
	v36 =	vadd.f32 v36, v31;
	v43 =	vmul.f32 v41, v1  }
0xc6: {  	v44 =	vmul.f32 v42, v17;
	v45 =	vld [tilespmem:s18+$0xFFFFF170];
	v29 =	vadd.f32 v34, v29;
	v30 =	vadd.f32 v35, v32  }
0xc7: {  	v17 =	vmul.f32 v40, v17;
	v34 =	vld [tilespmem:s18+$0xFFFFF1E0];
	v31 =	vadd.f32 v41, v33;
	v32 =	vadd.f32 v43, v36  }
0xc8: {  	v14 =	vadd.f32 v42, v14;
	v28 =	vadd.f32 v44, v28;
	v33 =	vmul.f32 v39, v16;
	v35 =	vld [tilespmem:s18+$0xFFFFF1F0]  }
0xc9: {  	v27 =	vadd.f32 v40, v27;
	v17 =	vadd.f32 v17, v26;
	v16 =	vmul.f32 v38, v16;
	v26 =	vld [tilespmem:s18+$0xFFFFF260]  }
0xca: {  	v14 =	vadd.f32 v39, v14;
	v28 =	vadd.f32 v33, v28;
	v33 =	vmul.f32 v37, v15;
	v36 =	vld [tilespmem:s18+$0xFFFFF270]  }
0xcb: {  	v27 =	vadd.f32 v38, v27;
	v16 =	vadd.f32 v16, v17;
	v15 =	vmul.f32 v45, v15;
	v17 =	vld [tilespmem:s18+$0xFFFFF2E0]  }
0xcc: {  	v14 =	vadd.f32 v37, v14;
	v28 =	vadd.f32 v33, v28;
	v33 =	vmul.f32 v34, v13;
	v37 =	vld [tilespmem:s18+$0xFFFFF2F0]  }
0xcd: {  	v27 =	vadd.f32 v45, v27;
	v15 =	vadd.f32 v15, v16;
	v13 =	vmul.f32 v35, v13;
	v16 =	vld [tilespmem:s18+$0xFFFFF360]  }
0xce: {  	v14 =	vadd.f32 v34, v14;
	v28 =	vadd.f32 v33, v28;
	v33 =	vmul.f32 v26, v12;
	v34 =	vld [tilespmem:s18+$0xFFFFF370]  }
0xcf: {  	v27 =	vadd.f32 v35, v27;
	v13 =	vadd.f32 v13, v15;
	v12 =	vmul.f32 v36, v12;
	v15 =	vld [tilespmem:s18+$0xFFFFF3E0]  }
0xd0: {  	v14 =	vadd.f32 v26, v14;
	v26 =	vadd.f32 v33, v28;
	v28 =	vmul.f32 v17, v11;
	v33 =	vld [tilespmem:s18+$0xFFFFF3F0]  }
0xd1: {  	v27 =	vadd.f32 v36, v27;
	v12 =	vadd.f32 v12, v13;
	v11 =	vmul.f32 v37, v11;
	v13 =	vld [tilespmem:s18+$0x60]  }
0xd2: {  	v14 =	vadd.f32 v17, v14;
	v17 =	vadd.f32 v28, v26;
	v26 =	vmul.f32 v16, v10;
	v28 =	vld [tilespmem:s18+$0x70]  }
0xd3: {  	v27 =	vadd.f32 v37, v27;
	v11 =	vadd.f32 v11, v12;
	v10 =	vmul.f32 v34, v10;
	v12 =	vld [tilespmem:s18+$0xE0]  }
0xd4: {  	v14 =	vadd.f32 v16, v14;
	v16 =	vadd.f32 v26, v17;
	v17 =	vmul.f32 v15, v9;
	v26 =	vld [tilespmem:s18+$0xF0]  }
0xd5: {  	v27 =	vadd.f32 v34, v27;
	v10 =	vadd.f32 v10, v11;
	v9 =	vmul.f32 v33, v9;
	v11 =	vld [tilespmem:s18+$0x160]  }
0xd6: {  	v14 =	vadd.f32 v15, v14;
	v15 =	vadd.f32 v17, v16;
	v16 =	vmul.f32 v13, v8;
	v17 =	vld [tilespmem:s18+$0x170]  }
0xd7: {  	v27 =	vadd.f32 v33, v27;
	v9 =	vadd.f32 v9, v10;
	v8 =	vmul.f32 v28, v8;
	v10 =	vld [tilespmem:s18+$0x1E0]  }
0xd8: {  	v13 =	vadd.f32 v13, v14;
	v14 =	vadd.f32 v16, v15;
	v15 =	vmul.f32 v12, v7;
	v16 =	vld [tilespmem:s18+$0x1F0]  }
0xd9: {  	v27 =	vadd.f32 v28, v27;
	v8 =	vadd.f32 v8, v9;
	v7 =	vmul.f32 v26, v7;
	v9 =	vld [tilespmem:s18+$0x260]  }
0xda: {  	v12 =	vadd.f32 v12, v13;
	v13 =	vadd.f32 v15, v14;
	v14 =	vmul.f32 v11, v6;
	v15 =	vld [tilespmem:s18+$0x270]  }
0xdb: {  	v26 =	vadd.f32 v26, v27;
	v7 =	vadd.f32 v7, v8;
	v6 =	vmul.f32 v17, v6;
	v8 =	vld [tilespmem:s18+$0x2E0]  }
0xdc: {  	v11 =	vadd.f32 v11, v12;
	v12 =	vadd.f32 v14, v13;
	v13 =	vmul.f32 v10, v5;
	v14 =	vld [tilespmem:s18+$0x2F0]  }
0xdd: {  	v17 =	vadd.f32 v17, v26;
	v6 =	vadd.f32 v6, v7;
	v5 =	vmul.f32 v16, v5;
	v7 =	vld [tilespmem:s18+$0x360]  }
0xde: {  	v10 =	vadd.f32 v10, v11;
	v11 =	vadd.f32 v13, v12;
	v12 =	vmul.f32 v9, v4;
	v13 =	vld [tilespmem:s18+$0x370]  }
0xdf: {  	v16 =	vadd.f32 v16, v17;
	v5 =	vadd.f32 v5, v6;
	v4 =	vmul.f32 v15, v4;
	v6 =	vld [tilespmem:s18+$0x3E0]  }
0xe0: {  	s20 =	sshra.s32 s19, $0x2;
	v9 =	vadd.f32 v9, v10;
	v10 =	vadd.f32 v12, v11;
	v11 =	vmul.f32 v8, v3;
	v12 =	vld [tilespmem:s18+$0x3F0]  }
0xe1: {  	v15 =	vadd.f32 v15, v16;
	v33 =	vld [tilespmem:s20+$0x10000];
	v4 =	vadd.f32 v4, v5;
	v3 =	vmul.f32 v14, v3  }
0xe2: {  	v5 =	vadd.f32 v8, v9;
	v8 =	vadd.f32 v11, v10;
	v9 =	vmul.f32 v7, v2  }
0xe3: {  	v10 =	vadd.f32 v14, v15;
	v3 =	vadd.f32 v3, v4;
	v2 =	vmul.f32 v13, v2  }
0xe4: {  	v4 =	vadd.f32 v7, v5;
	v5 =	vadd.f32 v9, v8;
	v7 =	vmul.f32 v6, v1  }
0xe5: {  	v8 =	vadd.f32 v13, v10;
	v3 =	vadd.f32 v2, v3;
	v9 =	vmul.f32 v12, v1  }
0xe6: {  	v14 =	vadd.f32 v6, v4;
	v1 =	vbroadcast v33, $0xF;
	v28 =	vadd.f32 v7, v5  }
0xe7: {  	v2 =	vbroadcast v33, $0xE;
	v27 =	vadd.f32 v12, v8;
	v26 =	vadd.f32 v9, v3  }
0xe8: {  	s18 =	sadd.s32 $0x2000, s18;
	v4 =	vbroadcast v33, $0xC;
	v3 =	vbroadcast v33, $0xD  }
0xe9: {  	v6 =	vbroadcast v33, $0xA;
	v5 =	vbroadcast v33, $0xB;
	v34 =	vld [tilespmem:s18+$0xFFFFF000]  }
0xea: {  	v8 =	vbroadcast v33, $0x8;
	v7 =	vbroadcast v33, $0x9;
	v35 =	vld [tilespmem:s18+$0xFFFFF010]  }
0xeb: {  	v10 =	vbroadcast v33, $0x6;
	v9 =	vbroadcast v33, $0x7;
	v36 =	vld [tilespmem:s18+$0xFFFFF080]  }
0xec: {  	v17 =	vbroadcast v33, $0x0;
	v11 =	vbroadcast v33, $0x5;
	v37 =	vld [tilespmem:s18+$0xFFFFF090]  }
0xed: {  	v13 =	vbroadcast v33, $0x3;
	v12 =	vbroadcast v33, $0x4;
	v38 =	vld [tilespmem:s18+$0xFFFFF100]  }
0xee: {  	v16 =	vbroadcast v33, $0x1;
	v39 =	vmul.f32 v17, v34;
	v40 =	vld [tilespmem:s18+$0xFFFFF110]  }
0xef: {  	v15 =	vbroadcast v33, $0x2;
	v41 =	vmul.f32 v35, v17;
	v33 =	vld [tilespmem:s18+$0xFFFFF180]  }
0xf0: {  	v21 =	vadd.f32 v34, v21;
	v20 =	vadd.f32 v39, v20;
	v34 =	vmul.f32 v36, v16;
	v39 =	vld [tilespmem:s18+$0xFFFFF190]  }
0xf1: {  	v19 =	vadd.f32 v35, v19;
	v18 =	vadd.f32 v41, v18;
	v35 =	vmul.f32 v37, v16;
	v41 =	vld [tilespmem:s18+$0xFFFFF200]  }
0xf2: {  	v21 =	vadd.f32 v36, v21;
	v20 =	vadd.f32 v34, v20;
	v34 =	vmul.f32 v38, v15;
	v36 =	vld [tilespmem:s18+$0xFFFFF210]  }
0xf3: {  	v19 =	vadd.f32 v37, v19;
	v18 =	vadd.f32 v35, v18;
	v35 =	vmul.f32 v40, v15;
	v37 =	vld [tilespmem:s18+$0xFFFFF280]  }
0xf4: {  	v21 =	vadd.f32 v38, v21;
	v20 =	vadd.f32 v34, v20;
	v34 =	vmul.f32 v33, v13;
	v38 =	vld [tilespmem:s18+$0xFFFFF290]  }
0xf5: {  	v19 =	vadd.f32 v40, v19;
	v18 =	vadd.f32 v35, v18;
	v35 =	vmul.f32 v39, v13;
	v40 =	vld [tilespmem:s18+$0xFFFFF300]  }
0xf6: {  	v21 =	vadd.f32 v33, v21;
	v20 =	vadd.f32 v34, v20;
	v33 =	vmul.f32 v41, v12;
	v34 =	vld [tilespmem:s18+$0xFFFFF310]  }
0xf7: {  	v19 =	vadd.f32 v39, v19;
	v18 =	vadd.f32 v35, v18;
	v35 =	vmul.f32 v36, v12;
	v39 =	vld [tilespmem:s18+$0xFFFFF380]  }
0xf8: {  	v21 =	vadd.f32 v41, v21;
	v20 =	vadd.f32 v33, v20;
	v33 =	vmul.f32 v37, v11;
	v41 =	vld [tilespmem:s18+$0xFFFFF390]  }
0xf9: {  	v19 =	vadd.f32 v36, v19;
	v18 =	vadd.f32 v35, v18;
	v35 =	vmul.f32 v38, v11;
	v36 =	vld [tilespmem:s18+$0x0]  }
0xfa: {  	v21 =	vadd.f32 v37, v21;
	v20 =	vadd.f32 v33, v20;
	v33 =	vmul.f32 v40, v10;
	v37 =	vld [tilespmem:s18+$0x10]  }
0xfb: {  	v19 =	vadd.f32 v38, v19;
	v18 =	vadd.f32 v35, v18;
	v35 =	vmul.f32 v34, v10;
	v38 =	vld [tilespmem:s18+$0x80]  }
0xfc: {  	v21 =	vadd.f32 v40, v21;
	v20 =	vadd.f32 v33, v20;
	v33 =	vmul.f32 v39, v9;
	v40 =	vld [tilespmem:s18+$0x90]  }
0xfd: {  	v19 =	vadd.f32 v34, v19;
	v18 =	vadd.f32 v35, v18;
	v34 =	vmul.f32 v41, v9;
	v35 =	vld [tilespmem:s18+$0x100]  }
0xfe: {  	v21 =	vadd.f32 v39, v21;
	v20 =	vadd.f32 v33, v20;
	v33 =	vmul.f32 v36, v8;
	v39 =	vld [tilespmem:s18+$0x110]  }
0xff: {  	v19 =	vadd.f32 v41, v19;
	v18 =	vadd.f32 v34, v18;
	v34 =	vmul.f32 v37, v8;
	v41 =	vld [tilespmem:s18+$0x180]  }
0x100: {  	v21 =	vadd.f32 v36, v21;
	v20 =	vadd.f32 v33, v20;
	v33 =	vmul.f32 v38, v7;
	v36 =	vld [tilespmem:s18+$0x190]  }
0x101: {  	v19 =	vadd.f32 v37, v19;
	v18 =	vadd.f32 v34, v18;
	v34 =	vmul.f32 v40, v7;
	v37 =	vld [tilespmem:s18+$0x200]  }
0x102: {  	v21 =	vadd.f32 v38, v21;
	v20 =	vadd.f32 v33, v20;
	v33 =	vmul.f32 v35, v6;
	v38 =	vld [tilespmem:s18+$0x210]  }
0x103: {  	v19 =	vadd.f32 v40, v19;
	v18 =	vadd.f32 v34, v18;
	v34 =	vmul.f32 v39, v6;
	v40 =	vld [tilespmem:s18+$0x280]  }
0x104: {  	v21 =	vadd.f32 v35, v21;
	v20 =	vadd.f32 v33, v20;
	v33 =	vmul.f32 v41, v5;
	v35 =	vld [tilespmem:s18+$0x290]  }
0x105: {  	v19 =	vadd.f32 v39, v19;
	v18 =	vadd.f32 v34, v18;
	v34 =	vmul.f32 v36, v5;
	v39 =	vld [tilespmem:s18+$0x300]  }
0x106: {  	v21 =	vadd.f32 v41, v21;
	v20 =	vadd.f32 v33, v20;
	v33 =	vmul.f32 v37, v4;
	v41 =	vld [tilespmem:s18+$0x310]  }
0x107: {  	v19 =	vadd.f32 v36, v19;
	v18 =	vadd.f32 v34, v18;
	v34 =	vmul.f32 v38, v4;
	v36 =	vld [tilespmem:s18+$0x380]  }
0x108: {  	v21 =	vadd.f32 v37, v21;
	v20 =	vadd.f32 v33, v20;
	v33 =	vmul.f32 v40, v3;
	v37 =	vld [tilespmem:s18+$0x390]  }
0x109: {  	v19 =	vadd.f32 v38, v19;
	v42 =	vld [tilespmem:s18+$0xFFFFF020];
	v18 =	vadd.f32 v34, v18;
	v34 =	vmul.f32 v35, v3  }
0x10a: {  	v21 =	vadd.f32 v40, v21;
	v38 =	vld [tilespmem:s18+$0xFFFFF030];
	v20 =	vadd.f32 v33, v20;
	v33 =	vmul.f32 v39, v2  }
0x10b: {  	v19 =	vadd.f32 v35, v19;
	v40 =	vld [tilespmem:s18+$0xFFFFF0A0];
	v18 =	vadd.f32 v34, v18;
	v34 =	vmul.f32 v41, v2  }
0x10c: {  	v21 =	vadd.f32 v39, v21;
	v35 =	vld [tilespmem:s18+$0xFFFFF0B0];
	v20 =	vadd.f32 v33, v20;
	v33 =	vmul.f32 v36, v1  }
0x10d: {  	v19 =	vadd.f32 v41, v19;
	v39 =	vld [tilespmem:s18+$0xFFFFF120];
	v18 =	vadd.f32 v34, v18;
	v34 =	vmul.f32 v37, v1  }
0x10e: {  	v21 =	vadd.f32 v36, v21;
	v41 =	vmul.f32 v42, v17;
	v43 =	vld [tilespmem:s18+$0xFFFFF130];
	v20 =	vadd.f32 v33, v20  }
0x10f: {  	v19 =	vadd.f32 v37, v19;
	v33 =	vmul.f32 v38, v17;
	v36 =	vld [tilespmem:s18+$0xFFFFF1A0];
	v18 =	vadd.f32 v34, v18  }
0x110: {  	v25 =	vadd.f32 v42, v25;
	v24 =	vadd.f32 v41, v24;
	v34 =	vmul.f32 v40, v16;
	v37 =	vld [tilespmem:s18+$0xFFFFF1B0]  }
0x111: {  	v23 =	vadd.f32 v38, v23;
	v22 =	vadd.f32 v33, v22;
	v33 =	vmul.f32 v35, v16;
	v38 =	vld [tilespmem:s18+$0xFFFFF220]  }
0x112: {  	v25 =	vadd.f32 v40, v25;
	v24 =	vadd.f32 v34, v24;
	v34 =	vmul.f32 v39, v15;
	v40 =	vld [tilespmem:s18+$0xFFFFF230]  }
0x113: {  	v23 =	vadd.f32 v35, v23;
	v22 =	vadd.f32 v33, v22;
	v33 =	vmul.f32 v43, v15;
	v35 =	vld [tilespmem:s18+$0xFFFFF2A0]  }
0x114: {  	v25 =	vadd.f32 v39, v25;
	v24 =	vadd.f32 v34, v24;
	v34 =	vmul.f32 v36, v13;
	v39 =	vld [tilespmem:s18+$0xFFFFF2B0]  }
0x115: {  	v23 =	vadd.f32 v43, v23;
	v22 =	vadd.f32 v33, v22;
	v33 =	vmul.f32 v37, v13;
	v41 =	vld [tilespmem:s18+$0xFFFFF320]  }
0x116: {  	v25 =	vadd.f32 v36, v25;
	v24 =	vadd.f32 v34, v24;
	v34 =	vmul.f32 v38, v12;
	v36 =	vld [tilespmem:s18+$0xFFFFF330]  }
0x117: {  	v23 =	vadd.f32 v37, v23;
	v22 =	vadd.f32 v33, v22;
	v33 =	vmul.f32 v40, v12;
	v37 =	vld [tilespmem:s18+$0xFFFFF3A0]  }
0x118: {  	v25 =	vadd.f32 v38, v25;
	v24 =	vadd.f32 v34, v24;
	v34 =	vmul.f32 v35, v11;
	v38 =	vld [tilespmem:s18+$0xFFFFF3B0]  }
0x119: {  	v23 =	vadd.f32 v40, v23;
	v22 =	vadd.f32 v33, v22;
	v33 =	vmul.f32 v39, v11;
	v40 =	vld [tilespmem:s18+$0x20]  }
0x11a: {  	v25 =	vadd.f32 v35, v25;
	v24 =	vadd.f32 v34, v24;
	v34 =	vmul.f32 v41, v10;
	v35 =	vld [tilespmem:s18+$0x30]  }
0x11b: {  	v23 =	vadd.f32 v39, v23;
	v22 =	vadd.f32 v33, v22;
	v33 =	vmul.f32 v36, v10;
	v39 =	vld [tilespmem:s18+$0xA0]  }
0x11c: {  	v25 =	vadd.f32 v41, v25;
	v24 =	vadd.f32 v34, v24;
	v34 =	vmul.f32 v37, v9;
	v41 =	vld [tilespmem:s18+$0xB0]  }
0x11d: {  	v23 =	vadd.f32 v36, v23;
	v22 =	vadd.f32 v33, v22;
	v33 =	vmul.f32 v38, v9;
	v36 =	vld [tilespmem:s18+$0x120]  }
0x11e: {  	v25 =	vadd.f32 v37, v25;
	v24 =	vadd.f32 v34, v24;
	v34 =	vmul.f32 v40, v8;
	v37 =	vld [tilespmem:s18+$0x130]  }
0x11f: {  	v23 =	vadd.f32 v38, v23;
	v22 =	vadd.f32 v33, v22;
	v33 =	vmul.f32 v35, v8;
	v38 =	vld [tilespmem:s18+$0x1A0]  }
0x120: {  	v25 =	vadd.f32 v40, v25;
	v24 =	vadd.f32 v34, v24;
	v34 =	vmul.f32 v39, v7;
	v40 =	vld [tilespmem:s18+$0x1B0]  }
0x121: {  	v23 =	vadd.f32 v35, v23;
	v22 =	vadd.f32 v33, v22;
	v33 =	vmul.f32 v41, v7;
	v35 =	vld [tilespmem:s18+$0x220]  }
0x122: {  	v25 =	vadd.f32 v39, v25;
	v24 =	vadd.f32 v34, v24;
	v34 =	vmul.f32 v36, v6;
	v39 =	vld [tilespmem:s18+$0x230]  }
0x123: {  	v23 =	vadd.f32 v41, v23;
	v22 =	vadd.f32 v33, v22;
	v33 =	vmul.f32 v37, v6;
	v41 =	vld [tilespmem:s18+$0x2A0]  }
0x124: {  	v25 =	vadd.f32 v36, v25;
	v24 =	vadd.f32 v34, v24;
	v34 =	vmul.f32 v38, v5;
	v36 =	vld [tilespmem:s18+$0x2B0]  }
0x125: {  	v23 =	vadd.f32 v37, v23;
	v22 =	vadd.f32 v33, v22;
	v33 =	vmul.f32 v40, v5;
	v37 =	vld [tilespmem:s18+$0x320]  }
0x126: {  	v25 =	vadd.f32 v38, v25;
	v24 =	vadd.f32 v34, v24;
	v34 =	vmul.f32 v35, v4;
	v38 =	vld [tilespmem:s18+$0x330]  }
0x127: {  	v23 =	vadd.f32 v40, v23;
	v22 =	vadd.f32 v33, v22;
	v33 =	vmul.f32 v39, v4;
	v40 =	vld [tilespmem:s18+$0x3A0]  }
0x128: {  	v25 =	vadd.f32 v35, v25;
	v24 =	vadd.f32 v34, v24;
	v34 =	vmul.f32 v41, v3;
	v35 =	vld [tilespmem:s18+$0x3B0]  }
0x129: {  	v23 =	vadd.f32 v39, v23;
	v42 =	vld [tilespmem:s18+$0xFFFFF040];
	v22 =	vadd.f32 v33, v22;
	v33 =	vmul.f32 v36, v3  }
0x12a: {  	v25 =	vadd.f32 v41, v25;
	v39 =	vld [tilespmem:s18+$0xFFFFF050];
	v24 =	vadd.f32 v34, v24;
	v34 =	vmul.f32 v37, v2  }
0x12b: {  	v23 =	vadd.f32 v36, v23;
	v41 =	vld [tilespmem:s18+$0xFFFFF0C0];
	v22 =	vadd.f32 v33, v22;
	v33 =	vmul.f32 v38, v2  }
0x12c: {  	v25 =	vadd.f32 v37, v25;
	v36 =	vld [tilespmem:s18+$0xFFFFF0D0];
	v24 =	vadd.f32 v34, v24;
	v34 =	vmul.f32 v40, v1  }
0x12d: {  	v23 =	vadd.f32 v38, v23;
	v37 =	vld [tilespmem:s18+$0xFFFFF140];
	v22 =	vadd.f32 v33, v22;
	v33 =	vmul.f32 v35, v1  }
0x12e: {  	v25 =	vadd.f32 v40, v25;
	v38 =	vmul.f32 v42, v17;
	v43 =	vld [tilespmem:s18+$0xFFFFF150];
	v24 =	vadd.f32 v34, v24  }
0x12f: {  	v23 =	vadd.f32 v35, v23;
	v34 =	vmul.f32 v39, v17;
	v40 =	vld [tilespmem:s18+$0xFFFFF1C0];
	v22 =	vadd.f32 v33, v22  }
0x130: {  	v29 =	vadd.f32 v42, v29;
	v30 =	vadd.f32 v38, v30;
	v33 =	vmul.f32 v41, v16;
	v35 =	vld [tilespmem:s18+$0xFFFFF1D0]  }
0x131: {  	v31 =	vadd.f32 v39, v31;
	v32 =	vadd.f32 v34, v32;
	v34 =	vmul.f32 v36, v16;
	v38 =	vld [tilespmem:s18+$0xFFFFF240]  }
0x132: {  	v29 =	vadd.f32 v41, v29;
	v30 =	vadd.f32 v33, v30;
	v33 =	vmul.f32 v37, v15;
	v39 =	vld [tilespmem:s18+$0xFFFFF250]  }
0x133: {  	v31 =	vadd.f32 v36, v31;
	v32 =	vadd.f32 v34, v32;
	v34 =	vmul.f32 v43, v15;
	v36 =	vld [tilespmem:s18+$0xFFFFF2C0]  }
0x134: {  	v29 =	vadd.f32 v37, v29;
	v30 =	vadd.f32 v33, v30;
	v33 =	vmul.f32 v40, v13;
	v37 =	vld [tilespmem:s18+$0xFFFFF2D0]  }
0x135: {  	v31 =	vadd.f32 v43, v31;
	v32 =	vadd.f32 v34, v32;
	v34 =	vmul.f32 v35, v13;
	v41 =	vld [tilespmem:s18+$0xFFFFF340]  }
0x136: {  	v29 =	vadd.f32 v40, v29;
	v30 =	vadd.f32 v33, v30;
	v33 =	vmul.f32 v38, v12;
	v40 =	vld [tilespmem:s18+$0xFFFFF350]  }
0x137: {  	v31 =	vadd.f32 v35, v31;
	v32 =	vadd.f32 v34, v32;
	v34 =	vmul.f32 v39, v12;
	v35 =	vld [tilespmem:s18+$0xFFFFF3C0]  }
0x138: {  	v29 =	vadd.f32 v38, v29;
	v30 =	vadd.f32 v33, v30;
	v33 =	vmul.f32 v36, v11;
	v38 =	vld [tilespmem:s18+$0xFFFFF3D0]  }
0x139: {  	v31 =	vadd.f32 v39, v31;
	v32 =	vadd.f32 v34, v32;
	v34 =	vmul.f32 v37, v11;
	v39 =	vld [tilespmem:s18+$0x40]  }
0x13a: {  	v29 =	vadd.f32 v36, v29;
	v30 =	vadd.f32 v33, v30;
	v33 =	vmul.f32 v41, v10;
	v36 =	vld [tilespmem:s18+$0x50]  }
0x13b: {  	v31 =	vadd.f32 v37, v31;
	v32 =	vadd.f32 v34, v32;
	v34 =	vmul.f32 v40, v10;
	v37 =	vld [tilespmem:s18+$0xC0]  }
0x13c: {  	v29 =	vadd.f32 v41, v29;
	v30 =	vadd.f32 v33, v30;
	v33 =	vmul.f32 v35, v9;
	v41 =	vld [tilespmem:s18+$0xD0]  }
0x13d: {  	v31 =	vadd.f32 v40, v31;
	v32 =	vadd.f32 v34, v32;
	v34 =	vmul.f32 v38, v9;
	v40 =	vld [tilespmem:s18+$0x140]  }
0x13e: {  	v29 =	vadd.f32 v35, v29;
	v30 =	vadd.f32 v33, v30;
	v33 =	vmul.f32 v39, v8;
	v42 =	vld [tilespmem:s18+$0x150]  }
0x13f: {  	v31 =	vadd.f32 v38, v31;
	v32 =	vadd.f32 v34, v32;
	v34 =	vmul.f32 v36, v8;
	v38 =	vld [tilespmem:s18+$0x1C0]  }
0x140: {  	v29 =	vadd.f32 v39, v29;
	v30 =	vadd.f32 v33, v30;
	v33 =	vmul.f32 v37, v7;
	v43 =	vld [tilespmem:s18+$0x1D0]  }
0x141: {  	v31 =	vadd.f32 v36, v31;
	v32 =	vadd.f32 v34, v32;
	v34 =	vmul.f32 v41, v7;
	v35 =	vld [tilespmem:s18+$0x240]  }
0x142: {  	v36 =	vadd.f32 v37, v29;
	v33 =	vadd.f32 v33, v30;
	v37 =	vmul.f32 v40, v6;
	v30 =	vld [tilespmem:s18+$0x250]  }
.Ltmp0:
0x143: {  	v39 =	vadd.f32 v41, v31;
	v32 =	vadd.f32 v34, v32;
	v34 =	vmul.f32 v42, v6;
	v29 =	vld [tilespmem:s18+$0x2C0];
	(pc) =	sbr.rel @p0 .LBB2_3-.Ltmp0, $4  }
0x144: {  	v36 =	vadd.f32 v40, v36;
	v33 =	vadd.f32 v37, v33;
	v37 =	vmul.f32 v38, v5;
	v31 =	vld [tilespmem:s18+$0x2D0]  }
0x145: {  	v40 =	vadd.f32 v42, v39;
	v34 =	vadd.f32 v34, v32;
	v42 =	vmul.f32 v43, v5;
	v32 =	vld [tilespmem:s18+$0x340]  }
0x146: {  	v39 =	vadd.f32 v38, v36;
	v37 =	vadd.f32 v37, v33;
	v41 =	vmul.f32 v35, v4;
	v33 =	vld [tilespmem:s18+$0x350]  }
0x147: {  	s19 =	sadd.s32 $0x40, s19;
	v38 =	vadd.f32 v43, v40;
	v36 =	vadd.f32 v42, v34;
	v40 =	vmul.f32 v30, v4;
	v34 =	vld [tilespmem:s18+$0x3C0]  }
0x148: {  	v42 =	vld [tilespmem:s18+$0x3D0]  }
0x149: {  	v43 =	vld [tilespmem:s18+$0xFFFFF060]  }
0x14a: {  	v44 =	vld [tilespmem:s18+$0xFFFFF070]  }
0x14b: {  	v45 =	vld [tilespmem:s18+$0xFFFFF0E0]  }
0x14c: {  	v46 =	vld [tilespmem:s18+$0xFFFFF0F0]  }
0x14d: {  	v35 =	vadd.f32 v35, v39;
	v39 =	vld [tilespmem:s18+$0xFFFFF160]  }
0x14e: {  	v37 =	vadd.f32 v41, v37;
	v58 =	vmul.f32 v29, v3;
	v50 =	vld [tilespmem:s18+$0xFFFFF360]  }
0x14f: {  	v52 =	vld [tilespmem:s18+$0xFFFFF370];
	v30 =	vadd.f32 v30, v38;
	v36 =	vadd.f32 v40, v36;
	v59 =	vmul.f32 v31, v3  }
0x150: {  	v54 =	vld [tilespmem:s18+$0xFFFFF3E0];
	v60 =	vadd.f32 v29, v35;
	v37 =	vadd.f32 v58, v37;
	v61 =	vmul.f32 v32, v2  }
0x151: {  	v56 =	vld [tilespmem:s18+$0xFFFFF3F0];
	v30 =	vadd.f32 v31, v30;
	v36 =	vadd.f32 v59, v36;
	v62 =	vmul.f32 v33, v2  }
0x152: {  	v38 =	vld [tilespmem:s18+$0xFFFFF170];
	v29 =	vadd.f32 v32, v60;
	v37 =	vadd.f32 v61, v37  }
0x153: {  	v35 =	vld [tilespmem:s18+$0xFFFFF1E0];
	v63 =	vmul.f32 v34, v1;
	v30 =	vadd.f32 v33, v30;
	v36 =	vadd.f32 v62, v36  }
0x154: {  	v58 =	vld [tilespmem:s18+$0x60];
	v47 =	vmul.f32 v42, v1;
	v14 =	vadd.f32 v43, v14;
	v27 =	vadd.f32 v44, v27  }
0x155: {  	v31 =	vld [tilespmem:s18+$0xFFFFF1F0];
	v48 =	vmul.f32 v43, v17;
	v29 =	vadd.f32 v34, v29;
	v37 =	vadd.f32 v63, v37  }
0x156: {  	v32 =	vld [tilespmem:s18+$0xFFFFF260];
	v49 =	vmul.f32 v44, v17;
	v30 =	vadd.f32 v42, v30;
	v36 =	vadd.f32 v47, v36  }
0x157: {  	v60 =	vld [tilespmem:s18+$0x70];
	v51 =	vmul.f32 v45, v16;
	v28 =	vadd.f32 v48, v28;
	v14 =	vadd.f32 v45, v14  }
0x158: {  	v33 =	vld [tilespmem:s18+$0xFFFFF270];
	v53 =	vmul.f32 v46, v16;
	v17 =	vadd.f32 v49, v26;
	v27 =	vadd.f32 v46, v27  }
0x159: {  	v55 =	vmul.f32 v39, v15;
	v62 =	vld [tilespmem:s18+$0xE0];
	v28 =	vadd.f32 v51, v28;
	v14 =	vadd.f32 v39, v14  }
0x15a: {  	v34 =	vld [tilespmem:s18+$0xFFFFF2E0];
	v57 =	vmul.f32 v38, v15;
	v16 =	vadd.f32 v53, v17;
	v27 =	vadd.f32 v38, v27  }
0x15b: {  	v42 =	vld [tilespmem:s18+$0xFFFFF2F0];
	v59 =	vmul.f32 v35, v13;
	v28 =	vadd.f32 v55, v28;
	v14 =	vadd.f32 v35, v14  }
0x15c: {  	v47 =	vld [tilespmem:s18+$0x1E0];
	v61 =	vmul.f32 v31, v13;
	v15 =	vadd.f32 v57, v16;
	v27 =	vadd.f32 v31, v27  }
0x15d: {  	v63 =	vmul.f32 v32, v12;
	v31 =	vld [tilespmem:s18+$0xF0];
	v28 =	vadd.f32 v59, v28;
	v14 =	vadd.f32 v32, v14  }
0x15e: {  	v39 =	vmul.f32 v33, v12;
	v35 =	vld [tilespmem:s18+$0x270];
	v13 =	vadd.f32 v61, v15;
	v27 =	vadd.f32 v33, v27  }
0x15f: {  	v41 =	vmul.f32 v34, v11;
	v15 =	vld [tilespmem:s18+$0x160];
	v28 =	vadd.f32 v63, v28;
	v46 =	vadd.f32 v34, v14  }
0x160: {  	v45 =	vmul.f32 v42, v11;
	v33 =	vld [tilespmem:s18+$0x170];
	v12 =	vadd.f32 v39, v13;
	v27 =	vadd.f32 v42, v27  }
0x161: {  	v48 =	vmul.f32 v50, v10;
	v32 =	vld [tilespmem:s18+$0x2F0];
	v28 =	vadd.f32 v41, v28;
	v50 =	vadd.f32 v50, v46  }
0x162: {  	v49 =	vmul.f32 v52, v10;
	v34 =	vld [tilespmem:s18+$0x1F0];
	v11 =	vadd.f32 v45, v12;
	v27 =	vadd.f32 v52, v27  }
0x163: {  	v51 =	vmul.f32 v54, v9;
	v13 =	vld [tilespmem:s18+$0x260];
	v28 =	vadd.f32 v48, v28;
	v53 =	vadd.f32 v54, v50  }
0x164: {  	v39 =	vld [tilespmem:s18+$0x3F0];
	v52 =	vmul.f32 v56, v9;
	v10 =	vadd.f32 v49, v11;
	v27 =	vadd.f32 v56, v27  }
0x165: {  	v55 =	vmul.f32 v58, v8;
	v12 =	vld [tilespmem:s18+$0x2E0];
	v54 =	vadd.f32 v51, v28;
	v57 =	vadd.f32 v58, v53  }
0x166: {  	v56 =	vmul.f32 v60, v8;
	v11 =	vld [tilespmem:s18+$0x360];
	v9 =	vadd.f32 v52, v10;
	v27 =	vadd.f32 v60, v27  }
0x167: {  	v59 =	vmul.f32 v62, v7;
	v28 =	vld [tilespmem:s18+$0x370];
	v58 =	vadd.f32 v55, v54;
	v61 =	vadd.f32 v62, v57  }
0x168: {  	s17 =	sshrl.u32 s17, $0x2;
	v60 =	vmul.f32 v31, v7;
	v10 =	vld [tilespmem:s18+$0x3E0];
	v8 =	vadd.f32 v56, v9;
	v38 =	vadd.f32 v31, v27  }
0x169: {  	v63 =	vmul.f32 v15, v6;
	[tilespmem:s17+$0x10080] =	vst.add.f32.msk $0xffff, v21;
	v62 =	vadd.f32 v59, v58;
	v41 =	vadd.f32 v15, v61  }
0x16a: {  	v40 =	vmul.f32 v33, v6;
	[tilespmem:s17+$0x10100] =	vst.add.f32.msk $0xffff, v20;
	v7 =	vadd.f32 v60, v8;
	v44 =	vadd.f32 v33, v38  }
0x16b: {  	v43 =	vmul.f32 v47, v5;
	[tilespmem:s17+$0x10090] =	vst.add.f32.msk $0xffff, v19;
	v42 =	vadd.f32 v63, v62;
	v46 =	vadd.f32 v47, v41  }
0x16c: {  	v45 =	vmul.f32 v34, v5;
	[tilespmem:s17+$0x10110] =	vst.add.f32.msk $0xffff, v18;
	v6 =	vadd.f32 v40, v7;
	v49 =	vadd.f32 v34, v44  }
0x16d: {  	v48 =	vmul.f32 v13, v4;
	[tilespmem:s17+$0x100A0] =	vst.add.f32.msk $0xffff, v25;
	v47 =	vadd.f32 v43, v42;
	v51 =	vadd.f32 v13, v46  }
0x16e: {  	v50 =	vmul.f32 v35, v4;
	[tilespmem:s17+$0x10120] =	vst.add.f32.msk $0xffff, v24;
	v5 =	vadd.f32 v45, v6;
	v54 =	vadd.f32 v35, v49  }
0x16f: {  	[tilespmem:s17+$0x100B0] =	vst.add.f32.msk $0xffff, v23;
	v53 =	vmul.f32 v12, v3;
	v52 =	vadd.f32 v48, v47;
	v55 =	vadd.f32 v12, v51  }
0x170: {  	[tilespmem:s17+$0x10130] =	vst.add.f32.msk $0xffff, v22;
	v3 =	vmul.f32 v32, v3;
	v4 =	vadd.f32 v50, v5;
	v58 =	vadd.f32 v32, v54  }
0x171: {  	[tilespmem:s17+$0x100C0] =	vst.add.f32.msk $0xffff, v29;
	v57 =	vmul.f32 v11, v2;
	v56 =	vadd.f32 v53, v52;
	v59 =	vadd.f32 v11, v55  }
0x172: {  	s16 =	sadd.s32 $0x1, s16;
	[tilespmem:s17+$0x10140] =	vst.add.f32.msk $0xffff, v37;
	v2 =	vmul.f32 v28, v2;
	v3 =	vadd.f32 v3, v4;
	v62 =	vadd.f32 v28, v58  }
0x173: {  	p0 =	sne.s32 s16, $0x4;
	[tilespmem:s17+$0x100D0] =	vst.add.f32.msk $0xffff, v30;
	v61 =	vmul.f32 v10, v1;
	v60 =	vadd.f32 v57, v56;
	v4 =	vadd.f32 v10, v59  }
.Ltmp1:
0x174: {  	[tilespmem:s17+$0x10150] =	vst.add.f32.msk $0xffff, v36;
	v1 =	vmul.f32 v39, v1;
	v2 =	vadd.f32 v2, v3;
	v63 =	vadd.f32 v39, v62;
	(pc) =	sbr.rel @p0 .LBB2_2-.Ltmp1, $4  }
0x175: {  	v3 =	vadd.f32 v61, v60;
	[tilespmem:s17+$0x100E0] =	vst.add.f32.msk $0xffff, v4  }
0x176: {  	v1 =	vadd.f32 v1, v2;
	[tilespmem:s17+$0x100F0] =	vst.add.f32.msk $0xffff, v63  }
0x177: {  	[tilespmem:s17+$0x10160] =	vst.add.f32.msk $0xffff, v3  }
0x178: {  	s15 =	sadd.s32 $0x400, s15;
	[tilespmem:s17+$0x10170] =	vst.add.f32.msk $0xffff, v1  }
0x179: {  	s15 =	simm.s32 $0x0  }
0x17a: {  	[tilespmem:s15], [sflag:$0x1] =	stream.linear.gather [hbm4b:s6+s15], $0x8000, $0x38;
	[tilespmem:$0x10480] =	vst v63  }
0x17b: {  	_ =	swait.ge [sflag:s12], $0x8000  }
0x17c: {  	[sflag:s12] =	ssyncset.done $0x0  }
0x17d: {  	s16 =	simm.s32 $0x9000;
	[sflag:s12] =	ssyncadd.s32 $0xFFFF8000  }
.LBB2_6:
0x17e: {  	s17 =	simm.s32 $0x0  }
0x17f: {  	v15 =	vld [tilespmem:s17+$0x10040];
	_ =	sdelay $0x4  }
0x180: {  	v1 =	vbroadcast v15, $0xF;
	v2 =	vbroadcast v15, $0xE  }
0x181: {  	v18 =	vld [tilespmem:s16+$0xFFFFF000];
	v4 =	vbroadcast v15, $0xC;
	v3 =	vbroadcast v15, $0xD  }
0x182: {  	v19 =	vld [tilespmem:s16+$0xFFFFF010];
	v6 =	vbroadcast v15, $0xA;
	v5 =	vbroadcast v15, $0xB  }
0x183: {  	v20 =	vld [tilespmem:s16+$0xFFFFF080];
	v8 =	vbroadcast v15, $0x8;
	v7 =	vbroadcast v15, $0x9  }
0x184: {  	v21 =	vld [tilespmem:s16+$0xFFFFF090];
	v10 =	vbroadcast v15, $0x6;
	v9 =	vbroadcast v15, $0x7  }
0x185: {  	v31 =	vld [tilespmem:s16+$0xFFFFF020];
	v17 =	vbroadcast v15, $0x0;
	v11 =	vbroadcast v15, $0x5  }
0x186: {  	v35 =	vld [tilespmem:s16+$0xFFFFF040];
	v13 =	vbroadcast v15, $0x3;
	v12 =	vbroadcast v15, $0x4  }
0x187: {  	v22 =	vld [tilespmem:s16+$0xFFFFF100];
	v16 =	vbroadcast v15, $0x1;
	v15 =	vbroadcast v15, $0x2  }
0x188: {  	v24 =	vld [tilespmem:s16+$0xFFFFF110];
	v14 =	vimm.f32 $0.0e+00;
	v23 =	vmul.f32 v17, v18;
	v25 =	vmul.f32 v19, v17  }
0x189: {  	v26 =	vld [tilespmem:s16+$0xFFFFF180];
	v18 =	vadd.f32 v18, v14;
	v27 =	vmul.f32 v20, v16;
	v19 =	vadd.f32 v19, v14  }
0x18a: {  	v28 =	vld [tilespmem:s16+$0xFFFFF190];
	v29 =	vmul.f32 v21, v16;
	v32 =	vmul.f32 v31, v17;
	v23 =	vadd.f32 v23, v14  }
0x18b: {  	v30 =	vld [tilespmem:s16+$0xFFFFF200];
	v37 =	vmul.f32 v35, v17;
	v25 =	vadd.f32 v25, v14;
	v18 =	vadd.f32 v20, v18  }
0x18c: {  	v19 =	vadd.f32 v21, v19;
	v20 =	vadd.f32 v27, v23;
	v23 =	vmul.f32 v22, v15;
	v27 =	vld [tilespmem:s16+$0xFFFFF210]  }
0x18d: {  	v21 =	vadd.f32 v29, v25;
	v25 =	vmul.f32 v24, v15;
	v29 =	vld [tilespmem:s16+$0xFFFFF280];
	v18 =	vadd.f32 v22, v18  }
0x18e: {  	v22 =	vmul.f32 v26, v13;
	v19 =	vadd.f32 v24, v19;
	v20 =	vadd.f32 v23, v20;
	v23 =	vld [tilespmem:s16+$0xFFFFF290]  }
0x18f: {  	v24 =	vmul.f32 v28, v13;
	v21 =	vadd.f32 v25, v21;
	v25 =	vld [tilespmem:s16+$0xFFFFF300];
	v18 =	vadd.f32 v26, v18  }
0x190: {  	v26 =	vld [tilespmem:s16+$0xFFFFF310];
	v19 =	vadd.f32 v28, v19;
	v20 =	vadd.f32 v22, v20;
	v22 =	vmul.f32 v30, v12  }
0x191: {  	v28 =	vld [tilespmem:s16+$0xFFFFF380];
	v21 =	vadd.f32 v24, v21;
	v18 =	vadd.f32 v30, v18;
	v24 =	vmul.f32 v27, v12  }
0x192: {  	v30 =	vld [tilespmem:s16+$0xFFFFF390];
	v19 =	vadd.f32 v27, v19;
	v20 =	vadd.f32 v22, v20;
	v22 =	vmul.f32 v29, v11  }
0x193: {  	v27 =	vld [tilespmem:s16+$0x0];
	v18 =	vadd.f32 v29, v18;
	v21 =	vadd.f32 v24, v21;
	v24 =	vmul.f32 v23, v11  }
0x194: {  	v29 =	vld [tilespmem:s16+$0x10];
	v19 =	vadd.f32 v23, v19;
	v20 =	vadd.f32 v22, v20;
	v22 =	vmul.f32 v25, v10  }
0x195: {  	v23 =	vmul.f32 v26, v10;
	v18 =	vadd.f32 v25, v18;
	v21 =	vadd.f32 v24, v21;
	v24 =	vld [tilespmem:s16+$0x80]  }
0x196: {  	v25 =	vld [tilespmem:s16+$0x90];
	v19 =	vadd.f32 v26, v19;
	v20 =	vadd.f32 v22, v20;
	v22 =	vmul.f32 v28, v9  }
0x197: {  	v26 =	vld [tilespmem:s16+$0x100];
	v18 =	vadd.f32 v28, v18;
	v21 =	vadd.f32 v23, v21;
	v23 =	vmul.f32 v30, v9  }
0x198: {  	v28 =	vld [tilespmem:s16+$0x110];
	v19 =	vadd.f32 v30, v19;
	v20 =	vadd.f32 v22, v20;
	v22 =	vmul.f32 v27, v8  }
0x199: {  	v30 =	vld [tilespmem:s16+$0x180];
	v18 =	vadd.f32 v27, v18;
	v21 =	vadd.f32 v23, v21;
	v23 =	vmul.f32 v29, v8  }
0x19a: {  	v27 =	vld [tilespmem:s16+$0x190];
	v19 =	vadd.f32 v29, v19;
	v20 =	vadd.f32 v22, v20;
	v22 =	vmul.f32 v24, v7  }
0x19b: {  	v29 =	vld [tilespmem:s16+$0x200];
	v18 =	vadd.f32 v24, v18;
	v21 =	vadd.f32 v23, v21;
	v23 =	vmul.f32 v25, v7  }
0x19c: {  	v24 =	vld [tilespmem:s16+$0x210];
	v19 =	vadd.f32 v25, v19;
	v20 =	vadd.f32 v22, v20;
	v22 =	vmul.f32 v26, v6  }
0x19d: {  	v25 =	vld [tilespmem:s16+$0x280];
	v18 =	vadd.f32 v26, v18;
	v21 =	vadd.f32 v23, v21;
	v23 =	vmul.f32 v28, v6  }
0x19e: {  	v26 =	vld [tilespmem:s16+$0x290];
	v19 =	vadd.f32 v28, v19;
	v20 =	vadd.f32 v22, v20;
	v22 =	vmul.f32 v30, v5  }
0x19f: {  	v28 =	vld [tilespmem:s16+$0x300];
	v18 =	vadd.f32 v30, v18;
	v21 =	vadd.f32 v23, v21;
	v23 =	vmul.f32 v27, v5  }
0x1a0: {  	v30 =	vld [tilespmem:s16+$0x310];
	v19 =	vadd.f32 v27, v19;
	v20 =	vadd.f32 v22, v20;
	v22 =	vmul.f32 v29, v4  }
0x1a1: {  	v27 =	vld [tilespmem:s16+$0x380];
	v18 =	vadd.f32 v29, v18;
	v21 =	vadd.f32 v23, v21;
	v23 =	vmul.f32 v24, v4  }
0x1a2: {  	v29 =	vld [tilespmem:s16+$0x390];
	v19 =	vadd.f32 v24, v19;
	v20 =	vadd.f32 v22, v20;
	v22 =	vmul.f32 v25, v3  }
0x1a3: {  	v63 =	vld [tilespmem:s16+$0xFFFFF0C0];
	v18 =	vadd.f32 v25, v18;
	v21 =	vadd.f32 v23, v21;
	v23 =	vmul.f32 v26, v3  }
0x1a4: {  	v24 =	vld [tilespmem:s16+$0xFFFFF030];
	v19 =	vadd.f32 v26, v19;
	v20 =	vadd.f32 v22, v20;
	v22 =	vmul.f32 v28, v2  }
0x1a5: {  	v25 =	vld [tilespmem:s16+$0xFFFFF0A0];
	v18 =	vadd.f32 v28, v18;
	v21 =	vadd.f32 v23, v21;
	v23 =	vmul.f32 v30, v2  }
0x1a6: {  	v26 =	vld [tilespmem:s16+$0xFFFFF0B0];
	v19 =	vadd.f32 v30, v19;
	v20 =	vadd.f32 v22, v20;
	v22 =	vmul.f32 v27, v1  }
0x1a7: {  	v28 =	vld [tilespmem:s16+$0xFFFFF120];
	v30 =	vmul.f32 v29, v1;
	v23 =	vadd.f32 v23, v21;
	v21 =	vadd.f32 v27, v18  }
0x1a8: {  	v33 =	vld [tilespmem:s16+$0xFFFFF130];
	v40 =	vmul.f32 v63, v16;
	v19 =	vadd.f32 v29, v19;
	v20 =	vadd.f32 v22, v20  }
0x1a9: {  	v27 =	vld [tilespmem:s16+$0xFFFFF1A0];
	v22 =	vmul.f32 v24, v17;
	v18 =	vadd.f32 v30, v23;
	v23 =	vadd.f32 v31, v14  }
0x1aa: {  	v29 =	vadd.f32 v32, v14;
	v24 =	vadd.f32 v24, v14;
	v30 =	vmul.f32 v25, v16;
	v31 =	vld [tilespmem:s16+$0xFFFFF1B0]  }
0x1ab: {  	v34 =	vld [tilespmem:s16+$0xFFFFF220];
	v52 =	vmul.f32 v26, v16;
	v22 =	vadd.f32 v22, v14;
	v23 =	vadd.f32 v25, v23  }
0x1ac: {  	v24 =	vadd.f32 v26, v24;
	v25 =	vadd.f32 v30, v29;
	v29 =	vmul.f32 v28, v15;
	v30 =	vld [tilespmem:s16+$0xFFFFF230]  }
0x1ad: {  	v53 =	vld [tilespmem:s16+$0xFFFFF2A0];
	v26 =	vmul.f32 v33, v15;
	v22 =	vadd.f32 v52, v22;
	v23 =	vadd.f32 v28, v23  }
0x1ae: {  	v24 =	vadd.f32 v33, v24;
	v25 =	vadd.f32 v29, v25;
	v28 =	vmul.f32 v27, v13;
	v29 =	vld [tilespmem:s16+$0xFFFFF2B0]  }
0x1af: {  	v54 =	vld [tilespmem:s16+$0xFFFFF320];
	v22 =	vadd.f32 v26, v22;
	v26 =	vmul.f32 v31, v13;
	v23 =	vadd.f32 v27, v23  }
0x1b0: {  	v24 =	vadd.f32 v31, v24;
	v25 =	vadd.f32 v28, v25;
	v27 =	vmul.f32 v34, v12;
	v28 =	vld [tilespmem:s16+$0xFFFFF330]  }
0x1b1: {  	v31 =	vld [tilespmem:s16+$0xFFFFF3A0];
	v22 =	vadd.f32 v26, v22;
	v26 =	vmul.f32 v30, v12;
	v23 =	vadd.f32 v34, v23  }
0x1b2: {  	v55 =	vld [tilespmem:s16+$0xFFFFF3B0];
	v24 =	vadd.f32 v30, v24;
	v25 =	vadd.f32 v27, v25;
	v27 =	vmul.f32 v53, v11  }
0x1b3: {  	v30 =	vld [tilespmem:s16+$0x20];
	v22 =	vadd.f32 v26, v22;
	v26 =	vmul.f32 v29, v11;
	v23 =	vadd.f32 v53, v23  }
0x1b4: {  	v56 =	vld [tilespmem:s16+$0x30];
	v24 =	vadd.f32 v29, v24;
	v25 =	vadd.f32 v27, v25;
	v27 =	vmul.f32 v54, v10  }
0x1b5: {  	v29 =	vld [tilespmem:s16+$0xA0];
	v22 =	vadd.f32 v26, v22;
	v26 =	vmul.f32 v28, v10;
	v23 =	vadd.f32 v54, v23  }
0x1b6: {  	v57 =	vld [tilespmem:s16+$0xB0];
	v24 =	vadd.f32 v28, v24;
	v25 =	vadd.f32 v27, v25;
	v27 =	vmul.f32 v31, v9  }
0x1b7: {  	v28 =	vld [tilespmem:s16+$0x120];
	v22 =	vadd.f32 v26, v22;
	v26 =	vmul.f32 v55, v9;
	v23 =	vadd.f32 v31, v23  }
0x1b8: {  	v24 =	vadd.f32 v55, v24;
	v25 =	vadd.f32 v27, v25;
	v27 =	vmul.f32 v30, v8;
	v31 =	vld [tilespmem:s16+$0x130]  }
0x1b9: {  	v58 =	vld [tilespmem:s16+$0x1A0];
	v22 =	vadd.f32 v26, v22;
	v26 =	vmul.f32 v56, v8;
	v23 =	vadd.f32 v30, v23  }
0x1ba: {  	v24 =	vadd.f32 v56, v24;
	v25 =	vadd.f32 v27, v25;
	v27 =	vmul.f32 v29, v7;
	v30 =	vld [tilespmem:s16+$0x1B0]  }
0x1bb: {  	v59 =	vld [tilespmem:s16+$0x220];
	v22 =	vadd.f32 v26, v22;
	v26 =	vmul.f32 v57, v7;
	v23 =	vadd.f32 v29, v23  }
0x1bc: {  	v24 =	vadd.f32 v57, v24;
	v25 =	vadd.f32 v27, v25;
	v27 =	vmul.f32 v28, v6;
	v29 =	vld [tilespmem:s16+$0x230]  }
0x1bd: {  	v60 =	vld [tilespmem:s16+$0x2A0];
	v22 =	vadd.f32 v26, v22;
	v26 =	vmul.f32 v31, v6;
	v23 =	vadd.f32 v28, v23  }
0x1be: {  	v24 =	vadd.f32 v31, v24;
	v25 =	vadd.f32 v27, v25;
	v27 =	vmul.f32 v58, v5;
	v28 =	vld [tilespmem:s16+$0x2B0]  }
0x1bf: {  	v31 =	vld [tilespmem:s16+$0x320];
	v22 =	vadd.f32 v26, v22;
	v26 =	vmul.f32 v30, v5;
	v23 =	vadd.f32 v58, v23  }
0x1c0: {  	v61 =	vld [tilespmem:s16+$0x330];
	v24 =	vadd.f32 v30, v24;
	v25 =	vadd.f32 v27, v25;
	v27 =	vmul.f32 v59, v4  }
0x1c1: {  	v30 =	vld [tilespmem:s16+$0x3A0];
	v22 =	vadd.f32 v26, v22;
	v26 =	vmul.f32 v29, v4;
	v23 =	vadd.f32 v59, v23  }
0x1c2: {  	v36 =	vld [tilespmem:s16+$0xFFFFF140];
	v24 =	vadd.f32 v29, v24;
	v25 =	vadd.f32 v27, v25;
	v27 =	vmul.f32 v60, v3  }
0x1c3: {  	v62 =	vld [tilespmem:s16+$0x3B0];
	v22 =	vadd.f32 v26, v22;
	v26 =	vmul.f32 v28, v3;
	v23 =	vadd.f32 v60, v23  }
0x1c4: {  	v29 =	vld [tilespmem:s16+$0xFFFFF050];
	v24 =	vadd.f32 v28, v24;
	v25 =	vadd.f32 v27, v25;
	v27 =	vmul.f32 v31, v2  }
0x1c5: {  	v57 =	vld [tilespmem:s16+$0x140];
	v22 =	vadd.f32 v26, v22;
	v26 =	vmul.f32 v61, v2;
	v23 =	vadd.f32 v31, v23  }
0x1c6: {  	v28 =	vld [tilespmem:s16+$0xFFFFF0D0];
	v34 =	vadd.f32 v61, v24;
	v27 =	vadd.f32 v27, v25;
	v31 =	vmul.f32 v30, v1  }
0x1c7: {  	v44 =	vmul.f32 v36, v15;
	v58 =	vld [tilespmem:s16+$0x150];
	v22 =	vadd.f32 v26, v22;
	v25 =	vadd.f32 v30, v23  }
0x1c8: {  	v38 =	vld [tilespmem:s16+$0xFFFFF150];
	v26 =	vmul.f32 v62, v1;
	v24 =	vadd.f32 v31, v27;
	v23 =	vadd.f32 v62, v34  }
0x1c9: {  	v27 =	vmul.f32 v29, v17;
	v30 =	vld [tilespmem:s16+$0xFFFFF1C0];
	v31 =	vadd.f32 v37, v14;
	v29 =	vadd.f32 v29, v14  }
0x1ca: {  	v41 =	vld [tilespmem:s16+$0xFFFFF1D0];
	v60 =	vmul.f32 v57, v6;
	v22 =	vadd.f32 v26, v22;
	v26 =	vadd.f32 v35, v14  }
0x1cb: {  	v43 =	vld [tilespmem:s16+$0xFFFFF240];
	v42 =	vmul.f32 v28, v16;
	v27 =	vadd.f32 v27, v14;
	v28 =	vadd.f32 v28, v29  }
0x1cc: {  	v45 =	vld [tilespmem:s16+$0xFFFFF250];
	v61 =	vmul.f32 v58, v6;
	v31 =	vadd.f32 v40, v31;
	v26 =	vadd.f32 v63, v26  }
0x1cd: {  	v46 =	vld [tilespmem:s16+$0xFFFFF2C0];
	v29 =	vmul.f32 v38, v15;
	v27 =	vadd.f32 v42, v27;
	v28 =	vadd.f32 v38, v28  }
0x1ce: {  	v48 =	vld [tilespmem:s16+$0xFFFFF2D0];
	v31 =	vadd.f32 v44, v31;
	v26 =	vadd.f32 v36, v26;
	v47 =	vmul.f32 v30, v13  }
0x1cf: {  	v49 =	vld [tilespmem:s16+$0xFFFFF340];
	v27 =	vadd.f32 v29, v27;
	v29 =	vmul.f32 v41, v13;
	v28 =	vadd.f32 v41, v28  }
0x1d0: {  	v50 =	vld [tilespmem:s16+$0xFFFFF350];
	v26 =	vadd.f32 v30, v26;
	v30 =	vadd.f32 v47, v31;
	v31 =	vmul.f32 v43, v12  }
0x1d1: {  	v51 =	vld [tilespmem:s16+$0xFFFFF3C0];
	v27 =	vadd.f32 v29, v27;
	v29 =	vmul.f32 v45, v12;
	v28 =	vadd.f32 v45, v28  }
0x1d2: {  	v52 =	vld [tilespmem:s16+$0xFFFFF3D0];
	v26 =	vadd.f32 v43, v26;
	v30 =	vadd.f32 v31, v30;
	v31 =	vmul.f32 v46, v11  }
0x1d3: {  	v53 =	vld [tilespmem:s16+$0x40];
	v27 =	vadd.f32 v29, v27;
	v29 =	vmul.f32 v48, v11;
	v28 =	vadd.f32 v48, v28  }
0x1d4: {  	v54 =	vld [tilespmem:s16+$0x50];
	v26 =	vadd.f32 v46, v26;
	v30 =	vadd.f32 v31, v30;
	v31 =	vmul.f32 v49, v10  }
0x1d5: {  	v55 =	vld [tilespmem:s16+$0xC0];
	v27 =	vadd.f32 v29, v27;
	v29 =	vmul.f32 v50, v10;
	v28 =	vadd.f32 v50, v28  }
0x1d6: {  	v56 =	vld [tilespmem:s16+$0xD0];
	v26 =	vadd.f32 v49, v26;
	v30 =	vadd.f32 v31, v30;
	v31 =	vmul.f32 v51, v9  }
0x1d7: {  	v59 =	vld [tilespmem:s16+$0x1C0];
	v27 =	vadd.f32 v29, v27;
	v29 =	vmul.f32 v52, v9;
	v28 =	vadd.f32 v52, v28  }
0x1d8: {  	v35 =	vld [tilespmem:s16+$0x240];
	v26 =	vadd.f32 v51, v26;
	v30 =	vadd.f32 v31, v30;
	v31 =	vmul.f32 v53, v8  }
0x1d9: {  	v40 =	vld [tilespmem:s16+$0x1D0];
	v27 =	vadd.f32 v29, v27;
	v29 =	vmul.f32 v54, v8;
	v28 =	vadd.f32 v54, v28  }
0x1da: {  	v26 =	vadd.f32 v53, v26;
	v30 =	vadd.f32 v31, v30;
	v31 =	vmul.f32 v55, v7  }
0x1db: {  	v27 =	vadd.f32 v29, v27;
	v29 =	vmul.f32 v56, v7;
	v28 =	vadd.f32 v56, v28  }
0x1dc: {  	v62 =	vmul.f32 v59, v5;
	v26 =	vadd.f32 v55, v26;
	v31 =	vadd.f32 v31, v30;
	v30 =	vld [tilespmem:s16+$0x250]  }
0x1dd: {  	v41 =	vmul.f32 v35, v4;
	v27 =	vadd.f32 v29, v27;
	v29 =	vld [tilespmem:s16+$0x2C0];
	v28 =	vadd.f32 v58, v28  }
0x1de: {  	v63 =	vmul.f32 v40, v5;
	v26 =	vadd.f32 v57, v26;
	v33 =	vadd.f32 v60, v31;
	v31 =	vld [tilespmem:s16+$0x2D0]  }
0x1df: {  	v32 =	vld [tilespmem:s16+$0x340];
	v27 =	vadd.f32 v61, v27;
	v38 =	vadd.f32 v40, v28;
	v28 =	vimm.f32 $0.0e+00  }
0x1e0: {  	v39 =	vadd.f32 v59, v26;
	v37 =	vadd.f32 v62, v33;
	v33 =	vld [tilespmem:s16+$0x350];
	v26 =	vimm.f32 $0.0e+00  }
0x1e1: {  	s19 =	simm.s32 $0x40;
	s18 =	smov.u32 s16;
	s17 =	sshll.u32 s15, $0xA;
	v34 =	vld [tilespmem:s16+$0x3C0];
	v36 =	vadd.f32 v63, v27;
	v40 =	vmul.f32 v30, v4;
	v27 =	vimm.f32 $0.0e+00  }
.LBB2_7:
0x1e2: {  	p0 =	sne.s32 s19, $0xC0;
	v35 =	vadd.f32 v35, v39;
	v37 =	vadd.f32 v41, v37;
	v39 =	vmul.f32 v29, v3;
	v41 =	vld [tilespmem:s18+$0x3D0]  }
0x1e3: {  	v42 =	vld [tilespmem:s18+$0xFFFFF060];
	v30 =	vadd.f32 v30, v38;
	v36 =	vadd.f32 v40, v36;
	v38 =	vmul.f32 v31, v3  }
0x1e4: {  	v40 =	vld [tilespmem:s18+$0xFFFFF070];
	v29 =	vadd.f32 v29, v35;
	v35 =	vadd.f32 v39, v37;
	v37 =	vmul.f32 v32, v2  }
0x1e5: {  	v39 =	vld [tilespmem:s18+$0xFFFFF0E0];
	v30 =	vadd.f32 v31, v30;
	v31 =	vadd.f32 v38, v36;
	v36 =	vmul.f32 v33, v2  }
0x1e6: {  	v38 =	vld [tilespmem:s18+$0xFFFFF0F0];
	v29 =	vadd.f32 v32, v29;
	v32 =	vadd.f32 v37, v35;
	v35 =	vmul.f32 v34, v1  }
0x1e7: {  	v37 =	vld [tilespmem:s18+$0xFFFFF160];
	v33 =	vadd.f32 v33, v30;
	v36 =	vadd.f32 v36, v31;
	v43 =	vmul.f32 v41, v1  }
0x1e8: {  	v44 =	vmul.f32 v42, v17;
	v45 =	vld [tilespmem:s18+$0xFFFFF170];
	v29 =	vadd.f32 v34, v29;
	v30 =	vadd.f32 v35, v32  }
0x1e9: {  	v17 =	vmul.f32 v40, v17;
	v34 =	vld [tilespmem:s18+$0xFFFFF1E0];
	v31 =	vadd.f32 v41, v33;
	v32 =	vadd.f32 v43, v36  }
0x1ea: {  	v14 =	vadd.f32 v42, v14;
	v28 =	vadd.f32 v44, v28;
	v33 =	vmul.f32 v39, v16;
	v35 =	vld [tilespmem:s18+$0xFFFFF1F0]  }
0x1eb: {  	v27 =	vadd.f32 v40, v27;
	v17 =	vadd.f32 v17, v26;
	v16 =	vmul.f32 v38, v16;
	v26 =	vld [tilespmem:s18+$0xFFFFF260]  }
0x1ec: {  	v14 =	vadd.f32 v39, v14;
	v28 =	vadd.f32 v33, v28;
	v33 =	vmul.f32 v37, v15;
	v36 =	vld [tilespmem:s18+$0xFFFFF270]  }
0x1ed: {  	v27 =	vadd.f32 v38, v27;
	v16 =	vadd.f32 v16, v17;
	v15 =	vmul.f32 v45, v15;
	v17 =	vld [tilespmem:s18+$0xFFFFF2E0]  }
0x1ee: {  	v14 =	vadd.f32 v37, v14;
	v28 =	vadd.f32 v33, v28;
	v33 =	vmul.f32 v34, v13;
	v37 =	vld [tilespmem:s18+$0xFFFFF2F0]  }
0x1ef: {  	v27 =	vadd.f32 v45, v27;
	v15 =	vadd.f32 v15, v16;
	v13 =	vmul.f32 v35, v13;
	v16 =	vld [tilespmem:s18+$0xFFFFF360]  }
0x1f0: {  	v14 =	vadd.f32 v34, v14;
	v28 =	vadd.f32 v33, v28;
	v33 =	vmul.f32 v26, v12;
	v34 =	vld [tilespmem:s18+$0xFFFFF370]  }
0x1f1: {  	v27 =	vadd.f32 v35, v27;
	v13 =	vadd.f32 v13, v15;
	v12 =	vmul.f32 v36, v12;
	v15 =	vld [tilespmem:s18+$0xFFFFF3E0]  }
0x1f2: {  	v14 =	vadd.f32 v26, v14;
	v26 =	vadd.f32 v33, v28;
	v28 =	vmul.f32 v17, v11;
	v33 =	vld [tilespmem:s18+$0xFFFFF3F0]  }
0x1f3: {  	v27 =	vadd.f32 v36, v27;
	v12 =	vadd.f32 v12, v13;
	v11 =	vmul.f32 v37, v11;
	v13 =	vld [tilespmem:s18+$0x60]  }
0x1f4: {  	v14 =	vadd.f32 v17, v14;
	v17 =	vadd.f32 v28, v26;
	v26 =	vmul.f32 v16, v10;
	v28 =	vld [tilespmem:s18+$0x70]  }
0x1f5: {  	v27 =	vadd.f32 v37, v27;
	v11 =	vadd.f32 v11, v12;
	v10 =	vmul.f32 v34, v10;
	v12 =	vld [tilespmem:s18+$0xE0]  }
0x1f6: {  	v14 =	vadd.f32 v16, v14;
	v16 =	vadd.f32 v26, v17;
	v17 =	vmul.f32 v15, v9;
	v26 =	vld [tilespmem:s18+$0xF0]  }
0x1f7: {  	v27 =	vadd.f32 v34, v27;
	v10 =	vadd.f32 v10, v11;
	v9 =	vmul.f32 v33, v9;
	v11 =	vld [tilespmem:s18+$0x160]  }
0x1f8: {  	v14 =	vadd.f32 v15, v14;
	v15 =	vadd.f32 v17, v16;
	v16 =	vmul.f32 v13, v8;
	v17 =	vld [tilespmem:s18+$0x170]  }
0x1f9: {  	v27 =	vadd.f32 v33, v27;
	v9 =	vadd.f32 v9, v10;
	v8 =	vmul.f32 v28, v8;
	v10 =	vld [tilespmem:s18+$0x1E0]  }
0x1fa: {  	v13 =	vadd.f32 v13, v14;
	v14 =	vadd.f32 v16, v15;
	v15 =	vmul.f32 v12, v7;
	v16 =	vld [tilespmem:s18+$0x1F0]  }
0x1fb: {  	v27 =	vadd.f32 v28, v27;
	v8 =	vadd.f32 v8, v9;
	v7 =	vmul.f32 v26, v7;
	v9 =	vld [tilespmem:s18+$0x260]  }
0x1fc: {  	v12 =	vadd.f32 v12, v13;
	v13 =	vadd.f32 v15, v14;
	v14 =	vmul.f32 v11, v6;
	v15 =	vld [tilespmem:s18+$0x270]  }
0x1fd: {  	v26 =	vadd.f32 v26, v27;
	v7 =	vadd.f32 v7, v8;
	v6 =	vmul.f32 v17, v6;
	v8 =	vld [tilespmem:s18+$0x2E0]  }
0x1fe: {  	v11 =	vadd.f32 v11, v12;
	v12 =	vadd.f32 v14, v13;
	v13 =	vmul.f32 v10, v5;
	v14 =	vld [tilespmem:s18+$0x2F0]  }
0x1ff: {  	v17 =	vadd.f32 v17, v26;
	v6 =	vadd.f32 v6, v7;
	v5 =	vmul.f32 v16, v5;
	v7 =	vld [tilespmem:s18+$0x360]  }
0x200: {  	v10 =	vadd.f32 v10, v11;
	v11 =	vadd.f32 v13, v12;
	v12 =	vmul.f32 v9, v4;
	v13 =	vld [tilespmem:s18+$0x370]  }
0x201: {  	v16 =	vadd.f32 v16, v17;
	v5 =	vadd.f32 v5, v6;
	v4 =	vmul.f32 v15, v4;
	v6 =	vld [tilespmem:s18+$0x3E0]  }
0x202: {  	s20 =	sshra.s32 s19, $0x2;
	v9 =	vadd.f32 v9, v10;
	v10 =	vadd.f32 v12, v11;
	v11 =	vmul.f32 v8, v3;
	v12 =	vld [tilespmem:s18+$0x3F0]  }
0x203: {  	v15 =	vadd.f32 v15, v16;
	v33 =	vld [tilespmem:s20+$0x10040];
	v4 =	vadd.f32 v4, v5;
	v3 =	vmul.f32 v14, v3  }
0x204: {  	v5 =	vadd.f32 v8, v9;
	v8 =	vadd.f32 v11, v10;
	v9 =	vmul.f32 v7, v2  }
0x205: {  	v10 =	vadd.f32 v14, v15;
	v3 =	vadd.f32 v3, v4;
	v2 =	vmul.f32 v13, v2  }
0x206: {  	v4 =	vadd.f32 v7, v5;
	v5 =	vadd.f32 v9, v8;
	v7 =	vmul.f32 v6, v1  }
0x207: {  	v8 =	vadd.f32 v13, v10;
	v3 =	vadd.f32 v2, v3;
	v9 =	vmul.f32 v12, v1  }
0x208: {  	v14 =	vadd.f32 v6, v4;
	v1 =	vbroadcast v33, $0xF;
	v28 =	vadd.f32 v7, v5  }
0x209: {  	v2 =	vbroadcast v33, $0xE;
	v27 =	vadd.f32 v12, v8;
	v26 =	vadd.f32 v9, v3  }
0x20a: {  	s18 =	sadd.s32 $0x2000, s18;
	v4 =	vbroadcast v33, $0xC;
	v3 =	vbroadcast v33, $0xD  }
0x20b: {  	v6 =	vbroadcast v33, $0xA;
	v5 =	vbroadcast v33, $0xB;
	v34 =	vld [tilespmem:s18+$0xFFFFF000]  }
0x20c: {  	v8 =	vbroadcast v33, $0x8;
	v7 =	vbroadcast v33, $0x9;
	v35 =	vld [tilespmem:s18+$0xFFFFF010]  }
0x20d: {  	v10 =	vbroadcast v33, $0x6;
	v9 =	vbroadcast v33, $0x7;
	v36 =	vld [tilespmem:s18+$0xFFFFF080]  }
0x20e: {  	v17 =	vbroadcast v33, $0x0;
	v11 =	vbroadcast v33, $0x5;
	v37 =	vld [tilespmem:s18+$0xFFFFF090]  }
0x20f: {  	v13 =	vbroadcast v33, $0x3;
	v12 =	vbroadcast v33, $0x4;
	v38 =	vld [tilespmem:s18+$0xFFFFF100]  }
0x210: {  	v16 =	vbroadcast v33, $0x1;
	v39 =	vmul.f32 v17, v34;
	v40 =	vld [tilespmem:s18+$0xFFFFF110]  }
0x211: {  	v15 =	vbroadcast v33, $0x2;
	v41 =	vmul.f32 v35, v17;
	v33 =	vld [tilespmem:s18+$0xFFFFF180]  }
0x212: {  	v21 =	vadd.f32 v34, v21;
	v20 =	vadd.f32 v39, v20;
	v34 =	vmul.f32 v36, v16;
	v39 =	vld [tilespmem:s18+$0xFFFFF190]  }
0x213: {  	v19 =	vadd.f32 v35, v19;
	v18 =	vadd.f32 v41, v18;
	v35 =	vmul.f32 v37, v16;
	v41 =	vld [tilespmem:s18+$0xFFFFF200]  }
0x214: {  	v21 =	vadd.f32 v36, v21;
	v20 =	vadd.f32 v34, v20;
	v34 =	vmul.f32 v38, v15;
	v36 =	vld [tilespmem:s18+$0xFFFFF210]  }
0x215: {  	v19 =	vadd.f32 v37, v19;
	v18 =	vadd.f32 v35, v18;
	v35 =	vmul.f32 v40, v15;
	v37 =	vld [tilespmem:s18+$0xFFFFF280]  }
0x216: {  	v21 =	vadd.f32 v38, v21;
	v20 =	vadd.f32 v34, v20;
	v34 =	vmul.f32 v33, v13;
	v38 =	vld [tilespmem:s18+$0xFFFFF290]  }
0x217: {  	v19 =	vadd.f32 v40, v19;
	v18 =	vadd.f32 v35, v18;
	v35 =	vmul.f32 v39, v13;
	v40 =	vld [tilespmem:s18+$0xFFFFF300]  }
0x218: {  	v21 =	vadd.f32 v33, v21;
	v20 =	vadd.f32 v34, v20;
	v33 =	vmul.f32 v41, v12;
	v34 =	vld [tilespmem:s18+$0xFFFFF310]  }
0x219: {  	v19 =	vadd.f32 v39, v19;
	v18 =	vadd.f32 v35, v18;
	v35 =	vmul.f32 v36, v12;
	v39 =	vld [tilespmem:s18+$0xFFFFF380]  }
0x21a: {  	v21 =	vadd.f32 v41, v21;
	v20 =	vadd.f32 v33, v20;
	v33 =	vmul.f32 v37, v11;
	v41 =	vld [tilespmem:s18+$0xFFFFF390]  }
0x21b: {  	v19 =	vadd.f32 v36, v19;
	v18 =	vadd.f32 v35, v18;
	v35 =	vmul.f32 v38, v11;
	v36 =	vld [tilespmem:s18+$0x0]  }
0x21c: {  	v21 =	vadd.f32 v37, v21;
	v20 =	vadd.f32 v33, v20;
	v33 =	vmul.f32 v40, v10;
	v37 =	vld [tilespmem:s18+$0x10]  }
0x21d: {  	v19 =	vadd.f32 v38, v19;
	v18 =	vadd.f32 v35, v18;
	v35 =	vmul.f32 v34, v10;
	v38 =	vld [tilespmem:s18+$0x80]  }
0x21e: {  	v21 =	vadd.f32 v40, v21;
	v20 =	vadd.f32 v33, v20;
	v33 =	vmul.f32 v39, v9;
	v40 =	vld [tilespmem:s18+$0x90]  }
0x21f: {  	v19 =	vadd.f32 v34, v19;
	v18 =	vadd.f32 v35, v18;
	v34 =	vmul.f32 v41, v9;
	v35 =	vld [tilespmem:s18+$0x100]  }
0x220: {  	v21 =	vadd.f32 v39, v21;
	v20 =	vadd.f32 v33, v20;
	v33 =	vmul.f32 v36, v8;
	v39 =	vld [tilespmem:s18+$0x110]  }
0x221: {  	v19 =	vadd.f32 v41, v19;
	v18 =	vadd.f32 v34, v18;
	v34 =	vmul.f32 v37, v8;
	v41 =	vld [tilespmem:s18+$0x180]  }
0x222: {  	v21 =	vadd.f32 v36, v21;
	v20 =	vadd.f32 v33, v20;
	v33 =	vmul.f32 v38, v7;
	v36 =	vld [tilespmem:s18+$0x190]  }
0x223: {  	v19 =	vadd.f32 v37, v19;
	v18 =	vadd.f32 v34, v18;
	v34 =	vmul.f32 v40, v7;
	v37 =	vld [tilespmem:s18+$0x200]  }
0x224: {  	v21 =	vadd.f32 v38, v21;
	v20 =	vadd.f32 v33, v20;
	v33 =	vmul.f32 v35, v6;
	v38 =	vld [tilespmem:s18+$0x210]  }
0x225: {  	v19 =	vadd.f32 v40, v19;
	v18 =	vadd.f32 v34, v18;
	v34 =	vmul.f32 v39, v6;
	v40 =	vld [tilespmem:s18+$0x280]  }
0x226: {  	v21 =	vadd.f32 v35, v21;
	v20 =	vadd.f32 v33, v20;
	v33 =	vmul.f32 v41, v5;
	v35 =	vld [tilespmem:s18+$0x290]  }
0x227: {  	v19 =	vadd.f32 v39, v19;
	v18 =	vadd.f32 v34, v18;
	v34 =	vmul.f32 v36, v5;
	v39 =	vld [tilespmem:s18+$0x300]  }
0x228: {  	v21 =	vadd.f32 v41, v21;
	v20 =	vadd.f32 v33, v20;
	v33 =	vmul.f32 v37, v4;
	v41 =	vld [tilespmem:s18+$0x310]  }
0x229: {  	v19 =	vadd.f32 v36, v19;
	v18 =	vadd.f32 v34, v18;
	v34 =	vmul.f32 v38, v4;
	v36 =	vld [tilespmem:s18+$0x380]  }
0x22a: {  	v21 =	vadd.f32 v37, v21;
	v20 =	vadd.f32 v33, v20;
	v33 =	vmul.f32 v40, v3;
	v37 =	vld [tilespmem:s18+$0x390]  }
0x22b: {  	v19 =	vadd.f32 v38, v19;
	v42 =	vld [tilespmem:s18+$0xFFFFF020];
	v18 =	vadd.f32 v34, v18;
	v34 =	vmul.f32 v35, v3  }
0x22c: {  	v21 =	vadd.f32 v40, v21;
	v38 =	vld [tilespmem:s18+$0xFFFFF030];
	v20 =	vadd.f32 v33, v20;
	v33 =	vmul.f32 v39, v2  }
0x22d: {  	v19 =	vadd.f32 v35, v19;
	v40 =	vld [tilespmem:s18+$0xFFFFF0A0];
	v18 =	vadd.f32 v34, v18;
	v34 =	vmul.f32 v41, v2  }
0x22e: {  	v21 =	vadd.f32 v39, v21;
	v35 =	vld [tilespmem:s18+$0xFFFFF0B0];
	v20 =	vadd.f32 v33, v20;
	v33 =	vmul.f32 v36, v1  }
0x22f: {  	v19 =	vadd.f32 v41, v19;
	v39 =	vld [tilespmem:s18+$0xFFFFF120];
	v18 =	vadd.f32 v34, v18;
	v34 =	vmul.f32 v37, v1  }
0x230: {  	v21 =	vadd.f32 v36, v21;
	v41 =	vmul.f32 v42, v17;
	v43 =	vld [tilespmem:s18+$0xFFFFF130];
	v20 =	vadd.f32 v33, v20  }
0x231: {  	v19 =	vadd.f32 v37, v19;
	v33 =	vmul.f32 v38, v17;
	v36 =	vld [tilespmem:s18+$0xFFFFF1A0];
	v18 =	vadd.f32 v34, v18  }
0x232: {  	v25 =	vadd.f32 v42, v25;
	v24 =	vadd.f32 v41, v24;
	v34 =	vmul.f32 v40, v16;
	v37 =	vld [tilespmem:s18+$0xFFFFF1B0]  }
0x233: {  	v23 =	vadd.f32 v38, v23;
	v22 =	vadd.f32 v33, v22;
	v33 =	vmul.f32 v35, v16;
	v38 =	vld [tilespmem:s18+$0xFFFFF220]  }
0x234: {  	v25 =	vadd.f32 v40, v25;
	v24 =	vadd.f32 v34, v24;
	v34 =	vmul.f32 v39, v15;
	v40 =	vld [tilespmem:s18+$0xFFFFF230]  }
0x235: {  	v23 =	vadd.f32 v35, v23;
	v22 =	vadd.f32 v33, v22;
	v33 =	vmul.f32 v43, v15;
	v35 =	vld [tilespmem:s18+$0xFFFFF2A0]  }
0x236: {  	v25 =	vadd.f32 v39, v25;
	v24 =	vadd.f32 v34, v24;
	v34 =	vmul.f32 v36, v13;
	v39 =	vld [tilespmem:s18+$0xFFFFF2B0]  }
0x237: {  	v23 =	vadd.f32 v43, v23;
	v22 =	vadd.f32 v33, v22;
	v33 =	vmul.f32 v37, v13;
	v41 =	vld [tilespmem:s18+$0xFFFFF320]  }
0x238: {  	v25 =	vadd.f32 v36, v25;
	v24 =	vadd.f32 v34, v24;
	v34 =	vmul.f32 v38, v12;
	v36 =	vld [tilespmem:s18+$0xFFFFF330]  }
0x239: {  	v23 =	vadd.f32 v37, v23;
	v22 =	vadd.f32 v33, v22;
	v33 =	vmul.f32 v40, v12;
	v37 =	vld [tilespmem:s18+$0xFFFFF3A0]  }
0x23a: {  	v25 =	vadd.f32 v38, v25;
	v24 =	vadd.f32 v34, v24;
	v34 =	vmul.f32 v35, v11;
	v38 =	vld [tilespmem:s18+$0xFFFFF3B0]  }
0x23b: {  	v23 =	vadd.f32 v40, v23;
	v22 =	vadd.f32 v33, v22;
	v33 =	vmul.f32 v39, v11;
	v40 =	vld [tilespmem:s18+$0x20]  }
0x23c: {  	v25 =	vadd.f32 v35, v25;
	v24 =	vadd.f32 v34, v24;
	v34 =	vmul.f32 v41, v10;
	v35 =	vld [tilespmem:s18+$0x30]  }
0x23d: {  	v23 =	vadd.f32 v39, v23;
	v22 =	vadd.f32 v33, v22;
	v33 =	vmul.f32 v36, v10;
	v39 =	vld [tilespmem:s18+$0xA0]  }
0x23e: {  	v25 =	vadd.f32 v41, v25;
	v24 =	vadd.f32 v34, v24;
	v34 =	vmul.f32 v37, v9;
	v41 =	vld [tilespmem:s18+$0xB0]  }
0x23f: {  	v23 =	vadd.f32 v36, v23;
	v22 =	vadd.f32 v33, v22;
	v33 =	vmul.f32 v38, v9;
	v36 =	vld [tilespmem:s18+$0x120]  }
0x240: {  	v25 =	vadd.f32 v37, v25;
	v24 =	vadd.f32 v34, v24;
	v34 =	vmul.f32 v40, v8;
	v37 =	vld [tilespmem:s18+$0x130]  }
0x241: {  	v23 =	vadd.f32 v38, v23;
	v22 =	vadd.f32 v33, v22;
	v33 =	vmul.f32 v35, v8;
	v38 =	vld [tilespmem:s18+$0x1A0]  }
0x242: {  	v25 =	vadd.f32 v40, v25;
	v24 =	vadd.f32 v34, v24;
	v34 =	vmul.f32 v39, v7;
	v40 =	vld [tilespmem:s18+$0x1B0]  }
0x243: {  	v23 =	vadd.f32 v35, v23;
	v22 =	vadd.f32 v33, v22;
	v33 =	vmul.f32 v41, v7;
	v35 =	vld [tilespmem:s18+$0x220]  }
0x244: {  	v25 =	vadd.f32 v39, v25;
	v24 =	vadd.f32 v34, v24;
	v34 =	vmul.f32 v36, v6;
	v39 =	vld [tilespmem:s18+$0x230]  }
0x245: {  	v23 =	vadd.f32 v41, v23;
	v22 =	vadd.f32 v33, v22;
	v33 =	vmul.f32 v37, v6;
	v41 =	vld [tilespmem:s18+$0x2A0]  }
0x246: {  	v25 =	vadd.f32 v36, v25;
	v24 =	vadd.f32 v34, v24;
	v34 =	vmul.f32 v38, v5;
	v36 =	vld [tilespmem:s18+$0x2B0]  }
0x247: {  	v23 =	vadd.f32 v37, v23;
	v22 =	vadd.f32 v33, v22;
	v33 =	vmul.f32 v40, v5;
	v37 =	vld [tilespmem:s18+$0x320]  }
0x248: {  	v25 =	vadd.f32 v38, v25;
	v24 =	vadd.f32 v34, v24;
	v34 =	vmul.f32 v35, v4;
	v38 =	vld [tilespmem:s18+$0x330]  }
0x249: {  	v23 =	vadd.f32 v40, v23;
	v22 =	vadd.f32 v33, v22;
	v33 =	vmul.f32 v39, v4;
	v40 =	vld [tilespmem:s18+$0x3A0]  }
0x24a: {  	v25 =	vadd.f32 v35, v25;
	v24 =	vadd.f32 v34, v24;
	v34 =	vmul.f32 v41, v3;
	v35 =	vld [tilespmem:s18+$0x3B0]  }
0x24b: {  	v23 =	vadd.f32 v39, v23;
	v42 =	vld [tilespmem:s18+$0xFFFFF040];
	v22 =	vadd.f32 v33, v22;
	v33 =	vmul.f32 v36, v3  }
0x24c: {  	v25 =	vadd.f32 v41, v25;
	v39 =	vld [tilespmem:s18+$0xFFFFF050];
	v24 =	vadd.f32 v34, v24;
	v34 =	vmul.f32 v37, v2  }
0x24d: {  	v23 =	vadd.f32 v36, v23;
	v41 =	vld [tilespmem:s18+$0xFFFFF0C0];
	v22 =	vadd.f32 v33, v22;
	v33 =	vmul.f32 v38, v2  }
0x24e: {  	v25 =	vadd.f32 v37, v25;
	v36 =	vld [tilespmem:s18+$0xFFFFF0D0];
	v24 =	vadd.f32 v34, v24;
	v34 =	vmul.f32 v40, v1  }
0x24f: {  	v23 =	vadd.f32 v38, v23;
	v37 =	vld [tilespmem:s18+$0xFFFFF140];
	v22 =	vadd.f32 v33, v22;
	v33 =	vmul.f32 v35, v1  }
0x250: {  	v25 =	vadd.f32 v40, v25;
	v38 =	vmul.f32 v42, v17;
	v43 =	vld [tilespmem:s18+$0xFFFFF150];
	v24 =	vadd.f32 v34, v24  }
0x251: {  	v23 =	vadd.f32 v35, v23;
	v34 =	vmul.f32 v39, v17;
	v40 =	vld [tilespmem:s18+$0xFFFFF1C0];
	v22 =	vadd.f32 v33, v22  }
0x252: {  	v29 =	vadd.f32 v42, v29;
	v30 =	vadd.f32 v38, v30;
	v33 =	vmul.f32 v41, v16;
	v35 =	vld [tilespmem:s18+$0xFFFFF1D0]  }
0x253: {  	v31 =	vadd.f32 v39, v31;
	v32 =	vadd.f32 v34, v32;
	v34 =	vmul.f32 v36, v16;
	v38 =	vld [tilespmem:s18+$0xFFFFF240]  }
0x254: {  	v29 =	vadd.f32 v41, v29;
	v30 =	vadd.f32 v33, v30;
	v33 =	vmul.f32 v37, v15;
	v39 =	vld [tilespmem:s18+$0xFFFFF250]  }
0x255: {  	v31 =	vadd.f32 v36, v31;
	v32 =	vadd.f32 v34, v32;
	v34 =	vmul.f32 v43, v15;
	v36 =	vld [tilespmem:s18+$0xFFFFF2C0]  }
0x256: {  	v29 =	vadd.f32 v37, v29;
	v30 =	vadd.f32 v33, v30;
	v33 =	vmul.f32 v40, v13;
	v37 =	vld [tilespmem:s18+$0xFFFFF2D0]  }
0x257: {  	v31 =	vadd.f32 v43, v31;
	v32 =	vadd.f32 v34, v32;
	v34 =	vmul.f32 v35, v13;
	v41 =	vld [tilespmem:s18+$0xFFFFF340]  }
0x258: {  	v29 =	vadd.f32 v40, v29;
	v30 =	vadd.f32 v33, v30;
	v33 =	vmul.f32 v38, v12;
	v40 =	vld [tilespmem:s18+$0xFFFFF350]  }
0x259: {  	v31 =	vadd.f32 v35, v31;
	v32 =	vadd.f32 v34, v32;
	v34 =	vmul.f32 v39, v12;
	v35 =	vld [tilespmem:s18+$0xFFFFF3C0]  }
0x25a: {  	v29 =	vadd.f32 v38, v29;
	v30 =	vadd.f32 v33, v30;
	v33 =	vmul.f32 v36, v11;
	v38 =	vld [tilespmem:s18+$0xFFFFF3D0]  }
0x25b: {  	v31 =	vadd.f32 v39, v31;
	v32 =	vadd.f32 v34, v32;
	v34 =	vmul.f32 v37, v11;
	v39 =	vld [tilespmem:s18+$0x40]  }
0x25c: {  	v29 =	vadd.f32 v36, v29;
	v30 =	vadd.f32 v33, v30;
	v33 =	vmul.f32 v41, v10;
	v36 =	vld [tilespmem:s18+$0x50]  }
0x25d: {  	v31 =	vadd.f32 v37, v31;
	v32 =	vadd.f32 v34, v32;
	v34 =	vmul.f32 v40, v10;
	v37 =	vld [tilespmem:s18+$0xC0]  }
0x25e: {  	v29 =	vadd.f32 v41, v29;
	v30 =	vadd.f32 v33, v30;
	v33 =	vmul.f32 v35, v9;
	v41 =	vld [tilespmem:s18+$0xD0]  }
0x25f: {  	v31 =	vadd.f32 v40, v31;
	v32 =	vadd.f32 v34, v32;
	v34 =	vmul.f32 v38, v9;
	v40 =	vld [tilespmem:s18+$0x140]  }
0x260: {  	v29 =	vadd.f32 v35, v29;
	v30 =	vadd.f32 v33, v30;
	v33 =	vmul.f32 v39, v8;
	v42 =	vld [tilespmem:s18+$0x150]  }
0x261: {  	v31 =	vadd.f32 v38, v31;
	v32 =	vadd.f32 v34, v32;
	v34 =	vmul.f32 v36, v8;
	v38 =	vld [tilespmem:s18+$0x1C0]  }
0x262: {  	v29 =	vadd.f32 v39, v29;
	v30 =	vadd.f32 v33, v30;
	v33 =	vmul.f32 v37, v7;
	v43 =	vld [tilespmem:s18+$0x1D0]  }
0x263: {  	v31 =	vadd.f32 v36, v31;
	v32 =	vadd.f32 v34, v32;
	v34 =	vmul.f32 v41, v7;
	v35 =	vld [tilespmem:s18+$0x240]  }
0x264: {  	v36 =	vadd.f32 v37, v29;
	v33 =	vadd.f32 v33, v30;
	v37 =	vmul.f32 v40, v6;
	v30 =	vld [tilespmem:s18+$0x250]  }
.Ltmp2:
0x265: {  	v39 =	vadd.f32 v41, v31;
	v32 =	vadd.f32 v34, v32;
	v34 =	vmul.f32 v42, v6;
	v29 =	vld [tilespmem:s18+$0x2C0];
	(pc) =	sbr.rel @p0 .LBB2_7-.Ltmp2, $4  }
0x266: {  	v36 =	vadd.f32 v40, v36;
	v33 =	vadd.f32 v37, v33;
	v37 =	vmul.f32 v38, v5;
	v31 =	vld [tilespmem:s18+$0x2D0]  }
0x267: {  	v40 =	vadd.f32 v42, v39;
	v34 =	vadd.f32 v34, v32;
	v42 =	vmul.f32 v43, v5;
	v32 =	vld [tilespmem:s18+$0x340]  }
0x268: {  	v39 =	vadd.f32 v38, v36;
	v37 =	vadd.f32 v37, v33;
	v41 =	vmul.f32 v35, v4;
	v33 =	vld [tilespmem:s18+$0x350]  }
0x269: {  	s19 =	sadd.s32 $0x40, s19;
	v38 =	vadd.f32 v43, v40;
	v36 =	vadd.f32 v42, v34;
	v40 =	vmul.f32 v30, v4;
	v34 =	vld [tilespmem:s18+$0x3C0]  }
0x26a: {  	v42 =	vld [tilespmem:s18+$0x3D0]  }
0x26b: {  	v43 =	vld [tilespmem:s18+$0xFFFFF060]  }
0x26c: {  	v44 =	vld [tilespmem:s18+$0xFFFFF070]  }
0x26d: {  	v45 =	vld [tilespmem:s18+$0xFFFFF0E0]  }
0x26e: {  	v46 =	vld [tilespmem:s18+$0xFFFFF0F0]  }
0x26f: {  	v35 =	vadd.f32 v35, v39;
	v39 =	vld [tilespmem:s18+$0xFFFFF160]  }
0x270: {  	v37 =	vadd.f32 v41, v37;
	v58 =	vmul.f32 v29, v3;
	v50 =	vld [tilespmem:s18+$0xFFFFF360]  }
0x271: {  	v52 =	vld [tilespmem:s18+$0xFFFFF370];
	v30 =	vadd.f32 v30, v38;
	v36 =	vadd.f32 v40, v36;
	v59 =	vmul.f32 v31, v3  }
0x272: {  	v54 =	vld [tilespmem:s18+$0xFFFFF3E0];
	v60 =	vadd.f32 v29, v35;
	v37 =	vadd.f32 v58, v37;
	v61 =	vmul.f32 v32, v2  }
0x273: {  	v56 =	vld [tilespmem:s18+$0xFFFFF3F0];
	v30 =	vadd.f32 v31, v30;
	v36 =	vadd.f32 v59, v36;
	v62 =	vmul.f32 v33, v2  }
0x274: {  	v38 =	vld [tilespmem:s18+$0xFFFFF170];
	v29 =	vadd.f32 v32, v60;
	v37 =	vadd.f32 v61, v37  }
0x275: {  	v35 =	vld [tilespmem:s18+$0xFFFFF1E0];
	v63 =	vmul.f32 v34, v1;
	v30 =	vadd.f32 v33, v30;
	v36 =	vadd.f32 v62, v36  }
0x276: {  	v58 =	vld [tilespmem:s18+$0x60];
	v47 =	vmul.f32 v42, v1;
	v14 =	vadd.f32 v43, v14;
	v27 =	vadd.f32 v44, v27  }
0x277: {  	v31 =	vld [tilespmem:s18+$0xFFFFF1F0];
	v48 =	vmul.f32 v43, v17;
	v29 =	vadd.f32 v34, v29;
	v37 =	vadd.f32 v63, v37  }
0x278: {  	v32 =	vld [tilespmem:s18+$0xFFFFF260];
	v49 =	vmul.f32 v44, v17;
	v30 =	vadd.f32 v42, v30;
	v36 =	vadd.f32 v47, v36  }
0x279: {  	v60 =	vld [tilespmem:s18+$0x70];
	v51 =	vmul.f32 v45, v16;
	v28 =	vadd.f32 v48, v28;
	v14 =	vadd.f32 v45, v14  }
0x27a: {  	v33 =	vld [tilespmem:s18+$0xFFFFF270];
	v53 =	vmul.f32 v46, v16;
	v17 =	vadd.f32 v49, v26;
	v27 =	vadd.f32 v46, v27  }
0x27b: {  	v55 =	vmul.f32 v39, v15;
	v62 =	vld [tilespmem:s18+$0xE0];
	v28 =	vadd.f32 v51, v28;
	v14 =	vadd.f32 v39, v14  }
0x27c: {  	v34 =	vld [tilespmem:s18+$0xFFFFF2E0];
	v57 =	vmul.f32 v38, v15;
	v16 =	vadd.f32 v53, v17;
	v27 =	vadd.f32 v38, v27  }
0x27d: {  	v42 =	vld [tilespmem:s18+$0xFFFFF2F0];
	v59 =	vmul.f32 v35, v13;
	v28 =	vadd.f32 v55, v28;
	v14 =	vadd.f32 v35, v14  }
0x27e: {  	v47 =	vld [tilespmem:s18+$0x1E0];
	v61 =	vmul.f32 v31, v13;
	v15 =	vadd.f32 v57, v16;
	v27 =	vadd.f32 v31, v27  }
0x27f: {  	v63 =	vmul.f32 v32, v12;
	v31 =	vld [tilespmem:s18+$0xF0];
	v28 =	vadd.f32 v59, v28;
	v14 =	vadd.f32 v32, v14  }
0x280: {  	v39 =	vmul.f32 v33, v12;
	v35 =	vld [tilespmem:s18+$0x270];
	v13 =	vadd.f32 v61, v15;
	v27 =	vadd.f32 v33, v27  }
0x281: {  	v41 =	vmul.f32 v34, v11;
	v15 =	vld [tilespmem:s18+$0x160];
	v28 =	vadd.f32 v63, v28;
	v46 =	vadd.f32 v34, v14  }
0x282: {  	v45 =	vmul.f32 v42, v11;
	v33 =	vld [tilespmem:s18+$0x170];
	v12 =	vadd.f32 v39, v13;
	v27 =	vadd.f32 v42, v27  }
0x283: {  	v48 =	vmul.f32 v50, v10;
	v32 =	vld [tilespmem:s18+$0x2F0];
	v28 =	vadd.f32 v41, v28;
	v50 =	vadd.f32 v50, v46  }
0x284: {  	v49 =	vmul.f32 v52, v10;
	v34 =	vld [tilespmem:s18+$0x1F0];
	v11 =	vadd.f32 v45, v12;
	v27 =	vadd.f32 v52, v27  }
0x285: {  	v51 =	vmul.f32 v54, v9;
	v13 =	vld [tilespmem:s18+$0x260];
	v28 =	vadd.f32 v48, v28;
	v53 =	vadd.f32 v54, v50  }
0x286: {  	v39 =	vld [tilespmem:s18+$0x3F0];
	v52 =	vmul.f32 v56, v9;
	v10 =	vadd.f32 v49, v11;
	v27 =	vadd.f32 v56, v27  }
0x287: {  	v55 =	vmul.f32 v58, v8;
	v12 =	vld [tilespmem:s18+$0x2E0];
	v54 =	vadd.f32 v51, v28;
	v57 =	vadd.f32 v58, v53  }
0x288: {  	v56 =	vmul.f32 v60, v8;
	v11 =	vld [tilespmem:s18+$0x360];
	v9 =	vadd.f32 v52, v10;
	v27 =	vadd.f32 v60, v27  }
0x289: {  	v59 =	vmul.f32 v62, v7;
	v28 =	vld [tilespmem:s18+$0x370];
	v58 =	vadd.f32 v55, v54;
	v61 =	vadd.f32 v62, v57  }
0x28a: {  	s17 =	sshrl.u32 s17, $0x2;
	v60 =	vmul.f32 v31, v7;
	v10 =	vld [tilespmem:s18+$0x3E0];
	v8 =	vadd.f32 v56, v9;
	v38 =	vadd.f32 v31, v27  }
0x28b: {  	v63 =	vmul.f32 v15, v6;
	[tilespmem:s17+$0x10080] =	vst.add.f32.msk $0xffff, v21;
	v62 =	vadd.f32 v59, v58;
	v41 =	vadd.f32 v15, v61  }
0x28c: {  	v40 =	vmul.f32 v33, v6;
	[tilespmem:s17+$0x10100] =	vst.add.f32.msk $0xffff, v20;
	v7 =	vadd.f32 v60, v8;
	v44 =	vadd.f32 v33, v38  }
0x28d: {  	v43 =	vmul.f32 v47, v5;
	[tilespmem:s17+$0x10090] =	vst.add.f32.msk $0xffff, v19;
	v42 =	vadd.f32 v63, v62;
	v46 =	vadd.f32 v47, v41  }
0x28e: {  	v45 =	vmul.f32 v34, v5;
	[tilespmem:s17+$0x10110] =	vst.add.f32.msk $0xffff, v18;
	v6 =	vadd.f32 v40, v7;
	v49 =	vadd.f32 v34, v44  }
0x28f: {  	v48 =	vmul.f32 v13, v4;
	[tilespmem:s17+$0x100A0] =	vst.add.f32.msk $0xffff, v25;
	v47 =	vadd.f32 v43, v42;
	v51 =	vadd.f32 v13, v46  }
0x290: {  	v50 =	vmul.f32 v35, v4;
	[tilespmem:s17+$0x10120] =	vst.add.f32.msk $0xffff, v24;
	v5 =	vadd.f32 v45, v6;
	v54 =	vadd.f32 v35, v49  }
0x291: {  	[tilespmem:s17+$0x100B0] =	vst.add.f32.msk $0xffff, v23;
	v53 =	vmul.f32 v12, v3;
	v52 =	vadd.f32 v48, v47;
	v55 =	vadd.f32 v12, v51  }
0x292: {  	[tilespmem:s17+$0x10130] =	vst.add.f32.msk $0xffff, v22;
	v3 =	vmul.f32 v32, v3;
	v4 =	vadd.f32 v50, v5;
	v58 =	vadd.f32 v32, v54  }
0x293: {  	[tilespmem:s17+$0x100C0] =	vst.add.f32.msk $0xffff, v29;
	v57 =	vmul.f32 v11, v2;
	v56 =	vadd.f32 v53, v52;
	v59 =	vadd.f32 v11, v55  }
0x294: {  	s15 =	sadd.s32 $0x1, s15;
	[tilespmem:s17+$0x10140] =	vst.add.f32.msk $0xffff, v37;
	v2 =	vmul.f32 v28, v2;
	v3 =	vadd.f32 v3, v4;
	v62 =	vadd.f32 v28, v58  }
0x295: {  	p0 =	sne.s32 s15, $0x4;
	[tilespmem:s17+$0x100D0] =	vst.add.f32.msk $0xffff, v30;
	v61 =	vmul.f32 v10, v1;
	v60 =	vadd.f32 v57, v56;
	v4 =	vadd.f32 v10, v59  }
.Ltmp3:
0x296: {  	[tilespmem:s17+$0x10150] =	vst.add.f32.msk $0xffff, v36;
	v1 =	vmul.f32 v39, v1;
	v2 =	vadd.f32 v2, v3;
	v63 =	vadd.f32 v39, v62;
	(pc) =	sbr.rel @p0 .LBB2_6-.Ltmp3, $4  }
0x297: {  	v3 =	vadd.f32 v61, v60;
	[tilespmem:s17+$0x100E0] =	vst.add.f32.msk $0xffff, v4  }
0x298: {  	v1 =	vadd.f32 v1, v2;
	[tilespmem:s17+$0x100F0] =	vst.add.f32.msk $0xffff, v63  }
0x299: {  	[tilespmem:s17+$0x10160] =	vst.add.f32.msk $0xffff, v3  }
0x29a: {  	s16 =	sadd.s32 $0x400, s16;
	[tilespmem:s17+$0x10170] =	vst.add.f32.msk $0xffff, v1  }
0x29b: {  	_ =	swait.ge [sflag:s3], $0x8000;
	s14 =	sadd.s32 $0x1, s14  }
0x29c: {  	[sflag:s3] =	ssyncset.done $0x0;
	p0 =	sne.s32 s14, s8  }
.Ltmp4:
0x29d: {  	[sflag:s3] =	ssyncadd.s32 $0xFFFF8000;
	(pc) =	sbr.rel @p0 .LBB2_1-.Ltmp4, $4  }
0x29e: {  	[hbm4b:s7+s2] =	stream.linear.scatter [tilespmem:s13], [sflag:$0x3], $0x400, $0x38;
	[tilespmem:$0x10480] =	vst v63  }
0x29f: {  	_ =	swait.ge [sflag:s10], $0x400  }
0x2a0: {  	[sflag:s10] =	ssyncset.done $0x0  }
0x2a1: {  	[sflag:s10] =	ssyncadd.s32 $0xFFFFFC00  }
0x2a2: {  	_ =	sfence.sel $0x180000  }
0x2a3: {  	[bflag:$0x0] =	sbarrier.arrive $0xFFFF  }
0x2a4: {  	p0 =	sne.s32 s0, $0x0;
	_ =	strace $0x90000047  }
0x2a5: {  	s0 =	sadd.s32 @!p0 $0x100000, s1;
	[bflag:$0x2] =	sbarrier.arrive $0xFFFF  }
0x2a6: {  	[sflag:s0] =	ssyncadd.tile.s32 @!p0 $0x1;
	_ =	shalt  }
.Lfunc_end2:
_tile_overlayer_lowered:
.L_overlay_start_2:
0x2a7: {  	(tag) =	ssettag $0x2  }
0x2a8: {  	s0 =	rddreg [dreg:$0x0];
	s2 =	stileid.u32  }
0x2a9: {  	s1 =	rddreg [dreg:$0x1];
	p0 =	sne.s32 s2, $0x0  }
0x2aa: {  	s3 =	rddreg [dreg:$0x2];
	[bflag:$0x3] =	sbarrier.arrive $0xFFFF;
	s2 =	simm.s32 @!p0 $0x1C03  }
0x2ab: {  	[timem:s3], [sflag:s2] =	dma.local @!p0 [hbm:s0], s1  }
0x2ac: {  	s0 =	simm.s32 @!p0 $0x3  }
0x2ad: {  	_ =	swait.ge @!p0 [sflag:s0], s1  }
0x2ae: {  	s1 =	ssub.s32 @!p0 $0x0, s1;
	[sflag:s0] =	ssyncset.done @!p0 $0x0  }
0x2af: {  	[sflag:s0] =	ssyncadd.s32 @!p0 s1  }
0x2b0: {  	[bflag:$0x3] =	sbarrier.arrive $0xFFFF  }
0x2b1: {  	_ =	shalt  }

</sc_bundles>
